<compile_context>
chip_gen: v7x
topology: tpu7x:2x2x1
jax: 0.10.2.dev20260603
libtpu: 0.0.44.dev20260713+nightly
codegen_flags: <defaults>
</compile_context>

<pallas_src>
import jax
import jax.numpy as jnp
from jax import lax
from jax.experimental import pallas as pl
from jax.experimental.pallas import tpu as pltpu
from jax.experimental.pallas import tpu_sc as plsc

BATCH = 16384
EMBED_DIM = 32
NUM_CORES = 2
NUM_SUBCORES = 16
NUM_WORKERS = NUM_CORES * NUM_SUBCORES
B_PER_W = BATCH // NUM_WORKERS
LANES = 16
BLK = 128
DEPTH = 8


def _mf_kernel(users, items, ut, vt, out,
               idx_u, idx_i, bufs_u, bufs_v, out_v,
               sem_u, sem_v, sem_u2, sem_v2):
    wid = lax.axis_index("s") * NUM_CORES + lax.axis_index("c")
    base = wid * B_PER_W

    iota16 = lax.iota(jnp.int32, 16)

    pltpu.sync_copy(users.at[pl.ds(base, B_PER_W)], idx_u.at[pl.ds(0, B_PER_W)])
    pltpu.sync_copy(items.at[pl.ds(base, B_PER_W)], idx_i.at[pl.ds(0, B_PER_W)])

    def fire(k, slot):
        ju = idx_u[pl.ds(k, 16)][0]
        cu = pl.multiple_of((ju >> 7) << 7, BLK)
        ji = idx_i[pl.ds(k, 16)][0]
        ci = pl.multiple_of((ji >> 7) << 7, BLK)
        for r in range(4):
            su = sem_u if r < 2 else sem_u2
            sv = sem_v if r < 2 else sem_v2
            pltpu.async_copy(ut.at[pl.ds(8 * r, 8), pl.ds(cu, BLK)],
                             bufs_u.at[slot, pl.ds(8 * r, 8)], su)
            pltpu.async_copy(vt.at[pl.ds(8 * r, 8), pl.ds(ci, BLK)],
                             bufs_v.at[slot, pl.ds(8 * r, 8)], sv)

    def drain(slot):
        for r in range(4):
            su = sem_u if r < 2 else sem_u2
            sv = sem_v if r < 2 else sem_v2
            pltpu.make_async_copy(ut.at[pl.ds(8 * r, 8), pl.ds(0, BLK)],
                                  bufs_u.at[slot, pl.ds(8 * r, 8)], su).wait()
            pltpu.make_async_copy(vt.at[pl.ds(8 * r, 8), pl.ds(0, BLK)],
                                  bufs_v.at[slot, pl.ds(8 * r, 8)], sv).wait()

    for kk in range(DEPTH):
        fire(kk, kk)

    n_groups = B_PER_W // DEPTH

    def body(g, acc):
        for kk in range(DEPTH):
            k = g * DEPTH + kk
            drain(kk)
            ju = idx_u[pl.ds(k, 16)][0]
            ji = idx_i[pl.ds(k, 16)][0]
            cu = jnp.broadcast_to(ju & 127, (16,))
            ci = jnp.broadcast_to(ji & 127, (16,))
            u0 = plsc.load_gather(bufs_u.at[kk], [iota16, cu])
            u1 = plsc.load_gather(bufs_u.at[kk], [iota16 + 16, cu])
            v0 = plsc.load_gather(bufs_v.at[kk], [iota16, ci])
            v1 = plsc.load_gather(bufs_v.at[kk], [iota16 + 16, ci])
            w = u0 * v0 + u1 * v1
            acc = jnp.where(iota16 == (k & 15), jnp.sum(w), acc)

            @pl.when(g < n_groups - 1)
            def _():
                fire(k + DEPTH, kk)

            if kk == DEPTH - 1:
                @pl.when((g & 1) == 1)
                def _():
                    out_v[pl.ds(pl.multiple_of((g >> 1) * 16, 16), 16)] = acc
        return acc

    lax.fori_loop(0, n_groups, body, jnp.zeros((16,), jnp.float32))

    pltpu.sync_copy(out_v, out.at[pl.ds(base, B_PER_W)])


@jax.jit
def kernel(users, items, user_embed, item_embed):
    mesh = plsc.VectorSubcoreMesh(core_axis_name="c", subcore_axis_name="s")
    f = pl.kernel(
        _mf_kernel,
        out_type=jax.ShapeDtypeStruct((BATCH,), jnp.float32),
        mesh=mesh,
        compiler_params=pltpu.CompilerParams(needs_layout_passes=False),
        scratch_types=[
            pltpu.VMEM((B_PER_W + 16,), jnp.int32),
            pltpu.VMEM((B_PER_W + 16,), jnp.int32),
            pltpu.VMEM((DEPTH, EMBED_DIM, BLK), jnp.float32),
            pltpu.VMEM((DEPTH, EMBED_DIM, BLK), jnp.float32),
            pltpu.VMEM((B_PER_W,), jnp.float32),
            pltpu.SemaphoreType.DMA,
            pltpu.SemaphoreType.DMA,
            pltpu.SemaphoreType.DMA,
            pltpu.SemaphoreType.DMA,
        ],
    )
    return f(users.astype(jnp.int32), items.astype(jnp.int32),
             user_embed.T, item_embed.T)

# --- scband reference (transcript-rebuilt; emitter-appended) ---
"""Pipeline reference for scband-matrix-factorization-3255585210981 (READ-ONLY COPY).

The authoritative reference and input builder live on the scoring server;
editing this copy changes nothing except your own understanding.
"""

import jax, jax.numpy as jnp
import numpy as np

NUM_USERS = 1000000
NUM_ITEMS = 1000000
EMBED_DIM = 32
BATCH = 16384

def setup_inputs(seed: int = 0) -> dict:
    key = jax.random.key(seed)
    k1, k2, k3, k4 = jax.random.split(key, 4)
    users = jax.random.randint(k1, (BATCH,), 0, NUM_USERS, dtype=jnp.int64 if jax.config.jax_enable_x64 else jnp.int32)
    items = jax.random.randint(k2, (BATCH,), 0, NUM_ITEMS, dtype=jnp.int64 if jax.config.jax_enable_x64 else jnp.int32)
    user_embed = jax.random.normal(k3, (NUM_USERS, EMBED_DIM), dtype=jnp.float32)
    item_embed = jax.random.normal(k4, (NUM_ITEMS, EMBED_DIM), dtype=jnp.float32)
    return {"users": users, "items": items, "user_embed": user_embed, "item_embed": item_embed}

def reference(users, items, user_embed, item_embed):
    u = jnp.take(user_embed, users, axis=0)
    v = jnp.take(item_embed, items, axis=0)
    return (u * v).sum(axis=1)

if __name__ == "__main__":
    import jax
    _d = setup_inputs()
    print(jax.jit(kernel)(*tuple(_d.values())))

</pallas_src>

<mosaic_0001>
#map = affine_map<(d0, d1) -> (0)>
#map1 = affine_map<(d0, d1) -> (0, 0)>
module attributes {stable_mosaic.version = 14 : i64} {
  func.func @_mf_kernel(%arg0: i32, %arg1: i32, %arg2: memref<16384xi32, #tpu.memory_space<hbm>>, %arg3: memref<16384xi32, #tpu.memory_space<hbm>>, %arg4: memref<32x1000000xf32, #tpu.memory_space<hbm>>, %arg5: memref<32x1000000xf32, #tpu.memory_space<hbm>>, %arg6: memref<16384xf32, #tpu.memory_space<hbm>>, %arg7: memref<528xi32, #tpu.memory_space<vmem>>, %arg8: memref<528xi32, #tpu.memory_space<vmem>>, %arg9: memref<8x32x128xf32, #tpu.memory_space<vmem>>, %arg10: memref<8x32x128xf32, #tpu.memory_space<vmem>>, %arg11: memref<512xf32, #tpu.memory_space<vmem>>, %arg12: memref<!tpu.dma_semaphore, #tpu.memory_space<semaphore_mem>>, %arg13: memref<!tpu.dma_semaphore, #tpu.memory_space<semaphore_mem>>, %arg14: memref<!tpu.dma_semaphore, #tpu.memory_space<semaphore_mem>>, %arg15: memref<!tpu.dma_semaphore, #tpu.memory_space<semaphore_mem>>) attributes {dimension_semantics = [#tpu.dimension_semantics<core_parallel>, #tpu.dimension_semantics<subcore_parallel>], iteration_bounds = array<i64: 2, 16>, scalar_prefetch = 0 : i64, scratch_operands = 9 : i64, tpu.core_type = #tpu.core_type<sc_vector_subcore>, window_params = [{transform_indices = #map}, {transform_indices = #map}, {transform_indices = #map1}, {transform_indices = #map1}, {transform_indices = #map}]} {
    %mul3A = arith.constant 2 : i32
    %mul3A_0 = arith.muli %arg1, %mul3A : i32
    %add3A = arith.addi %mul3A_0, %arg0 : i32
    %mul3A_1 = arith.constant 512 : i32
    %mul3A_2 = arith.muli %add3A, %mul3A_1 : i32
    %iota3A = tpu.iota {dimensions = array<i32: 0>} : vector<16xi32>
    "tpu.region"() ({
      %run_scoped3A = tpu.sem_alloc : memref<!tpu.dma_semaphore, #tpu.memory_space<semaphore_mem>>
      %dma_start3A_978 = arith.constant 0 : i32
      %dma_start3A_979 = tpu.memref_slice %arg7[%dma_start3A_978] : memref<528xi32, #tpu.memory_space<vmem>> -> memref<512xi32, #tpu.memory_space<vmem>>
      %dma_start3A_980 = tpu.memref_slice %arg2[%mul3A_2] : memref<16384xi32, #tpu.memory_space<hbm>> -> memref<512xi32, #tpu.memory_space<hbm>>
      %dma_start3A_981 = arith.constant 0 : i32
      %dma_start3A_982 = tpu.memref_slice %arg7[%dma_start3A_981] : memref<528xi32, #tpu.memory_space<vmem>> -> memref<512xi32, #tpu.memory_space<vmem>>
      %dma_start3A_983 = tpu.memref_slice %arg2[%mul3A_2] : memref<16384xi32, #tpu.memory_space<hbm>> -> memref<512xi32, #tpu.memory_space<hbm>>
      tpu.enqueue_dma source(%dma_start3A_983 : memref<512xi32, #tpu.memory_space<hbm>>) target(%dma_start3A_982 : memref<512xi32, #tpu.memory_space<vmem>>) target_semaphore(%run_scoped3A : memref<!tpu.dma_semaphore, #tpu.memory_space<semaphore_mem>>)
      %dma_wait3A = arith.constant 0 : i32
      %dma_wait3A_984 = tpu.memref_slice %arg7[%dma_wait3A] : memref<528xi32, #tpu.memory_space<vmem>> -> memref<512xi32, #tpu.memory_space<vmem>>
      %dma_wait3A_985 = tpu.memref_slice %arg2[%mul3A_2] : memref<16384xi32, #tpu.memory_space<hbm>> -> memref<512xi32, #tpu.memory_space<hbm>>
      %dma_wait3A_986 = arith.constant 0 : i32
      %dma_wait3A_987 = tpu.memref_slice %arg7[%dma_wait3A_986] : memref<528xi32, #tpu.memory_space<vmem>> -> memref<512xi32, #tpu.memory_space<vmem>>
      %dma_wait3A_988 = tpu.memref_slice %arg2[%mul3A_2] : memref<16384xi32, #tpu.memory_space<hbm>> -> memref<512xi32, #tpu.memory_space<hbm>>
      tpu.wait_dma2 semaphore(%run_scoped3A : memref<!tpu.dma_semaphore, #tpu.memory_space<semaphore_mem>>) src(%dma_wait3A_988 : memref<512xi32, #tpu.memory_space<hbm>>) dst(%dma_wait3A_987 : memref<512xi32, #tpu.memory_space<vmem>>)
      tpu.yield
    }) : () -> ()
    "tpu.region"() ({
      %run_scoped3A = tpu.sem_alloc : memref<!tpu.dma_semaphore, #tpu.memory_space<semaphore_mem>>
      %dma_start3A_978 = arith.constant 0 : i32
      %dma_start3A_979 = tpu.memref_slice %arg8[%dma_start3A_978] : memref<528xi32, #tpu.memory_space<vmem>> -> memref<512xi32, #tpu.memory_space<vmem>>
      %dma_start3A_980 = tpu.memref_slice %arg3[%mul3A_2] : memref<16384xi32, #tpu.memory_space<hbm>> -> memref<512xi32, #tpu.memory_space<hbm>>
      %dma_start3A_981 = arith.constant 0 : i32
      %dma_start3A_982 = tpu.memref_slice %arg8[%dma_start3A_981] : memref<528xi32, #tpu.memory_space<vmem>> -> memref<512xi32, #tpu.memory_space<vmem>>
      %dma_start3A_983 = tpu.memref_slice %arg3[%mul3A_2] : memref<16384xi32, #tpu.memory_space<hbm>> -> memref<512xi32, #tpu.memory_space<hbm>>
      tpu.enqueue_dma source(%dma_start3A_983 : memref<512xi32, #tpu.memory_space<hbm>>) target(%dma_start3A_982 : memref<512xi32, #tpu.memory_space<vmem>>) target_semaphore(%run_scoped3A : memref<!tpu.dma_semaphore, #tpu.memory_space<semaphore_mem>>)
      %dma_wait3A = arith.constant 0 : i32
      %dma_wait3A_984 = tpu.memref_slice %arg8[%dma_wait3A] : memref<528xi32, #tpu.memory_space<vmem>> -> memref<512xi32, #tpu.memory_space<vmem>>
      %dma_wait3A_985 = tpu.memref_slice %arg3[%mul3A_2] : memref<16384xi32, #tpu.memory_space<hbm>> -> memref<512xi32, #tpu.memory_space<hbm>>
      %dma_wait3A_986 = arith.constant 0 : i32
      %dma_wait3A_987 = tpu.memref_slice %arg8[%dma_wait3A_986] : memref<528xi32, #tpu.memory_space<vmem>> -> memref<512xi32, #tpu.memory_space<vmem>>
      %dma_wait3A_988 = tpu.memref_slice %arg3[%mul3A_2] : memref<16384xi32, #tpu.memory_space<hbm>> -> memref<512xi32, #tpu.memory_space<hbm>>
      tpu.wait_dma2 semaphore(%run_scoped3A : memref<!tpu.dma_semaphore, #tpu.memory_space<semaphore_mem>>) src(%dma_wait3A_988 : memref<512xi32, #tpu.memory_space<hbm>>) dst(%dma_wait3A_987 : memref<512xi32, #tpu.memory_space<vmem>>)
      tpu.yield
    }) : () -> ()
    %get3A = arith.constant 0 : index
    %get3A_3 = tpu.vector_load %arg7[%get3A] {strides = array<i32>} : memref<528xi32, #tpu.memory_space<vmem>>, vector<16xi32>,
    %slice3A = vector.extract_strided_slice %get3A_3 {offsets = [0], sizes = [1], strides = [1]} : vector<16xi32> to vector<1xi32>
    %squeeze3A = vector.extract %slice3A[0] : i32 from vector<1xi32>
    %shift_right_arithmetic3A = arith.constant 7 : i32
    %shift_right_arithmetic3A_4 = arith.shrsi %squeeze3A, %shift_right_arithmetic3A : i32
    %shift_left3A = arith.constant 7 : i32
    %shift_left3A_5 = arith.shli %shift_right_arithmetic3A_4, %shift_left3A : i32
    %multiple_of3A = tpu.assume_multiple %shift_left3A_5, 128 : i32
    %get3A_6 = arith.constant 0 : index
    %get3A_7 = tpu.vector_load %arg8[%get3A_6] {strides = array<i32>} : memref<528xi32, #tpu.memory_space<vmem>>, vector<16xi32>,
    %slice3A_8 = vector.extract_strided_slice %get3A_7 {offsets = [0], sizes = [1], strides = [1]} : vector<16xi32> to vector<1xi32>
    %squeeze3A_9 = vector.extract %slice3A_8[0] : i32 from vector<1xi32>
    %shift_right_arithmetic3A_10 = arith.constant 7 : i32
    %shift_right_arithmetic3A_11 = arith.shrsi %squeeze3A_9, %shift_right_arithmetic3A_10 : i32
    %shift_left3A_12 = arith.constant 7 : i32
    %shift_left3A_13 = arith.shli %shift_right_arithmetic3A_11, %shift_left3A_12 : i32
    %multiple_of3A_14 = tpu.assume_multiple %shift_left3A_13, 128 : i32
    %dma_start3A = arith.constant 0 : i32
    %dma_start3A_15 = arith.constant 0 : i32
    %dma_start3A_16 = arith.constant 0 : i32
    %dma_start3A_17 = tpu.memref_slice %arg9[%dma_start3A, %dma_start3A_15, %dma_start3A_16] : memref<8x32x128xf32, #tpu.memory_space<vmem>> -> memref<1x8x128xf32, #tpu.memory_space<vmem>>
    %dma_start3A_18 = tpu.memref_squeeze %dma_start3A_17 : memref<1x8x128xf32, #tpu.memory_space<vmem>> -> memref<8x128xf32, #tpu.memory_space<vmem>>
    %dma_start3A_19 = arith.constant 0 : i32
    %dma_start3A_20 = tpu.memref_slice %arg4[%dma_start3A_19, %multiple_of3A] : memref<32x1000000xf32, #tpu.memory_space<hbm>> -> memref<8x128xf32, #tpu.memory_space<hbm>>
    %dma_start3A_21 = arith.constant 0 : i32
    %dma_start3A_22 = arith.constant 0 : i32
    %dma_start3A_23 = tpu.memref_slice %arg9[%dma_start3A, %dma_start3A_21, %dma_start3A_22] : memref<8x32x128xf32, #tpu.memory_space<vmem>> -> memref<1x8x128xf32, #tpu.memory_space<vmem>>
    %dma_start3A_24 = tpu.memref_squeeze %dma_start3A_23 : memref<1x8x128xf32, #tpu.memory_space<vmem>> -> memref<8x128xf32, #tpu.memory_space<vmem>>
    %dma_start3A_25 = arith.constant 0 : i32
    %dma_start3A_26 = tpu.memref_slice %arg4[%dma_start3A_25, %multiple_of3A] : memref<32x1000000xf32, #tpu.memory_space<hbm>> -> memref<8x128xf32, #tpu.memory_space<hbm>>
    tpu.enqueue_dma source(%dma_start3A_26 : memref<8x128xf32, #tpu.memory_space<hbm>>) target(%dma_start3A_24 : memref<8x128xf32, #tpu.memory_space<vmem>>) target_semaphore(%arg12 : memref<!tpu.dma_semaphore, #tpu.memory_space<semaphore_mem>>)
    %dma_start3A_27 = arith.constant 0 : i32
    %dma_start3A_28 = arith.constant 0 : i32
    %dma_start3A_29 = arith.constant 0 : i32
    %dma_start3A_30 = tpu.memref_slice %arg10[%dma_start3A_27, %dma_start3A_28, %dma_start3A_29] : memref<8x32x128xf32, #tpu.memory_space<vmem>> -> memref<1x8x128xf32, #tpu.memory_space<vmem>>
    %dma_start3A_31 = tpu.memref_squeeze %dma_start3A_30 : memref<1x8x128xf32, #tpu.memory_space<vmem>> -> memref<8x128xf32, #tpu.memory_space<vmem>>
    %dma_start3A_32 = arith.constant 0 : i32
    %dma_start3A_33 = tpu.memref_slice %arg5[%dma_start3A_32, %multiple_of3A_14] : memref<32x1000000xf32, #tpu.memory_space<hbm>> -> memref<8x128xf32, #tpu.memory_space<hbm>>
    %dma_start3A_34 = arith.constant 0 : i32
    %dma_start3A_35 = arith.constant 0 : i32
    %dma_start3A_36 = tpu.memref_slice %arg10[%dma_start3A_27, %dma_start3A_34, %dma_start3A_35] : memref<8x32x128xf32, #tpu.memory_space<vmem>> -> memref<1x8x128xf32, #tpu.memory_space<vmem>>
    %dma_start3A_37 = tpu.memref_squeeze %dma_start3A_36 : memref<1x8x128xf32, #tpu.memory_space<vmem>> -> memref<8x128xf32, #tpu.memory_space<vmem>>
    %dma_start3A_38 = arith.constant 0 : i32
    %dma_start3A_39 = tpu.memref_slice %arg5[%dma_start3A_38, %multiple_of3A_14] : memref<32x1000000xf32, #tpu.memory_space<hbm>> -> memref<8x128xf32, #tpu.memory_space<hbm>>
    tpu.enqueue_dma source(%dma_start3A_39 : memref<8x128xf32, #tpu.memory_space<hbm>>) target(%dma_start3A_37 : memref<8x128xf32, #tpu.memory_space<vmem>>) target_semaphore(%arg13 : memref<!tpu.dma_semaphore, #tpu.memory_space<semaphore_mem>>)
    %dma_start3A_40 = arith.constant 0 : i32
    %dma_start3A_41 = arith.constant 8 : i32
    %dma_start3A_42 = arith.constant 0 : i32
    %dma_start3A_43 = tpu.memref_slice %arg9[%dma_start3A_40, %dma_start3A_41, %dma_start3A_42] : memref<8x32x128xf32, #tpu.memory_space<vmem>> -> memref<1x8x128xf32, #tpu.memory_space<vmem>>
    %dma_start3A_44 = tpu.memref_squeeze %dma_start3A_43 : memref<1x8x128xf32, #tpu.memory_space<vmem>> -> memref<8x128xf32, #tpu.memory_space<vmem>>
    %dma_start3A_45 = arith.constant 8 : i32
    %dma_start3A_46 = tpu.memref_slice %arg4[%dma_start3A_45, %multiple_of3A] : memref<32x1000000xf32, #tpu.memory_space<hbm>> -> memref<8x128xf32, #tpu.memory_space<hbm>>
    %dma_start3A_47 = arith.constant 8 : i32
    %dma_start3A_48 = arith.constant 0 : i32
    %dma_start3A_49 = tpu.memref_slice %arg9[%dma_start3A_40, %dma_start3A_47, %dma_start3A_48] : memref<8x32x128xf32, #tpu.memory_space<vmem>> -> memref<1x8x128xf32, #tpu.memory_space<vmem>>
    %dma_start3A_50 = tpu.memref_squeeze %dma_start3A_49 : memref<1x8x128xf32, #tpu.memory_space<vmem>> -> memref<8x128xf32, #tpu.memory_space<vmem>>
    %dma_start3A_51 = arith.constant 8 : i32
    %dma_start3A_52 = tpu.memref_slice %arg4[%dma_start3A_51, %multiple_of3A] : memref<32x1000000xf32, #tpu.memory_space<hbm>> -> memref<8x128xf32, #tpu.memory_space<hbm>>
    tpu.enqueue_dma source(%dma_start3A_52 : memref<8x128xf32, #tpu.memory_space<hbm>>) target(%dma_start3A_50 : memref<8x128xf32, #tpu.memory_space<vmem>>) target_semaphore(%arg12 : memref<!tpu.dma_semaphore, #tpu.memory_space<semaphore_mem>>)
    %dma_start3A_53 = arith.constant 0 : i32
    %dma_start3A_54 = arith.constant 8 : i32
    %dma_start3A_55 = arith.constant 0 : i32
    %dma_start3A_56 = tpu.memref_slice %arg10[%dma_start3A_53, %dma_start3A_54, %dma_start3A_55] : memref<8x32x128xf32, #tpu.memory_space<vmem>> -> memref<1x8x128xf32, #tpu.memory_space<vmem>>
    %dma_start3A_57 = tpu.memref_squeeze %dma_start3A_56 : memref<1x8x128xf32, #tpu.memory_space<vmem>> -> memref<8x128xf32, #tpu.memory_space<vmem>>
    %dma_start3A_58 = arith.constant 8 : i32
    %dma_start3A_59 = tpu.memref_slice %arg5[%dma_start3A_58, %multiple_of3A_14] : memref<32x1000000xf32, #tpu.memory_space<hbm>> -> memref<8x128xf32, #tpu.memory_space<hbm>>
    %dma_start3A_60 = arith.constant 8 : i32
    %dma_start3A_61 = arith.constant 0 : i32
    %dma_start3A_62 = tpu.memref_slice %arg10[%dma_start3A_53, %dma_start3A_60, %dma_start3A_61] : memref<8x32x128xf32, #tpu.memory_space<vmem>> -> memref<1x8x128xf32, #tpu.memory_space<vmem>>
    %dma_start3A_63 = tpu.memref_squeeze %dma_start3A_62 : memref<1x8x128xf32, #tpu.memory_space<vmem>> -> memref<8x128xf32, #tpu.memory_space<vmem>>
    %dma_start3A_64 = arith.constant 8 : i32
    %dma_start3A_65 = tpu.memref_slice %arg5[%dma_start3A_64, %multiple_of3A_14] : memref<32x1000000xf32, #tpu.memory_space<hbm>> -> memref<8x128xf32, #tpu.memory_space<hbm>>
    tpu.enqueue_dma source(%dma_start3A_65 : memref<8x128xf32, #tpu.memory_space<hbm>>) target(%dma_start3A_63 : memref<8x128xf32, #tpu.memory_space<vmem>>) target_semaphore(%arg13 : memref<!tpu.dma_semaphore, #tpu.memory_space<semaphore_mem>>)
    %dma_start3A_66 = arith.constant 0 : i32
    %dma_start3A_67 = arith.constant 16 : i32
    %dma_start3A_68 = arith.constant 0 : i32
    %dma_start3A_69 = tpu.memref_slice %arg9[%dma_start3A_66, %dma_start3A_67, %dma_start3A_68] : memref<8x32x128xf32, #tpu.memory_space<vmem>> -> memref<1x8x128xf32, #tpu.memory_space<vmem>>
    %dma_start3A_70 = tpu.memref_squeeze %dma_start3A_69 : memref<1x8x128xf32, #tpu.memory_space<vmem>> -> memref<8x128xf32, #tpu.memory_space<vmem>>
    %dma_start3A_71 = arith.constant 16 : i32
    %dma_start3A_72 = tpu.memref_slice %arg4[%dma_start3A_71, %multiple_of3A] : memref<32x1000000xf32, #tpu.memory_space<hbm>> -> memref<8x128xf32, #tpu.memory_space<hbm>>
    %dma_start3A_73 = arith.constant 16 : i32
    %dma_start3A_74 = arith.constant 0 : i32
    %dma_start3A_75 = tpu.memref_slice %arg9[%dma_start3A_66, %dma_start3A_73, %dma_start3A_74] : memref<8x32x128xf32, #tpu.memory_space<vmem>> -> memref<1x8x128xf32, #tpu.memory_space<vmem>>
    %dma_start3A_76 = tpu.memref_squeeze %dma_start3A_75 : memref<1x8x128xf32, #tpu.memory_space<vmem>> -> memref<8x128xf32, #tpu.memory_space<vmem>>
    %dma_start3A_77 = arith.constant 16 : i32
    %dma_start3A_78 = tpu.memref_slice %arg4[%dma_start3A_77, %multiple_of3A] : memref<32x1000000xf32, #tpu.memory_space<hbm>> -> memref<8x128xf32, #tpu.memory_space<hbm>>
    tpu.enqueue_dma source(%dma_start3A_78 : memref<8x128xf32, #tpu.memory_space<hbm>>) target(%dma_start3A_76 : memref<8x128xf32, #tpu.memory_space<vmem>>) target_semaphore(%arg14 : memref<!tpu.dma_semaphore, #tpu.memory_space<semaphore_mem>>)
    %dma_start3A_79 = arith.constant 0 : i32
    %dma_start3A_80 = arith.constant 16 : i32
    %dma_start3A_81 = arith.constant 0 : i32
    %dma_start3A_82 = tpu.memref_slice %arg10[%dma_start3A_79, %dma_start3A_80, %dma_start3A_81] : memref<8x32x128xf32, #tpu.memory_space<vmem>> -> memref<1x8x128xf32, #tpu.memory_space<vmem>>
    %dma_start3A_83 = tpu.memref_squeeze %dma_start3A_82 : memref<1x8x128xf32, #tpu.memory_space<vmem>> -> memref<8x128xf32, #tpu.memory_space<vmem>>
    %dma_start3A_84 = arith.constant 16 : i32
    %dma_start3A_85 = tpu.memref_slice %arg5[%dma_start3A_84, %multiple_of3A_14] : memref<32x1000000xf32, #tpu.memory_space<hbm>> -> memref<8x128xf32, #tpu.memory_space<hbm>>
    %dma_start3A_86 = arith.constant 16 : i32
    %dma_start3A_87 = arith.constant 0 : i32
    %dma_start3A_88 = tpu.memref_slice %arg10[%dma_start3A_79, %dma_start3A_86, %dma_start3A_87] : memref<8x32x128xf32, #tpu.memory_space<vmem>> -> memref<1x8x128xf32, #tpu.memory_space<vmem>>
    %dma_start3A_89 = tpu.memref_squeeze %dma_start3A_88 : memref<1x8x128xf32, #tpu.memory_space<vmem>> -> memref<8x128xf32, #tpu.memory_space<vmem>>
    %dma_start3A_90 = arith.constant 16 : i32
    %dma_start3A_91 = tpu.memref_slice %arg5[%dma_start3A_90, %multiple_of3A_14] : memref<32x1000000xf32, #tpu.memory_space<hbm>> -> memref<8x128xf32, #tpu.memory_space<hbm>>
    tpu.enqueue_dma source(%dma_start3A_91 : memref<8x128xf32, #tpu.memory_space<hbm>>) target(%dma_start3A_89 : memref<8x128xf32, #tpu.memory_space<vmem>>) target_semaphore(%arg15 : memref<!tpu.dma_semaphore, #tpu.memory_space<semaphore_mem>>)
    %dma_start3A_92 = arith.constant 0 : i32
    %dma_start3A_93 = arith.constant 24 : i32
    %dma_start3A_94 = arith.constant 0 : i32
    %dma_start3A_95 = tpu.memref_slice %arg9[%dma_start3A_92, %dma_start3A_93, %dma_start3A_94] : memref<8x32x128xf32, #tpu.memory_space<vmem>> -> memref<1x8x128xf32, #tpu.memory_space<vmem>>
    %dma_start3A_96 = tpu.memref_squeeze %dma_start3A_95 : memref<1x8x128xf32, #tpu.memory_space<vmem>> -> memref<8x128xf32, #tpu.memory_space<vmem>>
    %dma_start3A_97 = arith.constant 24 : i32
    %dma_start3A_98 = tpu.memref_slice %arg4[%dma_start3A_97, %multiple_of3A] : memref<32x1000000xf32, #tpu.memory_space<hbm>> -> memref<8x128xf32, #tpu.memory_space<hbm>>
    %dma_start3A_99 = arith.constant 24 : i32
    %dma_start3A_100 = arith.constant 0 : i32
    %dma_start3A_101 = tpu.memref_slice %arg9[%dma_start3A_92, %dma_start3A_99, %dma_start3A_100] : memref<8x32x128xf32, #tpu.memory_space<vmem>> -> memref<1x8x128xf32, #tpu.memory_space<vmem>>
    %dma_start3A_102 = tpu.memref_squeeze %dma_start3A_101 : memref<1x8x128xf32, #tpu.memory_space<vmem>> -> memref<8x128xf32, #tpu.memory_space<vmem>>
    %dma_start3A_103 = arith.constant 24 : i32
    %dma_start3A_104 = tpu.memref_slice %arg4[%dma_start3A_103, %multiple_of3A] : memref<32x1000000xf32, #tpu.memory_space<hbm>> -> memref<8x128xf32, #tpu.memory_space<hbm>>
    tpu.enqueue_dma source(%dma_start3A_104 : memref<8x128xf32, #tpu.memory_space<hbm>>) target(%dma_start3A_102 : memref<8x128xf32, #tpu.memory_space<vmem>>) target_semaphore(%arg14 : memref<!tpu.dma_semaphore, #tpu.memory_space<semaphore_mem>>)
    %dma_start3A_105 = arith.constant 0 : i32
    %dma_start3A_106 = arith.constant 24 : i32
    %dma_start3A_107 = arith.constant 0 : i32
    %dma_start3A_108 = tpu.memref_slice %arg10[%dma_start3A_105, %dma_start3A_106, %dma_start3A_107] : memref<8x32x128xf32, #tpu.memory_space<vmem>> -> memref<1x8x128xf32, #tpu.memory_space<vmem>>
    %dma_start3A_109 = tpu.memref_squeeze %dma_start3A_108 : memref<1x8x128xf32, #tpu.memory_space<vmem>> -> memref<8x128xf32, #tpu.memory_space<vmem>>
    %dma_start3A_110 = arith.constant 24 : i32
    %dma_start3A_111 = tpu.memref_slice %arg5[%dma_start3A_110, %multiple_of3A_14] : memref<32x1000000xf32, #tpu.memory_space<hbm>> -> memref<8x128xf32, #tpu.memory_space<hbm>>
    %dma_start3A_112 = arith.constant 24 : i32
    %dma_start3A_113 = arith.constant 0 : i32
    %dma_start3A_114 = tpu.memref_slice %arg10[%dma_start3A_105, %dma_start3A_112, %dma_start3A_113] : memref<8x32x128xf32, #tpu.memory_space<vmem>> -> memref<1x8x128xf32, #tpu.memory_space<vmem>>
    %dma_start3A_115 = tpu.memref_squeeze %dma_start3A_114 : memref<1x8x128xf32, #tpu.memory_space<vmem>> -> memref<8x128xf32, #tpu.memory_space<vmem>>
    %dma_start3A_116 = arith.constant 24 : i32
    %dma_start3A_117 = tpu.memref_slice %arg5[%dma_start3A_116, %multiple_of3A_14] : memref<32x1000000xf32, #tpu.memory_space<hbm>> -> memref<8x128xf32, #tpu.memory_space<hbm>>
    tpu.enqueue_dma source(%dma_start3A_117 : memref<8x128xf32, #tpu.memory_space<hbm>>) target(%dma_start3A_115 : memref<8x128xf32, #tpu.memory_space<vmem>>) target_semaphore(%arg15 : memref<!tpu.dma_semaphore, #tpu.memory_space<semaphore_mem>>)
    %get3A_118 = arith.constant 1 : index
    %get3A_119 = tpu.vector_load %arg7[%get3A_118] {strides = array<i32>} : memref<528xi32, #tpu.memory_space<vmem>>, vector<16xi32>,
    %slice3A_120 = vector.extract_strided_slice %get3A_119 {offsets = [0], sizes = [1], strides = [1]} : vector<16xi32> to vector<1xi32>
    %squeeze3A_121 = vector.extract %slice3A_120[0] : i32 from vector<1xi32>
    %shift_right_arithmetic3A_122 = arith.constant 7 : i32
    %shift_right_arithmetic3A_123 = arith.shrsi %squeeze3A_121, %shift_right_arithmetic3A_122 : i32
    %shift_left3A_124 = arith.constant 7 : i32
    %shift_left3A_125 = arith.shli %shift_right_arithmetic3A_123, %shift_left3A_124 : i32
    %multiple_of3A_126 = tpu.assume_multiple %shift_left3A_125, 128 : i32
    %get3A_127 = arith.constant 1 : index
    %get3A_128 = tpu.vector_load %arg8[%get3A_127] {strides = array<i32>} : memref<528xi32, #tpu.memory_space<vmem>>, vector<16xi32>,
    %slice3A_129 = vector.extract_strided_slice %get3A_128 {offsets = [0], sizes = [1], strides = [1]} : vector<16xi32> to vector<1xi32>
    %squeeze3A_130 = vector.extract %slice3A_129[0] : i32 from vector<1xi32>
    %shift_right_arithmetic3A_131 = arith.constant 7 : i32
    %shift_right_arithmetic3A_132 = arith.shrsi %squeeze3A_130, %shift_right_arithmetic3A_131 : i32
    %shift_left3A_133 = arith.constant 7 : i32
    %shift_left3A_134 = arith.shli %shift_right_arithmetic3A_132, %shift_left3A_133 : i32
    %multiple_of3A_135 = tpu.assume_multiple %shift_left3A_134, 128 : i32
    %dma_start3A_136 = arith.constant 1 : i32
    %dma_start3A_137 = arith.constant 0 : i32
    %dma_start3A_138 = arith.constant 0 : i32
    %dma_start3A_139 = tpu.memref_slice %arg9[%dma_start3A_136, %dma_start3A_137, %dma_start3A_138] : memref<8x32x128xf32, #tpu.memory_space<vmem>> -> memref<1x8x128xf32, #tpu.memory_space<vmem>>
    %dma_start3A_140 = tpu.memref_squeeze %dma_start3A_139 : memref<1x8x128xf32, #tpu.memory_space<vmem>> -> memref<8x128xf32, #tpu.memory_space<vmem>>
    %dma_start3A_141 = arith.constant 0 : i32
    %dma_start3A_142 = tpu.memref_slice %arg4[%dma_start3A_141, %multiple_of3A_126] : memref<32x1000000xf32, #tpu.memory_space<hbm>> -> memref<8x128xf32, #tpu.memory_space<hbm>>
    %dma_start3A_143 = arith.constant 0 : i32
    %dma_start3A_144 = arith.constant 0 : i32
    %dma_start3A_145 = tpu.memref_slice %arg9[%dma_start3A_136, %dma_start3A_143, %dma_start3A_144] : memref<8x32x128xf32, #tpu.memory_space<vmem>> -> memref<1x8x128xf32, #tpu.memory_space<vmem>>
    %dma_start3A_146 = tpu.memref_squeeze %dma_start3A_145 : memref<1x8x128xf32, #tpu.memory_space<vmem>> -> memref<8x128xf32, #tpu.memory_space<vmem>>
    %dma_start3A_147 = arith.constant 0 : i32
    %dma_start3A_148 = tpu.memref_slice %arg4[%dma_start3A_147, %multiple_of3A_126] : memref<32x1000000xf32, #tpu.memory_space<hbm>> -> memref<8x128xf32, #tpu.memory_space<hbm>>
    tpu.enqueue_dma source(%dma_start3A_148 : memref<8x128xf32, #tpu.memory_space<hbm>>) target(%dma_start3A_146 : memref<8x128xf32, #tpu.memory_space<vmem>>) target_semaphore(%arg12 : memref<!tpu.dma_semaphore, #tpu.memory_space<semaphore_mem>>)
    %dma_start3A_149 = arith.constant 1 : i32
    %dma_start3A_150 = arith.constant 0 : i32
    %dma_start3A_151 = arith.constant 0 : i32
    %dma_start3A_152 = tpu.memref_slice %arg10[%dma_start3A_149, %dma_start3A_150, %dma_start3A_151] : memref<8x32x128xf32, #tpu.memory_space<vmem>> -> memref<1x8x128xf32, #tpu.memory_space<vmem>>
    %dma_start3A_153 = tpu.memref_squeeze %dma_start3A_152 : memref<1x8x128xf32, #tpu.memory_space<vmem>> -> memref<8x128xf32, #tpu.memory_space<vmem>>
    %dma_start3A_154 = arith.constant 0 : i32
    %dma_start3A_155 = tpu.memref_slice %arg5[%dma_start3A_154, %multiple_of3A_135] : memref<32x1000000xf32, #tpu.memory_space<hbm>> -> memref<8x128xf32, #tpu.memory_space<hbm>>
    %dma_start3A_156 = arith.constant 0 : i32
    %dma_start3A_157 = arith.constant 0 : i32
    %dma_start3A_158 = tpu.memref_slice %arg10[%dma_start3A_149, %dma_start3A_156, %dma_start3A_157] : memref<8x32x128xf32, #tpu.memory_space<vmem>> -> memref<1x8x128xf32, #tpu.memory_space<vmem>>
    %dma_start3A_159 = tpu.memref_squeeze %dma_start3A_158 : memref<1x8x128xf32, #tpu.memory_space<vmem>> -> memref<8x128xf32, #tpu.memory_space<vmem>>
    %dma_start3A_160 = arith.constant 0 : i32
    %dma_start3A_161 = tpu.memref_slice %arg5[%dma_start3A_160, %multiple_of3A_135] : memref<32x1000000xf32, #tpu.memory_space<hbm>> -> memref<8x128xf32, #tpu.memory_space<hbm>>
    tpu.enqueue_dma source(%dma_start3A_161 : memref<8x128xf32, #tpu.memory_space<hbm>>) target(%dma_start3A_159 : memref<8x128xf32, #tpu.memory_space<vmem>>) target_semaphore(%arg13 : memref<!tpu.dma_semaphore, #tpu.memory_space<semaphore_mem>>)
    %dma_start3A_162 = arith.constant 1 : i32
    %dma_start3A_163 = arith.constant 8 : i32
    %dma_start3A_164 = arith.constant 0 : i32
    %dma_start3A_165 = tpu.memref_slice %arg9[%dma_start3A_162, %dma_start3A_163, %dma_start3A_164] : memref<8x32x128xf32, #tpu.memory_space<vmem>> -> memref<1x8x128xf32, #tpu.memory_space<vmem>>
    %dma_start3A_166 = tpu.memref_squeeze %dma_start3A_165 : memref<1x8x128xf32, #tpu.memory_space<vmem>> -> memref<8x128xf32, #tpu.memory_space<vmem>>
    %dma_start3A_167 = arith.constant 8 : i32
    %dma_start3A_168 = tpu.memref_slice %arg4[%dma_start3A_167, %multiple_of3A_126] : memref<32x1000000xf32, #tpu.memory_space<hbm>> -> memref<8x128xf32, #tpu.memory_space<hbm>>
    %dma_start3A_169 = arith.constant 8 : i32
    %dma_start3A_170 = arith.constant 0 : i32
    %dma_start3A_171 = tpu.memref_slice %arg9[%dma_start3A_162, %dma_start3A_169, %dma_start3A_170] : memref<8x32x128xf32, #tpu.memory_space<vmem>> -> memref<1x8x128xf32, #tpu.memory_space<vmem>>
    %dma_start3A_172 = tpu.memref_squeeze %dma_start3A_171 : memref<1x8x128xf32, #tpu.memory_space<vmem>> -> memref<8x128xf32, #tpu.memory_space<vmem>>
    %dma_start3A_173 = arith.constant 8 : i32
    %dma_start3A_174 = tpu.memref_slice %arg4[%dma_start3A_173, %multiple_of3A_126] : memref<32x1000000xf32, #tpu.memory_space<hbm>> -> memref<8x128xf32, #tpu.memory_space<hbm>>
    tpu.enqueue_dma source(%dma_start3A_174 : memref<8x128xf32, #tpu.memory_space<hbm>>) target(%dma_start3A_172 : memref<8x128xf32, #tpu.memory_space<vmem>>) target_semaphore(%arg12 : memref<!tpu.dma_semaphore, #tpu.memory_space<semaphore_mem>>)
    %dma_start3A_175 = arith.constant 1 : i32
    %dma_start3A_176 = arith.constant 8 : i32
    %dma_start3A_177 = arith.constant 0 : i32
    %dma_start3A_178 = tpu.memref_slice %arg10[%dma_start3A_175, %dma_start3A_176, %dma_start3A_177] : memref<8x32x128xf32, #tpu.memory_space<vmem>> -> memref<1x8x128xf32, #tpu.memory_space<vmem>>
    %dma_start3A_179 = tpu.memref_squeeze %dma_start3A_178 : memref<1x8x128xf32, #tpu.memory_space<vmem>> -> memref<8x128xf32, #tpu.memory_space<vmem>>
    %dma_start3A_180 = arith.constant 8 : i32
    %dma_start3A_181 = tpu.memref_slice %arg5[%dma_start3A_180, %multiple_of3A_135] : memref<32x1000000xf32, #tpu.memory_space<hbm>> -> memref<8x128xf32, #tpu.memory_space<hbm>>
    %dma_start3A_182 = arith.constant 8 : i32
    %dma_start3A_183 = arith.constant 0 : i32
    %dma_start3A_184 = tpu.memref_slice %arg10[%dma_start3A_175, %dma_start3A_182, %dma_start3A_183] : memref<8x32x128xf32, #tpu.memory_space<vmem>> -> memref<1x8x128xf32, #tpu.memory_space<vmem>>
    %dma_start3A_185 = tpu.memref_squeeze %dma_start3A_184 : memref<1x8x128xf32, #tpu.memory_space<vmem>> -> memref<8x128xf32, #tpu.memory_space<vmem>>
    %dma_start3A_186 = arith.constant 8 : i32
    %dma_start3A_187 = tpu.memref_slice %arg5[%dma_start3A_186, %multiple_of3A_135] : memref<32x1000000xf32, #tpu.memory_space<hbm>> -> memref<8x128xf32, #tpu.memory_space<hbm>>
    tpu.enqueue_dma source(%dma_start3A_187 : memref<8x128xf32, #tpu.memory_space<hbm>>) target(%dma_start3A_185 : memref<8x128xf32, #tpu.memory_space<vmem>>) target_semaphore(%arg13 : memref<!tpu.dma_semaphore, #tpu.memory_space<semaphore_mem>>)
    %dma_start3A_188 = arith.constant 1 : i32
    %dma_start3A_189 = arith.constant 16 : i32
    %dma_start3A_190 = arith.constant 0 : i32
    %dma_start3A_191 = tpu.memref_slice %arg9[%dma_start3A_188, %dma_start3A_189, %dma_start3A_190] : memref<8x32x128xf32, #tpu.memory_space<vmem>> -> memref<1x8x128xf32, #tpu.memory_space<vmem>>
    %dma_start3A_192 = tpu.memref_squeeze %dma_start3A_191 : memref<1x8x128xf32, #tpu.memory_space<vmem>> -> memref<8x128xf32, #tpu.memory_space<vmem>>
    %dma_start3A_193 = arith.constant 16 : i32
    %dma_start3A_194 = tpu.memref_slice %arg4[%dma_start3A_193, %multiple_of3A_126] : memref<32x1000000xf32, #tpu.memory_space<hbm>> -> memref<8x128xf32, #tpu.memory_space<hbm>>
    %dma_start3A_195 = arith.constant 16 : i32
    %dma_start3A_196 = arith.constant 0 : i32
    %dma_start3A_197 = tpu.memref_slice %arg9[%dma_start3A_188, %dma_start3A_195, %dma_start3A_196] : memref<8x32x128xf32, #tpu.memory_space<vmem>> -> memref<1x8x128xf32, #tpu.memory_space<vmem>>
    %dma_start3A_198 = tpu.memref_squeeze %dma_start3A_197 : memref<1x8x128xf32, #tpu.memory_space<vmem>> -> memref<8x128xf32, #tpu.memory_space<vmem>>
    %dma_start3A_199 = arith.constant 16 : i32
    %dma_start3A_200 = tpu.memref_slice %arg4[%dma_start3A_199, %multiple_of3A_126] : memref<32x1000000xf32, #tpu.memory_space<hbm>> -> memref<8x128xf32, #tpu.memory_space<hbm>>
    tpu.enqueue_dma source(%dma_start3A_200 : memref<8x128xf32, #tpu.memory_space<hbm>>) target(%dma_start3A_198 : memref<8x128xf32, #tpu.memory_space<vmem>>) target_semaphore(%arg14 : memref<!tpu.dma_semaphore, #tpu.memory_space<semaphore_mem>>)
    %dma_start3A_201 = arith.constant 1 : i32
    %dma_start3A_202 = arith.constant 16 : i32
    %dma_start3A_203 = arith.constant 0 : i32
    %dma_start3A_204 = tpu.memref_slice %arg10[%dma_start3A_201, %dma_start3A_202, %dma_start3A_203] : memref<8x32x128xf32, #tpu.memory_space<vmem>> -> memref<1x8x128xf32, #tpu.memory_space<vmem>>
    %dma_start3A_205 = tpu.memref_squeeze %dma_start3A_204 : memref<1x8x128xf32, #tpu.memory_space<vmem>> -> memref<8x128xf32, #tpu.memory_space<vmem>>
    %dma_start3A_206 = arith.constant 16 : i32
    %dma_start3A_207 = tpu.memref_slice %arg5[%dma_start3A_206, %multiple_of3A_135] : memref<32x1000000xf32, #tpu.memory_space<hbm>> -> memref<8x128xf32, #tpu.memory_space<hbm>>
    %dma_start3A_208 = arith.constant 16 : i32
    %dma_start3A_209 = arith.constant 0 : i32
    %dma_start3A_210 = tpu.memref_slice %arg10[%dma_start3A_201, %dma_start3A_208, %dma_start3A_209] : memref<8x32x128xf32, #tpu.memory_space<vmem>> -> memref<1x8x128xf32, #tpu.memory_space<vmem>>
    %dma_start3A_211 = tpu.memref_squeeze %dma_start3A_210 : memref<1x8x128xf32, #tpu.memory_space<vmem>> -> memref<8x128xf32, #tpu.memory_space<vmem>>
    %dma_start3A_212 = arith.constant 16 : i32
    %dma_start3A_213 = tpu.memref_slice %arg5[%dma_start3A_212, %multiple_of3A_135] : memref<32x1000000xf32, #tpu.memory_space<hbm>> -> memref<8x128xf32, #tpu.memory_space<hbm>>
    tpu.enqueue_dma source(%dma_start3A_213 : memref<8x128xf32, #tpu.memory_space<hbm>>) target(%dma_start3A_211 : memref<8x128xf32, #tpu.memory_space<vmem>>) target_semaphore(%arg15 : memref<!tpu.dma_semaphore, #tpu.memory_space<semaphore_mem>>)
    %dma_start3A_214 = arith.constant 1 : i32
    %dma_start3A_215 = arith.constant 24 : i32
    %dma_start3A_216 = arith.constant 0 : i32
    %dma_start3A_217 = tpu.memref_slice %arg9[%dma_start3A_214, %dma_start3A_215, %dma_start3A_216] : memref<8x32x128xf32, #tpu.memory_space<vmem>> -> memref<1x8x128xf32, #tpu.memory_space<vmem>>
    %dma_start3A_218 = tpu.memref_squeeze %dma_start3A_217 : memref<1x8x128xf32, #tpu.memory_space<vmem>> -> memref<8x128xf32, #tpu.memory_space<vmem>>
    %dma_start3A_219 = arith.constant 24 : i32
    %dma_start3A_220 = tpu.memref_slice %arg4[%dma_start3A_219, %multiple_of3A_126] : memref<32x1000000xf32, #tpu.memory_space<hbm>> -> memref<8x128xf32, #tpu.memory_space<hbm>>
    %dma_start3A_221 = arith.constant 24 : i32
    %dma_start3A_222 = arith.constant 0 : i32
    %dma_start3A_223 = tpu.memref_slice %arg9[%dma_start3A_214, %dma_start3A_221, %dma_start3A_222] : memref<8x32x128xf32, #tpu.memory_space<vmem>> -> memref<1x8x128xf32, #tpu.memory_space<vmem>>
    %dma_start3A_224 = tpu.memref_squeeze %dma_start3A_223 : memref<1x8x128xf32, #tpu.memory_space<vmem>> -> memref<8x128xf32, #tpu.memory_space<vmem>>
    %dma_start3A_225 = arith.constant 24 : i32
    %dma_start3A_226 = tpu.memref_slice %arg4[%dma_start3A_225, %multiple_of3A_126] : memref<32x1000000xf32, #tpu.memory_space<hbm>> -> memref<8x128xf32, #tpu.memory_space<hbm>>
    tpu.enqueue_dma source(%dma_start3A_226 : memref<8x128xf32, #tpu.memory_space<hbm>>) target(%dma_start3A_224 : memref<8x128xf32, #tpu.memory_space<vmem>>) target_semaphore(%arg14 : memref<!tpu.dma_semaphore, #tpu.memory_space<semaphore_mem>>)
    %dma_start3A_227 = arith.constant 1 : i32
    %dma_start3A_228 = arith.constant 24 : i32
    %dma_start3A_229 = arith.constant 0 : i32
    %dma_start3A_230 = tpu.memref_slice %arg10[%dma_start3A_227, %dma_start3A_228, %dma_start3A_229] : memref<8x32x128xf32, #tpu.memory_space<vmem>> -> memref<1x8x128xf32, #tpu.memory_space<vmem>>
    %dma_start3A_231 = tpu.memref_squeeze %dma_start3A_230 : memref<1x8x128xf32, #tpu.memory_space<vmem>> -> memref<8x128xf32, #tpu.memory_space<vmem>>
    %dma_start3A_232 = arith.constant 24 : i32
    %dma_start3A_233 = tpu.memref_slice %arg5[%dma_start3A_232, %multiple_of3A_135] : memref<32x1000000xf32, #tpu.memory_space<hbm>> -> memref<8x128xf32, #tpu.memory_space<hbm>>
    %dma_start3A_234 = arith.constant 24 : i32
    %dma_start3A_235 = arith.constant 0 : i32
    %dma_start3A_236 = tpu.memref_slice %arg10[%dma_start3A_227, %dma_start3A_234, %dma_start3A_235] : memref<8x32x128xf32, #tpu.memory_space<vmem>> -> memref<1x8x128xf32, #tpu.memory_space<vmem>>
    %dma_start3A_237 = tpu.memref_squeeze %dma_start3A_236 : memref<1x8x128xf32, #tpu.memory_space<vmem>> -> memref<8x128xf32, #tpu.memory_space<vmem>>
    %dma_start3A_238 = arith.constant 24 : i32
    %dma_start3A_239 = tpu.memref_slice %arg5[%dma_start3A_238, %multiple_of3A_135] : memref<32x1000000xf32, #tpu.memory_space<hbm>> -> memref<8x128xf32, #tpu.memory_space<hbm>>
    tpu.enqueue_dma source(%dma_start3A_239 : memref<8x128xf32, #tpu.memory_space<hbm>>) target(%dma_start3A_237 : memref<8x128xf32, #tpu.memory_space<vmem>>) target_semaphore(%arg15 : memref<!tpu.dma_semaphore, #tpu.memory_space<semaphore_mem>>)
    %get3A_240 = arith.constant 2 : index
    %get3A_241 = tpu.vector_load %arg7[%get3A_240] {strides = array<i32>} : memref<528xi32, #tpu.memory_space<vmem>>, vector<16xi32>,
    %slice3A_242 = vector.extract_strided_slice %get3A_241 {offsets = [0], sizes = [1], strides = [1]} : vector<16xi32> to vector<1xi32>
    %squeeze3A_243 = vector.extract %slice3A_242[0] : i32 from vector<1xi32>
    %shift_right_arithmetic3A_244 = arith.constant 7 : i32
    %shift_right_arithmetic3A_245 = arith.shrsi %squeeze3A_243, %shift_right_arithmetic3A_244 : i32
    %shift_left3A_246 = arith.constant 7 : i32
    %shift_left3A_247 = arith.shli %shift_right_arithmetic3A_245, %shift_left3A_246 : i32
    %multiple_of3A_248 = tpu.assume_multiple %shift_left3A_247, 128 : i32
    %get3A_249 = arith.constant 2 : index
    %get3A_250 = tpu.vector_load %arg8[%get3A_249] {strides = array<i32>} : memref<528xi32, #tpu.memory_space<vmem>>, vector<16xi32>,
    %slice3A_251 = vector.extract_strided_slice %get3A_250 {offsets = [0], sizes = [1], strides = [1]} : vector<16xi32> to vector<1xi32>
    %squeeze3A_252 = vector.extract %slice3A_251[0] : i32 from vector<1xi32>
    %shift_right_arithmetic3A_253 = arith.constant 7 : i32
    %shift_right_arithmetic3A_254 = arith.shrsi %squeeze3A_252, %shift_right_arithmetic3A_253 : i32
    %shift_left3A_255 = arith.constant 7 : i32
    %shift_left3A_256 = arith.shli %shift_right_arithmetic3A_254, %shift_left3A_255 : i32
    %multiple_of3A_257 = tpu.assume_multiple %shift_left3A_256, 128 : i32
    %dma_start3A_258 = arith.constant 2 : i32
    %dma_start3A_259 = arith.constant 0 : i32
    %dma_start3A_260 = arith.constant 0 : i32
    %dma_start3A_261 = tpu.memref_slice %arg9[%dma_start3A_258, %dma_start3A_259, %dma_start3A_260] : memref<8x32x128xf32, #tpu.memory_space<vmem>> -> memref<1x8x128xf32, #tpu.memory_space<vmem>>
    %dma_start3A_262 = tpu.memref_squeeze %dma_start3A_261 : memref<1x8x128xf32, #tpu.memory_space<vmem>> -> memref<8x128xf32, #tpu.memory_space<vmem>>
    %dma_start3A_263 = arith.constant 0 : i32
    %dma_start3A_264 = tpu.memref_slice %arg4[%dma_start3A_263, %multiple_of3A_248] : memref<32x1000000xf32, #tpu.memory_space<hbm>> -> memref<8x128xf32, #tpu.memory_space<hbm>>
    %dma_start3A_265 = arith.constant 0 : i32
    %dma_start3A_266 = arith.constant 0 : i32
    %dma_start3A_267 = tpu.memref_slice %arg9[%dma_start3A_258, %dma_start3A_265, %dma_start3A_266] : memref<8x32x128xf32, #tpu.memory_space<vmem>> -> memref<1x8x128xf32, #tpu.memory_space<vmem>>
    %dma_start3A_268 = tpu.memref_squeeze %dma_start3A_267 : memref<1x8x128xf32, #tpu.memory_space<vmem>> -> memref<8x128xf32, #tpu.memory_space<vmem>>
    %dma_start3A_269 = arith.constant 0 : i32
    %dma_start3A_270 = tpu.memref_slice %arg4[%dma_start3A_269, %multiple_of3A_248] : memref<32x1000000xf32, #tpu.memory_space<hbm>> -> memref<8x128xf32, #tpu.memory_space<hbm>>
    tpu.enqueue_dma source(%dma_start3A_270 : memref<8x128xf32, #tpu.memory_space<hbm>>) target(%dma_start3A_268 : memref<8x128xf32, #tpu.memory_space<vmem>>) target_semaphore(%arg12 : memref<!tpu.dma_semaphore, #tpu.memory_space<semaphore_mem>>)
    %dma_start3A_271 = arith.constant 2 : i32
    %dma_start3A_272 = arith.constant 0 : i32
    %dma_start3A_273 = arith.constant 0 : i32
    %dma_start3A_274 = tpu.memref_slice %arg10[%dma_start3A_271, %dma_start3A_272, %dma_start3A_273] : memref<8x32x128xf32, #tpu.memory_space<vmem>> -> memref<1x8x128xf32, #tpu.memory_space<vmem>>
    %dma_start3A_275 = tpu.memref_squeeze %dma_start3A_274 : memref<1x8x128xf32, #tpu.memory_space<vmem>> -> memref<8x128xf32, #tpu.memory_space<vmem>>
    %dma_start3A_276 = arith.constant 0 : i32
    %dma_start3A_277 = tpu.memref_slice %arg5[%dma_start3A_276, %multiple_of3A_257] : memref<32x1000000xf32, #tpu.memory_space<hbm>> -> memref<8x128xf32, #tpu.memory_space<hbm>>
    %dma_start3A_278 = arith.constant 0 : i32
    %dma_start3A_279 = arith.constant 0 : i32
    %dma_start3A_280 = tpu.memref_slice %arg10[%dma_start3A_271, %dma_start3A_278, %dma_start3A_279] : memref<8x32x128xf32, #tpu.memory_space<vmem>> -> memref<1x8x128xf32, #tpu.memory_space<vmem>>
    %dma_start3A_281 = tpu.memref_squeeze %dma_start3A_280 : memref<1x8x128xf32, #tpu.memory_space<vmem>> -> memref<8x128xf32, #tpu.memory_space<vmem>>
    %dma_start3A_282 = arith.constant 0 : i32
    %dma_start3A_283 = tpu.memref_slice %arg5[%dma_start3A_282, %multiple_of3A_257] : memref<32x1000000xf32, #tpu.memory_space<hbm>> -> memref<8x128xf32, #tpu.memory_space<hbm>>
    tpu.enqueue_dma source(%dma_start3A_283 : memref<8x128xf32, #tpu.memory_space<hbm>>) target(%dma_start3A_281 : memref<8x128xf32, #tpu.memory_space<vmem>>) target_semaphore(%arg13 : memref<!tpu.dma_semaphore, #tpu.memory_space<semaphore_mem>>)
    %dma_start3A_284 = arith.constant 2 : i32
    %dma_start3A_285 = arith.constant 8 : i32
    %dma_start3A_286 = arith.constant 0 : i32
    %dma_start3A_287 = tpu.memref_slice %arg9[%dma_start3A_284, %dma_start3A_285, %dma_start3A_286] : memref<8x32x128xf32, #tpu.memory_space<vmem>> -> memref<1x8x128xf32, #tpu.memory_space<vmem>>
    %dma_start3A_288 = tpu.memref_squeeze %dma_start3A_287 : memref<1x8x128xf32, #tpu.memory_space<vmem>> -> memref<8x128xf32, #tpu.memory_space<vmem>>
    %dma_start3A_289 = arith.constant 8 : i32
    %dma_start3A_290 = tpu.memref_slice %arg4[%dma_start3A_289, %multiple_of3A_248] : memref<32x1000000xf32, #tpu.memory_space<hbm>> -> memref<8x128xf32, #tpu.memory_space<hbm>>
    %dma_start3A_291 = arith.constant 8 : i32
    %dma_start3A_292 = arith.constant 0 : i32
    %dma_start3A_293 = tpu.memref_slice %arg9[%dma_start3A_284, %dma_start3A_291, %dma_start3A_292] : memref<8x32x128xf32, #tpu.memory_space<vmem>> -> memref<1x8x128xf32, #tpu.memory_space<vmem>>
    %dma_start3A_294 = tpu.memref_squeeze %dma_start3A_293 : memref<1x8x128xf32, #tpu.memory_space<vmem>> -> memref<8x128xf32, #tpu.memory_space<vmem>>
    %dma_start3A_295 = arith.constant 8 : i32
    %dma_start3A_296 = tpu.memref_slice %arg4[%dma_start3A_295, %multiple_of3A_248] : memref<32x1000000xf32, #tpu.memory_space<hbm>> -> memref<8x128xf32, #tpu.memory_space<hbm>>
    tpu.enqueue_dma source(%dma_start3A_296 : memref<8x128xf32, #tpu.memory_space<hbm>>) target(%dma_start3A_294 : memref<8x128xf32, #tpu.memory_space<vmem>>) target_semaphore(%arg12 : memref<!tpu.dma_semaphore, #tpu.memory_space<semaphore_mem>>)
    %dma_start3A_297 = arith.constant 2 : i32
    %dma_start3A_298 = arith.constant 8 : i32
    %dma_start3A_299 = arith.constant 0 : i32
    %dma_start3A_300 = tpu.memref_slice %arg10[%dma_start3A_297, %dma_start3A_298, %dma_start3A_299] : memref<8x32x128xf32, #tpu.memory_space<vmem>> -> memref<1x8x128xf32, #tpu.memory_space<vmem>>
    %dma_start3A_301 = tpu.memref_squeeze %dma_start3A_300 : memref<1x8x128xf32, #tpu.memory_space<vmem>> -> memref<8x128xf32, #tpu.memory_space<vmem>>
    %dma_start3A_302 = arith.constant 8 : i32
    %dma_start3A_303 = tpu.memref_slice %arg5[%dma_start3A_302, %multiple_of3A_257] : memref<32x1000000xf32, #tpu.memory_space<hbm>> -> memref<8x128xf32, #tpu.memory_space<hbm>>
    %dma_start3A_304 = arith.constant 8 : i32
    %dma_start3A_305 = arith.constant 0 : i32
    %dma_start3A_306 = tpu.memref_slice %arg10[%dma_start3A_297, %dma_start3A_304, %dma_start3A_305] : memref<8x32x128xf32, #tpu.memory_space<vmem>> -> memref<1x8x128xf32, #tpu.memory_space<vmem>>
    %dma_start3A_307 = tpu.memref_squeeze %dma_start3A_306 : memref<1x8x128xf32, #tpu.memory_space<vmem>> -> memref<8x128xf32, #tpu.memory_space<vmem>>
    %dma_start3A_308 = arith.constant 8 : i32
    %dma_start3A_309 = tpu.memref_slice %arg5[%dma_start3A_308, %multiple_of3A_257] : memref<32x1000000xf32, #tpu.memory_space<hbm>> -> memref<8x128xf32, #tpu.memory_space<hbm>>
    tpu.enqueue_dma source(%dma_start3A_309 : memref<8x128xf32, #tpu.memory_space<hbm>>) target(%dma_start3A_307 : memref<8x128xf32, #tpu.memory_space<vmem>>) target_semaphore(%arg13 : memref<!tpu.dma_semaphore, #tpu.memory_space<semaphore_mem>>)
    %dma_start3A_310 = arith.constant 2 : i32
    %dma_start3A_311 = arith.constant 16 : i32
    %dma_start3A_312 = arith.constant 0 : i32
    %dma_start3A_313 = tpu.memref_slice %arg9[%dma_start3A_310, %dma_start3A_311, %dma_start3A_312] : memref<8x32x128xf32, #tpu.memory_space<vmem>> -> memref<1x8x128xf32, #tpu.memory_space<vmem>>
    %dma_start3A_314 = tpu.memref_squeeze %dma_start3A_313 : memref<1x8x128xf32, #tpu.memory_space<vmem>> -> memref<8x128xf32, #tpu.memory_space<vmem>>
    %dma_start3A_315 = arith.constant 16 : i32
    %dma_start3A_316 = tpu.memref_slice %arg4[%dma_start3A_315, %multiple_of3A_248] : memref<32x1000000xf32, #tpu.memory_space<hbm>> -> memref<8x128xf32, #tpu.memory_space<hbm>>
    %dma_start3A_317 = arith.constant 16 : i32
    %dma_start3A_318 = arith.constant 0 : i32
    %dma_start3A_319 = tpu.memref_slice %arg9[%dma_start3A_310, %dma_start3A_317, %dma_start3A_318] : memref<8x32x128xf32, #tpu.memory_space<vmem>> -> memref<1x8x128xf32, #tpu.memory_space<vmem>>
    %dma_start3A_320 = tpu.memref_squeeze %dma_start3A_319 : memref<1x8x128xf32, #tpu.memory_space<vmem>> -> memref<8x128xf32, #tpu.memory_space<vmem>>
    %dma_start3A_321 = arith.constant 16 : i32
    %dma_start3A_322 = tpu.memref_slice %arg4[%dma_start3A_321, %multiple_of3A_248] : memref<32x1000000xf32, #tpu.memory_space<hbm>> -> memref<8x128xf32, #tpu.memory_space<hbm>>
    tpu.enqueue_dma source(%dma_start3A_322 : memref<8x128xf32, #tpu.memory_space<hbm>>) target(%dma_start3A_320 : memref<8x128xf32, #tpu.memory_space<vmem>>) target_semaphore(%arg14 : memref<!tpu.dma_semaphore, #tpu.memory_space<semaphore_mem>>)
    %dma_start3A_323 = arith.constant 2 : i32
    %dma_start3A_324 = arith.constant 16 : i32
    %dma_start3A_325 = arith.constant 0 : i32
    %dma_start3A_326 = tpu.memref_slice %arg10[%dma_start3A_323, %dma_start3A_324, %dma_start3A_325] : memref<8x32x128xf32, #tpu.memory_space<vmem>> -> memref<1x8x128xf32, #tpu.memory_space<vmem>>
    %dma_start3A_327 = tpu.memref_squeeze %dma_start3A_326 : memref<1x8x128xf32, #tpu.memory_space<vmem>> -> memref<8x128xf32, #tpu.memory_space<vmem>>
    %dma_start3A_328 = arith.constant 16 : i32
    %dma_start3A_329 = tpu.memref_slice %arg5[%dma_start3A_328, %multiple_of3A_257] : memref<32x1000000xf32, #tpu.memory_space<hbm>> -> memref<8x128xf32, #tpu.memory_space<hbm>>
    %dma_start3A_330 = arith.constant 16 : i32
    %dma_start3A_331 = arith.constant 0 : i32
    %dma_start3A_332 = tpu.memref_slice %arg10[%dma_start3A_323, %dma_start3A_330, %dma_start3A_331] : memref<8x32x128xf32, #tpu.memory_space<vmem>> -> memref<1x8x128xf32, #tpu.memory_space<vmem>>
    %dma_start3A_333 = tpu.memref_squeeze %dma_start3A_332 : memref<1x8x128xf32, #tpu.memory_space<vmem>> -> memref<8x128xf32, #tpu.memory_space<vmem>>
    %dma_start3A_334 = arith.constant 16 : i32
    %dma_start3A_335 = tpu.memref_slice %arg5[%dma_start3A_334, %multiple_of3A_257] : memref<32x1000000xf32, #tpu.memory_space<hbm>> -> memref<8x128xf32, #tpu.memory_space<hbm>>
    tpu.enqueue_dma source(%dma_start3A_335 : memref<8x128xf32, #tpu.memory_space<hbm>>) target(%dma_start3A_333 : memref<8x128xf32, #tpu.memory_space<vmem>>) target_semaphore(%arg15 : memref<!tpu.dma_semaphore, #tpu.memory_space<semaphore_mem>>)
    %dma_start3A_336 = arith.constant 2 : i32
    %dma_start3A_337 = arith.constant 24 : i32
    %dma_start3A_338 = arith.constant 0 : i32
    %dma_start3A_339 = tpu.memref_slice %arg9[%dma_start3A_336, %dma_start3A_337, %dma_start3A_338] : memref<8x32x128xf32, #tpu.memory_space<vmem>> -> memref<1x8x128xf32, #tpu.memory_space<vmem>>
    %dma_start3A_340 = tpu.memref_squeeze %dma_start3A_339 : memref<1x8x128xf32, #tpu.memory_space<vmem>> -> memref<8x128xf32, #tpu.memory_space<vmem>>
    %dma_start3A_341 = arith.constant 24 : i32
    %dma_start3A_342 = tpu.memref_slice %arg4[%dma_start3A_341, %multiple_of3A_248] : memref<32x1000000xf32, #tpu.memory_space<hbm>> -> memref<8x128xf32, #tpu.memory_space<hbm>>
    %dma_start3A_343 = arith.constant 24 : i32
    %dma_start3A_344 = arith.constant 0 : i32
    %dma_start3A_345 = tpu.memref_slice %arg9[%dma_start3A_336, %dma_start3A_343, %dma_start3A_344] : memref<8x32x128xf32, #tpu.memory_space<vmem>> -> memref<1x8x128xf32, #tpu.memory_space<vmem>>
    %dma_start3A_346 = tpu.memref_squeeze %dma_start3A_345 : memref<1x8x128xf32, #tpu.memory_space<vmem>> -> memref<8x128xf32, #tpu.memory_space<vmem>>
    %dma_start3A_347 = arith.constant 24 : i32
    %dma_start3A_348 = tpu.memref_slice %arg4[%dma_start3A_347, %multiple_of3A_248] : memref<32x1000000xf32, #tpu.memory_space<hbm>> -> memref<8x128xf32, #tpu.memory_space<hbm>>
    tpu.enqueue_dma source(%dma_start3A_348 : memref<8x128xf32, #tpu.memory_space<hbm>>) target(%dma_start3A_346 : memref<8x128xf32, #tpu.memory_space<vmem>>) target_semaphore(%arg14 : memref<!tpu.dma_semaphore, #tpu.memory_space<semaphore_mem>>)
    %dma_start3A_349 = arith.constant 2 : i32
    %dma_start3A_350 = arith.constant 24 : i32
    %dma_start3A_351 = arith.constant 0 : i32
    %dma_start3A_352 = tpu.memref_slice %arg10[%dma_start3A_349, %dma_start3A_350, %dma_start3A_351] : memref<8x32x128xf32, #tpu.memory_space<vmem>> -> memref<1x8x128xf32, #tpu.memory_space<vmem>>
    %dma_start3A_353 = tpu.memref_squeeze %dma_start3A_352 : memref<1x8x128xf32, #tpu.memory_space<vmem>> -> memref<8x128xf32, #tpu.memory_space<vmem>>
    %dma_start3A_354 = arith.constant 24 : i32
    %dma_start3A_355 = tpu.memref_slice %arg5[%dma_start3A_354, %multiple_of3A_257] : memref<32x1000000xf32, #tpu.memory_space<hbm>> -> memref<8x128xf32, #tpu.memory_space<hbm>>
    %dma_start3A_356 = arith.constant 24 : i32
    %dma_start3A_357 = arith.constant 0 : i32
    %dma_start3A_358 = tpu.memref_slice %arg10[%dma_start3A_349, %dma_start3A_356, %dma_start3A_357] : memref<8x32x128xf32, #tpu.memory_space<vmem>> -> memref<1x8x128xf32, #tpu.memory_space<vmem>>
    %dma_start3A_359 = tpu.memref_squeeze %dma_start3A_358 : memref<1x8x128xf32, #tpu.memory_space<vmem>> -> memref<8x128xf32, #tpu.memory_space<vmem>>
    %dma_start3A_360 = arith.constant 24 : i32
    %dma_start3A_361 = tpu.memref_slice %arg5[%dma_start3A_360, %multiple_of3A_257] : memref<32x1000000xf32, #tpu.memory_space<hbm>> -> memref<8x128xf32, #tpu.memory_space<hbm>>
    tpu.enqueue_dma source(%dma_start3A_361 : memref<8x128xf32, #tpu.memory_space<hbm>>) target(%dma_start3A_359 : memref<8x128xf32, #tpu.memory_space<vmem>>) target_semaphore(%arg15 : memref<!tpu.dma_semaphore, #tpu.memory_space<semaphore_mem>>)
    %get3A_362 = arith.constant 3 : index
    %get3A_363 = tpu.vector_load %arg7[%get3A_362] {strides = array<i32>} : memref<528xi32, #tpu.memory_space<vmem>>, vector<16xi32>,
    %slice3A_364 = vector.extract_strided_slice %get3A_363 {offsets = [0], sizes = [1], strides = [1]} : vector<16xi32> to vector<1xi32>
    %squeeze3A_365 = vector.extract %slice3A_364[0] : i32 from vector<1xi32>
    %shift_right_arithmetic3A_366 = arith.constant 7 : i32
    %shift_right_arithmetic3A_367 = arith.shrsi %squeeze3A_365, %shift_right_arithmetic3A_366 : i32
    %shift_left3A_368 = arith.constant 7 : i32
    %shift_left3A_369 = arith.shli %shift_right_arithmetic3A_367, %shift_left3A_368 : i32
    %multiple_of3A_370 = tpu.assume_multiple %shift_left3A_369, 128 : i32
    %get3A_371 = arith.constant 3 : index
    %get3A_372 = tpu.vector_load %arg8[%get3A_371] {strides = array<i32>} : memref<528xi32, #tpu.memory_space<vmem>>, vector<16xi32>,
    %slice3A_373 = vector.extract_strided_slice %get3A_372 {offsets = [0], sizes = [1], strides = [1]} : vector<16xi32> to vector<1xi32>
    %squeeze3A_374 = vector.extract %slice3A_373[0] : i32 from vector<1xi32>
    %shift_right_arithmetic3A_375 = arith.constant 7 : i32
    %shift_right_arithmetic3A_376 = arith.shrsi %squeeze3A_374, %shift_right_arithmetic3A_375 : i32
    %shift_left3A_377 = arith.constant 7 : i32
    %shift_left3A_378 = arith.shli %shift_right_arithmetic3A_376, %shift_left3A_377 : i32
    %multiple_of3A_379 = tpu.assume_multiple %shift_left3A_378, 128 : i32
    %dma_start3A_380 = arith.constant 3 : i32
    %dma_start3A_381 = arith.constant 0 : i32
    %dma_start3A_382 = arith.constant 0 : i32
    %dma_start3A_383 = tpu.memref_slice %arg9[%dma_start3A_380, %dma_start3A_381, %dma_start3A_382] : memref<8x32x128xf32, #tpu.memory_space<vmem>> -> memref<1x8x128xf32, #tpu.memory_space<vmem>>
    %dma_start3A_384 = tpu.memref_squeeze %dma_start3A_383 : memref<1x8x128xf32, #tpu.memory_space<vmem>> -> memref<8x128xf32, #tpu.memory_space<vmem>>
    %dma_start3A_385 = arith.constant 0 : i32
    %dma_start3A_386 = tpu.memref_slice %arg4[%dma_start3A_385, %multiple_of3A_370] : memref<32x1000000xf32, #tpu.memory_space<hbm>> -> memref<8x128xf32, #tpu.memory_space<hbm>>
    %dma_start3A_387 = arith.constant 0 : i32
    %dma_start3A_388 = arith.constant 0 : i32
    %dma_start3A_389 = tpu.memref_slice %arg9[%dma_start3A_380, %dma_start3A_387, %dma_start3A_388] : memref<8x32x128xf32, #tpu.memory_space<vmem>> -> memref<1x8x128xf32, #tpu.memory_space<vmem>>
    %dma_start3A_390 = tpu.memref_squeeze %dma_start3A_389 : memref<1x8x128xf32, #tpu.memory_space<vmem>> -> memref<8x128xf32, #tpu.memory_space<vmem>>
    %dma_start3A_391 = arith.constant 0 : i32
    %dma_start3A_392 = tpu.memref_slice %arg4[%dma_start3A_391, %multiple_of3A_370] : memref<32x1000000xf32, #tpu.memory_space<hbm>> -> memref<8x128xf32, #tpu.memory_space<hbm>>
    tpu.enqueue_dma source(%dma_start3A_392 : memref<8x128xf32, #tpu.memory_space<hbm>>) target(%dma_start3A_390 : memref<8x128xf32, #tpu.memory_space<vmem>>) target_semaphore(%arg12 : memref<!tpu.dma_semaphore, #tpu.memory_space<semaphore_mem>>)
    %dma_start3A_393 = arith.constant 3 : i32
    %dma_start3A_394 = arith.constant 0 : i32
    %dma_start3A_395 = arith.constant 0 : i32
    %dma_start3A_396 = tpu.memref_slice %arg10[%dma_start3A_393, %dma_start3A_394, %dma_start3A_395] : memref<8x32x128xf32, #tpu.memory_space<vmem>> -> memref<1x8x128xf32, #tpu.memory_space<vmem>>
    %dma_start3A_397 = tpu.memref_squeeze %dma_start3A_396 : memref<1x8x128xf32, #tpu.memory_space<vmem>> -> memref<8x128xf32, #tpu.memory_space<vmem>>
    %dma_start3A_398 = arith.constant 0 : i32
    %dma_start3A_399 = tpu.memref_slice %arg5[%dma_start3A_398, %multiple_of3A_379] : memref<32x1000000xf32, #tpu.memory_space<hbm>> -> memref<8x128xf32, #tpu.memory_space<hbm>>
    %dma_start3A_400 = arith.constant 0 : i32
    %dma_start3A_401 = arith.constant 0 : i32
    %dma_start3A_402 = tpu.memref_slice %arg10[%dma_start3A_393, %dma_start3A_400, %dma_start3A_401] : memref<8x32x128xf32, #tpu.memory_space<vmem>> -> memref<1x8x128xf32, #tpu.memory_space<vmem>>
    %dma_start3A_403 = tpu.memref_squeeze %dma_start3A_402 : memref<1x8x128xf32, #tpu.memory_space<vmem>> -> memref<8x128xf32, #tpu.memory_space<vmem>>
    %dma_start3A_404 = arith.constant 0 : i32
    %dma_start3A_405 = tpu.memref_slice %arg5[%dma_start3A_404, %multiple_of3A_379] : memref<32x1000000xf32, #tpu.memory_space<hbm>> -> memref<8x128xf32, #tpu.memory_space<hbm>>
    tpu.enqueue_dma source(%dma_start3A_405 : memref<8x128xf32, #tpu.memory_space<hbm>>) target(%dma_start3A_403 : memref<8x128xf32, #tpu.memory_space<vmem>>) target_semaphore(%arg13 : memref<!tpu.dma_semaphore, #tpu.memory_space<semaphore_mem>>)
    %dma_start3A_406 = arith.constant 3 : i32
    %dma_start3A_407 = arith.constant 8 : i32
    %dma_start3A_408 = arith.constant 0 : i32
    %dma_start3A_409 = tpu.memref_slice %arg9[%dma_start3A_406, %dma_start3A_407, %dma_start3A_408] : memref<8x32x128xf32, #tpu.memory_space<vmem>> -> memref<1x8x128xf32, #tpu.memory_space<vmem>>
    %dma_start3A_410 = tpu.memref_squeeze %dma_start3A_409 : memref<1x8x128xf32, #tpu.memory_space<vmem>> -> memref<8x128xf32, #tpu.memory_space<vmem>>
    %dma_start3A_411 = arith.constant 8 : i32
    %dma_start3A_412 = tpu.memref_slice %arg4[%dma_start3A_411, %multiple_of3A_370] : memref<32x1000000xf32, #tpu.memory_space<hbm>> -> memref<8x128xf32, #tpu.memory_space<hbm>>
    %dma_start3A_413 = arith.constant 8 : i32
    %dma_start3A_414 = arith.constant 0 : i32
    %dma_start3A_415 = tpu.memref_slice %arg9[%dma_start3A_406, %dma_start3A_413, %dma_start3A_414] : memref<8x32x128xf32, #tpu.memory_space<vmem>> -> memref<1x8x128xf32, #tpu.memory_space<vmem>>
    %dma_start3A_416 = tpu.memref_squeeze %dma_start3A_415 : memref<1x8x128xf32, #tpu.memory_space<vmem>> -> memref<8x128xf32, #tpu.memory_space<vmem>>
    %dma_start3A_417 = arith.constant 8 : i32
    %dma_start3A_418 = tpu.memref_slice %arg4[%dma_start3A_417, %multiple_of3A_370] : memref<32x1000000xf32, #tpu.memory_space<hbm>> -> memref<8x128xf32, #tpu.memory_space<hbm>>
    tpu.enqueue_dma source(%dma_start3A_418 : memref<8x128xf32, #tpu.memory_space<hbm>>) target(%dma_start3A_416 : memref<8x128xf32, #tpu.memory_space<vmem>>) target_semaphore(%arg12 : memref<!tpu.dma_semaphore, #tpu.memory_space<semaphore_mem>>)
    %dma_start3A_419 = arith.constant 3 : i32
    %dma_start3A_420 = arith.constant 8 : i32
    %dma_start3A_421 = arith.constant 0 : i32
    %dma_start3A_422 = tpu.memref_slice %arg10[%dma_start3A_419, %dma_start3A_420, %dma_start3A_421] : memref<8x32x128xf32, #tpu.memory_space<vmem>> -> memref<1x8x128xf32, #tpu.memory_space<vmem>>
    %dma_start3A_423 = tpu.memref_squeeze %dma_start3A_422 : memref<1x8x128xf32, #tpu.memory_space<vmem>> -> memref<8x128xf32, #tpu.memory_space<vmem>>
    %dma_start3A_424 = arith.constant 8 : i32
    %dma_start3A_425 = tpu.memref_slice %arg5[%dma_start3A_424, %multiple_of3A_379] : memref<32x1000000xf32, #tpu.memory_space<hbm>> -> memref<8x128xf32, #tpu.memory_space<hbm>>
    %dma_start3A_426 = arith.constant 8 : i32
    %dma_start3A_427 = arith.constant 0 : i32
    %dma_start3A_428 = tpu.memref_slice %arg10[%dma_start3A_419, %dma_start3A_426, %dma_start3A_427] : memref<8x32x128xf32, #tpu.memory_space<vmem>> -> memref<1x8x128xf32, #tpu.memory_space<vmem>>
    %dma_start3A_429 = tpu.memref_squeeze %dma_start3A_428 : memref<1x8x128xf32, #tpu.memory_space<vmem>> -> memref<8x128xf32, #tpu.memory_space<vmem>>
    %dma_start3A_430 = arith.constant 8 : i32
    %dma_start3A_431 = tpu.memref_slice %arg5[%dma_start3A_430, %multiple_of3A_379] : memref<32x1000000xf32, #tpu.memory_space<hbm>> -> memref<8x128xf32, #tpu.memory_space<hbm>>
    tpu.enqueue_dma source(%dma_start3A_431 : memref<8x128xf32, #tpu.memory_space<hbm>>) target(%dma_start3A_429 : memref<8x128xf32, #tpu.memory_space<vmem>>) target_semaphore(%arg13 : memref<!tpu.dma_semaphore, #tpu.memory_space<semaphore_mem>>)
    %dma_start3A_432 = arith.constant 3 : i32
    %dma_start3A_433 = arith.constant 16 : i32
    %dma_start3A_434 = arith.constant 0 : i32
    %dma_start3A_435 = tpu.memref_slice %arg9[%dma_start3A_432, %dma_start3A_433, %dma_start3A_434] : memref<8x32x128xf32, #tpu.memory_space<vmem>> -> memref<1x8x128xf32, #tpu.memory_space<vmem>>
    %dma_start3A_436 = tpu.memref_squeeze %dma_start3A_435 : memref<1x8x128xf32, #tpu.memory_space<vmem>> -> memref<8x128xf32, #tpu.memory_space<vmem>>
    %dma_start3A_437 = arith.constant 16 : i32
    %dma_start3A_438 = tpu.memref_slice %arg4[%dma_start3A_437, %multiple_of3A_370] : memref<32x1000000xf32, #tpu.memory_space<hbm>> -> memref<8x128xf32, #tpu.memory_space<hbm>>
    %dma_start3A_439 = arith.constant 16 : i32
    %dma_start3A_440 = arith.constant 0 : i32
    %dma_start3A_441 = tpu.memref_slice %arg9[%dma_start3A_432, %dma_start3A_439, %dma_start3A_440] : memref<8x32x128xf32, #tpu.memory_space<vmem>> -> memref<1x8x128xf32, #tpu.memory_space<vmem>>
    %dma_start3A_442 = tpu.memref_squeeze %dma_start3A_441 : memref<1x8x128xf32, #tpu.memory_space<vmem>> -> memref<8x128xf32, #tpu.memory_space<vmem>>
    %dma_start3A_443 = arith.constant 16 : i32
    %dma_start3A_444 = tpu.memref_slice %arg4[%dma_start3A_443, %multiple_of3A_370] : memref<32x1000000xf32, #tpu.memory_space<hbm>> -> memref<8x128xf32, #tpu.memory_space<hbm>>
    tpu.enqueue_dma source(%dma_start3A_444 : memref<8x128xf32, #tpu.memory_space<hbm>>) target(%dma_start3A_442 : memref<8x128xf32, #tpu.memory_space<vmem>>) target_semaphore(%arg14 : memref<!tpu.dma_semaphore, #tpu.memory_space<semaphore_mem>>)
    %dma_start3A_445 = arith.constant 3 : i32
    %dma_start3A_446 = arith.constant 16 : i32
    %dma_start3A_447 = arith.constant 0 : i32
    %dma_start3A_448 = tpu.memref_slice %arg10[%dma_start3A_445, %dma_start3A_446, %dma_start3A_447] : memref<8x32x128xf32, #tpu.memory_space<vmem>> -> memref<1x8x128xf32, #tpu.memory_space<vmem>>
    %dma_start3A_449 = tpu.memref_squeeze %dma_start3A_448 : memref<1x8x128xf32, #tpu.memory_space<vmem>> -> memref<8x128xf32, #tpu.memory_space<vmem>>
    %dma_start3A_450 = arith.constant 16 : i32
    %dma_start3A_451 = tpu.memref_slice %arg5[%dma_start3A_450, %multiple_of3A_379] : memref<32x1000000xf32, #tpu.memory_space<hbm>> -> memref<8x128xf32, #tpu.memory_space<hbm>>
    %dma_start3A_452 = arith.constant 16 : i32
    %dma_start3A_453 = arith.constant 0 : i32
    %dma_start3A_454 = tpu.memref_slice %arg10[%dma_start3A_445, %dma_start3A_452, %dma_start3A_453] : memref<8x32x128xf32, #tpu.memory_space<vmem>> -> memref<1x8x128xf32, #tpu.memory_space<vmem>>
    %dma_start3A_455 = tpu.memref_squeeze %dma_start3A_454 : memref<1x8x128xf32, #tpu.memory_space<vmem>> -> memref<8x128xf32, #tpu.memory_space<vmem>>
    %dma_start3A_456 = arith.constant 16 : i32
    %dma_start3A_457 = tpu.memref_slice %arg5[%dma_start3A_456, %multiple_of3A_379] : memref<32x1000000xf32, #tpu.memory_space<hbm>> -> memref<8x128xf32, #tpu.memory_space<hbm>>
    tpu.enqueue_dma source(%dma_start3A_457 : memref<8x128xf32, #tpu.memory_space<hbm>>) target(%dma_start3A_455 : memref<8x128xf32, #tpu.memory_space<vmem>>) target_semaphore(%arg15 : memref<!tpu.dma_semaphore, #tpu.memory_space<semaphore_mem>>)
    %dma_start3A_458 = arith.constant 3 : i32
    %dma_start3A_459 = arith.constant 24 : i32
    %dma_start3A_460 = arith.constant 0 : i32
    %dma_start3A_461 = tpu.memref_slice %arg9[%dma_start3A_458, %dma_start3A_459, %dma_start3A_460] : memref<8x32x128xf32, #tpu.memory_space<vmem>> -> memref<1x8x128xf32, #tpu.memory_space<vmem>>
    %dma_start3A_462 = tpu.memref_squeeze %dma_start3A_461 : memref<1x8x128xf32, #tpu.memory_space<vmem>> -> memref<8x128xf32, #tpu.memory_space<vmem>>
    %dma_start3A_463 = arith.constant 24 : i32
    %dma_start3A_464 = tpu.memref_slice %arg4[%dma_start3A_463, %multiple_of3A_370] : memref<32x1000000xf32, #tpu.memory_space<hbm>> -> memref<8x128xf32, #tpu.memory_space<hbm>>
    %dma_start3A_465 = arith.constant 24 : i32
    %dma_start3A_466 = arith.constant 0 : i32
    %dma_start3A_467 = tpu.memref_slice %arg9[%dma_start3A_458, %dma_start3A_465, %dma_start3A_466] : memref<8x32x128xf32, #tpu.memory_space<vmem>> -> memref<1x8x128xf32, #tpu.memory_space<vmem>>
    %dma_start3A_468 = tpu.memref_squeeze %dma_start3A_467 : memref<1x8x128xf32, #tpu.memory_space<vmem>> -> memref<8x128xf32, #tpu.memory_space<vmem>>
    %dma_start3A_469 = arith.constant 24 : i32
    %dma_start3A_470 = tpu.memref_slice %arg4[%dma_start3A_469, %multiple_of3A_370] : memref<32x1000000xf32, #tpu.memory_space<hbm>> -> memref<8x128xf32, #tpu.memory_space<hbm>>
    tpu.enqueue_dma source(%dma_start3A_470 : memref<8x128xf32, #tpu.memory_space<hbm>>) target(%dma_start3A_468 : memref<8x128xf32, #tpu.memory_space<vmem>>) target_semaphore(%arg14 : memref<!tpu.dma_semaphore, #tpu.memory_space<semaphore_mem>>)
    %dma_start3A_471 = arith.constant 3 : i32
    %dma_start3A_472 = arith.constant 24 : i32
    %dma_start3A_473 = arith.constant 0 : i32
    %dma_start3A_474 = tpu.memref_slice %arg10[%dma_start3A_471, %dma_start3A_472, %dma_start3A_473] : memref<8x32x128xf32, #tpu.memory_space<vmem>> -> memref<1x8x128xf32, #tpu.memory_space<vmem>>
    %dma_start3A_475 = tpu.memref_squeeze %dma_start3A_474 : memref<1x8x128xf32, #tpu.memory_space<vmem>> -> memref<8x128xf32, #tpu.memory_space<vmem>>
    %dma_start3A_476 = arith.constant 24 : i32
    %dma_start3A_477 = tpu.memref_slice %arg5[%dma_start3A_476, %multiple_of3A_379] : memref<32x1000000xf32, #tpu.memory_space<hbm>> -> memref<8x128xf32, #tpu.memory_space<hbm>>
    %dma_start3A_478 = arith.constant 24 : i32
    %dma_start3A_479 = arith.constant 0 : i32
    %dma_start3A_480 = tpu.memref_slice %arg10[%dma_start3A_471, %dma_start3A_478, %dma_start3A_479] : memref<8x32x128xf32, #tpu.memory_space<vmem>> -> memref<1x8x128xf32, #tpu.memory_space<vmem>>
    %dma_start3A_481 = tpu.memref_squeeze %dma_start3A_480 : memref<1x8x128xf32, #tpu.memory_space<vmem>> -> memref<8x128xf32, #tpu.memory_space<vmem>>
    %dma_start3A_482 = arith.constant 24 : i32
    %dma_start3A_483 = tpu.memref_slice %arg5[%dma_start3A_482, %multiple_of3A_379] : memref<32x1000000xf32, #tpu.memory_space<hbm>> -> memref<8x128xf32, #tpu.memory_space<hbm>>
    tpu.enqueue_dma source(%dma_start3A_483 : memref<8x128xf32, #tpu.memory_space<hbm>>) target(%dma_start3A_481 : memref<8x128xf32, #tpu.memory_space<vmem>>) target_semaphore(%arg15 : memref<!tpu.dma_semaphore, #tpu.memory_space<semaphore_mem>>)
    %get3A_484 = arith.constant 4 : index
    %get3A_485 = tpu.vector_load %arg7[%get3A_484] {strides = array<i32>} : memref<528xi32, #tpu.memory_space<vmem>>, vector<16xi32>,
    %slice3A_486 = vector.extract_strided_slice %get3A_485 {offsets = [0], sizes = [1], strides = [1]} : vector<16xi32> to vector<1xi32>
    %squeeze3A_487 = vector.extract %slice3A_486[0] : i32 from vector<1xi32>
    %shift_right_arithmetic3A_488 = arith.constant 7 : i32
    %shift_right_arithmetic3A_489 = arith.shrsi %squeeze3A_487, %shift_right_arithmetic3A_488 : i32
    %shift_left3A_490 = arith.constant 7 : i32
    %shift_left3A_491 = arith.shli %shift_right_arithmetic3A_489, %shift_left3A_490 : i32
    %multiple_of3A_492 = tpu.assume_multiple %shift_left3A_491, 128 : i32
    %get3A_493 = arith.constant 4 : index
    %get3A_494 = tpu.vector_load %arg8[%get3A_493] {strides = array<i32>} : memref<528xi32, #tpu.memory_space<vmem>>, vector<16xi32>,
    %slice3A_495 = vector.extract_strided_slice %get3A_494 {offsets = [0], sizes = [1], strides = [1]} : vector<16xi32> to vector<1xi32>
    %squeeze3A_496 = vector.extract %slice3A_495[0] : i32 from vector<1xi32>
    %shift_right_arithmetic3A_497 = arith.constant 7 : i32
    %shift_right_arithmetic3A_498 = arith.shrsi %squeeze3A_496, %shift_right_arithmetic3A_497 : i32
    %shift_left3A_499 = arith.constant 7 : i32
    %shift_left3A_500 = arith.shli %shift_right_arithmetic3A_498, %shift_left3A_499 : i32
    %multiple_of3A_501 = tpu.assume_multiple %shift_left3A_500, 128 : i32
    %dma_start3A_502 = arith.constant 4 : i32
    %dma_start3A_503 = arith.constant 0 : i32
    %dma_start3A_504 = arith.constant 0 : i32
    %dma_start3A_505 = tpu.memref_slice %arg9[%dma_start3A_502, %dma_start3A_503, %dma_start3A_504] : memref<8x32x128xf32, #tpu.memory_space<vmem>> -> memref<1x8x128xf32, #tpu.memory_space<vmem>>
    %dma_start3A_506 = tpu.memref_squeeze %dma_start3A_505 : memref<1x8x128xf32, #tpu.memory_space<vmem>> -> memref<8x128xf32, #tpu.memory_space<vmem>>
    %dma_start3A_507 = arith.constant 0 : i32
    %dma_start3A_508 = tpu.memref_slice %arg4[%dma_start3A_507, %multiple_of3A_492] : memref<32x1000000xf32, #tpu.memory_space<hbm>> -> memref<8x128xf32, #tpu.memory_space<hbm>>
    %dma_start3A_509 = arith.constant 0 : i32
    %dma_start3A_510 = arith.constant 0 : i32
    %dma_start3A_511 = tpu.memref_slice %arg9[%dma_start3A_502, %dma_start3A_509, %dma_start3A_510] : memref<8x32x128xf32, #tpu.memory_space<vmem>> -> memref<1x8x128xf32, #tpu.memory_space<vmem>>
    %dma_start3A_512 = tpu.memref_squeeze %dma_start3A_511 : memref<1x8x128xf32, #tpu.memory_space<vmem>> -> memref<8x128xf32, #tpu.memory_space<vmem>>
    %dma_start3A_513 = arith.constant 0 : i32
    %dma_start3A_514 = tpu.memref_slice %arg4[%dma_start3A_513, %multiple_of3A_492] : memref<32x1000000xf32, #tpu.memory_space<hbm>> -> memref<8x128xf32, #tpu.memory_space<hbm>>
    tpu.enqueue_dma source(%dma_start3A_514 : memref<8x128xf32, #tpu.memory_space<hbm>>) target(%dma_start3A_512 : memref<8x128xf32, #tpu.memory_space<vmem>>) target_semaphore(%arg12 : memref<!tpu.dma_semaphore, #tpu.memory_space<semaphore_mem>>)
    %dma_start3A_515 = arith.constant 4 : i32
    %dma_start3A_516 = arith.constant 0 : i32
    %dma_start3A_517 = arith.constant 0 : i32
    %dma_start3A_518 = tpu.memref_slice %arg10[%dma_start3A_515, %dma_start3A_516, %dma_start3A_517] : memref<8x32x128xf32, #tpu.memory_space<vmem>> -> memref<1x8x128xf32, #tpu.memory_space<vmem>>
    %dma_start3A_519 = tpu.memref_squeeze %dma_start3A_518 : memref<1x8x128xf32, #tpu.memory_space<vmem>> -> memref<8x128xf32, #tpu.memory_space<vmem>>
    %dma_start3A_520 = arith.constant 0 : i32
    %dma_start3A_521 = tpu.memref_slice %arg5[%dma_start3A_520, %multiple_of3A_501] : memref<32x1000000xf32, #tpu.memory_space<hbm>> -> memref<8x128xf32, #tpu.memory_space<hbm>>
    %dma_start3A_522 = arith.constant 0 : i32
    %dma_start3A_523 = arith.constant 0 : i32
    %dma_start3A_524 = tpu.memref_slice %arg10[%dma_start3A_515, %dma_start3A_522, %dma_start3A_523] : memref<8x32x128xf32, #tpu.memory_space<vmem>> -> memref<1x8x128xf32, #tpu.memory_space<vmem>>
    %dma_start3A_525 = tpu.memref_squeeze %dma_start3A_524 : memref<1x8x128xf32, #tpu.memory_space<vmem>> -> memref<8x128xf32, #tpu.memory_space<vmem>>
    %dma_start3A_526 = arith.constant 0 : i32
    %dma_start3A_527 = tpu.memref_slice %arg5[%dma_start3A_526, %multiple_of3A_501] : memref<32x1000000xf32, #tpu.memory_space<hbm>> -> memref<8x128xf32, #tpu.memory_space<hbm>>
    tpu.enqueue_dma source(%dma_start3A_527 : memref<8x128xf32, #tpu.memory_space<hbm>>) target(%dma_start3A_525 : memref<8x128xf32, #tpu.memory_space<vmem>>) target_semaphore(%arg13 : memref<!tpu.dma_semaphore, #tpu.memory_space<semaphore_mem>>)
    %dma_start3A_528 = arith.constant 4 : i32
    %dma_start3A_529 = arith.constant 8 : i32
    %dma_start3A_530 = arith.constant 0 : i32
    %dma_start3A_531 = tpu.memref_slice %arg9[%dma_start3A_528, %dma_start3A_529, %dma_start3A_530] : memref<8x32x128xf32, #tpu.memory_space<vmem>> -> memref<1x8x128xf32, #tpu.memory_space<vmem>>
    %dma_start3A_532 = tpu.memref_squeeze %dma_start3A_531 : memref<1x8x128xf32, #tpu.memory_space<vmem>> -> memref<8x128xf32, #tpu.memory_space<vmem>>
    %dma_start3A_533 = arith.constant 8 : i32
    %dma_start3A_534 = tpu.memref_slice %arg4[%dma_start3A_533, %multiple_of3A_492] : memref<32x1000000xf32, #tpu.memory_space<hbm>> -> memref<8x128xf32, #tpu.memory_space<hbm>>
    %dma_start3A_535 = arith.constant 8 : i32
    %dma_start3A_536 = arith.constant 0 : i32
    %dma_start3A_537 = tpu.memref_slice %arg9[%dma_start3A_528, %dma_start3A_535, %dma_start3A_536] : memref<8x32x128xf32, #tpu.memory_space<vmem>> -> memref<1x8x128xf32, #tpu.memory_space<vmem>>
    %dma_start3A_538 = tpu.memref_squeeze %dma_start3A_537 : memref<1x8x128xf32, #tpu.memory_space<vmem>> -> memref<8x128xf32, #tpu.memory_space<vmem>>
    %dma_start3A_539 = arith.constant 8 : i32
    %dma_start3A_540 = tpu.memref_slice %arg4[%dma_start3A_539, %multiple_of3A_492] : memref<32x1000000xf32, #tpu.memory_space<hbm>> -> memref<8x128xf32, #tpu.memory_space<hbm>>
    tpu.enqueue_dma source(%dma_start3A_540 : memref<8x128xf32, #tpu.memory_space<hbm>>) target(%dma_start3A_538 : memref<8x128xf32, #tpu.memory_space<vmem>>) target_semaphore(%arg12 : memref<!tpu.dma_semaphore, #tpu.memory_space<semaphore_mem>>)
    %dma_start3A_541 = arith.constant 4 : i32
    %dma_start3A_542 = arith.constant 8 : i32
    %dma_start3A_543 = arith.constant 0 : i32
    %dma_start3A_544 = tpu.memref_slice %arg10[%dma_start3A_541, %dma_start3A_542, %dma_start3A_543] : memref<8x32x128xf32, #tpu.memory_space<vmem>> -> memref<1x8x128xf32, #tpu.memory_space<vmem>>
    %dma_start3A_545 = tpu.memref_squeeze %dma_start3A_544 : memref<1x8x128xf32, #tpu.memory_space<vmem>> -> memref<8x128xf32, #tpu.memory_space<vmem>>
    %dma_start3A_546 = arith.constant 8 : i32
    %dma_start3A_547 = tpu.memref_slice %arg5[%dma_start3A_546, %multiple_of3A_501] : memref<32x1000000xf32, #tpu.memory_space<hbm>> -> memref<8x128xf32, #tpu.memory_space<hbm>>
    %dma_start3A_548 = arith.constant 8 : i32
    %dma_start3A_549 = arith.constant 0 : i32
    %dma_start3A_550 = tpu.memref_slice %arg10[%dma_start3A_541, %dma_start3A_548, %dma_start3A_549] : memref<8x32x128xf32, #tpu.memory_space<vmem>> -> memref<1x8x128xf32, #tpu.memory_space<vmem>>
    %dma_start3A_551 = tpu.memref_squeeze %dma_start3A_550 : memref<1x8x128xf32, #tpu.memory_space<vmem>> -> memref<8x128xf32, #tpu.memory_space<vmem>>
    %dma_start3A_552 = arith.constant 8 : i32
    %dma_start3A_553 = tpu.memref_slice %arg5[%dma_start3A_552, %multiple_of3A_501] : memref<32x1000000xf32, #tpu.memory_space<hbm>> -> memref<8x128xf32, #tpu.memory_space<hbm>>
    tpu.enqueue_dma source(%dma_start3A_553 : memref<8x128xf32, #tpu.memory_space<hbm>>) target(%dma_start3A_551 : memref<8x128xf32, #tpu.memory_space<vmem>>) target_semaphore(%arg13 : memref<!tpu.dma_semaphore, #tpu.memory_space<semaphore_mem>>)
    %dma_start3A_554 = arith.constant 4 : i32
    %dma_start3A_555 = arith.constant 16 : i32
    %dma_start3A_556 = arith.constant 0 : i32
    %dma_start3A_557 = tpu.memref_slice %arg9[%dma_start3A_554, %dma_start3A_555, %dma_start3A_556] : memref<8x32x128xf32, #tpu.memory_space<vmem>> -> memref<1x8x128xf32, #tpu.memory_space<vmem>>
    %dma_start3A_558 = tpu.memref_squeeze %dma_start3A_557 : memref<1x8x128xf32, #tpu.memory_space<vmem>> -> memref<8x128xf32, #tpu.memory_space<vmem>>
    %dma_start3A_559 = arith.constant 16 : i32
    %dma_start3A_560 = tpu.memref_slice %arg4[%dma_start3A_559, %multiple_of3A_492] : memref<32x1000000xf32, #tpu.memory_space<hbm>> -> memref<8x128xf32, #tpu.memory_space<hbm>>
    %dma_start3A_561 = arith.constant 16 : i32
    %dma_start3A_562 = arith.constant 0 : i32
    %dma_start3A_563 = tpu.memref_slice %arg9[%dma_start3A_554, %dma_start3A_561, %dma_start3A_562] : memref<8x32x128xf32, #tpu.memory_space<vmem>> -> memref<1x8x128xf32, #tpu.memory_space<vmem>>
    %dma_start3A_564 = tpu.memref_squeeze %dma_start3A_563 : memref<1x8x128xf32, #tpu.memory_space<vmem>> -> memref<8x128xf32, #tpu.memory_space<vmem>>
    %dma_start3A_565 = arith.constant 16 : i32
    %dma_start3A_566 = tpu.memref_slice %arg4[%dma_start3A_565, %multiple_of3A_492] : memref<32x1000000xf32, #tpu.memory_space<hbm>> -> memref<8x128xf32, #tpu.memory_space<hbm>>
    tpu.enqueue_dma source(%dma_start3A_566 : memref<8x128xf32, #tpu.memory_space<hbm>>) target(%dma_start3A_564 : memref<8x128xf32, #tpu.memory_space<vmem>>) target_semaphore(%arg14 : memref<!tpu.dma_semaphore, #tpu.memory_space<semaphore_mem>>)
    %dma_start3A_567 = arith.constant 4 : i32
    %dma_start3A_568 = arith.constant 16 : i32
    %dma_start3A_569 = arith.constant 0 : i32
    %dma_start3A_570 = tpu.memref_slice %arg10[%dma_start3A_567, %dma_start3A_568, %dma_start3A_569] : memref<8x32x128xf32, #tpu.memory_space<vmem>> -> memref<1x8x128xf32, #tpu.memory_space<vmem>>
    %dma_start3A_571 = tpu.memref_squeeze %dma_start3A_570 : memref<1x8x128xf32, #tpu.memory_space<vmem>> -> memref<8x128xf32, #tpu.memory_space<vmem>>
    %dma_start3A_572 = arith.constant 16 : i32
    %dma_start3A_573 = tpu.memref_slice %arg5[%dma_start3A_572, %multiple_of3A_501] : memref<32x1000000xf32, #tpu.memory_space<hbm>> -> memref<8x128xf32, #tpu.memory_space<hbm>>
    %dma_start3A_574 = arith.constant 16 : i32
    %dma_start3A_575 = arith.constant 0 : i32
    %dma_start3A_576 = tpu.memref_slice %arg10[%dma_start3A_567, %dma_start3A_574, %dma_start3A_575] : memref<8x32x128xf32, #tpu.memory_space<vmem>> -> memref<1x8x128xf32, #tpu.memory_space<vmem>>
    %dma_start3A_577 = tpu.memref_squeeze %dma_start3A_576 : memref<1x8x128xf32, #tpu.memory_space<vmem>> -> memref<8x128xf32, #tpu.memory_space<vmem>>
    %dma_start3A_578 = arith.constant 16 : i32
    %dma_start3A_579 = tpu.memref_slice %arg5[%dma_start3A_578, %multiple_of3A_501] : memref<32x1000000xf32, #tpu.memory_space<hbm>> -> memref<8x128xf32, #tpu.memory_space<hbm>>
    tpu.enqueue_dma source(%dma_start3A_579 : memref<8x128xf32, #tpu.memory_space<hbm>>) target(%dma_start3A_577 : memref<8x128xf32, #tpu.memory_space<vmem>>) target_semaphore(%arg15 : memref<!tpu.dma_semaphore, #tpu.memory_space<semaphore_mem>>)
    %dma_start3A_580 = arith.constant 4 : i32
    %dma_start3A_581 = arith.constant 24 : i32
    %dma_start3A_582 = arith.constant 0 : i32
    %dma_start3A_583 = tpu.memref_slice %arg9[%dma_start3A_580, %dma_start3A_581, %dma_start3A_582] : memref<8x32x128xf32, #tpu.memory_space<vmem>> -> memref<1x8x128xf32, #tpu.memory_space<vmem>>
    %dma_start3A_584 = tpu.memref_squeeze %dma_start3A_583 : memref<1x8x128xf32, #tpu.memory_space<vmem>> -> memref<8x128xf32, #tpu.memory_space<vmem>>
    %dma_start3A_585 = arith.constant 24 : i32
    %dma_start3A_586 = tpu.memref_slice %arg4[%dma_start3A_585, %multiple_of3A_492] : memref<32x1000000xf32, #tpu.memory_space<hbm>> -> memref<8x128xf32, #tpu.memory_space<hbm>>
    %dma_start3A_587 = arith.constant 24 : i32
    %dma_start3A_588 = arith.constant 0 : i32
    %dma_start3A_589 = tpu.memref_slice %arg9[%dma_start3A_580, %dma_start3A_587, %dma_start3A_588] : memref<8x32x128xf32, #tpu.memory_space<vmem>> -> memref<1x8x128xf32, #tpu.memory_space<vmem>>
    %dma_start3A_590 = tpu.memref_squeeze %dma_start3A_589 : memref<1x8x128xf32, #tpu.memory_space<vmem>> -> memref<8x128xf32, #tpu.memory_space<vmem>>
    %dma_start3A_591 = arith.constant 24 : i32
    %dma_start3A_592 = tpu.memref_slice %arg4[%dma_start3A_591, %multiple_of3A_492] : memref<32x1000000xf32, #tpu.memory_space<hbm>> -> memref<8x128xf32, #tpu.memory_space<hbm>>
    tpu.enqueue_dma source(%dma_start3A_592 : memref<8x128xf32, #tpu.memory_space<hbm>>) target(%dma_start3A_590 : memref<8x128xf32, #tpu.memory_space<vmem>>) target_semaphore(%arg14 : memref<!tpu.dma_semaphore, #tpu.memory_space<semaphore_mem>>)
    %dma_start3A_593 = arith.constant 4 : i32
    %dma_start3A_594 = arith.constant 24 : i32
    %dma_start3A_595 = arith.constant 0 : i32
    %dma_start3A_596 = tpu.memref_slice %arg10[%dma_start3A_593, %dma_start3A_594, %dma_start3A_595] : memref<8x32x128xf32, #tpu.memory_space<vmem>> -> memref<1x8x128xf32, #tpu.memory_space<vmem>>
    %dma_start3A_597 = tpu.memref_squeeze %dma_start3A_596 : memref<1x8x128xf32, #tpu.memory_space<vmem>> -> memref<8x128xf32, #tpu.memory_space<vmem>>
    %dma_start3A_598 = arith.constant 24 : i32
    %dma_start3A_599 = tpu.memref_slice %arg5[%dma_start3A_598, %multiple_of3A_501] : memref<32x1000000xf32, #tpu.memory_space<hbm>> -> memref<8x128xf32, #tpu.memory_space<hbm>>
    %dma_start3A_600 = arith.constant 24 : i32
    %dma_start3A_601 = arith.constant 0 : i32
    %dma_start3A_602 = tpu.memref_slice %arg10[%dma_start3A_593, %dma_start3A_600, %dma_start3A_601] : memref<8x32x128xf32, #tpu.memory_space<vmem>> -> memref<1x8x128xf32, #tpu.memory_space<vmem>>
    %dma_start3A_603 = tpu.memref_squeeze %dma_start3A_602 : memref<1x8x128xf32, #tpu.memory_space<vmem>> -> memref<8x128xf32, #tpu.memory_space<vmem>>
    %dma_start3A_604 = arith.constant 24 : i32
    %dma_start3A_605 = tpu.memref_slice %arg5[%dma_start3A_604, %multiple_of3A_501] : memref<32x1000000xf32, #tpu.memory_space<hbm>> -> memref<8x128xf32, #tpu.memory_space<hbm>>
    tpu.enqueue_dma source(%dma_start3A_605 : memref<8x128xf32, #tpu.memory_space<hbm>>) target(%dma_start3A_603 : memref<8x128xf32, #tpu.memory_space<vmem>>) target_semaphore(%arg15 : memref<!tpu.dma_semaphore, #tpu.memory_space<semaphore_mem>>)
    %get3A_606 = arith.constant 5 : index
    %get3A_607 = tpu.vector_load %arg7[%get3A_606] {strides = array<i32>} : memref<528xi32, #tpu.memory_space<vmem>>, vector<16xi32>,
    %slice3A_608 = vector.extract_strided_slice %get3A_607 {offsets = [0], sizes = [1], strides = [1]} : vector<16xi32> to vector<1xi32>
    %squeeze3A_609 = vector.extract %slice3A_608[0] : i32 from vector<1xi32>
    %shift_right_arithmetic3A_610 = arith.constant 7 : i32
    %shift_right_arithmetic3A_611 = arith.shrsi %squeeze3A_609, %shift_right_arithmetic3A_610 : i32
    %shift_left3A_612 = arith.constant 7 : i32
    %shift_left3A_613 = arith.shli %shift_right_arithmetic3A_611, %shift_left3A_612 : i32
    %multiple_of3A_614 = tpu.assume_multiple %shift_left3A_613, 128 : i32
    %get3A_615 = arith.constant 5 : index
    %get3A_616 = tpu.vector_load %arg8[%get3A_615] {strides = array<i32>} : memref<528xi32, #tpu.memory_space<vmem>>, vector<16xi32>,
    %slice3A_617 = vector.extract_strided_slice %get3A_616 {offsets = [0], sizes = [1], strides = [1]} : vector<16xi32> to vector<1xi32>
    %squeeze3A_618 = vector.extract %slice3A_617[0] : i32 from vector<1xi32>
    %shift_right_arithmetic3A_619 = arith.constant 7 : i32
    %shift_right_arithmetic3A_620 = arith.shrsi %squeeze3A_618, %shift_right_arithmetic3A_619 : i32
    %shift_left3A_621 = arith.constant 7 : i32
    %shift_left3A_622 = arith.shli %shift_right_arithmetic3A_620, %shift_left3A_621 : i32
    %multiple_of3A_623 = tpu.assume_multiple %shift_left3A_622, 128 : i32
    %dma_start3A_624 = arith.constant 5 : i32
    %dma_start3A_625 = arith.constant 0 : i32
    %dma_start3A_626 = arith.constant 0 : i32
    %dma_start3A_627 = tpu.memref_slice %arg9[%dma_start3A_624, %dma_start3A_625, %dma_start3A_626] : memref<8x32x128xf32, #tpu.memory_space<vmem>> -> memref<1x8x128xf32, #tpu.memory_space<vmem>>
    %dma_start3A_628 = tpu.memref_squeeze %dma_start3A_627 : memref<1x8x128xf32, #tpu.memory_space<vmem>> -> memref<8x128xf32, #tpu.memory_space<vmem>>
    %dma_start3A_629 = arith.constant 0 : i32
    %dma_start3A_630 = tpu.memref_slice %arg4[%dma_start3A_629, %multiple_of3A_614] : memref<32x1000000xf32, #tpu.memory_space<hbm>> -> memref<8x128xf32, #tpu.memory_space<hbm>>
    %dma_start3A_631 = arith.constant 0 : i32
    %dma_start3A_632 = arith.constant 0 : i32
    %dma_start3A_633 = tpu.memref_slice %arg9[%dma_start3A_624, %dma_start3A_631, %dma_start3A_632] : memref<8x32x128xf32, #tpu.memory_space<vmem>> -> memref<1x8x128xf32, #tpu.memory_space<vmem>>
    %dma_start3A_634 = tpu.memref_squeeze %dma_start3A_633 : memref<1x8x128xf32, #tpu.memory_space<vmem>> -> memref<8x128xf32, #tpu.memory_space<vmem>>
    %dma_start3A_635 = arith.constant 0 : i32
    %dma_start3A_636 = tpu.memref_slice %arg4[%dma_start3A_635, %multiple_of3A_614] : memref<32x1000000xf32, #tpu.memory_space<hbm>> -> memref<8x128xf32, #tpu.memory_space<hbm>>
    tpu.enqueue_dma source(%dma_start3A_636 : memref<8x128xf32, #tpu.memory_space<hbm>>) target(%dma_start3A_634 : memref<8x128xf32, #tpu.memory_space<vmem>>) target_semaphore(%arg12 : memref<!tpu.dma_semaphore, #tpu.memory_space<semaphore_mem>>)
    %dma_start3A_637 = arith.constant 5 : i32
    %dma_start3A_638 = arith.constant 0 : i32
    %dma_start3A_639 = arith.constant 0 : i32
    %dma_start3A_640 = tpu.memref_slice %arg10[%dma_start3A_637, %dma_start3A_638, %dma_start3A_639] : memref<8x32x128xf32, #tpu.memory_space<vmem>> -> memref<1x8x128xf32, #tpu.memory_space<vmem>>
    %dma_start3A_641 = tpu.memref_squeeze %dma_start3A_640 : memref<1x8x128xf32, #tpu.memory_space<vmem>> -> memref<8x128xf32, #tpu.memory_space<vmem>>
    %dma_start3A_642 = arith.constant 0 : i32
    %dma_start3A_643 = tpu.memref_slice %arg5[%dma_start3A_642, %multiple_of3A_623] : memref<32x1000000xf32, #tpu.memory_space<hbm>> -> memref<8x128xf32, #tpu.memory_space<hbm>>
    %dma_start3A_644 = arith.constant 0 : i32
    %dma_start3A_645 = arith.constant 0 : i32
    %dma_start3A_646 = tpu.memref_slice %arg10[%dma_start3A_637, %dma_start3A_644, %dma_start3A_645] : memref<8x32x128xf32, #tpu.memory_space<vmem>> -> memref<1x8x128xf32, #tpu.memory_space<vmem>>
    %dma_start3A_647 = tpu.memref_squeeze %dma_start3A_646 : memref<1x8x128xf32, #tpu.memory_space<vmem>> -> memref<8x128xf32, #tpu.memory_space<vmem>>
    %dma_start3A_648 = arith.constant 0 : i32
    %dma_start3A_649 = tpu.memref_slice %arg5[%dma_start3A_648, %multiple_of3A_623] : memref<32x1000000xf32, #tpu.memory_space<hbm>> -> memref<8x128xf32, #tpu.memory_space<hbm>>
    tpu.enqueue_dma source(%dma_start3A_649 : memref<8x128xf32, #tpu.memory_space<hbm>>) target(%dma_start3A_647 : memref<8x128xf32, #tpu.memory_space<vmem>>) target_semaphore(%arg13 : memref<!tpu.dma_semaphore, #tpu.memory_space<semaphore_mem>>)
    %dma_start3A_650 = arith.constant 5 : i32
    %dma_start3A_651 = arith.constant 8 : i32
    %dma_start3A_652 = arith.constant 0 : i32
    %dma_start3A_653 = tpu.memref_slice %arg9[%dma_start3A_650, %dma_start3A_651, %dma_start3A_652] : memref<8x32x128xf32, #tpu.memory_space<vmem>> -> memref<1x8x128xf32, #tpu.memory_space<vmem>>
    %dma_start3A_654 = tpu.memref_squeeze %dma_start3A_653 : memref<1x8x128xf32, #tpu.memory_space<vmem>> -> memref<8x128xf32, #tpu.memory_space<vmem>>
    %dma_start3A_655 = arith.constant 8 : i32
    %dma_start3A_656 = tpu.memref_slice %arg4[%dma_start3A_655, %multiple_of3A_614] : memref<32x1000000xf32, #tpu.memory_space<hbm>> -> memref<8x128xf32, #tpu.memory_space<hbm>>
    %dma_start3A_657 = arith.constant 8 : i32
    %dma_start3A_658 = arith.constant 0 : i32
    %dma_start3A_659 = tpu.memref_slice %arg9[%dma_start3A_650, %dma_start3A_657, %dma_start3A_658] : memref<8x32x128xf32, #tpu.memory_space<vmem>> -> memref<1x8x128xf32, #tpu.memory_space<vmem>>
    %dma_start3A_660 = tpu.memref_squeeze %dma_start3A_659 : memref<1x8x128xf32, #tpu.memory_space<vmem>> -> memref<8x128xf32, #tpu.memory_space<vmem>>
    %dma_start3A_661 = arith.constant 8 : i32
    %dma_start3A_662 = tpu.memref_slice %arg4[%dma_start3A_661, %multiple_of3A_614] : memref<32x1000000xf32, #tpu.memory_space<hbm>> -> memref<8x128xf32, #tpu.memory_space<hbm>>
    tpu.enqueue_dma source(%dma_start3A_662 : memref<8x128xf32, #tpu.memory_space<hbm>>) target(%dma_start3A_660 : memref<8x128xf32, #tpu.memory_space<vmem>>) target_semaphore(%arg12 : memref<!tpu.dma_semaphore, #tpu.memory_space<semaphore_mem>>)
    %dma_start3A_663 = arith.constant 5 : i32
    %dma_start3A_664 = arith.constant 8 : i32
    %dma_start3A_665 = arith.constant 0 : i32
    %dma_start3A_666 = tpu.memref_slice %arg10[%dma_start3A_663, %dma_start3A_664, %dma_start3A_665] : memref<8x32x128xf32, #tpu.memory_space<vmem>> -> memref<1x8x128xf32, #tpu.memory_space<vmem>>
    %dma_start3A_667 = tpu.memref_squeeze %dma_start3A_666 : memref<1x8x128xf32, #tpu.memory_space<vmem>> -> memref<8x128xf32, #tpu.memory_space<vmem>>
    %dma_start3A_668 = arith.constant 8 : i32
    %dma_start3A_669 = tpu.memref_slice %arg5[%dma_start3A_668, %multiple_of3A_623] : memref<32x1000000xf32, #tpu.memory_space<hbm>> -> memref<8x128xf32, #tpu.memory_space<hbm>>
    %dma_start3A_670 = arith.constant 8 : i32
    %dma_start3A_671 = arith.constant 0 : i32
    %dma_start3A_672 = tpu.memref_slice %arg10[%dma_start3A_663, %dma_start3A_670, %dma_start3A_671] : memref<8x32x128xf32, #tpu.memory_space<vmem>> -> memref<1x8x128xf32, #tpu.memory_space<vmem>>
    %dma_start3A_673 = tpu.memref_squeeze %dma_start3A_672 : memref<1x8x128xf32, #tpu.memory_space<vmem>> -> memref<8x128xf32, #tpu.memory_space<vmem>>
    %dma_start3A_674 = arith.constant 8 : i32
    %dma_start3A_675 = tpu.memref_slice %arg5[%dma_start3A_674, %multiple_of3A_623] : memref<32x1000000xf32, #tpu.memory_space<hbm>> -> memref<8x128xf32, #tpu.memory_space<hbm>>
    tpu.enqueue_dma source(%dma_start3A_675 : memref<8x128xf32, #tpu.memory_space<hbm>>) target(%dma_start3A_673 : memref<8x128xf32, #tpu.memory_space<vmem>>) target_semaphore(%arg13 : memref<!tpu.dma_semaphore, #tpu.memory_space<semaphore_mem>>)
    %dma_start3A_676 = arith.constant 5 : i32
    %dma_start3A_677 = arith.constant 16 : i32
    %dma_start3A_678 = arith.constant 0 : i32
    %dma_start3A_679 = tpu.memref_slice %arg9[%dma_start3A_676, %dma_start3A_677, %dma_start3A_678] : memref<8x32x128xf32, #tpu.memory_space<vmem>> -> memref<1x8x128xf32, #tpu.memory_space<vmem>>
    %dma_start3A_680 = tpu.memref_squeeze %dma_start3A_679 : memref<1x8x128xf32, #tpu.memory_space<vmem>> -> memref<8x128xf32, #tpu.memory_space<vmem>>
    %dma_start3A_681 = arith.constant 16 : i32
    %dma_start3A_682 = tpu.memref_slice %arg4[%dma_start3A_681, %multiple_of3A_614] : memref<32x1000000xf32, #tpu.memory_space<hbm>> -> memref<8x128xf32, #tpu.memory_space<hbm>>
    %dma_start3A_683 = arith.constant 16 : i32
    %dma_start3A_684 = arith.constant 0 : i32
    %dma_start3A_685 = tpu.memref_slice %arg9[%dma_start3A_676, %dma_start3A_683, %dma_start3A_684] : memref<8x32x128xf32, #tpu.memory_space<vmem>> -> memref<1x8x128xf32, #tpu.memory_space<vmem>>
    %dma_start3A_686 = tpu.memref_squeeze %dma_start3A_685 : memref<1x8x128xf32, #tpu.memory_space<vmem>> -> memref<8x128xf32, #tpu.memory_space<vmem>>
    %dma_start3A_687 = arith.constant 16 : i32
    %dma_start3A_688 = tpu.memref_slice %arg4[%dma_start3A_687, %multiple_of3A_614] : memref<32x1000000xf32, #tpu.memory_space<hbm>> -> memref<8x128xf32, #tpu.memory_space<hbm>>
    tpu.enqueue_dma source(%dma_start3A_688 : memref<8x128xf32, #tpu.memory_space<hbm>>) target(%dma_start3A_686 : memref<8x128xf32, #tpu.memory_space<vmem>>) target_semaphore(%arg14 : memref<!tpu.dma_semaphore, #tpu.memory_space<semaphore_mem>>)
    %dma_start3A_689 = arith.constant 5 : i32
    %dma_start3A_690 = arith.constant 16 : i32
    %dma_start3A_691 = arith.constant 0 : i32
    %dma_start3A_692 = tpu.memref_slice %arg10[%dma_start3A_689, %dma_start3A_690, %dma_start3A_691] : memref<8x32x128xf32, #tpu.memory_space<vmem>> -> memref<1x8x128xf32, #tpu.memory_space<vmem>>
    %dma_start3A_693 = tpu.memref_squeeze %dma_start3A_692 : memref<1x8x128xf32, #tpu.memory_space<vmem>> -> memref<8x128xf32, #tpu.memory_space<vmem>>
    %dma_start3A_694 = arith.constant 16 : i32
    %dma_start3A_695 = tpu.memref_slice %arg5[%dma_start3A_694, %multiple_of3A_623] : memref<32x1000000xf32, #tpu.memory_space<hbm>> -> memref<8x128xf32, #tpu.memory_space<hbm>>
    %dma_start3A_696 = arith.constant 16 : i32
    %dma_start3A_697 = arith.constant 0 : i32
    %dma_start3A_698 = tpu.memref_slice %arg10[%dma_start3A_689, %dma_start3A_696, %dma_start3A_697] : memref<8x32x128xf32, #tpu.memory_space<vmem>> -> memref<1x8x128xf32, #tpu.memory_space<vmem>>
    %dma_start3A_699 = tpu.memref_squeeze %dma_start3A_698 : memref<1x8x128xf32, #tpu.memory_space<vmem>> -> memref<8x128xf32, #tpu.memory_space<vmem>>
    %dma_start3A_700 = arith.constant 16 : i32
    %dma_start3A_701 = tpu.memref_slice %arg5[%dma_start3A_700, %multiple_of3A_623] : memref<32x1000000xf32, #tpu.memory_space<hbm>> -> memref<8x128xf32, #tpu.memory_space<hbm>>
    tpu.enqueue_dma source(%dma_start3A_701 : memref<8x128xf32, #tpu.memory_space<hbm>>) target(%dma_start3A_699 : memref<8x128xf32, #tpu.memory_space<vmem>>) target_semaphore(%arg15 : memref<!tpu.dma_semaphore, #tpu.memory_space<semaphore_mem>>)
    %dma_start3A_702 = arith.constant 5 : i32
    %dma_start3A_703 = arith.constant 24 : i32
    %dma_start3A_704 = arith.constant 0 : i32
    %dma_start3A_705 = tpu.memref_slice %arg9[%dma_start3A_702, %dma_start3A_703, %dma_start3A_704] : memref<8x32x128xf32, #tpu.memory_space<vmem>> -> memref<1x8x128xf32, #tpu.memory_space<vmem>>
    %dma_start3A_706 = tpu.memref_squeeze %dma_start3A_705 : memref<1x8x128xf32, #tpu.memory_space<vmem>> -> memref<8x128xf32, #tpu.memory_space<vmem>>
    %dma_start3A_707 = arith.constant 24 : i32
    %dma_start3A_708 = tpu.memref_slice %arg4[%dma_start3A_707, %multiple_of3A_614] : memref<32x1000000xf32, #tpu.memory_space<hbm>> -> memref<8x128xf32, #tpu.memory_space<hbm>>
    %dma_start3A_709 = arith.constant 24 : i32
    %dma_start3A_710 = arith.constant 0 : i32
    %dma_start3A_711 = tpu.memref_slice %arg9[%dma_start3A_702, %dma_start3A_709, %dma_start3A_710] : memref<8x32x128xf32, #tpu.memory_space<vmem>> -> memref<1x8x128xf32, #tpu.memory_space<vmem>>
    %dma_start3A_712 = tpu.memref_squeeze %dma_start3A_711 : memref<1x8x128xf32, #tpu.memory_space<vmem>> -> memref<8x128xf32, #tpu.memory_space<vmem>>
    %dma_start3A_713 = arith.constant 24 : i32
    %dma_start3A_714 = tpu.memref_slice %arg4[%dma_start3A_713, %multiple_of3A_614] : memref<32x1000000xf32, #tpu.memory_space<hbm>> -> memref<8x128xf32, #tpu.memory_space<hbm>>
    tpu.enqueue_dma source(%dma_start3A_714 : memref<8x128xf32, #tpu.memory_space<hbm>>) target(%dma_start3A_712 : memref<8x128xf32, #tpu.memory_space<vmem>>) target_semaphore(%arg14 : memref<!tpu.dma_semaphore, #tpu.memory_space<semaphore_mem>>)
    %dma_start3A_715 = arith.constant 5 : i32
    %dma_start3A_716 = arith.constant 24 : i32
    %dma_start3A_717 = arith.constant 0 : i32
    %dma_start3A_718 = tpu.memref_slice %arg10[%dma_start3A_715, %dma_start3A_716, %dma_start3A_717] : memref<8x32x128xf32, #tpu.memory_space<vmem>> -> memref<1x8x128xf32, #tpu.memory_space<vmem>>
    %dma_start3A_719 = tpu.memref_squeeze %dma_start3A_718 : memref<1x8x128xf32, #tpu.memory_space<vmem>> -> memref<8x128xf32, #tpu.memory_space<vmem>>
    %dma_start3A_720 = arith.constant 24 : i32
    %dma_start3A_721 = tpu.memref_slice %arg5[%dma_start3A_720, %multiple_of3A_623] : memref<32x1000000xf32, #tpu.memory_space<hbm>> -> memref<8x128xf32, #tpu.memory_space<hbm>>
    %dma_start3A_722 = arith.constant 24 : i32
    %dma_start3A_723 = arith.constant 0 : i32
    %dma_start3A_724 = tpu.memref_slice %arg10[%dma_start3A_715, %dma_start3A_722, %dma_start3A_723] : memref<8x32x128xf32, #tpu.memory_space<vmem>> -> memref<1x8x128xf32, #tpu.memory_space<vmem>>
    %dma_start3A_725 = tpu.memref_squeeze %dma_start3A_724 : memref<1x8x128xf32, #tpu.memory_space<vmem>> -> memref<8x128xf32, #tpu.memory_space<vmem>>
    %dma_start3A_726 = arith.constant 24 : i32
    %dma_start3A_727 = tpu.memref_slice %arg5[%dma_start3A_726, %multiple_of3A_623] : memref<32x1000000xf32, #tpu.memory_space<hbm>> -> memref<8x128xf32, #tpu.memory_space<hbm>>
    tpu.enqueue_dma source(%dma_start3A_727 : memref<8x128xf32, #tpu.memory_space<hbm>>) target(%dma_start3A_725 : memref<8x128xf32, #tpu.memory_space<vmem>>) target_semaphore(%arg15 : memref<!tpu.dma_semaphore, #tpu.memory_space<semaphore_mem>>)
    %get3A_728 = arith.constant 6 : index
    %get3A_729 = tpu.vector_load %arg7[%get3A_728] {strides = array<i32>} : memref<528xi32, #tpu.memory_space<vmem>>, vector<16xi32>,
    %slice3A_730 = vector.extract_strided_slice %get3A_729 {offsets = [0], sizes = [1], strides = [1]} : vector<16xi32> to vector<1xi32>
    %squeeze3A_731 = vector.extract %slice3A_730[0] : i32 from vector<1xi32>
    %shift_right_arithmetic3A_732 = arith.constant 7 : i32
    %shift_right_arithmetic3A_733 = arith.shrsi %squeeze3A_731, %shift_right_arithmetic3A_732 : i32
    %shift_left3A_734 = arith.constant 7 : i32
    %shift_left3A_735 = arith.shli %shift_right_arithmetic3A_733, %shift_left3A_734 : i32
    %multiple_of3A_736 = tpu.assume_multiple %shift_left3A_735, 128 : i32
    %get3A_737 = arith.constant 6 : index
    %get3A_738 = tpu.vector_load %arg8[%get3A_737] {strides = array<i32>} : memref<528xi32, #tpu.memory_space<vmem>>, vector<16xi32>,
    %slice3A_739 = vector.extract_strided_slice %get3A_738 {offsets = [0], sizes = [1], strides = [1]} : vector<16xi32> to vector<1xi32>
    %squeeze3A_740 = vector.extract %slice3A_739[0] : i32 from vector<1xi32>
    %shift_right_arithmetic3A_741 = arith.constant 7 : i32
    %shift_right_arithmetic3A_742 = arith.shrsi %squeeze3A_740, %shift_right_arithmetic3A_741 : i32
    %shift_left3A_743 = arith.constant 7 : i32
    %shift_left3A_744 = arith.shli %shift_right_arithmetic3A_742, %shift_left3A_743 : i32
    %multiple_of3A_745 = tpu.assume_multiple %shift_left3A_744, 128 : i32
    %dma_start3A_746 = arith.constant 6 : i32
    %dma_start3A_747 = arith.constant 0 : i32
    %dma_start3A_748 = arith.constant 0 : i32
    %dma_start3A_749 = tpu.memref_slice %arg9[%dma_start3A_746, %dma_start3A_747, %dma_start3A_748] : memref<8x32x128xf32, #tpu.memory_space<vmem>> -> memref<1x8x128xf32, #tpu.memory_space<vmem>>
    %dma_start3A_750 = tpu.memref_squeeze %dma_start3A_749 : memref<1x8x128xf32, #tpu.memory_space<vmem>> -> memref<8x128xf32, #tpu.memory_space<vmem>>
    %dma_start3A_751 = arith.constant 0 : i32
    %dma_start3A_752 = tpu.memref_slice %arg4[%dma_start3A_751, %multiple_of3A_736] : memref<32x1000000xf32, #tpu.memory_space<hbm>> -> memref<8x128xf32, #tpu.memory_space<hbm>>
    %dma_start3A_753 = arith.constant 0 : i32
    %dma_start3A_754 = arith.constant 0 : i32
    %dma_start3A_755 = tpu.memref_slice %arg9[%dma_start3A_746, %dma_start3A_753, %dma_start3A_754] : memref<8x32x128xf32, #tpu.memory_space<vmem>> -> memref<1x8x128xf32, #tpu.memory_space<vmem>>
    %dma_start3A_756 = tpu.memref_squeeze %dma_start3A_755 : memref<1x8x128xf32, #tpu.memory_space<vmem>> -> memref<8x128xf32, #tpu.memory_space<vmem>>
    %dma_start3A_757 = arith.constant 0 : i32
    %dma_start3A_758 = tpu.memref_slice %arg4[%dma_start3A_757, %multiple_of3A_736] : memref<32x1000000xf32, #tpu.memory_space<hbm>> -> memref<8x128xf32, #tpu.memory_space<hbm>>
    tpu.enqueue_dma source(%dma_start3A_758 : memref<8x128xf32, #tpu.memory_space<hbm>>) target(%dma_start3A_756 : memref<8x128xf32, #tpu.memory_space<vmem>>) target_semaphore(%arg12 : memref<!tpu.dma_semaphore, #tpu.memory_space<semaphore_mem>>)
    %dma_start3A_759 = arith.constant 6 : i32
    %dma_start3A_760 = arith.constant 0 : i32
    %dma_start3A_761 = arith.constant 0 : i32
    %dma_start3A_762 = tpu.memref_slice %arg10[%dma_start3A_759, %dma_start3A_760, %dma_start3A_761] : memref<8x32x128xf32, #tpu.memory_space<vmem>> -> memref<1x8x128xf32, #tpu.memory_space<vmem>>
    %dma_start3A_763 = tpu.memref_squeeze %dma_start3A_762 : memref<1x8x128xf32, #tpu.memory_space<vmem>> -> memref<8x128xf32, #tpu.memory_space<vmem>>
    %dma_start3A_764 = arith.constant 0 : i32
    %dma_start3A_765 = tpu.memref_slice %arg5[%dma_start3A_764, %multiple_of3A_745] : memref<32x1000000xf32, #tpu.memory_space<hbm>> -> memref<8x128xf32, #tpu.memory_space<hbm>>
    %dma_start3A_766 = arith.constant 0 : i32
    %dma_start3A_767 = arith.constant 0 : i32
    %dma_start3A_768 = tpu.memref_slice %arg10[%dma_start3A_759, %dma_start3A_766, %dma_start3A_767] : memref<8x32x128xf32, #tpu.memory_space<vmem>> -> memref<1x8x128xf32, #tpu.memory_space<vmem>>
    %dma_start3A_769 = tpu.memref_squeeze %dma_start3A_768 : memref<1x8x128xf32, #tpu.memory_space<vmem>> -> memref<8x128xf32, #tpu.memory_space<vmem>>
    %dma_start3A_770 = arith.constant 0 : i32
    %dma_start3A_771 = tpu.memref_slice %arg5[%dma_start3A_770, %multiple_of3A_745] : memref<32x1000000xf32, #tpu.memory_space<hbm>> -> memref<8x128xf32, #tpu.memory_space<hbm>>
    tpu.enqueue_dma source(%dma_start3A_771 : memref<8x128xf32, #tpu.memory_space<hbm>>) target(%dma_start3A_769 : memref<8x128xf32, #tpu.memory_space<vmem>>) target_semaphore(%arg13 : memref<!tpu.dma_semaphore, #tpu.memory_space<semaphore_mem>>)
    %dma_start3A_772 = arith.constant 6 : i32
    %dma_start3A_773 = arith.constant 8 : i32
    %dma_start3A_774 = arith.constant 0 : i32
    %dma_start3A_775 = tpu.memref_slice %arg9[%dma_start3A_772, %dma_start3A_773, %dma_start3A_774] : memref<8x32x128xf32, #tpu.memory_space<vmem>> -> memref<1x8x128xf32, #tpu.memory_space<vmem>>
    %dma_start3A_776 = tpu.memref_squeeze %dma_start3A_775 : memref<1x8x128xf32, #tpu.memory_space<vmem>> -> memref<8x128xf32, #tpu.memory_space<vmem>>
    %dma_start3A_777 = arith.constant 8 : i32
    %dma_start3A_778 = tpu.memref_slice %arg4[%dma_start3A_777, %multiple_of3A_736] : memref<32x1000000xf32, #tpu.memory_space<hbm>> -> memref<8x128xf32, #tpu.memory_space<hbm>>
    %dma_start3A_779 = arith.constant 8 : i32
    %dma_start3A_780 = arith.constant 0 : i32
    %dma_start3A_781 = tpu.memref_slice %arg9[%dma_start3A_772, %dma_start3A_779, %dma_start3A_780] : memref<8x32x128xf32, #tpu.memory_space<vmem>> -> memref<1x8x128xf32, #tpu.memory_space<vmem>>
    %dma_start3A_782 = tpu.memref_squeeze %dma_start3A_781 : memref<1x8x128xf32, #tpu.memory_space<vmem>> -> memref<8x128xf32, #tpu.memory_space<vmem>>
    %dma_start3A_783 = arith.constant 8 : i32
    %dma_start3A_784 = tpu.memref_slice %arg4[%dma_start3A_783, %multiple_of3A_736] : memref<32x1000000xf32, #tpu.memory_space<hbm>> -> memref<8x128xf32, #tpu.memory_space<hbm>>
    tpu.enqueue_dma source(%dma_start3A_784 : memref<8x128xf32, #tpu.memory_space<hbm>>) target(%dma_start3A_782 : memref<8x128xf32, #tpu.memory_space<vmem>>) target_semaphore(%arg12 : memref<!tpu.dma_semaphore, #tpu.memory_space<semaphore_mem>>)
    %dma_start3A_785 = arith.constant 6 : i32
    %dma_start3A_786 = arith.constant 8 : i32
    %dma_start3A_787 = arith.constant 0 : i32
    %dma_start3A_788 = tpu.memref_slice %arg10[%dma_start3A_785, %dma_start3A_786, %dma_start3A_787] : memref<8x32x128xf32, #tpu.memory_space<vmem>> -> memref<1x8x128xf32, #tpu.memory_space<vmem>>
    %dma_start3A_789 = tpu.memref_squeeze %dma_start3A_788 : memref<1x8x128xf32, #tpu.memory_space<vmem>> -> memref<8x128xf32, #tpu.memory_space<vmem>>
    %dma_start3A_790 = arith.constant 8 : i32
    %dma_start3A_791 = tpu.memref_slice %arg5[%dma_start3A_790, %multiple_of3A_745] : memref<32x1000000xf32, #tpu.memory_space<hbm>> -> memref<8x128xf32, #tpu.memory_space<hbm>>
    %dma_start3A_792 = arith.constant 8 : i32
    %dma_start3A_793 = arith.constant 0 : i32
    %dma_start3A_794 = tpu.memref_slice %arg10[%dma_start3A_785, %dma_start3A_792, %dma_start3A_793] : memref<8x32x128xf32, #tpu.memory_space<vmem>> -> memref<1x8x128xf32, #tpu.memory_space<vmem>>
    %dma_start3A_795 = tpu.memref_squeeze %dma_start3A_794 : memref<1x8x128xf32, #tpu.memory_space<vmem>> -> memref<8x128xf32, #tpu.memory_space<vmem>>
    %dma_start3A_796 = arith.constant 8 : i32
    %dma_start3A_797 = tpu.memref_slice %arg5[%dma_start3A_796, %multiple_of3A_745] : memref<32x1000000xf32, #tpu.memory_space<hbm>> -> memref<8x128xf32, #tpu.memory_space<hbm>>
    tpu.enqueue_dma source(%dma_start3A_797 : memref<8x128xf32, #tpu.memory_space<hbm>>) target(%dma_start3A_795 : memref<8x128xf32, #tpu.memory_space<vmem>>) target_semaphore(%arg13 : memref<!tpu.dma_semaphore, #tpu.memory_space<semaphore_mem>>)
    %dma_start3A_798 = arith.constant 6 : i32
    %dma_start3A_799 = arith.constant 16 : i32
    %dma_start3A_800 = arith.constant 0 : i32
    %dma_start3A_801 = tpu.memref_slice %arg9[%dma_start3A_798, %dma_start3A_799, %dma_start3A_800] : memref<8x32x128xf32, #tpu.memory_space<vmem>> -> memref<1x8x128xf32, #tpu.memory_space<vmem>>
    %dma_start3A_802 = tpu.memref_squeeze %dma_start3A_801 : memref<1x8x128xf32, #tpu.memory_space<vmem>> -> memref<8x128xf32, #tpu.memory_space<vmem>>
    %dma_start3A_803 = arith.constant 16 : i32
    %dma_start3A_804 = tpu.memref_slice %arg4[%dma_start3A_803, %multiple_of3A_736] : memref<32x1000000xf32, #tpu.memory_space<hbm>> -> memref<8x128xf32, #tpu.memory_space<hbm>>
    %dma_start3A_805 = arith.constant 16 : i32
    %dma_start3A_806 = arith.constant 0 : i32
    %dma_start3A_807 = tpu.memref_slice %arg9[%dma_start3A_798, %dma_start3A_805, %dma_start3A_806] : memref<8x32x128xf32, #tpu.memory_space<vmem>> -> memref<1x8x128xf32, #tpu.memory_space<vmem>>
    %dma_start3A_808 = tpu.memref_squeeze %dma_start3A_807 : memref<1x8x128xf32, #tpu.memory_space<vmem>> -> memref<8x128xf32, #tpu.memory_space<vmem>>
    %dma_start3A_809 = arith.constant 16 : i32
    %dma_start3A_810 = tpu.memref_slice %arg4[%dma_start3A_809, %multiple_of3A_736] : memref<32x1000000xf32, #tpu.memory_space<hbm>> -> memref<8x128xf32, #tpu.memory_space<hbm>>
    tpu.enqueue_dma source(%dma_start3A_810 : memref<8x128xf32, #tpu.memory_space<hbm>>) target(%dma_start3A_808 : memref<8x128xf32, #tpu.memory_space<vmem>>) target_semaphore(%arg14 : memref<!tpu.dma_semaphore, #tpu.memory_space<semaphore_mem>>)
    %dma_start3A_811 = arith.constant 6 : i32
    %dma_start3A_812 = arith.constant 16 : i32
    %dma_start3A_813 = arith.constant 0 : i32
    %dma_start3A_814 = tpu.memref_slice %arg10[%dma_start3A_811, %dma_start3A_812, %dma_start3A_813] : memref<8x32x128xf32, #tpu.memory_space<vmem>> -> memref<1x8x128xf32, #tpu.memory_space<vmem>>
    %dma_start3A_815 = tpu.memref_squeeze %dma_start3A_814 : memref<1x8x128xf32, #tpu.memory_space<vmem>> -> memref<8x128xf32, #tpu.memory_space<vmem>>
    %dma_start3A_816 = arith.constant 16 : i32
    %dma_start3A_817 = tpu.memref_slice %arg5[%dma_start3A_816, %multiple_of3A_745] : memref<32x1000000xf32, #tpu.memory_space<hbm>> -> memref<8x128xf32, #tpu.memory_space<hbm>>
    %dma_start3A_818 = arith.constant 16 : i32
    %dma_start3A_819 = arith.constant 0 : i32
    %dma_start3A_820 = tpu.memref_slice %arg10[%dma_start3A_811, %dma_start3A_818, %dma_start3A_819] : memref<8x32x128xf32, #tpu.memory_space<vmem>> -> memref<1x8x128xf32, #tpu.memory_space<vmem>>
    %dma_start3A_821 = tpu.memref_squeeze %dma_start3A_820 : memref<1x8x128xf32, #tpu.memory_space<vmem>> -> memref<8x128xf32, #tpu.memory_space<vmem>>
    %dma_start3A_822 = arith.constant 16 : i32
    %dma_start3A_823 = tpu.memref_slice %arg5[%dma_start3A_822, %multiple_of3A_745] : memref<32x1000000xf32, #tpu.memory_space<hbm>> -> memref<8x128xf32, #tpu.memory_space<hbm>>
    tpu.enqueue_dma source(%dma_start3A_823 : memref<8x128xf32, #tpu.memory_space<hbm>>) target(%dma_start3A_821 : memref<8x128xf32, #tpu.memory_space<vmem>>) target_semaphore(%arg15 : memref<!tpu.dma_semaphore, #tpu.memory_space<semaphore_mem>>)
    %dma_start3A_824 = arith.constant 6 : i32
    %dma_start3A_825 = arith.constant 24 : i32
    %dma_start3A_826 = arith.constant 0 : i32
    %dma_start3A_827 = tpu.memref_slice %arg9[%dma_start3A_824, %dma_start3A_825, %dma_start3A_826] : memref<8x32x128xf32, #tpu.memory_space<vmem>> -> memref<1x8x128xf32, #tpu.memory_space<vmem>>
    %dma_start3A_828 = tpu.memref_squeeze %dma_start3A_827 : memref<1x8x128xf32, #tpu.memory_space<vmem>> -> memref<8x128xf32, #tpu.memory_space<vmem>>
    %dma_start3A_829 = arith.constant 24 : i32
    %dma_start3A_830 = tpu.memref_slice %arg4[%dma_start3A_829, %multiple_of3A_736] : memref<32x1000000xf32, #tpu.memory_space<hbm>> -> memref<8x128xf32, #tpu.memory_space<hbm>>
    %dma_start3A_831 = arith.constant 24 : i32
    %dma_start3A_832 = arith.constant 0 : i32
    %dma_start3A_833 = tpu.memref_slice %arg9[%dma_start3A_824, %dma_start3A_831, %dma_start3A_832] : memref<8x32x128xf32, #tpu.memory_space<vmem>> -> memref<1x8x128xf32, #tpu.memory_space<vmem>>
    %dma_start3A_834 = tpu.memref_squeeze %dma_start3A_833 : memref<1x8x128xf32, #tpu.memory_space<vmem>> -> memref<8x128xf32, #tpu.memory_space<vmem>>
    %dma_start3A_835 = arith.constant 24 : i32
    %dma_start3A_836 = tpu.memref_slice %arg4[%dma_start3A_835, %multiple_of3A_736] : memref<32x1000000xf32, #tpu.memory_space<hbm>> -> memref<8x128xf32, #tpu.memory_space<hbm>>
    tpu.enqueue_dma source(%dma_start3A_836 : memref<8x128xf32, #tpu.memory_space<hbm>>) target(%dma_start3A_834 : memref<8x128xf32, #tpu.memory_space<vmem>>) target_semaphore(%arg14 : memref<!tpu.dma_semaphore, #tpu.memory_space<semaphore_mem>>)
    %dma_start3A_837 = arith.constant 6 : i32
    %dma_start3A_838 = arith.constant 24 : i32
    %dma_start3A_839 = arith.constant 0 : i32
    %dma_start3A_840 = tpu.memref_slice %arg10[%dma_start3A_837, %dma_start3A_838, %dma_start3A_839] : memref<8x32x128xf32, #tpu.memory_space<vmem>> -> memref<1x8x128xf32, #tpu.memory_space<vmem>>
    %dma_start3A_841 = tpu.memref_squeeze %dma_start3A_840 : memref<1x8x128xf32, #tpu.memory_space<vmem>> -> memref<8x128xf32, #tpu.memory_space<vmem>>
    %dma_start3A_842 = arith.constant 24 : i32
    %dma_start3A_843 = tpu.memref_slice %arg5[%dma_start3A_842, %multiple_of3A_745] : memref<32x1000000xf32, #tpu.memory_space<hbm>> -> memref<8x128xf32, #tpu.memory_space<hbm>>
    %dma_start3A_844 = arith.constant 24 : i32
    %dma_start3A_845 = arith.constant 0 : i32
    %dma_start3A_846 = tpu.memref_slice %arg10[%dma_start3A_837, %dma_start3A_844, %dma_start3A_845] : memref<8x32x128xf32, #tpu.memory_space<vmem>> -> memref<1x8x128xf32, #tpu.memory_space<vmem>>
    %dma_start3A_847 = tpu.memref_squeeze %dma_start3A_846 : memref<1x8x128xf32, #tpu.memory_space<vmem>> -> memref<8x128xf32, #tpu.memory_space<vmem>>
    %dma_start3A_848 = arith.constant 24 : i32
    %dma_start3A_849 = tpu.memref_slice %arg5[%dma_start3A_848, %multiple_of3A_745] : memref<32x1000000xf32, #tpu.memory_space<hbm>> -> memref<8x128xf32, #tpu.memory_space<hbm>>
    tpu.enqueue_dma source(%dma_start3A_849 : memref<8x128xf32, #tpu.memory_space<hbm>>) target(%dma_start3A_847 : memref<8x128xf32, #tpu.memory_space<vmem>>) target_semaphore(%arg15 : memref<!tpu.dma_semaphore, #tpu.memory_space<semaphore_mem>>)
    %get3A_850 = arith.constant 7 : index
    %get3A_851 = tpu.vector_load %arg7[%get3A_850] {strides = array<i32>} : memref<528xi32, #tpu.memory_space<vmem>>, vector<16xi32>,
    %slice3A_852 = vector.extract_strided_slice %get3A_851 {offsets = [0], sizes = [1], strides = [1]} : vector<16xi32> to vector<1xi32>
    %squeeze3A_853 = vector.extract %slice3A_852[0] : i32 from vector<1xi32>
    %shift_right_arithmetic3A_854 = arith.constant 7 : i32
    %shift_right_arithmetic3A_855 = arith.shrsi %squeeze3A_853, %shift_right_arithmetic3A_854 : i32
    %shift_left3A_856 = arith.constant 7 : i32
    %shift_left3A_857 = arith.shli %shift_right_arithmetic3A_855, %shift_left3A_856 : i32
    %multiple_of3A_858 = tpu.assume_multiple %shift_left3A_857, 128 : i32
    %get3A_859 = arith.constant 7 : index
    %get3A_860 = tpu.vector_load %arg8[%get3A_859] {strides = array<i32>} : memref<528xi32, #tpu.memory_space<vmem>>, vector<16xi32>,
    %slice3A_861 = vector.extract_strided_slice %get3A_860 {offsets = [0], sizes = [1], strides = [1]} : vector<16xi32> to vector<1xi32>
    %squeeze3A_862 = vector.extract %slice3A_861[0] : i32 from vector<1xi32>
    %shift_right_arithmetic3A_863 = arith.constant 7 : i32
    %shift_right_arithmetic3A_864 = arith.shrsi %squeeze3A_862, %shift_right_arithmetic3A_863 : i32
    %shift_left3A_865 = arith.constant 7 : i32
    %shift_left3A_866 = arith.shli %shift_right_arithmetic3A_864, %shift_left3A_865 : i32
    %multiple_of3A_867 = tpu.assume_multiple %shift_left3A_866, 128 : i32
    %dma_start3A_868 = arith.constant 7 : i32
    %dma_start3A_869 = arith.constant 0 : i32
    %dma_start3A_870 = arith.constant 0 : i32
    %dma_start3A_871 = tpu.memref_slice %arg9[%dma_start3A_868, %dma_start3A_869, %dma_start3A_870] : memref<8x32x128xf32, #tpu.memory_space<vmem>> -> memref<1x8x128xf32, #tpu.memory_space<vmem>>
    %dma_start3A_872 = tpu.memref_squeeze %dma_start3A_871 : memref<1x8x128xf32, #tpu.memory_space<vmem>> -> memref<8x128xf32, #tpu.memory_space<vmem>>
    %dma_start3A_873 = arith.constant 0 : i32
    %dma_start3A_874 = tpu.memref_slice %arg4[%dma_start3A_873, %multiple_of3A_858] : memref<32x1000000xf32, #tpu.memory_space<hbm>> -> memref<8x128xf32, #tpu.memory_space<hbm>>
    %dma_start3A_875 = arith.constant 0 : i32
    %dma_start3A_876 = arith.constant 0 : i32
    %dma_start3A_877 = tpu.memref_slice %arg9[%dma_start3A_868, %dma_start3A_875, %dma_start3A_876] : memref<8x32x128xf32, #tpu.memory_space<vmem>> -> memref<1x8x128xf32, #tpu.memory_space<vmem>>
    %dma_start3A_878 = tpu.memref_squeeze %dma_start3A_877 : memref<1x8x128xf32, #tpu.memory_space<vmem>> -> memref<8x128xf32, #tpu.memory_space<vmem>>
    %dma_start3A_879 = arith.constant 0 : i32
    %dma_start3A_880 = tpu.memref_slice %arg4[%dma_start3A_879, %multiple_of3A_858] : memref<32x1000000xf32, #tpu.memory_space<hbm>> -> memref<8x128xf32, #tpu.memory_space<hbm>>
    tpu.enqueue_dma source(%dma_start3A_880 : memref<8x128xf32, #tpu.memory_space<hbm>>) target(%dma_start3A_878 : memref<8x128xf32, #tpu.memory_space<vmem>>) target_semaphore(%arg12 : memref<!tpu.dma_semaphore, #tpu.memory_space<semaphore_mem>>)
    %dma_start3A_881 = arith.constant 7 : i32
    %dma_start3A_882 = arith.constant 0 : i32
    %dma_start3A_883 = arith.constant 0 : i32
    %dma_start3A_884 = tpu.memref_slice %arg10[%dma_start3A_881, %dma_start3A_882, %dma_start3A_883] : memref<8x32x128xf32, #tpu.memory_space<vmem>> -> memref<1x8x128xf32, #tpu.memory_space<vmem>>
    %dma_start3A_885 = tpu.memref_squeeze %dma_start3A_884 : memref<1x8x128xf32, #tpu.memory_space<vmem>> -> memref<8x128xf32, #tpu.memory_space<vmem>>
    %dma_start3A_886 = arith.constant 0 : i32
    %dma_start3A_887 = tpu.memref_slice %arg5[%dma_start3A_886, %multiple_of3A_867] : memref<32x1000000xf32, #tpu.memory_space<hbm>> -> memref<8x128xf32, #tpu.memory_space<hbm>>
    %dma_start3A_888 = arith.constant 0 : i32
    %dma_start3A_889 = arith.constant 0 : i32
    %dma_start3A_890 = tpu.memref_slice %arg10[%dma_start3A_881, %dma_start3A_888, %dma_start3A_889] : memref<8x32x128xf32, #tpu.memory_space<vmem>> -> memref<1x8x128xf32, #tpu.memory_space<vmem>>
    %dma_start3A_891 = tpu.memref_squeeze %dma_start3A_890 : memref<1x8x128xf32, #tpu.memory_space<vmem>> -> memref<8x128xf32, #tpu.memory_space<vmem>>
    %dma_start3A_892 = arith.constant 0 : i32
    %dma_start3A_893 = tpu.memref_slice %arg5[%dma_start3A_892, %multiple_of3A_867] : memref<32x1000000xf32, #tpu.memory_space<hbm>> -> memref<8x128xf32, #tpu.memory_space<hbm>>
    tpu.enqueue_dma source(%dma_start3A_893 : memref<8x128xf32, #tpu.memory_space<hbm>>) target(%dma_start3A_891 : memref<8x128xf32, #tpu.memory_space<vmem>>) target_semaphore(%arg13 : memref<!tpu.dma_semaphore, #tpu.memory_space<semaphore_mem>>)
    %dma_start3A_894 = arith.constant 7 : i32
    %dma_start3A_895 = arith.constant 8 : i32
    %dma_start3A_896 = arith.constant 0 : i32
    %dma_start3A_897 = tpu.memref_slice %arg9[%dma_start3A_894, %dma_start3A_895, %dma_start3A_896] : memref<8x32x128xf32, #tpu.memory_space<vmem>> -> memref<1x8x128xf32, #tpu.memory_space<vmem>>
    %dma_start3A_898 = tpu.memref_squeeze %dma_start3A_897 : memref<1x8x128xf32, #tpu.memory_space<vmem>> -> memref<8x128xf32, #tpu.memory_space<vmem>>
    %dma_start3A_899 = arith.constant 8 : i32
    %dma_start3A_900 = tpu.memref_slice %arg4[%dma_start3A_899, %multiple_of3A_858] : memref<32x1000000xf32, #tpu.memory_space<hbm>> -> memref<8x128xf32, #tpu.memory_space<hbm>>
    %dma_start3A_901 = arith.constant 8 : i32
    %dma_start3A_902 = arith.constant 0 : i32
    %dma_start3A_903 = tpu.memref_slice %arg9[%dma_start3A_894, %dma_start3A_901, %dma_start3A_902] : memref<8x32x128xf32, #tpu.memory_space<vmem>> -> memref<1x8x128xf32, #tpu.memory_space<vmem>>
    %dma_start3A_904 = tpu.memref_squeeze %dma_start3A_903 : memref<1x8x128xf32, #tpu.memory_space<vmem>> -> memref<8x128xf32, #tpu.memory_space<vmem>>
    %dma_start3A_905 = arith.constant 8 : i32
    %dma_start3A_906 = tpu.memref_slice %arg4[%dma_start3A_905, %multiple_of3A_858] : memref<32x1000000xf32, #tpu.memory_space<hbm>> -> memref<8x128xf32, #tpu.memory_space<hbm>>
    tpu.enqueue_dma source(%dma_start3A_906 : memref<8x128xf32, #tpu.memory_space<hbm>>) target(%dma_start3A_904 : memref<8x128xf32, #tpu.memory_space<vmem>>) target_semaphore(%arg12 : memref<!tpu.dma_semaphore, #tpu.memory_space<semaphore_mem>>)
    %dma_start3A_907 = arith.constant 7 : i32
    %dma_start3A_908 = arith.constant 8 : i32
    %dma_start3A_909 = arith.constant 0 : i32
    %dma_start3A_910 = tpu.memref_slice %arg10[%dma_start3A_907, %dma_start3A_908, %dma_start3A_909] : memref<8x32x128xf32, #tpu.memory_space<vmem>> -> memref<1x8x128xf32, #tpu.memory_space<vmem>>
    %dma_start3A_911 = tpu.memref_squeeze %dma_start3A_910 : memref<1x8x128xf32, #tpu.memory_space<vmem>> -> memref<8x128xf32, #tpu.memory_space<vmem>>
    %dma_start3A_912 = arith.constant 8 : i32
    %dma_start3A_913 = tpu.memref_slice %arg5[%dma_start3A_912, %multiple_of3A_867] : memref<32x1000000xf32, #tpu.memory_space<hbm>> -> memref<8x128xf32, #tpu.memory_space<hbm>>
    %dma_start3A_914 = arith.constant 8 : i32
    %dma_start3A_915 = arith.constant 0 : i32
    %dma_start3A_916 = tpu.memref_slice %arg10[%dma_start3A_907, %dma_start3A_914, %dma_start3A_915] : memref<8x32x128xf32, #tpu.memory_space<vmem>> -> memref<1x8x128xf32, #tpu.memory_space<vmem>>
    %dma_start3A_917 = tpu.memref_squeeze %dma_start3A_916 : memref<1x8x128xf32, #tpu.memory_space<vmem>> -> memref<8x128xf32, #tpu.memory_space<vmem>>
    %dma_start3A_918 = arith.constant 8 : i32
    %dma_start3A_919 = tpu.memref_slice %arg5[%dma_start3A_918, %multiple_of3A_867] : memref<32x1000000xf32, #tpu.memory_space<hbm>> -> memref<8x128xf32, #tpu.memory_space<hbm>>
    tpu.enqueue_dma source(%dma_start3A_919 : memref<8x128xf32, #tpu.memory_space<hbm>>) target(%dma_start3A_917 : memref<8x128xf32, #tpu.memory_space<vmem>>) target_semaphore(%arg13 : memref<!tpu.dma_semaphore, #tpu.memory_space<semaphore_mem>>)
    %dma_start3A_920 = arith.constant 7 : i32
    %dma_start3A_921 = arith.constant 16 : i32
    %dma_start3A_922 = arith.constant 0 : i32
    %dma_start3A_923 = tpu.memref_slice %arg9[%dma_start3A_920, %dma_start3A_921, %dma_start3A_922] : memref<8x32x128xf32, #tpu.memory_space<vmem>> -> memref<1x8x128xf32, #tpu.memory_space<vmem>>
    %dma_start3A_924 = tpu.memref_squeeze %dma_start3A_923 : memref<1x8x128xf32, #tpu.memory_space<vmem>> -> memref<8x128xf32, #tpu.memory_space<vmem>>
    %dma_start3A_925 = arith.constant 16 : i32
    %dma_start3A_926 = tpu.memref_slice %arg4[%dma_start3A_925, %multiple_of3A_858] : memref<32x1000000xf32, #tpu.memory_space<hbm>> -> memref<8x128xf32, #tpu.memory_space<hbm>>
    %dma_start3A_927 = arith.constant 16 : i32
    %dma_start3A_928 = arith.constant 0 : i32
    %dma_start3A_929 = tpu.memref_slice %arg9[%dma_start3A_920, %dma_start3A_927, %dma_start3A_928] : memref<8x32x128xf32, #tpu.memory_space<vmem>> -> memref<1x8x128xf32, #tpu.memory_space<vmem>>
    %dma_start3A_930 = tpu.memref_squeeze %dma_start3A_929 : memref<1x8x128xf32, #tpu.memory_space<vmem>> -> memref<8x128xf32, #tpu.memory_space<vmem>>
    %dma_start3A_931 = arith.constant 16 : i32
    %dma_start3A_932 = tpu.memref_slice %arg4[%dma_start3A_931, %multiple_of3A_858] : memref<32x1000000xf32, #tpu.memory_space<hbm>> -> memref<8x128xf32, #tpu.memory_space<hbm>>
    tpu.enqueue_dma source(%dma_start3A_932 : memref<8x128xf32, #tpu.memory_space<hbm>>) target(%dma_start3A_930 : memref<8x128xf32, #tpu.memory_space<vmem>>) target_semaphore(%arg14 : memref<!tpu.dma_semaphore, #tpu.memory_space<semaphore_mem>>)
    %dma_start3A_933 = arith.constant 7 : i32
    %dma_start3A_934 = arith.constant 16 : i32
    %dma_start3A_935 = arith.constant 0 : i32
    %dma_start3A_936 = tpu.memref_slice %arg10[%dma_start3A_933, %dma_start3A_934, %dma_start3A_935] : memref<8x32x128xf32, #tpu.memory_space<vmem>> -> memref<1x8x128xf32, #tpu.memory_space<vmem>>
    %dma_start3A_937 = tpu.memref_squeeze %dma_start3A_936 : memref<1x8x128xf32, #tpu.memory_space<vmem>> -> memref<8x128xf32, #tpu.memory_space<vmem>>
    %dma_start3A_938 = arith.constant 16 : i32
    %dma_start3A_939 = tpu.memref_slice %arg5[%dma_start3A_938, %multiple_of3A_867] : memref<32x1000000xf32, #tpu.memory_space<hbm>> -> memref<8x128xf32, #tpu.memory_space<hbm>>
    %dma_start3A_940 = arith.constant 16 : i32
    %dma_start3A_941 = arith.constant 0 : i32
    %dma_start3A_942 = tpu.memref_slice %arg10[%dma_start3A_933, %dma_start3A_940, %dma_start3A_941] : memref<8x32x128xf32, #tpu.memory_space<vmem>> -> memref<1x8x128xf32, #tpu.memory_space<vmem>>
    %dma_start3A_943 = tpu.memref_squeeze %dma_start3A_942 : memref<1x8x128xf32, #tpu.memory_space<vmem>> -> memref<8x128xf32, #tpu.memory_space<vmem>>
    %dma_start3A_944 = arith.constant 16 : i32
    %dma_start3A_945 = tpu.memref_slice %arg5[%dma_start3A_944, %multiple_of3A_867] : memref<32x1000000xf32, #tpu.memory_space<hbm>> -> memref<8x128xf32, #tpu.memory_space<hbm>>
    tpu.enqueue_dma source(%dma_start3A_945 : memref<8x128xf32, #tpu.memory_space<hbm>>) target(%dma_start3A_943 : memref<8x128xf32, #tpu.memory_space<vmem>>) target_semaphore(%arg15 : memref<!tpu.dma_semaphore, #tpu.memory_space<semaphore_mem>>)
    %dma_start3A_946 = arith.constant 7 : i32
    %dma_start3A_947 = arith.constant 24 : i32
    %dma_start3A_948 = arith.constant 0 : i32
    %dma_start3A_949 = tpu.memref_slice %arg9[%dma_start3A_946, %dma_start3A_947, %dma_start3A_948] : memref<8x32x128xf32, #tpu.memory_space<vmem>> -> memref<1x8x128xf32, #tpu.memory_space<vmem>>
    %dma_start3A_950 = tpu.memref_squeeze %dma_start3A_949 : memref<1x8x128xf32, #tpu.memory_space<vmem>> -> memref<8x128xf32, #tpu.memory_space<vmem>>
    %dma_start3A_951 = arith.constant 24 : i32
    %dma_start3A_952 = tpu.memref_slice %arg4[%dma_start3A_951, %multiple_of3A_858] : memref<32x1000000xf32, #tpu.memory_space<hbm>> -> memref<8x128xf32, #tpu.memory_space<hbm>>
    %dma_start3A_953 = arith.constant 24 : i32
    %dma_start3A_954 = arith.constant 0 : i32
    %dma_start3A_955 = tpu.memref_slice %arg9[%dma_start3A_946, %dma_start3A_953, %dma_start3A_954] : memref<8x32x128xf32, #tpu.memory_space<vmem>> -> memref<1x8x128xf32, #tpu.memory_space<vmem>>
    %dma_start3A_956 = tpu.memref_squeeze %dma_start3A_955 : memref<1x8x128xf32, #tpu.memory_space<vmem>> -> memref<8x128xf32, #tpu.memory_space<vmem>>
    %dma_start3A_957 = arith.constant 24 : i32
    %dma_start3A_958 = tpu.memref_slice %arg4[%dma_start3A_957, %multiple_of3A_858] : memref<32x1000000xf32, #tpu.memory_space<hbm>> -> memref<8x128xf32, #tpu.memory_space<hbm>>
    tpu.enqueue_dma source(%dma_start3A_958 : memref<8x128xf32, #tpu.memory_space<hbm>>) target(%dma_start3A_956 : memref<8x128xf32, #tpu.memory_space<vmem>>) target_semaphore(%arg14 : memref<!tpu.dma_semaphore, #tpu.memory_space<semaphore_mem>>)
    %dma_start3A_959 = arith.constant 7 : i32
    %dma_start3A_960 = arith.constant 24 : i32
    %dma_start3A_961 = arith.constant 0 : i32
    %dma_start3A_962 = tpu.memref_slice %arg10[%dma_start3A_959, %dma_start3A_960, %dma_start3A_961] : memref<8x32x128xf32, #tpu.memory_space<vmem>> -> memref<1x8x128xf32, #tpu.memory_space<vmem>>
    %dma_start3A_963 = tpu.memref_squeeze %dma_start3A_962 : memref<1x8x128xf32, #tpu.memory_space<vmem>> -> memref<8x128xf32, #tpu.memory_space<vmem>>
    %dma_start3A_964 = arith.constant 24 : i32
    %dma_start3A_965 = tpu.memref_slice %arg5[%dma_start3A_964, %multiple_of3A_867] : memref<32x1000000xf32, #tpu.memory_space<hbm>> -> memref<8x128xf32, #tpu.memory_space<hbm>>
    %dma_start3A_966 = arith.constant 24 : i32
    %dma_start3A_967 = arith.constant 0 : i32
    %dma_start3A_968 = tpu.memref_slice %arg10[%dma_start3A_959, %dma_start3A_966, %dma_start3A_967] : memref<8x32x128xf32, #tpu.memory_space<vmem>> -> memref<1x8x128xf32, #tpu.memory_space<vmem>>
    %dma_start3A_969 = tpu.memref_squeeze %dma_start3A_968 : memref<1x8x128xf32, #tpu.memory_space<vmem>> -> memref<8x128xf32, #tpu.memory_space<vmem>>
    %dma_start3A_970 = arith.constant 24 : i32
    %dma_start3A_971 = tpu.memref_slice %arg5[%dma_start3A_970, %multiple_of3A_867] : memref<32x1000000xf32, #tpu.memory_space<hbm>> -> memref<8x128xf32, #tpu.memory_space<hbm>>
    tpu.enqueue_dma source(%dma_start3A_971 : memref<8x128xf32, #tpu.memory_space<hbm>>) target(%dma_start3A_969 : memref<8x128xf32, #tpu.memory_space<vmem>>) target_semaphore(%arg15 : memref<!tpu.dma_semaphore, #tpu.memory_space<semaphore_mem>>)
    %broadcast_in_dim3A = arith.constant 0.000000e+00 : f32
    %broadcast_in_dim3A_972 = vector.broadcast %broadcast_in_dim3A : f32 to vector<16xf32>
    %scan3A = arith.constant 0 : i32
    %scan3A_973 = arith.constant 64 : i32
    %scan3A_974 = arith.addi %scan3A, %scan3A_973 : i32
    %scan3A_975 = arith.constant 1 : i32
    %scan3A_976 = scf.for %scan3A_978 = %scan3A to %scan3A_974 step %scan3A_975 iter_args(%scan3A_979 = %broadcast_in_dim3A_972) -> (vector<16xf32>)  : i32 {
      %mul3A_980 = arith.constant 8 : i32
      %mul3A_981 = arith.muli %scan3A_978, %mul3A_980 : i32
      %add3A_982 = arith.constant 0 : i32
      %add3A_983 = arith.addi %mul3A_981, %add3A_982 : i32
      %dma_wait3A = arith.constant 0 : i32
      %dma_wait3A_984 = arith.constant 0 : i32
      %dma_wait3A_985 = arith.constant 0 : i32
      %dma_wait3A_986 = tpu.memref_slice %arg9[%dma_wait3A, %dma_wait3A_984, %dma_wait3A_985] : memref<8x32x128xf32, #tpu.memory_space<vmem>> -> memref<1x8x128xf32, #tpu.memory_space<vmem>>
      %dma_wait3A_987 = tpu.memref_squeeze %dma_wait3A_986 : memref<1x8x128xf32, #tpu.memory_space<vmem>> -> memref<8x128xf32, #tpu.memory_space<vmem>>
      %dma_wait3A_988 = arith.constant 0 : i32
      %dma_wait3A_989 = arith.constant 0 : i32
      %dma_wait3A_990 = tpu.memref_slice %arg4[%dma_wait3A_988, %dma_wait3A_989] : memref<32x1000000xf32, #tpu.memory_space<hbm>> -> memref<8x128xf32, #tpu.memory_space<hbm>>
      %dma_wait3A_991 = arith.constant 0 : i32
      %dma_wait3A_992 = arith.constant 0 : i32
      %dma_wait3A_993 = tpu.memref_slice %arg9[%dma_wait3A, %dma_wait3A_991, %dma_wait3A_992] : memref<8x32x128xf32, #tpu.memory_space<vmem>> -> memref<1x8x128xf32, #tpu.memory_space<vmem>>
      %dma_wait3A_994 = tpu.memref_squeeze %dma_wait3A_993 : memref<1x8x128xf32, #tpu.memory_space<vmem>> -> memref<8x128xf32, #tpu.memory_space<vmem>>
      %dma_wait3A_995 = arith.constant 0 : i32
      %dma_wait3A_996 = arith.constant 0 : i32
      %dma_wait3A_997 = tpu.memref_slice %arg4[%dma_wait3A_995, %dma_wait3A_996] : memref<32x1000000xf32, #tpu.memory_space<hbm>> -> memref<8x128xf32, #tpu.memory_space<hbm>>
      tpu.wait_dma2 semaphore(%arg12 : memref<!tpu.dma_semaphore, #tpu.memory_space<semaphore_mem>>) src(%dma_wait3A_997 : memref<8x128xf32, #tpu.memory_space<hbm>>) dst(%dma_wait3A_994 : memref<8x128xf32, #tpu.memory_space<vmem>>)
      %dma_wait3A_998 = arith.constant 0 : i32
      %dma_wait3A_999 = arith.constant 0 : i32
      %dma_wait3A_1000 = arith.constant 0 : i32
      %dma_wait3A_1001 = tpu.memref_slice %arg10[%dma_wait3A_998, %dma_wait3A_999, %dma_wait3A_1000] : memref<8x32x128xf32, #tpu.memory_space<vmem>> -> memref<1x8x128xf32, #tpu.memory_space<vmem>>
      %dma_wait3A_1002 = tpu.memref_squeeze %dma_wait3A_1001 : memref<1x8x128xf32, #tpu.memory_space<vmem>> -> memref<8x128xf32, #tpu.memory_space<vmem>>
      %dma_wait3A_1003 = arith.constant 0 : i32
      %dma_wait3A_1004 = arith.constant 0 : i32
      %dma_wait3A_1005 = tpu.memref_slice %arg5[%dma_wait3A_1003, %dma_wait3A_1004] : memref<32x1000000xf32, #tpu.memory_space<hbm>> -> memref<8x128xf32, #tpu.memory_space<hbm>>
      %dma_wait3A_1006 = arith.constant 0 : i32
      %dma_wait3A_1007 = arith.constant 0 : i32
      %dma_wait3A_1008 = tpu.memref_slice %arg10[%dma_wait3A_998, %dma_wait3A_1006, %dma_wait3A_1007] : memref<8x32x128xf32, #tpu.memory_space<vmem>> -> memref<1x8x128xf32, #tpu.memory_space<vmem>>
      %dma_wait3A_1009 = tpu.memref_squeeze %dma_wait3A_1008 : memref<1x8x128xf32, #tpu.memory_space<vmem>> -> memref<8x128xf32, #tpu.memory_space<vmem>>
      %dma_wait3A_1010 = arith.constant 0 : i32
      %dma_wait3A_1011 = arith.constant 0 : i32
      %dma_wait3A_1012 = tpu.memref_slice %arg5[%dma_wait3A_1010, %dma_wait3A_1011] : memref<32x1000000xf32, #tpu.memory_space<hbm>> -> memref<8x128xf32, #tpu.memory_space<hbm>>
      tpu.wait_dma2 semaphore(%arg13 : memref<!tpu.dma_semaphore, #tpu.memory_space<semaphore_mem>>) src(%dma_wait3A_1012 : memref<8x128xf32, #tpu.memory_space<hbm>>) dst(%dma_wait3A_1009 : memref<8x128xf32, #tpu.memory_space<vmem>>)
      %dma_wait3A_1013 = arith.constant 0 : i32
      %dma_wait3A_1014 = arith.constant 8 : i32
      %dma_wait3A_1015 = arith.constant 0 : i32
      %dma_wait3A_1016 = tpu.memref_slice %arg9[%dma_wait3A_1013, %dma_wait3A_1014, %dma_wait3A_1015] : memref<8x32x128xf32, #tpu.memory_space<vmem>> -> memref<1x8x128xf32, #tpu.memory_space<vmem>>
      %dma_wait3A_1017 = tpu.memref_squeeze %dma_wait3A_1016 : memref<1x8x128xf32, #tpu.memory_space<vmem>> -> memref<8x128xf32, #tpu.memory_space<vmem>>
      %dma_wait3A_1018 = arith.constant 8 : i32
      %dma_wait3A_1019 = arith.constant 0 : i32
      %dma_wait3A_1020 = tpu.memref_slice %arg4[%dma_wait3A_1018, %dma_wait3A_1019] : memref<32x1000000xf32, #tpu.memory_space<hbm>> -> memref<8x128xf32, #tpu.memory_space<hbm>>
      %dma_wait3A_1021 = arith.constant 8 : i32
      %dma_wait3A_1022 = arith.constant 0 : i32
      %dma_wait3A_1023 = tpu.memref_slice %arg9[%dma_wait3A_1013, %dma_wait3A_1021, %dma_wait3A_1022] : memref<8x32x128xf32, #tpu.memory_space<vmem>> -> memref<1x8x128xf32, #tpu.memory_space<vmem>>
      %dma_wait3A_1024 = tpu.memref_squeeze %dma_wait3A_1023 : memref<1x8x128xf32, #tpu.memory_space<vmem>> -> memref<8x128xf32, #tpu.memory_space<vmem>>
      %dma_wait3A_1025 = arith.constant 8 : i32
      %dma_wait3A_1026 = arith.constant 0 : i32
      %dma_wait3A_1027 = tpu.memref_slice %arg4[%dma_wait3A_1025, %dma_wait3A_1026] : memref<32x1000000xf32, #tpu.memory_space<hbm>> -> memref<8x128xf32, #tpu.memory_space<hbm>>
      tpu.wait_dma2 semaphore(%arg12 : memref<!tpu.dma_semaphore, #tpu.memory_space<semaphore_mem>>) src(%dma_wait3A_1027 : memref<8x128xf32, #tpu.memory_space<hbm>>) dst(%dma_wait3A_1024 : memref<8x128xf32, #tpu.memory_space<vmem>>)
      %dma_wait3A_1028 = arith.constant 0 : i32
      %dma_wait3A_1029 = arith.constant 8 : i32
      %dma_wait3A_1030 = arith.constant 0 : i32
      %dma_wait3A_1031 = tpu.memref_slice %arg10[%dma_wait3A_1028, %dma_wait3A_1029, %dma_wait3A_1030] : memref<8x32x128xf32, #tpu.memory_space<vmem>> -> memref<1x8x128xf32, #tpu.memory_space<vmem>>
      %dma_wait3A_1032 = tpu.memref_squeeze %dma_wait3A_1031 : memref<1x8x128xf32, #tpu.memory_space<vmem>> -> memref<8x128xf32, #tpu.memory_space<vmem>>
      %dma_wait3A_1033 = arith.constant 8 : i32
      %dma_wait3A_1034 = arith.constant 0 : i32
      %dma_wait3A_1035 = tpu.memref_slice %arg5[%dma_wait3A_1033, %dma_wait3A_1034] : memref<32x1000000xf32, #tpu.memory_space<hbm>> -> memref<8x128xf32, #tpu.memory_space<hbm>>
      %dma_wait3A_1036 = arith.constant 8 : i32
      %dma_wait3A_1037 = arith.constant 0 : i32
      %dma_wait3A_1038 = tpu.memref_slice %arg10[%dma_wait3A_1028, %dma_wait3A_1036, %dma_wait3A_1037] : memref<8x32x128xf32, #tpu.memory_space<vmem>> -> memref<1x8x128xf32, #tpu.memory_space<vmem>>
      %dma_wait3A_1039 = tpu.memref_squeeze %dma_wait3A_1038 : memref<1x8x128xf32, #tpu.memory_space<vmem>> -> memref<8x128xf32, #tpu.memory_space<vmem>>
      %dma_wait3A_1040 = arith.constant 8 : i32
      %dma_wait3A_1041 = arith.constant 0 : i32
      %dma_wait3A_1042 = tpu.memref_slice %arg5[%dma_wait3A_1040, %dma_wait3A_1041] : memref<32x1000000xf32, #tpu.memory_space<hbm>> -> memref<8x128xf32, #tpu.memory_space<hbm>>
      tpu.wait_dma2 semaphore(%arg13 : memref<!tpu.dma_semaphore, #tpu.memory_space<semaphore_mem>>) src(%dma_wait3A_1042 : memref<8x128xf32, #tpu.memory_space<hbm>>) dst(%dma_wait3A_1039 : memref<8x128xf32, #tpu.memory_space<vmem>>)
      %dma_wait3A_1043 = arith.constant 0 : i32
      %dma_wait3A_1044 = arith.constant 16 : i32
      %dma_wait3A_1045 = arith.constant 0 : i32
      %dma_wait3A_1046 = tpu.memref_slice %arg9[%dma_wait3A_1043, %dma_wait3A_1044, %dma_wait3A_1045] : memref<8x32x128xf32, #tpu.memory_space<vmem>> -> memref<1x8x128xf32, #tpu.memory_space<vmem>>
      %dma_wait3A_1047 = tpu.memref_squeeze %dma_wait3A_1046 : memref<1x8x128xf32, #tpu.memory_space<vmem>> -> memref<8x128xf32, #tpu.memory_space<vmem>>
      %dma_wait3A_1048 = arith.constant 16 : i32
      %dma_wait3A_1049 = arith.constant 0 : i32
      %dma_wait3A_1050 = tpu.memref_slice %arg4[%dma_wait3A_1048, %dma_wait3A_1049] : memref<32x1000000xf32, #tpu.memory_space<hbm>> -> memref<8x128xf32, #tpu.memory_space<hbm>>
      %dma_wait3A_1051 = arith.constant 16 : i32
      %dma_wait3A_1052 = arith.constant 0 : i32
      %dma_wait3A_1053 = tpu.memref_slice %arg9[%dma_wait3A_1043, %dma_wait3A_1051, %dma_wait3A_1052] : memref<8x32x128xf32, #tpu.memory_space<vmem>> -> memref<1x8x128xf32, #tpu.memory_space<vmem>>
      %dma_wait3A_1054 = tpu.memref_squeeze %dma_wait3A_1053 : memref<1x8x128xf32, #tpu.memory_space<vmem>> -> memref<8x128xf32, #tpu.memory_space<vmem>>
      %dma_wait3A_1055 = arith.constant 16 : i32
      %dma_wait3A_1056 = arith.constant 0 : i32
      %dma_wait3A_1057 = tpu.memref_slice %arg4[%dma_wait3A_1055, %dma_wait3A_1056] : memref<32x1000000xf32, #tpu.memory_space<hbm>> -> memref<8x128xf32, #tpu.memory_space<hbm>>
      tpu.wait_dma2 semaphore(%arg14 : memref<!tpu.dma_semaphore, #tpu.memory_space<semaphore_mem>>) src(%dma_wait3A_1057 : memref<8x128xf32, #tpu.memory_space<hbm>>) dst(%dma_wait3A_1054 : memref<8x128xf32, #tpu.memory_space<vmem>>)
      %dma_wait3A_1058 = arith.constant 0 : i32
      %dma_wait3A_1059 = arith.constant 16 : i32
      %dma_wait3A_1060 = arith.constant 0 : i32
      %dma_wait3A_1061 = tpu.memref_slice %arg10[%dma_wait3A_1058, %dma_wait3A_1059, %dma_wait3A_1060] : memref<8x32x128xf32, #tpu.memory_space<vmem>> -> memref<1x8x128xf32, #tpu.memory_space<vmem>>
      %dma_wait3A_1062 = tpu.memref_squeeze %dma_wait3A_1061 : memref<1x8x128xf32, #tpu.memory_space<vmem>> -> memref<8x128xf32, #tpu.memory_space<vmem>>
      %dma_wait3A_1063 = arith.constant 16 : i32
      %dma_wait3A_1064 = arith.constant 0 : i32
      %dma_wait3A_1065 = tpu.memref_slice %arg5[%dma_wait3A_1063, %dma_wait3A_1064] : memref<32x1000000xf32, #tpu.memory_space<hbm>> -> memref<8x128xf32, #tpu.memory_space<hbm>>
      %dma_wait3A_1066 = arith.constant 16 : i32
      %dma_wait3A_1067 = arith.constant 0 : i32
      %dma_wait3A_1068 = tpu.memref_slice %arg10[%dma_wait3A_1058, %dma_wait3A_1066, %dma_wait3A_1067] : memref<8x32x128xf32, #tpu.memory_space<vmem>> -> memref<1x8x128xf32, #tpu.memory_space<vmem>>
      %dma_wait3A_1069 = tpu.memref_squeeze %dma_wait3A_1068 : memref<1x8x128xf32, #tpu.memory_space<vmem>> -> memref<8x128xf32, #tpu.memory_space<vmem>>
      %dma_wait3A_1070 = arith.constant 16 : i32
      %dma_wait3A_1071 = arith.constant 0 : i32
      %dma_wait3A_1072 = tpu.memref_slice %arg5[%dma_wait3A_1070, %dma_wait3A_1071] : memref<32x1000000xf32, #tpu.memory_space<hbm>> -> memref<8x128xf32, #tpu.memory_space<hbm>>
      tpu.wait_dma2 semaphore(%arg15 : memref<!tpu.dma_semaphore, #tpu.memory_space<semaphore_mem>>) src(%dma_wait3A_1072 : memref<8x128xf32, #tpu.memory_space<hbm>>) dst(%dma_wait3A_1069 : memref<8x128xf32, #tpu.memory_space<vmem>>)
      %dma_wait3A_1073 = arith.constant 0 : i32
      %dma_wait3A_1074 = arith.constant 24 : i32
      %dma_wait3A_1075 = arith.constant 0 : i32
      %dma_wait3A_1076 = tpu.memref_slice %arg9[%dma_wait3A_1073, %dma_wait3A_1074, %dma_wait3A_1075] : memref<8x32x128xf32, #tpu.memory_space<vmem>> -> memref<1x8x128xf32, #tpu.memory_space<vmem>>
      %dma_wait3A_1077 = tpu.memref_squeeze %dma_wait3A_1076 : memref<1x8x128xf32, #tpu.memory_space<vmem>> -> memref<8x128xf32, #tpu.memory_space<vmem>>
      %dma_wait3A_1078 = arith.constant 24 : i32
      %dma_wait3A_1079 = arith.constant 0 : i32
      %dma_wait3A_1080 = tpu.memref_slice %arg4[%dma_wait3A_1078, %dma_wait3A_1079] : memref<32x1000000xf32, #tpu.memory_space<hbm>> -> memref<8x128xf32, #tpu.memory_space<hbm>>
      %dma_wait3A_1081 = arith.constant 24 : i32
      %dma_wait3A_1082 = arith.constant 0 : i32
      %dma_wait3A_1083 = tpu.memref_slice %arg9[%dma_wait3A_1073, %dma_wait3A_1081, %dma_wait3A_1082] : memref<8x32x128xf32, #tpu.memory_space<vmem>> -> memref<1x8x128xf32, #tpu.memory_space<vmem>>
      %dma_wait3A_1084 = tpu.memref_squeeze %dma_wait3A_1083 : memref<1x8x128xf32, #tpu.memory_space<vmem>> -> memref<8x128xf32, #tpu.memory_space<vmem>>
      %dma_wait3A_1085 = arith.constant 24 : i32
      %dma_wait3A_1086 = arith.constant 0 : i32
      %dma_wait3A_1087 = tpu.memref_slice %arg4[%dma_wait3A_1085, %dma_wait3A_1086] : memref<32x1000000xf32, #tpu.memory_space<hbm>> -> memref<8x128xf32, #tpu.memory_space<hbm>>
      tpu.wait_dma2 semaphore(%arg14 : memref<!tpu.dma_semaphore, #tpu.memory_space<semaphore_mem>>) src(%dma_wait3A_1087 : memref<8x128xf32, #tpu.memory_space<hbm>>) dst(%dma_wait3A_1084 : memref<8x128xf32, #tpu.memory_space<vmem>>)
      %dma_wait3A_1088 = arith.constant 0 : i32
      %dma_wait3A_1089 = arith.constant 24 : i32
      %dma_wait3A_1090 = arith.constant 0 : i32
      %dma_wait3A_1091 = tpu.memref_slice %arg10[%dma_wait3A_1088, %dma_wait3A_1089, %dma_wait3A_1090] : memref<8x32x128xf32, #tpu.memory_space<vmem>> -> memref<1x8x128xf32, #tpu.memory_space<vmem>>
      %dma_wait3A_1092 = tpu.memref_squeeze %dma_wait3A_1091 : memref<1x8x128xf32, #tpu.memory_space<vmem>> -> memref<8x128xf32, #tpu.memory_space<vmem>>
      %dma_wait3A_1093 = arith.constant 24 : i32
      %dma_wait3A_1094 = arith.constant 0 : i32
      %dma_wait3A_1095 = tpu.memref_slice %arg5[%dma_wait3A_1093, %dma_wait3A_1094] : memref<32x1000000xf32, #tpu.memory_space<hbm>> -> memref<8x128xf32, #tpu.memory_space<hbm>>
      %dma_wait3A_1096 = arith.constant 24 : i32
      %dma_wait3A_1097 = arith.constant 0 : i32
      %dma_wait3A_1098 = tpu.memref_slice %arg10[%dma_wait3A_1088, %dma_wait3A_1096, %dma_wait3A_1097] : memref<8x32x128xf32, #tpu.memory_space<vmem>> -> memref<1x8x128xf32, #tpu.memory_space<vmem>>
      %dma_wait3A_1099 = tpu.memref_squeeze %dma_wait3A_1098 : memref<1x8x128xf32, #tpu.memory_space<vmem>> -> memref<8x128xf32, #tpu.memory_space<vmem>>
      %dma_wait3A_1100 = arith.constant 24 : i32
      %dma_wait3A_1101 = arith.constant 0 : i32
      %dma_wait3A_1102 = tpu.memref_slice %arg5[%dma_wait3A_1100, %dma_wait3A_1101] : memref<32x1000000xf32, #tpu.memory_space<hbm>> -> memref<8x128xf32, #tpu.memory_space<hbm>>
      tpu.wait_dma2 semaphore(%arg15 : memref<!tpu.dma_semaphore, #tpu.memory_space<semaphore_mem>>) src(%dma_wait3A_1102 : memref<8x128xf32, #tpu.memory_space<hbm>>) dst(%dma_wait3A_1099 : memref<8x128xf32, #tpu.memory_space<vmem>>)
      %get3A_1103 = arith.index_cast %add3A_983 : i32 to index
      %get3A_1104 = tpu.vector_load %arg7[%get3A_1103] {strides = array<i32>} : memref<528xi32, #tpu.memory_space<vmem>>, vector<16xi32>,
      %slice3A_1105 = vector.extract_strided_slice %get3A_1104 {offsets = [0], sizes = [1], strides = [1]} : vector<16xi32> to vector<1xi32>
      %squeeze3A_1106 = vector.extract %slice3A_1105[0] : i32 from vector<1xi32>
      %get3A_1107 = arith.index_cast %add3A_983 : i32 to index
      %get3A_1108 = tpu.vector_load %arg8[%get3A_1107] {strides = array<i32>} : memref<528xi32, #tpu.memory_space<vmem>>, vector<16xi32>,
      %slice3A_1109 = vector.extract_strided_slice %get3A_1108 {offsets = [0], sizes = [1], strides = [1]} : vector<16xi32> to vector<1xi32>
      %squeeze3A_1110 = vector.extract %slice3A_1109[0] : i32 from vector<1xi32>
      %and3A = arith.constant 127 : i32
      %and3A_1111 = arith.andi %squeeze3A_1106, %and3A : i32
      %broadcast_in_dim3A_1112 = vector.broadcast %and3A_1111 : i32 to vector<16xi32>
      %and3A_1113 = arith.constant 127 : i32
      %and3A_1114 = arith.andi %squeeze3A_1110, %and3A_1113 : i32
      %broadcast_in_dim3A_1115 = vector.broadcast %and3A_1114 : i32 to vector<16xi32>
      %gather3A = arith.constant 0 : i32
      %gather3A_1116 = arith.constant 0 : i32
      %gather3A_1117 = arith.constant 0 : i32
      %gather3A_1118 = tpu.memref_slice %arg9[%gather3A, %gather3A_1116, %gather3A_1117] : memref<8x32x128xf32, #tpu.memory_space<vmem>> -> memref<1x32x128xf32, #tpu.memory_space<vmem>>
      %gather3A_1119 = tpu.memref_squeeze %gather3A_1118 : memref<1x32x128xf32, #tpu.memory_space<vmem>> -> memref<32x128xf32, #tpu.memory_space<vmem>>
      %gather3A_1120 = tpu.vector_load_idx %gather3A_1119[%iota3A, %broadcast_in_dim3A_1112] : memref<32x128xf32, #tpu.memory_space<vmem>>[vector<16xi32>, vector<16xi32>], vector<16xf32>,
      %add3A_1121 = arith.constant 16 : i32
      %add3A_1122 = vector.broadcast %add3A_1121 : i32 to vector<16xi32>
      %add3A_1123 = arith.addi %iota3A, %add3A_1122 : vector<16xi32>
      %gather3A_1124 = arith.constant 0 : i32
      %gather3A_1125 = arith.constant 0 : i32
      %gather3A_1126 = arith.constant 0 : i32
      %gather3A_1127 = tpu.memref_slice %arg9[%gather3A_1124, %gather3A_1125, %gather3A_1126] : memref<8x32x128xf32, #tpu.memory_space<vmem>> -> memref<1x32x128xf32, #tpu.memory_space<vmem>>
      %gather3A_1128 = tpu.memref_squeeze %gather3A_1127 : memref<1x32x128xf32, #tpu.memory_space<vmem>> -> memref<32x128xf32, #tpu.memory_space<vmem>>
      %gather3A_1129 = tpu.vector_load_idx %gather3A_1128[%add3A_1123, %broadcast_in_dim3A_1112] : memref<32x128xf32, #tpu.memory_space<vmem>>[vector<16xi32>, vector<16xi32>], vector<16xf32>,
      %gather3A_1130 = arith.constant 0 : i32
      %gather3A_1131 = arith.constant 0 : i32
      %gather3A_1132 = arith.constant 0 : i32
      %gather3A_1133 = tpu.memref_slice %arg10[%gather3A_1130, %gather3A_1131, %gather3A_1132] : memref<8x32x128xf32, #tpu.memory_space<vmem>> -> memref<1x32x128xf32, #tpu.memory_space<vmem>>
      %gather3A_1134 = tpu.memref_squeeze %gather3A_1133 : memref<1x32x128xf32, #tpu.memory_space<vmem>> -> memref<32x128xf32, #tpu.memory_space<vmem>>
      %gather3A_1135 = tpu.vector_load_idx %gather3A_1134[%iota3A, %broadcast_in_dim3A_1115] : memref<32x128xf32, #tpu.memory_space<vmem>>[vector<16xi32>, vector<16xi32>], vector<16xf32>,
      %add3A_1136 = arith.constant 16 : i32
      %add3A_1137 = vector.broadcast %add3A_1136 : i32 to vector<16xi32>
      %add3A_1138 = arith.addi %iota3A, %add3A_1137 : vector<16xi32>
      %gather3A_1139 = arith.constant 0 : i32
      %gather3A_1140 = arith.constant 0 : i32
      %gather3A_1141 = arith.constant 0 : i32
      %gather3A_1142 = tpu.memref_slice %arg10[%gather3A_1139, %gather3A_1140, %gather3A_1141] : memref<8x32x128xf32, #tpu.memory_space<vmem>> -> memref<1x32x128xf32, #tpu.memory_space<vmem>>
      %gather3A_1143 = tpu.memref_squeeze %gather3A_1142 : memref<1x32x128xf32, #tpu.memory_space<vmem>> -> memref<32x128xf32, #tpu.memory_space<vmem>>
      %gather3A_1144 = tpu.vector_load_idx %gather3A_1143[%add3A_1138, %broadcast_in_dim3A_1115] : memref<32x128xf32, #tpu.memory_space<vmem>>[vector<16xi32>, vector<16xi32>], vector<16xf32>,
      %mul3A_1145 = arith.mulf %gather3A_1120, %gather3A_1135 : vector<16xf32>
      %mul3A_1146 = arith.mulf %gather3A_1129, %gather3A_1144 : vector<16xf32>
      %add3A_1147 = arith.addf %mul3A_1145, %mul3A_1146 : vector<16xf32>
      %and3A_1148 = arith.constant 15 : i32
      %and3A_1149 = arith.andi %add3A_983, %and3A_1148 : i32
      %eq3A = vector.broadcast %and3A_1149 : i32 to vector<16xi32>
      %eq3A_1150 = arith.cmpi eq, %iota3A, %eq3A : vector<16xi32>
      %reduce_sum3A = arith.constant true
      %reduce_sum3A_1151 = vector.broadcast %reduce_sum3A : i1 to vector<16xi1>
      %reduce_sum3A_1152 = tpu.scan <sum>, %add3A_1147 masked %reduce_sum3A_1151 : vector<16xf32>, vector<16xi1> -> vector<16xf32>
      %reduce_sum3A_1153 = vector.extract %reduce_sum3A_1152[15] : f32 from vector<16xf32>
      %broadcast_in_dim3A_1154 = vector.broadcast %reduce_sum3A_1153 : f32 to vector<16xf32>
      %select_n3A = arith.select %eq3A_1150, %broadcast_in_dim3A_1154, %scan3A_979 : vector<16xi1>, vector<16xf32>
      %lt3A = arith.constant 63 : i32
      %lt3A_1155 = arith.cmpi slt, %scan3A_978, %lt3A : i32
      %convert_element_type3A = arith.extui %lt3A_1155 : i1 to i32
      %cond3A = arith.constant 0 : i32
      %cond3A_1156 = arith.cmpi ne, %convert_element_type3A, %cond3A : i32
      scf.if %cond3A_1156 {
        %add3A_2466 = arith.constant 8 : i32
        %add3A_2467 = arith.addi %add3A_983, %add3A_2466 : i32
        %get3A_2468 = arith.index_cast %add3A_2467 : i32 to index
        %get3A_2469 = tpu.vector_load %arg7[%get3A_2468] {strides = array<i32>} : memref<528xi32, #tpu.memory_space<vmem>>, vector<16xi32>,
        %slice3A_2470 = vector.extract_strided_slice %get3A_2469 {offsets = [0], sizes = [1], strides = [1]} : vector<16xi32> to vector<1xi32>
        %squeeze3A_2471 = vector.extract %slice3A_2470[0] : i32 from vector<1xi32>
        %shift_right_arithmetic3A_2472 = arith.constant 7 : i32
        %shift_right_arithmetic3A_2473 = arith.shrsi %squeeze3A_2471, %shift_right_arithmetic3A_2472 : i32
        %shift_left3A_2474 = arith.constant 7 : i32
        %shift_left3A_2475 = arith.shli %shift_right_arithmetic3A_2473, %shift_left3A_2474 : i32
        %multiple_of3A_2476 = tpu.assume_multiple %shift_left3A_2475, 128 : i32
        %get3A_2477 = arith.index_cast %add3A_2467 : i32 to index
        %get3A_2478 = tpu.vector_load %arg8[%get3A_2477] {strides = array<i32>} : memref<528xi32, #tpu.memory_space<vmem>>, vector<16xi32>,
        %slice3A_2479 = vector.extract_strided_slice %get3A_2478 {offsets = [0], sizes = [1], strides = [1]} : vector<16xi32> to vector<1xi32>
        %squeeze3A_2480 = vector.extract %slice3A_2479[0] : i32 from vector<1xi32>
        %shift_right_arithmetic3A_2481 = arith.constant 7 : i32
        %shift_right_arithmetic3A_2482 = arith.shrsi %squeeze3A_2480, %shift_right_arithmetic3A_2481 : i32
        %shift_left3A_2483 = arith.constant 7 : i32
        %shift_left3A_2484 = arith.shli %shift_right_arithmetic3A_2482, %shift_left3A_2483 : i32
        %multiple_of3A_2485 = tpu.assume_multiple %shift_left3A_2484, 128 : i32
        %dma_start3A_2486 = arith.constant 0 : i32
        %dma_start3A_2487 = arith.constant 0 : i32
        %dma_start3A_2488 = arith.constant 0 : i32
        %dma_start3A_2489 = tpu.memref_slice %arg9[%dma_start3A_2486, %dma_start3A_2487, %dma_start3A_2488] : memref<8x32x128xf32, #tpu.memory_space<vmem>> -> memref<1x8x128xf32, #tpu.memory_space<vmem>>
        %dma_start3A_2490 = tpu.memref_squeeze %dma_start3A_2489 : memref<1x8x128xf32, #tpu.memory_space<vmem>> -> memref<8x128xf32, #tpu.memory_space<vmem>>
        %dma_start3A_2491 = arith.constant 0 : i32
        %dma_start3A_2492 = tpu.memref_slice %arg4[%dma_start3A_2491, %multiple_of3A_2476] : memref<32x1000000xf32, #tpu.memory_space<hbm>> -> memref<8x128xf32, #tpu.memory_space<hbm>>
        %dma_start3A_2493 = arith.constant 0 : i32
        %dma_start3A_2494 = arith.constant 0 : i32
        %dma_start3A_2495 = tpu.memref_slice %arg9[%dma_start3A_2486, %dma_start3A_2493, %dma_start3A_2494] : memref<8x32x128xf32, #tpu.memory_space<vmem>> -> memref<1x8x128xf32, #tpu.memory_space<vmem>>
        %dma_start3A_2496 = tpu.memref_squeeze %dma_start3A_2495 : memref<1x8x128xf32, #tpu.memory_space<vmem>> -> memref<8x128xf32, #tpu.memory_space<vmem>>
        %dma_start3A_2497 = arith.constant 0 : i32
        %dma_start3A_2498 = tpu.memref_slice %arg4[%dma_start3A_2497, %multiple_of3A_2476] : memref<32x1000000xf32, #tpu.memory_space<hbm>> -> memref<8x128xf32, #tpu.memory_space<hbm>>
        tpu.enqueue_dma source(%dma_start3A_2498 : memref<8x128xf32, #tpu.memory_space<hbm>>) target(%dma_start3A_2496 : memref<8x128xf32, #tpu.memory_space<vmem>>) target_semaphore(%arg12 : memref<!tpu.dma_semaphore, #tpu.memory_space<semaphore_mem>>)
        %dma_start3A_2499 = arith.constant 0 : i32
        %dma_start3A_2500 = arith.constant 0 : i32
        %dma_start3A_2501 = arith.constant 0 : i32
        %dma_start3A_2502 = tpu.memref_slice %arg10[%dma_start3A_2499, %dma_start3A_2500, %dma_start3A_2501] : memref<8x32x128xf32, #tpu.memory_space<vmem>> -> memref<1x8x128xf32, #tpu.memory_space<vmem>>
        %dma_start3A_2503 = tpu.memref_squeeze %dma_start3A_2502 : memref<1x8x128xf32, #tpu.memory_space<vmem>> -> memref<8x128xf32, #tpu.memory_space<vmem>>
        %dma_start3A_2504 = arith.constant 0 : i32
        %dma_start3A_2505 = tpu.memref_slice %arg5[%dma_start3A_2504, %multiple_of3A_2485] : memref<32x1000000xf32, #tpu.memory_space<hbm>> -> memref<8x128xf32, #tpu.memory_space<hbm>>
        %dma_start3A_2506 = arith.constant 0 : i32
        %dma_start3A_2507 = arith.constant 0 : i32
        %dma_start3A_2508 = tpu.memref_slice %arg10[%dma_start3A_2499, %dma_start3A_2506, %dma_start3A_2507] : memref<8x32x128xf32, #tpu.memory_space<vmem>> -> memref<1x8x128xf32, #tpu.memory_space<vmem>>
        %dma_start3A_2509 = tpu.memref_squeeze %dma_start3A_2508 : memref<1x8x128xf32, #tpu.memory_space<vmem>> -> memref<8x128xf32, #tpu.memory_space<vmem>>
        %dma_start3A_2510 = arith.constant 0 : i32
        %dma_start3A_2511 = tpu.memref_slice %arg5[%dma_start3A_2510, %multiple_of3A_2485] : memref<32x1000000xf32, #tpu.memory_space<hbm>> -> memref<8x128xf32, #tpu.memory_space<hbm>>
        tpu.enqueue_dma source(%dma_start3A_2511 : memref<8x128xf32, #tpu.memory_space<hbm>>) target(%dma_start3A_2509 : memref<8x128xf32, #tpu.memory_space<vmem>>) target_semaphore(%arg13 : memref<!tpu.dma_semaphore, #tpu.memory_space<semaphore_mem>>)
        %dma_start3A_2512 = arith.constant 0 : i32
        %dma_start3A_2513 = arith.constant 8 : i32
        %dma_start3A_2514 = arith.constant 0 : i32
        %dma_start3A_2515 = tpu.memref_slice %arg9[%dma_start3A_2512, %dma_start3A_2513, %dma_start3A_2514] : memref<8x32x128xf32, #tpu.memory_space<vmem>> -> memref<1x8x128xf32, #tpu.memory_space<vmem>>
        %dma_start3A_2516 = tpu.memref_squeeze %dma_start3A_2515 : memref<1x8x128xf32, #tpu.memory_space<vmem>> -> memref<8x128xf32, #tpu.memory_space<vmem>>
        %dma_start3A_2517 = arith.constant 8 : i32
        %dma_start3A_2518 = tpu.memref_slice %arg4[%dma_start3A_2517, %multiple_of3A_2476] : memref<32x1000000xf32, #tpu.memory_space<hbm>> -> memref<8x128xf32, #tpu.memory_space<hbm>>
        %dma_start3A_2519 = arith.constant 8 : i32
        %dma_start3A_2520 = arith.constant 0 : i32
        %dma_start3A_2521 = tpu.memref_slice %arg9[%dma_start3A_2512, %dma_start3A_2519, %dma_start3A_2520] : memref<8x32x128xf32, #tpu.memory_space<vmem>> -> memref<1x8x128xf32, #tpu.memory_space<vmem>>
        %dma_start3A_2522 = tpu.memref_squeeze %dma_start3A_2521 : memref<1x8x128xf32, #tpu.memory_space<vmem>> -> memref<8x128xf32, #tpu.memory_space<vmem>>
        %dma_start3A_2523 = arith.constant 8 : i32
        %dma_start3A_2524 = tpu.memref_slice %arg4[%dma_start3A_2523, %multiple_of3A_2476] : memref<32x1000000xf32, #tpu.memory_space<hbm>> -> memref<8x128xf32, #tpu.memory_space<hbm>>
        tpu.enqueue_dma source(%dma_start3A_2524 : memref<8x128xf32, #tpu.memory_space<hbm>>) target(%dma_start3A_2522 : memref<8x128xf32, #tpu.memory_space<vmem>>) target_semaphore(%arg12 : memref<!tpu.dma_semaphore, #tpu.memory_space<semaphore_mem>>)
        %dma_start3A_2525 = arith.constant 0 : i32
        %dma_start3A_2526 = arith.constant 8 : i32
        %dma_start3A_2527 = arith.constant 0 : i32
        %dma_start3A_2528 = tpu.memref_slice %arg10[%dma_start3A_2525, %dma_start3A_2526, %dma_start3A_2527] : memref<8x32x128xf32, #tpu.memory_space<vmem>> -> memref<1x8x128xf32, #tpu.memory_space<vmem>>
        %dma_start3A_2529 = tpu.memref_squeeze %dma_start3A_2528 : memref<1x8x128xf32, #tpu.memory_space<vmem>> -> memref<8x128xf32, #tpu.memory_space<vmem>>
        %dma_start3A_2530 = arith.constant 8 : i32
        %dma_start3A_2531 = tpu.memref_slice %arg5[%dma_start3A_2530, %multiple_of3A_2485] : memref<32x1000000xf32, #tpu.memory_space<hbm>> -> memref<8x128xf32, #tpu.memory_space<hbm>>
        %dma_start3A_2532 = arith.constant 8 : i32
        %dma_start3A_2533 = arith.constant 0 : i32
        %dma_start3A_2534 = tpu.memref_slice %arg10[%dma_start3A_2525, %dma_start3A_2532, %dma_start3A_2533] : memref<8x32x128xf32, #tpu.memory_space<vmem>> -> memref<1x8x128xf32, #tpu.memory_space<vmem>>
        %dma_start3A_2535 = tpu.memref_squeeze %dma_start3A_2534 : memref<1x8x128xf32, #tpu.memory_space<vmem>> -> memref<8x128xf32, #tpu.memory_space<vmem>>
        %dma_start3A_2536 = arith.constant 8 : i32
        %dma_start3A_2537 = tpu.memref_slice %arg5[%dma_start3A_2536, %multiple_of3A_2485] : memref<32x1000000xf32, #tpu.memory_space<hbm>> -> memref<8x128xf32, #tpu.memory_space<hbm>>
        tpu.enqueue_dma source(%dma_start3A_2537 : memref<8x128xf32, #tpu.memory_space<hbm>>) target(%dma_start3A_2535 : memref<8x128xf32, #tpu.memory_space<vmem>>) target_semaphore(%arg13 : memref<!tpu.dma_semaphore, #tpu.memory_space<semaphore_mem>>)
        %dma_start3A_2538 = arith.constant 0 : i32
        %dma_start3A_2539 = arith.constant 16 : i32
        %dma_start3A_2540 = arith.constant 0 : i32
        %dma_start3A_2541 = tpu.memref_slice %arg9[%dma_start3A_2538, %dma_start3A_2539, %dma_start3A_2540] : memref<8x32x128xf32, #tpu.memory_space<vmem>> -> memref<1x8x128xf32, #tpu.memory_space<vmem>>
        %dma_start3A_2542 = tpu.memref_squeeze %dma_start3A_2541 : memref<1x8x128xf32, #tpu.memory_space<vmem>> -> memref<8x128xf32, #tpu.memory_space<vmem>>
        %dma_start3A_2543 = arith.constant 16 : i32
        %dma_start3A_2544 = tpu.memref_slice %arg4[%dma_start3A_2543, %multiple_of3A_2476] : memref<32x1000000xf32, #tpu.memory_space<hbm>> -> memref<8x128xf32, #tpu.memory_space<hbm>>
        %dma_start3A_2545 = arith.constant 16 : i32
        %dma_start3A_2546 = arith.constant 0 : i32
        %dma_start3A_2547 = tpu.memref_slice %arg9[%dma_start3A_2538, %dma_start3A_2545, %dma_start3A_2546] : memref<8x32x128xf32, #tpu.memory_space<vmem>> -> memref<1x8x128xf32, #tpu.memory_space<vmem>>
        %dma_start3A_2548 = tpu.memref_squeeze %dma_start3A_2547 : memref<1x8x128xf32, #tpu.memory_space<vmem>> -> memref<8x128xf32, #tpu.memory_space<vmem>>
        %dma_start3A_2549 = arith.constant 16 : i32
        %dma_start3A_2550 = tpu.memref_slice %arg4[%dma_start3A_2549, %multiple_of3A_2476] : memref<32x1000000xf32, #tpu.memory_space<hbm>> -> memref<8x128xf32, #tpu.memory_space<hbm>>
        tpu.enqueue_dma source(%dma_start3A_2550 : memref<8x128xf32, #tpu.memory_space<hbm>>) target(%dma_start3A_2548 : memref<8x128xf32, #tpu.memory_space<vmem>>) target_semaphore(%arg14 : memref<!tpu.dma_semaphore, #tpu.memory_space<semaphore_mem>>)
        %dma_start3A_2551 = arith.constant 0 : i32
        %dma_start3A_2552 = arith.constant 16 : i32
        %dma_start3A_2553 = arith.constant 0 : i32
        %dma_start3A_2554 = tpu.memref_slice %arg10[%dma_start3A_2551, %dma_start3A_2552, %dma_start3A_2553] : memref<8x32x128xf32, #tpu.memory_space<vmem>> -> memref<1x8x128xf32, #tpu.memory_space<vmem>>
        %dma_start3A_2555 = tpu.memref_squeeze %dma_start3A_2554 : memref<1x8x128xf32, #tpu.memory_space<vmem>> -> memref<8x128xf32, #tpu.memory_space<vmem>>
        %dma_start3A_2556 = arith.constant 16 : i32
        %dma_start3A_2557 = tpu.memref_slice %arg5[%dma_start3A_2556, %multiple_of3A_2485] : memref<32x1000000xf32, #tpu.memory_space<hbm>> -> memref<8x128xf32, #tpu.memory_space<hbm>>
        %dma_start3A_2558 = arith.constant 16 : i32
        %dma_start3A_2559 = arith.constant 0 : i32
        %dma_start3A_2560 = tpu.memref_slice %arg10[%dma_start3A_2551, %dma_start3A_2558, %dma_start3A_2559] : memref<8x32x128xf32, #tpu.memory_space<vmem>> -> memref<1x8x128xf32, #tpu.memory_space<vmem>>
        %dma_start3A_2561 = tpu.memref_squeeze %dma_start3A_2560 : memref<1x8x128xf32, #tpu.memory_space<vmem>> -> memref<8x128xf32, #tpu.memory_space<vmem>>
        %dma_start3A_2562 = arith.constant 16 : i32
        %dma_start3A_2563 = tpu.memref_slice %arg5[%dma_start3A_2562, %multiple_of3A_2485] : memref<32x1000000xf32, #tpu.memory_space<hbm>> -> memref<8x128xf32, #tpu.memory_space<hbm>>
        tpu.enqueue_dma source(%dma_start3A_2563 : memref<8x128xf32, #tpu.memory_space<hbm>>) target(%dma_start3A_2561 : memref<8x128xf32, #tpu.memory_space<vmem>>) target_semaphore(%arg15 : memref<!tpu.dma_semaphore, #tpu.memory_space<semaphore_mem>>)
        %dma_start3A_2564 = arith.constant 0 : i32
        %dma_start3A_2565 = arith.constant 24 : i32
        %dma_start3A_2566 = arith.constant 0 : i32
        %dma_start3A_2567 = tpu.memref_slice %arg9[%dma_start3A_2564, %dma_start3A_2565, %dma_start3A_2566] : memref<8x32x128xf32, #tpu.memory_space<vmem>> -> memref<1x8x128xf32, #tpu.memory_space<vmem>>
        %dma_start3A_2568 = tpu.memref_squeeze %dma_start3A_2567 : memref<1x8x128xf32, #tpu.memory_space<vmem>> -> memref<8x128xf32, #tpu.memory_space<vmem>>
        %dma_start3A_2569 = arith.constant 24 : i32
        %dma_start3A_2570 = tpu.memref_slice %arg4[%dma_start3A_2569, %multiple_of3A_2476] : memref<32x1000000xf32, #tpu.memory_space<hbm>> -> memref<8x128xf32, #tpu.memory_space<hbm>>
        %dma_start3A_2571 = arith.constant 24 : i32
        %dma_start3A_2572 = arith.constant 0 : i32
        %dma_start3A_2573 = tpu.memref_slice %arg9[%dma_start3A_2564, %dma_start3A_2571, %dma_start3A_2572] : memref<8x32x128xf32, #tpu.memory_space<vmem>> -> memref<1x8x128xf32, #tpu.memory_space<vmem>>
        %dma_start3A_2574 = tpu.memref_squeeze %dma_start3A_2573 : memref<1x8x128xf32, #tpu.memory_space<vmem>> -> memref<8x128xf32, #tpu.memory_space<vmem>>
        %dma_start3A_2575 = arith.constant 24 : i32
        %dma_start3A_2576 = tpu.memref_slice %arg4[%dma_start3A_2575, %multiple_of3A_2476] : memref<32x1000000xf32, #tpu.memory_space<hbm>> -> memref<8x128xf32, #tpu.memory_space<hbm>>
        tpu.enqueue_dma source(%dma_start3A_2576 : memref<8x128xf32, #tpu.memory_space<hbm>>) target(%dma_start3A_2574 : memref<8x128xf32, #tpu.memory_space<vmem>>) target_semaphore(%arg14 : memref<!tpu.dma_semaphore, #tpu.memory_space<semaphore_mem>>)
        %dma_start3A_2577 = arith.constant 0 : i32
        %dma_start3A_2578 = arith.constant 24 : i32
        %dma_start3A_2579 = arith.constant 0 : i32
        %dma_start3A_2580 = tpu.memref_slice %arg10[%dma_start3A_2577, %dma_start3A_2578, %dma_start3A_2579] : memref<8x32x128xf32, #tpu.memory_space<vmem>> -> memref<1x8x128xf32, #tpu.memory_space<vmem>>
        %dma_start3A_2581 = tpu.memref_squeeze %dma_start3A_2580 : memref<1x8x128xf32, #tpu.memory_space<vmem>> -> memref<8x128xf32, #tpu.memory_space<vmem>>
        %dma_start3A_2582 = arith.constant 24 : i32
        %dma_start3A_2583 = tpu.memref_slice %arg5[%dma_start3A_2582, %multiple_of3A_2485] : memref<32x1000000xf32, #tpu.memory_space<hbm>> -> memref<8x128xf32, #tpu.memory_space<hbm>>
        %dma_start3A_2584 = arith.constant 24 : i32
        %dma_start3A_2585 = arith.constant 0 : i32
        %dma_start3A_2586 = tpu.memref_slice %arg10[%dma_start3A_2577, %dma_start3A_2584, %dma_start3A_2585] : memref<8x32x128xf32, #tpu.memory_space<vmem>> -> memref<1x8x128xf32, #tpu.memory_space<vmem>>
        %dma_start3A_2587 = tpu.memref_squeeze %dma_start3A_2586 : memref<1x8x128xf32, #tpu.memory_space<vmem>> -> memref<8x128xf32, #tpu.memory_space<vmem>>
        %dma_start3A_2588 = arith.constant 24 : i32
        %dma_start3A_2589 = tpu.memref_slice %arg5[%dma_start3A_2588, %multiple_of3A_2485] : memref<32x1000000xf32, #tpu.memory_space<hbm>> -> memref<8x128xf32, #tpu.memory_space<hbm>>
        tpu.enqueue_dma source(%dma_start3A_2589 : memref<8x128xf32, #tpu.memory_space<hbm>>) target(%dma_start3A_2587 : memref<8x128xf32, #tpu.memory_space<vmem>>) target_semaphore(%arg15 : memref<!tpu.dma_semaphore, #tpu.memory_space<semaphore_mem>>)
      } else {
      }
      %mul3A_1157 = arith.constant 8 : i32
      %mul3A_1158 = arith.muli %scan3A_978, %mul3A_1157 : i32
      %add3A_1159 = arith.constant 1 : i32
      %add3A_1160 = arith.addi %mul3A_1158, %add3A_1159 : i32
      %dma_wait3A_1161 = arith.constant 1 : i32
      %dma_wait3A_1162 = arith.constant 0 : i32
      %dma_wait3A_1163 = arith.constant 0 : i32
      %dma_wait3A_1164 = tpu.memref_slice %arg9[%dma_wait3A_1161, %dma_wait3A_1162, %dma_wait3A_1163] : memref<8x32x128xf32, #tpu.memory_space<vmem>> -> memref<1x8x128xf32, #tpu.memory_space<vmem>>
      %dma_wait3A_1165 = tpu.memref_squeeze %dma_wait3A_1164 : memref<1x8x128xf32, #tpu.memory_space<vmem>> -> memref<8x128xf32, #tpu.memory_space<vmem>>
      %dma_wait3A_1166 = arith.constant 0 : i32
      %dma_wait3A_1167 = arith.constant 0 : i32
      %dma_wait3A_1168 = tpu.memref_slice %arg4[%dma_wait3A_1166, %dma_wait3A_1167] : memref<32x1000000xf32, #tpu.memory_space<hbm>> -> memref<8x128xf32, #tpu.memory_space<hbm>>
      %dma_wait3A_1169 = arith.constant 0 : i32
      %dma_wait3A_1170 = arith.constant 0 : i32
      %dma_wait3A_1171 = tpu.memref_slice %arg9[%dma_wait3A_1161, %dma_wait3A_1169, %dma_wait3A_1170] : memref<8x32x128xf32, #tpu.memory_space<vmem>> -> memref<1x8x128xf32, #tpu.memory_space<vmem>>
      %dma_wait3A_1172 = tpu.memref_squeeze %dma_wait3A_1171 : memref<1x8x128xf32, #tpu.memory_space<vmem>> -> memref<8x128xf32, #tpu.memory_space<vmem>>
      %dma_wait3A_1173 = arith.constant 0 : i32
      %dma_wait3A_1174 = arith.constant 0 : i32
      %dma_wait3A_1175 = tpu.memref_slice %arg4[%dma_wait3A_1173, %dma_wait3A_1174] : memref<32x1000000xf32, #tpu.memory_space<hbm>> -> memref<8x128xf32, #tpu.memory_space<hbm>>
      tpu.wait_dma2 semaphore(%arg12 : memref<!tpu.dma_semaphore, #tpu.memory_space<semaphore_mem>>) src(%dma_wait3A_1175 : memref<8x128xf32, #tpu.memory_space<hbm>>) dst(%dma_wait3A_1172 : memref<8x128xf32, #tpu.memory_space<vmem>>)
      %dma_wait3A_1176 = arith.constant 1 : i32
      %dma_wait3A_1177 = arith.constant 0 : i32
      %dma_wait3A_1178 = arith.constant 0 : i32
      %dma_wait3A_1179 = tpu.memref_slice %arg10[%dma_wait3A_1176, %dma_wait3A_1177, %dma_wait3A_1178] : memref<8x32x128xf32, #tpu.memory_space<vmem>> -> memref<1x8x128xf32, #tpu.memory_space<vmem>>
      %dma_wait3A_1180 = tpu.memref_squeeze %dma_wait3A_1179 : memref<1x8x128xf32, #tpu.memory_space<vmem>> -> memref<8x128xf32, #tpu.memory_space<vmem>>
      %dma_wait3A_1181 = arith.constant 0 : i32
      %dma_wait3A_1182 = arith.constant 0 : i32
      %dma_wait3A_1183 = tpu.memref_slice %arg5[%dma_wait3A_1181, %dma_wait3A_1182] : memref<32x1000000xf32, #tpu.memory_space<hbm>> -> memref<8x128xf32, #tpu.memory_space<hbm>>
      %dma_wait3A_1184 = arith.constant 0 : i32
      %dma_wait3A_1185 = arith.constant 0 : i32
      %dma_wait3A_1186 = tpu.memref_slice %arg10[%dma_wait3A_1176, %dma_wait3A_1184, %dma_wait3A_1185] : memref<8x32x128xf32, #tpu.memory_space<vmem>> -> memref<1x8x128xf32, #tpu.memory_space<vmem>>
      %dma_wait3A_1187 = tpu.memref_squeeze %dma_wait3A_1186 : memref<1x8x128xf32, #tpu.memory_space<vmem>> -> memref<8x128xf32, #tpu.memory_space<vmem>>
      %dma_wait3A_1188 = arith.constant 0 : i32
      %dma_wait3A_1189 = arith.constant 0 : i32
      %dma_wait3A_1190 = tpu.memref_slice %arg5[%dma_wait3A_1188, %dma_wait3A_1189] : memref<32x1000000xf32, #tpu.memory_space<hbm>> -> memref<8x128xf32, #tpu.memory_space<hbm>>
      tpu.wait_dma2 semaphore(%arg13 : memref<!tpu.dma_semaphore, #tpu.memory_space<semaphore_mem>>) src(%dma_wait3A_1190 : memref<8x128xf32, #tpu.memory_space<hbm>>) dst(%dma_wait3A_1187 : memref<8x128xf32, #tpu.memory_space<vmem>>)
      %dma_wait3A_1191 = arith.constant 1 : i32
      %dma_wait3A_1192 = arith.constant 8 : i32
      %dma_wait3A_1193 = arith.constant 0 : i32
      %dma_wait3A_1194 = tpu.memref_slice %arg9[%dma_wait3A_1191, %dma_wait3A_1192, %dma_wait3A_1193] : memref<8x32x128xf32, #tpu.memory_space<vmem>> -> memref<1x8x128xf32, #tpu.memory_space<vmem>>
      %dma_wait3A_1195 = tpu.memref_squeeze %dma_wait3A_1194 : memref<1x8x128xf32, #tpu.memory_space<vmem>> -> memref<8x128xf32, #tpu.memory_space<vmem>>
      %dma_wait3A_1196 = arith.constant 8 : i32
      %dma_wait3A_1197 = arith.constant 0 : i32
      %dma_wait3A_1198 = tpu.memref_slice %arg4[%dma_wait3A_1196, %dma_wait3A_1197] : memref<32x1000000xf32, #tpu.memory_space<hbm>> -> memref<8x128xf32, #tpu.memory_space<hbm>>
      %dma_wait3A_1199 = arith.constant 8 : i32
      %dma_wait3A_1200 = arith.constant 0 : i32
      %dma_wait3A_1201 = tpu.memref_slice %arg9[%dma_wait3A_1191, %dma_wait3A_1199, %dma_wait3A_1200] : memref<8x32x128xf32, #tpu.memory_space<vmem>> -> memref<1x8x128xf32, #tpu.memory_space<vmem>>
      %dma_wait3A_1202 = tpu.memref_squeeze %dma_wait3A_1201 : memref<1x8x128xf32, #tpu.memory_space<vmem>> -> memref<8x128xf32, #tpu.memory_space<vmem>>
      %dma_wait3A_1203 = arith.constant 8 : i32
      %dma_wait3A_1204 = arith.constant 0 : i32
      %dma_wait3A_1205 = tpu.memref_slice %arg4[%dma_wait3A_1203, %dma_wait3A_1204] : memref<32x1000000xf32, #tpu.memory_space<hbm>> -> memref<8x128xf32, #tpu.memory_space<hbm>>
      tpu.wait_dma2 semaphore(%arg12 : memref<!tpu.dma_semaphore, #tpu.memory_space<semaphore_mem>>) src(%dma_wait3A_1205 : memref<8x128xf32, #tpu.memory_space<hbm>>) dst(%dma_wait3A_1202 : memref<8x128xf32, #tpu.memory_space<vmem>>)
      %dma_wait3A_1206 = arith.constant 1 : i32
      %dma_wait3A_1207 = arith.constant 8 : i32
      %dma_wait3A_1208 = arith.constant 0 : i32
      %dma_wait3A_1209 = tpu.memref_slice %arg10[%dma_wait3A_1206, %dma_wait3A_1207, %dma_wait3A_1208] : memref<8x32x128xf32, #tpu.memory_space<vmem>> -> memref<1x8x128xf32, #tpu.memory_space<vmem>>
      %dma_wait3A_1210 = tpu.memref_squeeze %dma_wait3A_1209 : memref<1x8x128xf32, #tpu.memory_space<vmem>> -> memref<8x128xf32, #tpu.memory_space<vmem>>
      %dma_wait3A_1211 = arith.constant 8 : i32
      %dma_wait3A_1212 = arith.constant 0 : i32
      %dma_wait3A_1213 = tpu.memref_slice %arg5[%dma_wait3A_1211, %dma_wait3A_1212] : memref<32x1000000xf32, #tpu.memory_space<hbm>> -> memref<8x128xf32, #tpu.memory_space<hbm>>
      %dma_wait3A_1214 = arith.constant 8 : i32
      %dma_wait3A_1215 = arith.constant 0 : i32
      %dma_wait3A_1216 = tpu.memref_slice %arg10[%dma_wait3A_1206, %dma_wait3A_1214, %dma_wait3A_1215] : memref<8x32x128xf32, #tpu.memory_space<vmem>> -> memref<1x8x128xf32, #tpu.memory_space<vmem>>
      %dma_wait3A_1217 = tpu.memref_squeeze %dma_wait3A_1216 : memref<1x8x128xf32, #tpu.memory_space<vmem>> -> memref<8x128xf32, #tpu.memory_space<vmem>>
      %dma_wait3A_1218 = arith.constant 8 : i32
      %dma_wait3A_1219 = arith.constant 0 : i32
      %dma_wait3A_1220 = tpu.memref_slice %arg5[%dma_wait3A_1218, %dma_wait3A_1219] : memref<32x1000000xf32, #tpu.memory_space<hbm>> -> memref<8x128xf32, #tpu.memory_space<hbm>>
      tpu.wait_dma2 semaphore(%arg13 : memref<!tpu.dma_semaphore, #tpu.memory_space<semaphore_mem>>) src(%dma_wait3A_1220 : memref<8x128xf32, #tpu.memory_space<hbm>>) dst(%dma_wait3A_1217 : memref<8x128xf32, #tpu.memory_space<vmem>>)
      %dma_wait3A_1221 = arith.constant 1 : i32
      %dma_wait3A_1222 = arith.constant 16 : i32
      %dma_wait3A_1223 = arith.constant 0 : i32
      %dma_wait3A_1224 = tpu.memref_slice %arg9[%dma_wait3A_1221, %dma_wait3A_1222, %dma_wait3A_1223] : memref<8x32x128xf32, #tpu.memory_space<vmem>> -> memref<1x8x128xf32, #tpu.memory_space<vmem>>
      %dma_wait3A_1225 = tpu.memref_squeeze %dma_wait3A_1224 : memref<1x8x128xf32, #tpu.memory_space<vmem>> -> memref<8x128xf32, #tpu.memory_space<vmem>>
      %dma_wait3A_1226 = arith.constant 16 : i32
      %dma_wait3A_1227 = arith.constant 0 : i32
      %dma_wait3A_1228 = tpu.memref_slice %arg4[%dma_wait3A_1226, %dma_wait3A_1227] : memref<32x1000000xf32, #tpu.memory_space<hbm>> -> memref<8x128xf32, #tpu.memory_space<hbm>>
      %dma_wait3A_1229 = arith.constant 16 : i32
      %dma_wait3A_1230 = arith.constant 0 : i32
      %dma_wait3A_1231 = tpu.memref_slice %arg9[%dma_wait3A_1221, %dma_wait3A_1229, %dma_wait3A_1230] : memref<8x32x128xf32, #tpu.memory_space<vmem>> -> memref<1x8x128xf32, #tpu.memory_space<vmem>>
      %dma_wait3A_1232 = tpu.memref_squeeze %dma_wait3A_1231 : memref<1x8x128xf32, #tpu.memory_space<vmem>> -> memref<8x128xf32, #tpu.memory_space<vmem>>
      %dma_wait3A_1233 = arith.constant 16 : i32
      %dma_wait3A_1234 = arith.constant 0 : i32
      %dma_wait3A_1235 = tpu.memref_slice %arg4[%dma_wait3A_1233, %dma_wait3A_1234] : memref<32x1000000xf32, #tpu.memory_space<hbm>> -> memref<8x128xf32, #tpu.memory_space<hbm>>
      tpu.wait_dma2 semaphore(%arg14 : memref<!tpu.dma_semaphore, #tpu.memory_space<semaphore_mem>>) src(%dma_wait3A_1235 : memref<8x128xf32, #tpu.memory_space<hbm>>) dst(%dma_wait3A_1232 : memref<8x128xf32, #tpu.memory_space<vmem>>)
      %dma_wait3A_1236 = arith.constant 1 : i32
      %dma_wait3A_1237 = arith.constant 16 : i32
      %dma_wait3A_1238 = arith.constant 0 : i32
      %dma_wait3A_1239 = tpu.memref_slice %arg10[%dma_wait3A_1236, %dma_wait3A_1237, %dma_wait3A_1238] : memref<8x32x128xf32, #tpu.memory_space<vmem>> -> memref<1x8x128xf32, #tpu.memory_space<vmem>>
      %dma_wait3A_1240 = tpu.memref_squeeze %dma_wait3A_1239 : memref<1x8x128xf32, #tpu.memory_space<vmem>> -> memref<8x128xf32, #tpu.memory_space<vmem>>
      %dma_wait3A_1241 = arith.constant 16 : i32
      %dma_wait3A_1242 = arith.constant 0 : i32
      %dma_wait3A_1243 = tpu.memref_slice %arg5[%dma_wait3A_1241, %dma_wait3A_1242] : memref<32x1000000xf32, #tpu.memory_space<hbm>> -> memref<8x128xf32, #tpu.memory_space<hbm>>
      %dma_wait3A_1244 = arith.constant 16 : i32
      %dma_wait3A_1245 = arith.constant 0 : i32
      %dma_wait3A_1246 = tpu.memref_slice %arg10[%dma_wait3A_1236, %dma_wait3A_1244, %dma_wait3A_1245] : memref<8x32x128xf32, #tpu.memory_space<vmem>> -> memref<1x8x128xf32, #tpu.memory_space<vmem>>
      %dma_wait3A_1247 = tpu.memref_squeeze %dma_wait3A_1246 : memref<1x8x128xf32, #tpu.memory_space<vmem>> -> memref<8x128xf32, #tpu.memory_space<vmem>>
      %dma_wait3A_1248 = arith.constant 16 : i32
      %dma_wait3A_1249 = arith.constant 0 : i32
      %dma_wait3A_1250 = tpu.memref_slice %arg5[%dma_wait3A_1248, %dma_wait3A_1249] : memref<32x1000000xf32, #tpu.memory_space<hbm>> -> memref<8x128xf32, #tpu.memory_space<hbm>>
      tpu.wait_dma2 semaphore(%arg15 : memref<!tpu.dma_semaphore, #tpu.memory_space<semaphore_mem>>) src(%dma_wait3A_1250 : memref<8x128xf32, #tpu.memory_space<hbm>>) dst(%dma_wait3A_1247 : memref<8x128xf32, #tpu.memory_space<vmem>>)
      %dma_wait3A_1251 = arith.constant 1 : i32
      %dma_wait3A_1252 = arith.constant 24 : i32
      %dma_wait3A_1253 = arith.constant 0 : i32
      %dma_wait3A_1254 = tpu.memref_slice %arg9[%dma_wait3A_1251, %dma_wait3A_1252, %dma_wait3A_1253] : memref<8x32x128xf32, #tpu.memory_space<vmem>> -> memref<1x8x128xf32, #tpu.memory_space<vmem>>
      %dma_wait3A_1255 = tpu.memref_squeeze %dma_wait3A_1254 : memref<1x8x128xf32, #tpu.memory_space<vmem>> -> memref<8x128xf32, #tpu.memory_space<vmem>>
      %dma_wait3A_1256 = arith.constant 24 : i32
      %dma_wait3A_1257 = arith.constant 0 : i32
      %dma_wait3A_1258 = tpu.memref_slice %arg4[%dma_wait3A_1256, %dma_wait3A_1257] : memref<32x1000000xf32, #tpu.memory_space<hbm>> -> memref<8x128xf32, #tpu.memory_space<hbm>>
      %dma_wait3A_1259 = arith.constant 24 : i32
      %dma_wait3A_1260 = arith.constant 0 : i32
      %dma_wait3A_1261 = tpu.memref_slice %arg9[%dma_wait3A_1251, %dma_wait3A_1259, %dma_wait3A_1260] : memref<8x32x128xf32, #tpu.memory_space<vmem>> -> memref<1x8x128xf32, #tpu.memory_space<vmem>>
      %dma_wait3A_1262 = tpu.memref_squeeze %dma_wait3A_1261 : memref<1x8x128xf32, #tpu.memory_space<vmem>> -> memref<8x128xf32, #tpu.memory_space<vmem>>
      %dma_wait3A_1263 = arith.constant 24 : i32
      %dma_wait3A_1264 = arith.constant 0 : i32
      %dma_wait3A_1265 = tpu.memref_slice %arg4[%dma_wait3A_1263, %dma_wait3A_1264] : memref<32x1000000xf32, #tpu.memory_space<hbm>> -> memref<8x128xf32, #tpu.memory_space<hbm>>
      tpu.wait_dma2 semaphore(%arg14 : memref<!tpu.dma_semaphore, #tpu.memory_space<semaphore_mem>>) src(%dma_wait3A_1265 : memref<8x128xf32, #tpu.memory_space<hbm>>) dst(%dma_wait3A_1262 : memref<8x128xf32, #tpu.memory_space<vmem>>)
      %dma_wait3A_1266 = arith.constant 1 : i32
      %dma_wait3A_1267 = arith.constant 24 : i32
      %dma_wait3A_1268 = arith.constant 0 : i32
      %dma_wait3A_1269 = tpu.memref_slice %arg10[%dma_wait3A_1266, %dma_wait3A_1267, %dma_wait3A_1268] : memref<8x32x128xf32, #tpu.memory_space<vmem>> -> memref<1x8x128xf32, #tpu.memory_space<vmem>>
      %dma_wait3A_1270 = tpu.memref_squeeze %dma_wait3A_1269 : memref<1x8x128xf32, #tpu.memory_space<vmem>> -> memref<8x128xf32, #tpu.memory_space<vmem>>
      %dma_wait3A_1271 = arith.constant 24 : i32
      %dma_wait3A_1272 = arith.constant 0 : i32
      %dma_wait3A_1273 = tpu.memref_slice %arg5[%dma_wait3A_1271, %dma_wait3A_1272] : memref<32x1000000xf32, #tpu.memory_space<hbm>> -> memref<8x128xf32, #tpu.memory_space<hbm>>
      %dma_wait3A_1274 = arith.constant 24 : i32
      %dma_wait3A_1275 = arith.constant 0 : i32
      %dma_wait3A_1276 = tpu.memref_slice %arg10[%dma_wait3A_1266, %dma_wait3A_1274, %dma_wait3A_1275] : memref<8x32x128xf32, #tpu.memory_space<vmem>> -> memref<1x8x128xf32, #tpu.memory_space<vmem>>
      %dma_wait3A_1277 = tpu.memref_squeeze %dma_wait3A_1276 : memref<1x8x128xf32, #tpu.memory_space<vmem>> -> memref<8x128xf32, #tpu.memory_space<vmem>>
      %dma_wait3A_1278 = arith.constant 24 : i32
      %dma_wait3A_1279 = arith.constant 0 : i32
      %dma_wait3A_1280 = tpu.memref_slice %arg5[%dma_wait3A_1278, %dma_wait3A_1279] : memref<32x1000000xf32, #tpu.memory_space<hbm>> -> memref<8x128xf32, #tpu.memory_space<hbm>>
      tpu.wait_dma2 semaphore(%arg15 : memref<!tpu.dma_semaphore, #tpu.memory_space<semaphore_mem>>) src(%dma_wait3A_1280 : memref<8x128xf32, #tpu.memory_space<hbm>>) dst(%dma_wait3A_1277 : memref<8x128xf32, #tpu.memory_space<vmem>>)
      %get3A_1281 = arith.index_cast %add3A_1160 : i32 to index
      %get3A_1282 = tpu.vector_load %arg7[%get3A_1281] {strides = array<i32>} : memref<528xi32, #tpu.memory_space<vmem>>, vector<16xi32>,
      %slice3A_1283 = vector.extract_strided_slice %get3A_1282 {offsets = [0], sizes = [1], strides = [1]} : vector<16xi32> to vector<1xi32>
      %squeeze3A_1284 = vector.extract %slice3A_1283[0] : i32 from vector<1xi32>
      %get3A_1285 = arith.index_cast %add3A_1160 : i32 to index
      %get3A_1286 = tpu.vector_load %arg8[%get3A_1285] {strides = array<i32>} : memref<528xi32, #tpu.memory_space<vmem>>, vector<16xi32>,
      %slice3A_1287 = vector.extract_strided_slice %get3A_1286 {offsets = [0], sizes = [1], strides = [1]} : vector<16xi32> to vector<1xi32>
      %squeeze3A_1288 = vector.extract %slice3A_1287[0] : i32 from vector<1xi32>
      %and3A_1289 = arith.constant 127 : i32
      %and3A_1290 = arith.andi %squeeze3A_1284, %and3A_1289 : i32
      %broadcast_in_dim3A_1291 = vector.broadcast %and3A_1290 : i32 to vector<16xi32>
      %and3A_1292 = arith.constant 127 : i32
      %and3A_1293 = arith.andi %squeeze3A_1288, %and3A_1292 : i32
      %broadcast_in_dim3A_1294 = vector.broadcast %and3A_1293 : i32 to vector<16xi32>
      %gather3A_1295 = arith.constant 1 : i32
      %gather3A_1296 = arith.constant 0 : i32
      %gather3A_1297 = arith.constant 0 : i32
      %gather3A_1298 = tpu.memref_slice %arg9[%gather3A_1295, %gather3A_1296, %gather3A_1297] : memref<8x32x128xf32, #tpu.memory_space<vmem>> -> memref<1x32x128xf32, #tpu.memory_space<vmem>>
      %gather3A_1299 = tpu.memref_squeeze %gather3A_1298 : memref<1x32x128xf32, #tpu.memory_space<vmem>> -> memref<32x128xf32, #tpu.memory_space<vmem>>
      %gather3A_1300 = tpu.vector_load_idx %gather3A_1299[%iota3A, %broadcast_in_dim3A_1291] : memref<32x128xf32, #tpu.memory_space<vmem>>[vector<16xi32>, vector<16xi32>], vector<16xf32>,
      %add3A_1301 = arith.constant 16 : i32
      %add3A_1302 = vector.broadcast %add3A_1301 : i32 to vector<16xi32>
      %add3A_1303 = arith.addi %iota3A, %add3A_1302 : vector<16xi32>
      %gather3A_1304 = arith.constant 1 : i32
      %gather3A_1305 = arith.constant 0 : i32
      %gather3A_1306 = arith.constant 0 : i32
      %gather3A_1307 = tpu.memref_slice %arg9[%gather3A_1304, %gather3A_1305, %gather3A_1306] : memref<8x32x128xf32, #tpu.memory_space<vmem>> -> memref<1x32x128xf32, #tpu.memory_space<vmem>>
      %gather3A_1308 = tpu.memref_squeeze %gather3A_1307 : memref<1x32x128xf32, #tpu.memory_space<vmem>> -> memref<32x128xf32, #tpu.memory_space<vmem>>
      %gather3A_1309 = tpu.vector_load_idx %gather3A_1308[%add3A_1303, %broadcast_in_dim3A_1291] : memref<32x128xf32, #tpu.memory_space<vmem>>[vector<16xi32>, vector<16xi32>], vector<16xf32>,
      %gather3A_1310 = arith.constant 1 : i32
      %gather3A_1311 = arith.constant 0 : i32
      %gather3A_1312 = arith.constant 0 : i32
      %gather3A_1313 = tpu.memref_slice %arg10[%gather3A_1310, %gather3A_1311, %gather3A_1312] : memref<8x32x128xf32, #tpu.memory_space<vmem>> -> memref<1x32x128xf32, #tpu.memory_space<vmem>>
      %gather3A_1314 = tpu.memref_squeeze %gather3A_1313 : memref<1x32x128xf32, #tpu.memory_space<vmem>> -> memref<32x128xf32, #tpu.memory_space<vmem>>
      %gather3A_1315 = tpu.vector_load_idx %gather3A_1314[%iota3A, %broadcast_in_dim3A_1294] : memref<32x128xf32, #tpu.memory_space<vmem>>[vector<16xi32>, vector<16xi32>], vector<16xf32>,
      %add3A_1316 = arith.constant 16 : i32
      %add3A_1317 = vector.broadcast %add3A_1316 : i32 to vector<16xi32>
      %add3A_1318 = arith.addi %iota3A, %add3A_1317 : vector<16xi32>
      %gather3A_1319 = arith.constant 1 : i32
      %gather3A_1320 = arith.constant 0 : i32
      %gather3A_1321 = arith.constant 0 : i32
      %gather3A_1322 = tpu.memref_slice %arg10[%gather3A_1319, %gather3A_1320, %gather3A_1321] : memref<8x32x128xf32, #tpu.memory_space<vmem>> -> memref<1x32x128xf32, #tpu.memory_space<vmem>>
      %gather3A_1323 = tpu.memref_squeeze %gather3A_1322 : memref<1x32x128xf32, #tpu.memory_space<vmem>> -> memref<32x128xf32, #tpu.memory_space<vmem>>
      %gather3A_1324 = tpu.vector_load_idx %gather3A_1323[%add3A_1318, %broadcast_in_dim3A_1294] : memref<32x128xf32, #tpu.memory_space<vmem>>[vector<16xi32>, vector<16xi32>], vector<16xf32>,
      %mul3A_1325 = arith.mulf %gather3A_1300, %gather3A_1315 : vector<16xf32>
      %mul3A_1326 = arith.mulf %gather3A_1309, %gather3A_1324 : vector<16xf32>
      %add3A_1327 = arith.addf %mul3A_1325, %mul3A_1326 : vector<16xf32>
      %and3A_1328 = arith.constant 15 : i32
      %and3A_1329 = arith.andi %add3A_1160, %and3A_1328 : i32
      %eq3A_1330 = vector.broadcast %and3A_1329 : i32 to vector<16xi32>
      %eq3A_1331 = arith.cmpi eq, %iota3A, %eq3A_1330 : vector<16xi32>
      %reduce_sum3A_1332 = arith.constant true
      %reduce_sum3A_1333 = vector.broadcast %reduce_sum3A_1332 : i1 to vector<16xi1>
      %reduce_sum3A_1334 = tpu.scan <sum>, %add3A_1327 masked %reduce_sum3A_1333 : vector<16xf32>, vector<16xi1> -> vector<16xf32>
      %reduce_sum3A_1335 = vector.extract %reduce_sum3A_1334[15] : f32 from vector<16xf32>
      %broadcast_in_dim3A_1336 = vector.broadcast %reduce_sum3A_1335 : f32 to vector<16xf32>
      %select_n3A_1337 = arith.select %eq3A_1331, %broadcast_in_dim3A_1336, %select_n3A : vector<16xi1>, vector<16xf32>
      %lt3A_1338 = arith.constant 63 : i32
      %lt3A_1339 = arith.cmpi slt, %scan3A_978, %lt3A_1338 : i32
      %convert_element_type3A_1340 = arith.extui %lt3A_1339 : i1 to i32
      %cond3A_1341 = arith.constant 0 : i32
      %cond3A_1342 = arith.cmpi ne, %convert_element_type3A_1340, %cond3A_1341 : i32
      scf.if %cond3A_1342 {
        %add3A_2466 = arith.constant 8 : i32
        %add3A_2467 = arith.addi %add3A_1160, %add3A_2466 : i32
        %get3A_2468 = arith.index_cast %add3A_2467 : i32 to index
        %get3A_2469 = tpu.vector_load %arg7[%get3A_2468] {strides = array<i32>} : memref<528xi32, #tpu.memory_space<vmem>>, vector<16xi32>,
        %slice3A_2470 = vector.extract_strided_slice %get3A_2469 {offsets = [0], sizes = [1], strides = [1]} : vector<16xi32> to vector<1xi32>
        %squeeze3A_2471 = vector.extract %slice3A_2470[0] : i32 from vector<1xi32>
        %shift_right_arithmetic3A_2472 = arith.constant 7 : i32
        %shift_right_arithmetic3A_2473 = arith.shrsi %squeeze3A_2471, %shift_right_arithmetic3A_2472 : i32
        %shift_left3A_2474 = arith.constant 7 : i32
        %shift_left3A_2475 = arith.shli %shift_right_arithmetic3A_2473, %shift_left3A_2474 : i32
        %multiple_of3A_2476 = tpu.assume_multiple %shift_left3A_2475, 128 : i32
        %get3A_2477 = arith.index_cast %add3A_2467 : i32 to index
        %get3A_2478 = tpu.vector_load %arg8[%get3A_2477] {strides = array<i32>} : memref<528xi32, #tpu.memory_space<vmem>>, vector<16xi32>,
        %slice3A_2479 = vector.extract_strided_slice %get3A_2478 {offsets = [0], sizes = [1], strides = [1]} : vector<16xi32> to vector<1xi32>
        %squeeze3A_2480 = vector.extract %slice3A_2479[0] : i32 from vector<1xi32>
        %shift_right_arithmetic3A_2481 = arith.constant 7 : i32
        %shift_right_arithmetic3A_2482 = arith.shrsi %squeeze3A_2480, %shift_right_arithmetic3A_2481 : i32
        %shift_left3A_2483 = arith.constant 7 : i32
        %shift_left3A_2484 = arith.shli %shift_right_arithmetic3A_2482, %shift_left3A_2483 : i32
        %multiple_of3A_2485 = tpu.assume_multiple %shift_left3A_2484, 128 : i32
        %dma_start3A_2486 = arith.constant 1 : i32
        %dma_start3A_2487 = arith.constant 0 : i32
        %dma_start3A_2488 = arith.constant 0 : i32
        %dma_start3A_2489 = tpu.memref_slice %arg9[%dma_start3A_2486, %dma_start3A_2487, %dma_start3A_2488] : memref<8x32x128xf32, #tpu.memory_space<vmem>> -> memref<1x8x128xf32, #tpu.memory_space<vmem>>
        %dma_start3A_2490 = tpu.memref_squeeze %dma_start3A_2489 : memref<1x8x128xf32, #tpu.memory_space<vmem>> -> memref<8x128xf32, #tpu.memory_space<vmem>>
        %dma_start3A_2491 = arith.constant 0 : i32
        %dma_start3A_2492 = tpu.memref_slice %arg4[%dma_start3A_2491, %multiple_of3A_2476] : memref<32x1000000xf32, #tpu.memory_space<hbm>> -> memref<8x128xf32, #tpu.memory_space<hbm>>
        %dma_start3A_2493 = arith.constant 0 : i32
        %dma_start3A_2494 = arith.constant 0 : i32
        %dma_start3A_2495 = tpu.memref_slice %arg9[%dma_start3A_2486, %dma_start3A_2493, %dma_start3A_2494] : memref<8x32x128xf32, #tpu.memory_space<vmem>> -> memref<1x8x128xf32, #tpu.memory_space<vmem>>
        %dma_start3A_2496 = tpu.memref_squeeze %dma_start3A_2495 : memref<1x8x128xf32, #tpu.memory_space<vmem>> -> memref<8x128xf32, #tpu.memory_space<vmem>>
        %dma_start3A_2497 = arith.constant 0 : i32
        %dma_start3A_2498 = tpu.memref_slice %arg4[%dma_start3A_2497, %multiple_of3A_2476] : memref<32x1000000xf32, #tpu.memory_space<hbm>> -> memref<8x128xf32, #tpu.memory_space<hbm>>
        tpu.enqueue_dma source(%dma_start3A_2498 : memref<8x128xf32, #tpu.memory_space<hbm>>) target(%dma_start3A_2496 : memref<8x128xf32, #tpu.memory_space<vmem>>) target_semaphore(%arg12 : memref<!tpu.dma_semaphore, #tpu.memory_space<semaphore_mem>>)
        %dma_start3A_2499 = arith.constant 1 : i32
        %dma_start3A_2500 = arith.constant 0 : i32
        %dma_start3A_2501 = arith.constant 0 : i32
        %dma_start3A_2502 = tpu.memref_slice %arg10[%dma_start3A_2499, %dma_start3A_2500, %dma_start3A_2501] : memref<8x32x128xf32, #tpu.memory_space<vmem>> -> memref<1x8x128xf32, #tpu.memory_space<vmem>>
        %dma_start3A_2503 = tpu.memref_squeeze %dma_start3A_2502 : memref<1x8x128xf32, #tpu.memory_space<vmem>> -> memref<8x128xf32, #tpu.memory_space<vmem>>
        %dma_start3A_2504 = arith.constant 0 : i32
        %dma_start3A_2505 = tpu.memref_slice %arg5[%dma_start3A_2504, %multiple_of3A_2485] : memref<32x1000000xf32, #tpu.memory_space<hbm>> -> memref<8x128xf32, #tpu.memory_space<hbm>>
        %dma_start3A_2506 = arith.constant 0 : i32
        %dma_start3A_2507 = arith.constant 0 : i32
        %dma_start3A_2508 = tpu.memref_slice %arg10[%dma_start3A_2499, %dma_start3A_2506, %dma_start3A_2507] : memref<8x32x128xf32, #tpu.memory_space<vmem>> -> memref<1x8x128xf32, #tpu.memory_space<vmem>>
        %dma_start3A_2509 = tpu.memref_squeeze %dma_start3A_2508 : memref<1x8x128xf32, #tpu.memory_space<vmem>> -> memref<8x128xf32, #tpu.memory_space<vmem>>
        %dma_start3A_2510 = arith.constant 0 : i32
        %dma_start3A_2511 = tpu.memref_slice %arg5[%dma_start3A_2510, %multiple_of3A_2485] : memref<32x1000000xf32, #tpu.memory_space<hbm>> -> memref<8x128xf32, #tpu.memory_space<hbm>>
        tpu.enqueue_dma source(%dma_start3A_2511 : memref<8x128xf32, #tpu.memory_space<hbm>>) target(%dma_start3A_2509 : memref<8x128xf32, #tpu.memory_space<vmem>>) target_semaphore(%arg13 : memref<!tpu.dma_semaphore, #tpu.memory_space<semaphore_mem>>)
        %dma_start3A_2512 = arith.constant 1 : i32
        %dma_start3A_2513 = arith.constant 8 : i32
        %dma_start3A_2514 = arith.constant 0 : i32
        %dma_start3A_2515 = tpu.memref_slice %arg9[%dma_start3A_2512, %dma_start3A_2513, %dma_start3A_2514] : memref<8x32x128xf32, #tpu.memory_space<vmem>> -> memref<1x8x128xf32, #tpu.memory_space<vmem>>
        %dma_start3A_2516 = tpu.memref_squeeze %dma_start3A_2515 : memref<1x8x128xf32, #tpu.memory_space<vmem>> -> memref<8x128xf32, #tpu.memory_space<vmem>>
        %dma_start3A_2517 = arith.constant 8 : i32
        %dma_start3A_2518 = tpu.memref_slice %arg4[%dma_start3A_2517, %multiple_of3A_2476] : memref<32x1000000xf32, #tpu.memory_space<hbm>> -> memref<8x128xf32, #tpu.memory_space<hbm>>
        %dma_start3A_2519 = arith.constant 8 : i32
        %dma_start3A_2520 = arith.constant 0 : i32
        %dma_start3A_2521 = tpu.memref_slice %arg9[%dma_start3A_2512, %dma_start3A_2519, %dma_start3A_2520] : memref<8x32x128xf32, #tpu.memory_space<vmem>> -> memref<1x8x128xf32, #tpu.memory_space<vmem>>
        %dma_start3A_2522 = tpu.memref_squeeze %dma_start3A_2521 : memref<1x8x128xf32, #tpu.memory_space<vmem>> -> memref<8x128xf32, #tpu.memory_space<vmem>>
        %dma_start3A_2523 = arith.constant 8 : i32
        %dma_start3A_2524 = tpu.memref_slice %arg4[%dma_start3A_2523, %multiple_of3A_2476] : memref<32x1000000xf32, #tpu.memory_space<hbm>> -> memref<8x128xf32, #tpu.memory_space<hbm>>
        tpu.enqueue_dma source(%dma_start3A_2524 : memref<8x128xf32, #tpu.memory_space<hbm>>) target(%dma_start3A_2522 : memref<8x128xf32, #tpu.memory_space<vmem>>) target_semaphore(%arg12 : memref<!tpu.dma_semaphore, #tpu.memory_space<semaphore_mem>>)
        %dma_start3A_2525 = arith.constant 1 : i32
        %dma_start3A_2526 = arith.constant 8 : i32
        %dma_start3A_2527 = arith.constant 0 : i32
        %dma_start3A_2528 = tpu.memref_slice %arg10[%dma_start3A_2525, %dma_start3A_2526, %dma_start3A_2527] : memref<8x32x128xf32, #tpu.memory_space<vmem>> -> memref<1x8x128xf32, #tpu.memory_space<vmem>>
        %dma_start3A_2529 = tpu.memref_squeeze %dma_start3A_2528 : memref<1x8x128xf32, #tpu.memory_space<vmem>> -> memref<8x128xf32, #tpu.memory_space<vmem>>
        %dma_start3A_2530 = arith.constant 8 : i32
        %dma_start3A_2531 = tpu.memref_slice %arg5[%dma_start3A_2530, %multiple_of3A_2485] : memref<32x1000000xf32, #tpu.memory_space<hbm>> -> memref<8x128xf32, #tpu.memory_space<hbm>>
        %dma_start3A_2532 = arith.constant 8 : i32
        %dma_start3A_2533 = arith.constant 0 : i32
        %dma_start3A_2534 = tpu.memref_slice %arg10[%dma_start3A_2525, %dma_start3A_2532, %dma_start3A_2533] : memref<8x32x128xf32, #tpu.memory_space<vmem>> -> memref<1x8x128xf32, #tpu.memory_space<vmem>>
        %dma_start3A_2535 = tpu.memref_squeeze %dma_start3A_2534 : memref<1x8x128xf32, #tpu.memory_space<vmem>> -> memref<8x128xf32, #tpu.memory_space<vmem>>
        %dma_start3A_2536 = arith.constant 8 : i32
        %dma_start3A_2537 = tpu.memref_slice %arg5[%dma_start3A_2536, %multiple_of3A_2485] : memref<32x1000000xf32, #tpu.memory_space<hbm>> -> memref<8x128xf32, #tpu.memory_space<hbm>>
        tpu.enqueue_dma source(%dma_start3A_2537 : memref<8x128xf32, #tpu.memory_space<hbm>>) target(%dma_start3A_2535 : memref<8x128xf32, #tpu.memory_space<vmem>>) target_semaphore(%arg13 : memref<!tpu.dma_semaphore, #tpu.memory_space<semaphore_mem>>)
        %dma_start3A_2538 = arith.constant 1 : i32
        %dma_start3A_2539 = arith.constant 16 : i32
        %dma_start3A_2540 = arith.constant 0 : i32
        %dma_start3A_2541 = tpu.memref_slice %arg9[%dma_start3A_2538, %dma_start3A_2539, %dma_start3A_2540] : memref<8x32x128xf32, #tpu.memory_space<vmem>> -> memref<1x8x128xf32, #tpu.memory_space<vmem>>
        %dma_start3A_2542 = tpu.memref_squeeze %dma_start3A_2541 : memref<1x8x128xf32, #tpu.memory_space<vmem>> -> memref<8x128xf32, #tpu.memory_space<vmem>>
        %dma_start3A_2543 = arith.constant 16 : i32
        %dma_start3A_2544 = tpu.memref_slice %arg4[%dma_start3A_2543, %multiple_of3A_2476] : memref<32x1000000xf32, #tpu.memory_space<hbm>> -> memref<8x128xf32, #tpu.memory_space<hbm>>
        %dma_start3A_2545 = arith.constant 16 : i32
        %dma_start3A_2546 = arith.constant 0 : i32
        %dma_start3A_2547 = tpu.memref_slice %arg9[%dma_start3A_2538, %dma_start3A_2545, %dma_start3A_2546] : memref<8x32x128xf32, #tpu.memory_space<vmem>> -> memref<1x8x128xf32, #tpu.memory_space<vmem>>
        %dma_start3A_2548 = tpu.memref_squeeze %dma_start3A_2547 : memref<1x8x128xf32, #tpu.memory_space<vmem>> -> memref<8x128xf32, #tpu.memory_space<vmem>>
        %dma_start3A_2549 = arith.constant 16 : i32
        %dma_start3A_2550 = tpu.memref_slice %arg4[%dma_start3A_2549, %multiple_of3A_2476] : memref<32x1000000xf32, #tpu.memory_space<hbm>> -> memref<8x128xf32, #tpu.memory_space<hbm>>
        tpu.enqueue_dma source(%dma_start3A_2550 : memref<8x128xf32, #tpu.memory_space<hbm>>) target(%dma_start3A_2548 : memref<8x128xf32, #tpu.memory_space<vmem>>) target_semaphore(%arg14 : memref<!tpu.dma_semaphore, #tpu.memory_space<semaphore_mem>>)
        %dma_start3A_2551 = arith.constant 1 : i32
        %dma_start3A_2552 = arith.constant 16 : i32
        %dma_start3A_2553 = arith.constant 0 : i32
        %dma_start3A_2554 = tpu.memref_slice %arg10[%dma_start3A_2551, %dma_start3A_2552, %dma_start3A_2553] : memref<8x32x128xf32, #tpu.memory_space<vmem>> -> memref<1x8x128xf32, #tpu.memory_space<vmem>>
        %dma_start3A_2555 = tpu.memref_squeeze %dma_start3A_2554 : memref<1x8x128xf32, #tpu.memory_space<vmem>> -> memref<8x128xf32, #tpu.memory_space<vmem>>
        %dma_start3A_2556 = arith.constant 16 : i32
        %dma_start3A_2557 = tpu.memref_slice %arg5[%dma_start3A_2556, %multiple_of3A_2485] : memref<32x1000000xf32, #tpu.memory_space<hbm>> -> memref<8x128xf32, #tpu.memory_space<hbm>>
        %dma_start3A_2558 = arith.constant 16 : i32
        %dma_start3A_2559 = arith.constant 0 : i32
        %dma_start3A_2560 = tpu.memref_slice %arg10[%dma_start3A_2551, %dma_start3A_2558, %dma_start3A_2559] : memref<8x32x128xf32, #tpu.memory_space<vmem>> -> memref<1x8x128xf32, #tpu.memory_space<vmem>>
        %dma_start3A_2561 = tpu.memref_squeeze %dma_start3A_2560 : memref<1x8x128xf32, #tpu.memory_space<vmem>> -> memref<8x128xf32, #tpu.memory_space<vmem>>
        %dma_start3A_2562 = arith.constant 16 : i32
        %dma_start3A_2563 = tpu.memref_slice %arg5[%dma_start3A_2562, %multiple_of3A_2485] : memref<32x1000000xf32, #tpu.memory_space<hbm>> -> memref<8x128xf32, #tpu.memory_space<hbm>>
        tpu.enqueue_dma source(%dma_start3A_2563 : memref<8x128xf32, #tpu.memory_space<hbm>>) target(%dma_start3A_2561 : memref<8x128xf32, #tpu.memory_space<vmem>>) target_semaphore(%arg15 : memref<!tpu.dma_semaphore, #tpu.memory_space<semaphore_mem>>)
        %dma_start3A_2564 = arith.constant 1 : i32
        %dma_start3A_2565 = arith.constant 24 : i32
        %dma_start3A_2566 = arith.constant 0 : i32
        %dma_start3A_2567 = tpu.memref_slice %arg9[%dma_start3A_2564, %dma_start3A_2565, %dma_start3A_2566] : memref<8x32x128xf32, #tpu.memory_space<vmem>> -> memref<1x8x128xf32, #tpu.memory_space<vmem>>
        %dma_start3A_2568 = tpu.memref_squeeze %dma_start3A_2567 : memref<1x8x128xf32, #tpu.memory_space<vmem>> -> memref<8x128xf32, #tpu.memory_space<vmem>>
        %dma_start3A_2569 = arith.constant 24 : i32
        %dma_start3A_2570 = tpu.memref_slice %arg4[%dma_start3A_2569, %multiple_of3A_2476] : memref<32x1000000xf32, #tpu.memory_space<hbm>> -> memref<8x128xf32, #tpu.memory_space<hbm>>
        %dma_start3A_2571 = arith.constant 24 : i32
        %dma_start3A_2572 = arith.constant 0 : i32
        %dma_start3A_2573 = tpu.memref_slice %arg9[%dma_start3A_2564, %dma_start3A_2571, %dma_start3A_2572] : memref<8x32x128xf32, #tpu.memory_space<vmem>> -> memref<1x8x128xf32, #tpu.memory_space<vmem>>
        %dma_start3A_2574 = tpu.memref_squeeze %dma_start3A_2573 : memref<1x8x128xf32, #tpu.memory_space<vmem>> -> memref<8x128xf32, #tpu.memory_space<vmem>>
        %dma_start3A_2575 = arith.constant 24 : i32
        %dma_start3A_2576 = tpu.memref_slice %arg4[%dma_start3A_2575, %multiple_of3A_2476] : memref<32x1000000xf32, #tpu.memory_space<hbm>> -> memref<8x128xf32, #tpu.memory_space<hbm>>
        tpu.enqueue_dma source(%dma_start3A_2576 : memref<8x128xf32, #tpu.memory_space<hbm>>) target(%dma_start3A_2574 : memref<8x128xf32, #tpu.memory_space<vmem>>) target_semaphore(%arg14 : memref<!tpu.dma_semaphore, #tpu.memory_space<semaphore_mem>>)
        %dma_start3A_2577 = arith.constant 1 : i32
        %dma_start3A_2578 = arith.constant 24 : i32
        %dma_start3A_2579 = arith.constant 0 : i32
        %dma_start3A_2580 = tpu.memref_slice %arg10[%dma_start3A_2577, %dma_start3A_2578, %dma_start3A_2579] : memref<8x32x128xf32, #tpu.memory_space<vmem>> -> memref<1x8x128xf32, #tpu.memory_space<vmem>>
        %dma_start3A_2581 = tpu.memref_squeeze %dma_start3A_2580 : memref<1x8x128xf32, #tpu.memory_space<vmem>> -> memref<8x128xf32, #tpu.memory_space<vmem>>
        %dma_start3A_2582 = arith.constant 24 : i32
        %dma_start3A_2583 = tpu.memref_slice %arg5[%dma_start3A_2582, %multiple_of3A_2485] : memref<32x1000000xf32, #tpu.memory_space<hbm>> -> memref<8x128xf32, #tpu.memory_space<hbm>>
        %dma_start3A_2584 = arith.constant 24 : i32
        %dma_start3A_2585 = arith.constant 0 : i32
        %dma_start3A_2586 = tpu.memref_slice %arg10[%dma_start3A_2577, %dma_start3A_2584, %dma_start3A_2585] : memref<8x32x128xf32, #tpu.memory_space<vmem>> -> memref<1x8x128xf32, #tpu.memory_space<vmem>>
        %dma_start3A_2587 = tpu.memref_squeeze %dma_start3A_2586 : memref<1x8x128xf32, #tpu.memory_space<vmem>> -> memref<8x128xf32, #tpu.memory_space<vmem>>
        %dma_start3A_2588 = arith.constant 24 : i32
        %dma_start3A_2589 = tpu.memref_slice %arg5[%dma_start3A_2588, %multiple_of3A_2485] : memref<32x1000000xf32, #tpu.memory_space<hbm>> -> memref<8x128xf32, #tpu.memory_space<hbm>>
        tpu.enqueue_dma source(%dma_start3A_2589 : memref<8x128xf32, #tpu.memory_space<hbm>>) target(%dma_start3A_2587 : memref<8x128xf32, #tpu.memory_space<vmem>>) target_semaphore(%arg15 : memref<!tpu.dma_semaphore, #tpu.memory_space<semaphore_mem>>)
      } else {
      }
      %mul3A_1343 = arith.constant 8 : i32
      %mul3A_1344 = arith.muli %scan3A_978, %mul3A_1343 : i32
      %add3A_1345 = arith.constant 2 : i32
      %add3A_1346 = arith.addi %mul3A_1344, %add3A_1345 : i32
      %dma_wait3A_1347 = arith.constant 2 : i32
      %dma_wait3A_1348 = arith.constant 0 : i32
      %dma_wait3A_1349 = arith.constant 0 : i32
      %dma_wait3A_1350 = tpu.memref_slice %arg9[%dma_wait3A_1347, %dma_wait3A_1348, %dma_wait3A_1349] : memref<8x32x128xf32, #tpu.memory_space<vmem>> -> memref<1x8x128xf32, #tpu.memory_space<vmem>>
      %dma_wait3A_1351 = tpu.memref_squeeze %dma_wait3A_1350 : memref<1x8x128xf32, #tpu.memory_space<vmem>> -> memref<8x128xf32, #tpu.memory_space<vmem>>
      %dma_wait3A_1352 = arith.constant 0 : i32
      %dma_wait3A_1353 = arith.constant 0 : i32
      %dma_wait3A_1354 = tpu.memref_slice %arg4[%dma_wait3A_1352, %dma_wait3A_1353] : memref<32x1000000xf32, #tpu.memory_space<hbm>> -> memref<8x128xf32, #tpu.memory_space<hbm>>
      %dma_wait3A_1355 = arith.constant 0 : i32
      %dma_wait3A_1356 = arith.constant 0 : i32
      %dma_wait3A_1357 = tpu.memref_slice %arg9[%dma_wait3A_1347, %dma_wait3A_1355, %dma_wait3A_1356] : memref<8x32x128xf32, #tpu.memory_space<vmem>> -> memref<1x8x128xf32, #tpu.memory_space<vmem>>
      %dma_wait3A_1358 = tpu.memref_squeeze %dma_wait3A_1357 : memref<1x8x128xf32, #tpu.memory_space<vmem>> -> memref<8x128xf32, #tpu.memory_space<vmem>>
      %dma_wait3A_1359 = arith.constant 0 : i32
      %dma_wait3A_1360 = arith.constant 0 : i32
      %dma_wait3A_1361 = tpu.memref_slice %arg4[%dma_wait3A_1359, %dma_wait3A_1360] : memref<32x1000000xf32, #tpu.memory_space<hbm>> -> memref<8x128xf32, #tpu.memory_space<hbm>>
      tpu.wait_dma2 semaphore(%arg12 : memref<!tpu.dma_semaphore, #tpu.memory_space<semaphore_mem>>) src(%dma_wait3A_1361 : memref<8x128xf32, #tpu.memory_space<hbm>>) dst(%dma_wait3A_1358 : memref<8x128xf32, #tpu.memory_space<vmem>>)
      %dma_wait3A_1362 = arith.constant 2 : i32
      %dma_wait3A_1363 = arith.constant 0 : i32
      %dma_wait3A_1364 = arith.constant 0 : i32
      %dma_wait3A_1365 = tpu.memref_slice %arg10[%dma_wait3A_1362, %dma_wait3A_1363, %dma_wait3A_1364] : memref<8x32x128xf32, #tpu.memory_space<vmem>> -> memref<1x8x128xf32, #tpu.memory_space<vmem>>
      %dma_wait3A_1366 = tpu.memref_squeeze %dma_wait3A_1365 : memref<1x8x128xf32, #tpu.memory_space<vmem>> -> memref<8x128xf32, #tpu.memory_space<vmem>>
      %dma_wait3A_1367 = arith.constant 0 : i32
      %dma_wait3A_1368 = arith.constant 0 : i32
      %dma_wait3A_1369 = tpu.memref_slice %arg5[%dma_wait3A_1367, %dma_wait3A_1368] : memref<32x1000000xf32, #tpu.memory_space<hbm>> -> memref<8x128xf32, #tpu.memory_space<hbm>>
      %dma_wait3A_1370 = arith.constant 0 : i32
      %dma_wait3A_1371 = arith.constant 0 : i32
      %dma_wait3A_1372 = tpu.memref_slice %arg10[%dma_wait3A_1362, %dma_wait3A_1370, %dma_wait3A_1371] : memref<8x32x128xf32, #tpu.memory_space<vmem>> -> memref<1x8x128xf32, #tpu.memory_space<vmem>>
      %dma_wait3A_1373 = tpu.memref_squeeze %dma_wait3A_1372 : memref<1x8x128xf32, #tpu.memory_space<vmem>> -> memref<8x128xf32, #tpu.memory_space<vmem>>
      %dma_wait3A_1374 = arith.constant 0 : i32
      %dma_wait3A_1375 = arith.constant 0 : i32
      %dma_wait3A_1376 = tpu.memref_slice %arg5[%dma_wait3A_1374, %dma_wait3A_1375] : memref<32x1000000xf32, #tpu.memory_space<hbm>> -> memref<8x128xf32, #tpu.memory_space<hbm>>
      tpu.wait_dma2 semaphore(%arg13 : memref<!tpu.dma_semaphore, #tpu.memory_space<semaphore_mem>>) src(%dma_wait3A_1376 : memref<8x128xf32, #tpu.memory_space<hbm>>) dst(%dma_wait3A_1373 : memref<8x128xf32, #tpu.memory_space<vmem>>)
      %dma_wait3A_1377 = arith.constant 2 : i32
      %dma_wait3A_1378 = arith.constant 8 : i32
      %dma_wait3A_1379 = arith.constant 0 : i32
      %dma_wait3A_1380 = tpu.memref_slice %arg9[%dma_wait3A_1377, %dma_wait3A_1378, %dma_wait3A_1379] : memref<8x32x128xf32, #tpu.memory_space<vmem>> -> memref<1x8x128xf32, #tpu.memory_space<vmem>>
      %dma_wait3A_1381 = tpu.memref_squeeze %dma_wait3A_1380 : memref<1x8x128xf32, #tpu.memory_space<vmem>> -> memref<8x128xf32, #tpu.memory_space<vmem>>
      %dma_wait3A_1382 = arith.constant 8 : i32
      %dma_wait3A_1383 = arith.constant 0 : i32
      %dma_wait3A_1384 = tpu.memref_slice %arg4[%dma_wait3A_1382, %dma_wait3A_1383] : memref<32x1000000xf32, #tpu.memory_space<hbm>> -> memref<8x128xf32, #tpu.memory_space<hbm>>
      %dma_wait3A_1385 = arith.constant 8 : i32
      %dma_wait3A_1386 = arith.constant 0 : i32
      %dma_wait3A_1387 = tpu.memref_slice %arg9[%dma_wait3A_1377, %dma_wait3A_1385, %dma_wait3A_1386] : memref<8x32x128xf32, #tpu.memory_space<vmem>> -> memref<1x8x128xf32, #tpu.memory_space<vmem>>
      %dma_wait3A_1388 = tpu.memref_squeeze %dma_wait3A_1387 : memref<1x8x128xf32, #tpu.memory_space<vmem>> -> memref<8x128xf32, #tpu.memory_space<vmem>>
      %dma_wait3A_1389 = arith.constant 8 : i32
      %dma_wait3A_1390 = arith.constant 0 : i32
      %dma_wait3A_1391 = tpu.memref_slice %arg4[%dma_wait3A_1389, %dma_wait3A_1390] : memref<32x1000000xf32, #tpu.memory_space<hbm>> -> memref<8x128xf32, #tpu.memory_space<hbm>>
      tpu.wait_dma2 semaphore(%arg12 : memref<!tpu.dma_semaphore, #tpu.memory_space<semaphore_mem>>) src(%dma_wait3A_1391 : memref<8x128xf32, #tpu.memory_space<hbm>>) dst(%dma_wait3A_1388 : memref<8x128xf32, #tpu.memory_space<vmem>>)
      %dma_wait3A_1392 = arith.constant 2 : i32
      %dma_wait3A_1393 = arith.constant 8 : i32
      %dma_wait3A_1394 = arith.constant 0 : i32
      %dma_wait3A_1395 = tpu.memref_slice %arg10[%dma_wait3A_1392, %dma_wait3A_1393, %dma_wait3A_1394] : memref<8x32x128xf32, #tpu.memory_space<vmem>> -> memref<1x8x128xf32, #tpu.memory_space<vmem>>
      %dma_wait3A_1396 = tpu.memref_squeeze %dma_wait3A_1395 : memref<1x8x128xf32, #tpu.memory_space<vmem>> -> memref<8x128xf32, #tpu.memory_space<vmem>>
      %dma_wait3A_1397 = arith.constant 8 : i32
      %dma_wait3A_1398 = arith.constant 0 : i32
      %dma_wait3A_1399 = tpu.memref_slice %arg5[%dma_wait3A_1397, %dma_wait3A_1398] : memref<32x1000000xf32, #tpu.memory_space<hbm>> -> memref<8x128xf32, #tpu.memory_space<hbm>>
      %dma_wait3A_1400 = arith.constant 8 : i32
      %dma_wait3A_1401 = arith.constant 0 : i32
      %dma_wait3A_1402 = tpu.memref_slice %arg10[%dma_wait3A_1392, %dma_wait3A_1400, %dma_wait3A_1401] : memref<8x32x128xf32, #tpu.memory_space<vmem>> -> memref<1x8x128xf32, #tpu.memory_space<vmem>>
      %dma_wait3A_1403 = tpu.memref_squeeze %dma_wait3A_1402 : memref<1x8x128xf32, #tpu.memory_space<vmem>> -> memref<8x128xf32, #tpu.memory_space<vmem>>
      %dma_wait3A_1404 = arith.constant 8 : i32
      %dma_wait3A_1405 = arith.constant 0 : i32
      %dma_wait3A_1406 = tpu.memref_slice %arg5[%dma_wait3A_1404, %dma_wait3A_1405] : memref<32x1000000xf32, #tpu.memory_space<hbm>> -> memref<8x128xf32, #tpu.memory_space<hbm>>
      tpu.wait_dma2 semaphore(%arg13 : memref<!tpu.dma_semaphore, #tpu.memory_space<semaphore_mem>>) src(%dma_wait3A_1406 : memref<8x128xf32, #tpu.memory_space<hbm>>) dst(%dma_wait3A_1403 : memref<8x128xf32, #tpu.memory_space<vmem>>)
      %dma_wait3A_1407 = arith.constant 2 : i32
      %dma_wait3A_1408 = arith.constant 16 : i32
      %dma_wait3A_1409 = arith.constant 0 : i32
      %dma_wait3A_1410 = tpu.memref_slice %arg9[%dma_wait3A_1407, %dma_wait3A_1408, %dma_wait3A_1409] : memref<8x32x128xf32, #tpu.memory_space<vmem>> -> memref<1x8x128xf32, #tpu.memory_space<vmem>>
      %dma_wait3A_1411 = tpu.memref_squeeze %dma_wait3A_1410 : memref<1x8x128xf32, #tpu.memory_space<vmem>> -> memref<8x128xf32, #tpu.memory_space<vmem>>
      %dma_wait3A_1412 = arith.constant 16 : i32
      %dma_wait3A_1413 = arith.constant 0 : i32
      %dma_wait3A_1414 = tpu.memref_slice %arg4[%dma_wait3A_1412, %dma_wait3A_1413] : memref<32x1000000xf32, #tpu.memory_space<hbm>> -> memref<8x128xf32, #tpu.memory_space<hbm>>
      %dma_wait3A_1415 = arith.constant 16 : i32
      %dma_wait3A_1416 = arith.constant 0 : i32
      %dma_wait3A_1417 = tpu.memref_slice %arg9[%dma_wait3A_1407, %dma_wait3A_1415, %dma_wait3A_1416] : memref<8x32x128xf32, #tpu.memory_space<vmem>> -> memref<1x8x128xf32, #tpu.memory_space<vmem>>
      %dma_wait3A_1418 = tpu.memref_squeeze %dma_wait3A_1417 : memref<1x8x128xf32, #tpu.memory_space<vmem>> -> memref<8x128xf32, #tpu.memory_space<vmem>>
      %dma_wait3A_1419 = arith.constant 16 : i32
      %dma_wait3A_1420 = arith.constant 0 : i32
      %dma_wait3A_1421 = tpu.memref_slice %arg4[%dma_wait3A_1419, %dma_wait3A_1420] : memref<32x1000000xf32, #tpu.memory_space<hbm>> -> memref<8x128xf32, #tpu.memory_space<hbm>>
      tpu.wait_dma2 semaphore(%arg14 : memref<!tpu.dma_semaphore, #tpu.memory_space<semaphore_mem>>) src(%dma_wait3A_1421 : memref<8x128xf32, #tpu.memory_space<hbm>>) dst(%dma_wait3A_1418 : memref<8x128xf32, #tpu.memory_space<vmem>>)
      %dma_wait3A_1422 = arith.constant 2 : i32
      %dma_wait3A_1423 = arith.constant 16 : i32
      %dma_wait3A_1424 = arith.constant 0 : i32
      %dma_wait3A_1425 = tpu.memref_slice %arg10[%dma_wait3A_1422, %dma_wait3A_1423, %dma_wait3A_1424] : memref<8x32x128xf32, #tpu.memory_space<vmem>> -> memref<1x8x128xf32, #tpu.memory_space<vmem>>
      %dma_wait3A_1426 = tpu.memref_squeeze %dma_wait3A_1425 : memref<1x8x128xf32, #tpu.memory_space<vmem>> -> memref<8x128xf32, #tpu.memory_space<vmem>>
      %dma_wait3A_1427 = arith.constant 16 : i32
      %dma_wait3A_1428 = arith.constant 0 : i32
      %dma_wait3A_1429 = tpu.memref_slice %arg5[%dma_wait3A_1427, %dma_wait3A_1428] : memref<32x1000000xf32, #tpu.memory_space<hbm>> -> memref<8x128xf32, #tpu.memory_space<hbm>>
      %dma_wait3A_1430 = arith.constant 16 : i32
      %dma_wait3A_1431 = arith.constant 0 : i32
      %dma_wait3A_1432 = tpu.memref_slice %arg10[%dma_wait3A_1422, %dma_wait3A_1430, %dma_wait3A_1431] : memref<8x32x128xf32, #tpu.memory_space<vmem>> -> memref<1x8x128xf32, #tpu.memory_space<vmem>>
      %dma_wait3A_1433 = tpu.memref_squeeze %dma_wait3A_1432 : memref<1x8x128xf32, #tpu.memory_space<vmem>> -> memref<8x128xf32, #tpu.memory_space<vmem>>
      %dma_wait3A_1434 = arith.constant 16 : i32
      %dma_wait3A_1435 = arith.constant 0 : i32
      %dma_wait3A_1436 = tpu.memref_slice %arg5[%dma_wait3A_1434, %dma_wait3A_1435] : memref<32x1000000xf32, #tpu.memory_space<hbm>> -> memref<8x128xf32, #tpu.memory_space<hbm>>
      tpu.wait_dma2 semaphore(%arg15 : memref<!tpu.dma_semaphore, #tpu.memory_space<semaphore_mem>>) src(%dma_wait3A_1436 : memref<8x128xf32, #tpu.memory_space<hbm>>) dst(%dma_wait3A_1433 : memref<8x128xf32, #tpu.memory_space<vmem>>)
      %dma_wait3A_1437 = arith.constant 2 : i32
      %dma_wait3A_1438 = arith.constant 24 : i32
      %dma_wait3A_1439 = arith.constant 0 : i32
      %dma_wait3A_1440 = tpu.memref_slice %arg9[%dma_wait3A_1437, %dma_wait3A_1438, %dma_wait3A_1439] : memref<8x32x128xf32, #tpu.memory_space<vmem>> -> memref<1x8x128xf32, #tpu.memory_space<vmem>>
      %dma_wait3A_1441 = tpu.memref_squeeze %dma_wait3A_1440 : memref<1x8x128xf32, #tpu.memory_space<vmem>> -> memref<8x128xf32, #tpu.memory_space<vmem>>
      %dma_wait3A_1442 = arith.constant 24 : i32
      %dma_wait3A_1443 = arith.constant 0 : i32
      %dma_wait3A_1444 = tpu.memref_slice %arg4[%dma_wait3A_1442, %dma_wait3A_1443] : memref<32x1000000xf32, #tpu.memory_space<hbm>> -> memref<8x128xf32, #tpu.memory_space<hbm>>
      %dma_wait3A_1445 = arith.constant 24 : i32
      %dma_wait3A_1446 = arith.constant 0 : i32
      %dma_wait3A_1447 = tpu.memref_slice %arg9[%dma_wait3A_1437, %dma_wait3A_1445, %dma_wait3A_1446] : memref<8x32x128xf32, #tpu.memory_space<vmem>> -> memref<1x8x128xf32, #tpu.memory_space<vmem>>
      %dma_wait3A_1448 = tpu.memref_squeeze %dma_wait3A_1447 : memref<1x8x128xf32, #tpu.memory_space<vmem>> -> memref<8x128xf32, #tpu.memory_space<vmem>>
      %dma_wait3A_1449 = arith.constant 24 : i32
      %dma_wait3A_1450 = arith.constant 0 : i32
      %dma_wait3A_1451 = tpu.memref_slice %arg4[%dma_wait3A_1449, %dma_wait3A_1450] : memref<32x1000000xf32, #tpu.memory_space<hbm>> -> memref<8x128xf32, #tpu.memory_space<hbm>>
      tpu.wait_dma2 semaphore(%arg14 : memref<!tpu.dma_semaphore, #tpu.memory_space<semaphore_mem>>) src(%dma_wait3A_1451 : memref<8x128xf32, #tpu.memory_space<hbm>>) dst(%dma_wait3A_1448 : memref<8x128xf32, #tpu.memory_space<vmem>>)
      %dma_wait3A_1452 = arith.constant 2 : i32
      %dma_wait3A_1453 = arith.constant 24 : i32
      %dma_wait3A_1454 = arith.constant 0 : i32
      %dma_wait3A_1455 = tpu.memref_slice %arg10[%dma_wait3A_1452, %dma_wait3A_1453, %dma_wait3A_1454] : memref<8x32x128xf32, #tpu.memory_space<vmem>> -> memref<1x8x128xf32, #tpu.memory_space<vmem>>
      %dma_wait3A_1456 = tpu.memref_squeeze %dma_wait3A_1455 : memref<1x8x128xf32, #tpu.memory_space<vmem>> -> memref<8x128xf32, #tpu.memory_space<vmem>>
      %dma_wait3A_1457 = arith.constant 24 : i32
      %dma_wait3A_1458 = arith.constant 0 : i32
      %dma_wait3A_1459 = tpu.memref_slice %arg5[%dma_wait3A_1457, %dma_wait3A_1458] : memref<32x1000000xf32, #tpu.memory_space<hbm>> -> memref<8x128xf32, #tpu.memory_space<hbm>>
      %dma_wait3A_1460 = arith.constant 24 : i32
      %dma_wait3A_1461 = arith.constant 0 : i32
      %dma_wait3A_1462 = tpu.memref_slice %arg10[%dma_wait3A_1452, %dma_wait3A_1460, %dma_wait3A_1461] : memref<8x32x128xf32, #tpu.memory_space<vmem>> -> memref<1x8x128xf32, #tpu.memory_space<vmem>>
      %dma_wait3A_1463 = tpu.memref_squeeze %dma_wait3A_1462 : memref<1x8x128xf32, #tpu.memory_space<vmem>> -> memref<8x128xf32, #tpu.memory_space<vmem>>
      %dma_wait3A_1464 = arith.constant 24 : i32
      %dma_wait3A_1465 = arith.constant 0 : i32
      %dma_wait3A_1466 = tpu.memref_slice %arg5[%dma_wait3A_1464, %dma_wait3A_1465] : memref<32x1000000xf32, #tpu.memory_space<hbm>> -> memref<8x128xf32, #tpu.memory_space<hbm>>
      tpu.wait_dma2 semaphore(%arg15 : memref<!tpu.dma_semaphore, #tpu.memory_space<semaphore_mem>>) src(%dma_wait3A_1466 : memref<8x128xf32, #tpu.memory_space<hbm>>) dst(%dma_wait3A_1463 : memref<8x128xf32, #tpu.memory_space<vmem>>)
      %get3A_1467 = arith.index_cast %add3A_1346 : i32 to index
      %get3A_1468 = tpu.vector_load %arg7[%get3A_1467] {strides = array<i32>} : memref<528xi32, #tpu.memory_space<vmem>>, vector<16xi32>,
      %slice3A_1469 = vector.extract_strided_slice %get3A_1468 {offsets = [0], sizes = [1], strides = [1]} : vector<16xi32> to vector<1xi32>
      %squeeze3A_1470 = vector.extract %slice3A_1469[0] : i32 from vector<1xi32>
      %get3A_1471 = arith.index_cast %add3A_1346 : i32 to index
      %get3A_1472 = tpu.vector_load %arg8[%get3A_1471] {strides = array<i32>} : memref<528xi32, #tpu.memory_space<vmem>>, vector<16xi32>,
      %slice3A_1473 = vector.extract_strided_slice %get3A_1472 {offsets = [0], sizes = [1], strides = [1]} : vector<16xi32> to vector<1xi32>
      %squeeze3A_1474 = vector.extract %slice3A_1473[0] : i32 from vector<1xi32>
      %and3A_1475 = arith.constant 127 : i32
      %and3A_1476 = arith.andi %squeeze3A_1470, %and3A_1475 : i32
      %broadcast_in_dim3A_1477 = vector.broadcast %and3A_1476 : i32 to vector<16xi32>
      %and3A_1478 = arith.constant 127 : i32
      %and3A_1479 = arith.andi %squeeze3A_1474, %and3A_1478 : i32
      %broadcast_in_dim3A_1480 = vector.broadcast %and3A_1479 : i32 to vector<16xi32>
      %gather3A_1481 = arith.constant 2 : i32
      %gather3A_1482 = arith.constant 0 : i32
      %gather3A_1483 = arith.constant 0 : i32
      %gather3A_1484 = tpu.memref_slice %arg9[%gather3A_1481, %gather3A_1482, %gather3A_1483] : memref<8x32x128xf32, #tpu.memory_space<vmem>> -> memref<1x32x128xf32, #tpu.memory_space<vmem>>
      %gather3A_1485 = tpu.memref_squeeze %gather3A_1484 : memref<1x32x128xf32, #tpu.memory_space<vmem>> -> memref<32x128xf32, #tpu.memory_space<vmem>>
      %gather3A_1486 = tpu.vector_load_idx %gather3A_1485[%iota3A, %broadcast_in_dim3A_1477] : memref<32x128xf32, #tpu.memory_space<vmem>>[vector<16xi32>, vector<16xi32>], vector<16xf32>,
      %add3A_1487 = arith.constant 16 : i32
      %add3A_1488 = vector.broadcast %add3A_1487 : i32 to vector<16xi32>
      %add3A_1489 = arith.addi %iota3A, %add3A_1488 : vector<16xi32>
      %gather3A_1490 = arith.constant 2 : i32
      %gather3A_1491 = arith.constant 0 : i32
      %gather3A_1492 = arith.constant 0 : i32
      %gather3A_1493 = tpu.memref_slice %arg9[%gather3A_1490, %gather3A_1491, %gather3A_1492] : memref<8x32x128xf32, #tpu.memory_space<vmem>> -> memref<1x32x128xf32, #tpu.memory_space<vmem>>
      %gather3A_1494 = tpu.memref_squeeze %gather3A_1493 : memref<1x32x128xf32, #tpu.memory_space<vmem>> -> memref<32x128xf32, #tpu.memory_space<vmem>>
      %gather3A_1495 = tpu.vector_load_idx %gather3A_1494[%add3A_1489, %broadcast_in_dim3A_1477] : memref<32x128xf32, #tpu.memory_space<vmem>>[vector<16xi32>, vector<16xi32>], vector<16xf32>,
      %gather3A_1496 = arith.constant 2 : i32
      %gather3A_1497 = arith.constant 0 : i32
      %gather3A_1498 = arith.constant 0 : i32
      %gather3A_1499 = tpu.memref_slice %arg10[%gather3A_1496, %gather3A_1497, %gather3A_1498] : memref<8x32x128xf32, #tpu.memory_space<vmem>> -> memref<1x32x128xf32, #tpu.memory_space<vmem>>
      %gather3A_1500 = tpu.memref_squeeze %gather3A_1499 : memref<1x32x128xf32, #tpu.memory_space<vmem>> -> memref<32x128xf32, #tpu.memory_space<vmem>>
      %gather3A_1501 = tpu.vector_load_idx %gather3A_1500[%iota3A, %broadcast_in_dim3A_1480] : memref<32x128xf32, #tpu.memory_space<vmem>>[vector<16xi32>, vector<16xi32>], vector<16xf32>,
      %add3A_1502 = arith.constant 16 : i32
      %add3A_1503 = vector.broadcast %add3A_1502 : i32 to vector<16xi32>
      %add3A_1504 = arith.addi %iota3A, %add3A_1503 : vector<16xi32>
      %gather3A_1505 = arith.constant 2 : i32
      %gather3A_1506 = arith.constant 0 : i32
      %gather3A_1507 = arith.constant 0 : i32
      %gather3A_1508 = tpu.memref_slice %arg10[%gather3A_1505, %gather3A_1506, %gather3A_1507] : memref<8x32x128xf32, #tpu.memory_space<vmem>> -> memref<1x32x128xf32, #tpu.memory_space<vmem>>
      %gather3A_1509 = tpu.memref_squeeze %gather3A_1508 : memref<1x32x128xf32, #tpu.memory_space<vmem>> -> memref<32x128xf32, #tpu.memory_space<vmem>>
      %gather3A_1510 = tpu.vector_load_idx %gather3A_1509[%add3A_1504, %broadcast_in_dim3A_1480] : memref<32x128xf32, #tpu.memory_space<vmem>>[vector<16xi32>, vector<16xi32>], vector<16xf32>,
      %mul3A_1511 = arith.mulf %gather3A_1486, %gather3A_1501 : vector<16xf32>
      %mul3A_1512 = arith.mulf %gather3A_1495, %gather3A_1510 : vector<16xf32>
      %add3A_1513 = arith.addf %mul3A_1511, %mul3A_1512 : vector<16xf32>
      %and3A_1514 = arith.constant 15 : i32
      %and3A_1515 = arith.andi %add3A_1346, %and3A_1514 : i32
      %eq3A_1516 = vector.broadcast %and3A_1515 : i32 to vector<16xi32>
      %eq3A_1517 = arith.cmpi eq, %iota3A, %eq3A_1516 : vector<16xi32>
      %reduce_sum3A_1518 = arith.constant true
      %reduce_sum3A_1519 = vector.broadcast %reduce_sum3A_1518 : i1 to vector<16xi1>
      %reduce_sum3A_1520 = tpu.scan <sum>, %add3A_1513 masked %reduce_sum3A_1519 : vector<16xf32>, vector<16xi1> -> vector<16xf32>
      %reduce_sum3A_1521 = vector.extract %reduce_sum3A_1520[15] : f32 from vector<16xf32>
      %broadcast_in_dim3A_1522 = vector.broadcast %reduce_sum3A_1521 : f32 to vector<16xf32>
      %select_n3A_1523 = arith.select %eq3A_1517, %broadcast_in_dim3A_1522, %select_n3A_1337 : vector<16xi1>, vector<16xf32>
      %lt3A_1524 = arith.constant 63 : i32
      %lt3A_1525 = arith.cmpi slt, %scan3A_978, %lt3A_1524 : i32
      %convert_element_type3A_1526 = arith.extui %lt3A_1525 : i1 to i32
      %cond3A_1527 = arith.constant 0 : i32
      %cond3A_1528 = arith.cmpi ne, %convert_element_type3A_1526, %cond3A_1527 : i32
      scf.if %cond3A_1528 {
        %add3A_2466 = arith.constant 8 : i32
        %add3A_2467 = arith.addi %add3A_1346, %add3A_2466 : i32
        %get3A_2468 = arith.index_cast %add3A_2467 : i32 to index
        %get3A_2469 = tpu.vector_load %arg7[%get3A_2468] {strides = array<i32>} : memref<528xi32, #tpu.memory_space<vmem>>, vector<16xi32>,
        %slice3A_2470 = vector.extract_strided_slice %get3A_2469 {offsets = [0], sizes = [1], strides = [1]} : vector<16xi32> to vector<1xi32>
        %squeeze3A_2471 = vector.extract %slice3A_2470[0] : i32 from vector<1xi32>
        %shift_right_arithmetic3A_2472 = arith.constant 7 : i32
        %shift_right_arithmetic3A_2473 = arith.shrsi %squeeze3A_2471, %shift_right_arithmetic3A_2472 : i32
        %shift_left3A_2474 = arith.constant 7 : i32
        %shift_left3A_2475 = arith.shli %shift_right_arithmetic3A_2473, %shift_left3A_2474 : i32
        %multiple_of3A_2476 = tpu.assume_multiple %shift_left3A_2475, 128 : i32
        %get3A_2477 = arith.index_cast %add3A_2467 : i32 to index
        %get3A_2478 = tpu.vector_load %arg8[%get3A_2477] {strides = array<i32>} : memref<528xi32, #tpu.memory_space<vmem>>, vector<16xi32>,
        %slice3A_2479 = vector.extract_strided_slice %get3A_2478 {offsets = [0], sizes = [1], strides = [1]} : vector<16xi32> to vector<1xi32>
        %squeeze3A_2480 = vector.extract %slice3A_2479[0] : i32 from vector<1xi32>
        %shift_right_arithmetic3A_2481 = arith.constant 7 : i32
        %shift_right_arithmetic3A_2482 = arith.shrsi %squeeze3A_2480, %shift_right_arithmetic3A_2481 : i32
        %shift_left3A_2483 = arith.constant 7 : i32
        %shift_left3A_2484 = arith.shli %shift_right_arithmetic3A_2482, %shift_left3A_2483 : i32
        %multiple_of3A_2485 = tpu.assume_multiple %shift_left3A_2484, 128 : i32
        %dma_start3A_2486 = arith.constant 2 : i32
        %dma_start3A_2487 = arith.constant 0 : i32
        %dma_start3A_2488 = arith.constant 0 : i32
        %dma_start3A_2489 = tpu.memref_slice %arg9[%dma_start3A_2486, %dma_start3A_2487, %dma_start3A_2488] : memref<8x32x128xf32, #tpu.memory_space<vmem>> -> memref<1x8x128xf32, #tpu.memory_space<vmem>>
        %dma_start3A_2490 = tpu.memref_squeeze %dma_start3A_2489 : memref<1x8x128xf32, #tpu.memory_space<vmem>> -> memref<8x128xf32, #tpu.memory_space<vmem>>
        %dma_start3A_2491 = arith.constant 0 : i32
        %dma_start3A_2492 = tpu.memref_slice %arg4[%dma_start3A_2491, %multiple_of3A_2476] : memref<32x1000000xf32, #tpu.memory_space<hbm>> -> memref<8x128xf32, #tpu.memory_space<hbm>>
        %dma_start3A_2493 = arith.constant 0 : i32
        %dma_start3A_2494 = arith.constant 0 : i32
        %dma_start3A_2495 = tpu.memref_slice %arg9[%dma_start3A_2486, %dma_start3A_2493, %dma_start3A_2494] : memref<8x32x128xf32, #tpu.memory_space<vmem>> -> memref<1x8x128xf32, #tpu.memory_space<vmem>>
        %dma_start3A_2496 = tpu.memref_squeeze %dma_start3A_2495 : memref<1x8x128xf32, #tpu.memory_space<vmem>> -> memref<8x128xf32, #tpu.memory_space<vmem>>
        %dma_start3A_2497 = arith.constant 0 : i32
        %dma_start3A_2498 = tpu.memref_slice %arg4[%dma_start3A_2497, %multiple_of3A_2476] : memref<32x1000000xf32, #tpu.memory_space<hbm>> -> memref<8x128xf32, #tpu.memory_space<hbm>>
        tpu.enqueue_dma source(%dma_start3A_2498 : memref<8x128xf32, #tpu.memory_space<hbm>>) target(%dma_start3A_2496 : memref<8x128xf32, #tpu.memory_space<vmem>>) target_semaphore(%arg12 : memref<!tpu.dma_semaphore, #tpu.memory_space<semaphore_mem>>)
        %dma_start3A_2499 = arith.constant 2 : i32
        %dma_start3A_2500 = arith.constant 0 : i32
        %dma_start3A_2501 = arith.constant 0 : i32
        %dma_start3A_2502 = tpu.memref_slice %arg10[%dma_start3A_2499, %dma_start3A_2500, %dma_start3A_2501] : memref<8x32x128xf32, #tpu.memory_space<vmem>> -> memref<1x8x128xf32, #tpu.memory_space<vmem>>
        %dma_start3A_2503 = tpu.memref_squeeze %dma_start3A_2502 : memref<1x8x128xf32, #tpu.memory_space<vmem>> -> memref<8x128xf32, #tpu.memory_space<vmem>>
        %dma_start3A_2504 = arith.constant 0 : i32
        %dma_start3A_2505 = tpu.memref_slice %arg5[%dma_start3A_2504, %multiple_of3A_2485] : memref<32x1000000xf32, #tpu.memory_space<hbm>> -> memref<8x128xf32, #tpu.memory_space<hbm>>
        %dma_start3A_2506 = arith.constant 0 : i32
        %dma_start3A_2507 = arith.constant 0 : i32
        %dma_start3A_2508 = tpu.memref_slice %arg10[%dma_start3A_2499, %dma_start3A_2506, %dma_start3A_2507] : memref<8x32x128xf32, #tpu.memory_space<vmem>> -> memref<1x8x128xf32, #tpu.memory_space<vmem>>
        %dma_start3A_2509 = tpu.memref_squeeze %dma_start3A_2508 : memref<1x8x128xf32, #tpu.memory_space<vmem>> -> memref<8x128xf32, #tpu.memory_space<vmem>>
        %dma_start3A_2510 = arith.constant 0 : i32
        %dma_start3A_2511 = tpu.memref_slice %arg5[%dma_start3A_2510, %multiple_of3A_2485] : memref<32x1000000xf32, #tpu.memory_space<hbm>> -> memref<8x128xf32, #tpu.memory_space<hbm>>
        tpu.enqueue_dma source(%dma_start3A_2511 : memref<8x128xf32, #tpu.memory_space<hbm>>) target(%dma_start3A_2509 : memref<8x128xf32, #tpu.memory_space<vmem>>) target_semaphore(%arg13 : memref<!tpu.dma_semaphore, #tpu.memory_space<semaphore_mem>>)
        %dma_start3A_2512 = arith.constant 2 : i32
        %dma_start3A_2513 = arith.constant 8 : i32
        %dma_start3A_2514 = arith.constant 0 : i32
        %dma_start3A_2515 = tpu.memref_slice %arg9[%dma_start3A_2512, %dma_start3A_2513, %dma_start3A_2514] : memref<8x32x128xf32, #tpu.memory_space<vmem>> -> memref<1x8x128xf32, #tpu.memory_space<vmem>>
        %dma_start3A_2516 = tpu.memref_squeeze %dma_start3A_2515 : memref<1x8x128xf32, #tpu.memory_space<vmem>> -> memref<8x128xf32, #tpu.memory_space<vmem>>
        %dma_start3A_2517 = arith.constant 8 : i32
        %dma_start3A_2518 = tpu.memref_slice %arg4[%dma_start3A_2517, %multiple_of3A_2476] : memref<32x1000000xf32, #tpu.memory_space<hbm>> -> memref<8x128xf32, #tpu.memory_space<hbm>>
        %dma_start3A_2519 = arith.constant 8 : i32
        %dma_start3A_2520 = arith.constant 0 : i32
        %dma_start3A_2521 = tpu.memref_slice %arg9[%dma_start3A_2512, %dma_start3A_2519, %dma_start3A_2520] : memref<8x32x128xf32, #tpu.memory_space<vmem>> -> memref<1x8x128xf32, #tpu.memory_space<vmem>>
        %dma_start3A_2522 = tpu.memref_squeeze %dma_start3A_2521 : memref<1x8x128xf32, #tpu.memory_space<vmem>> -> memref<8x128xf32, #tpu.memory_space<vmem>>
        %dma_start3A_2523 = arith.constant 8 : i32
        %dma_start3A_2524 = tpu.memref_slice %arg4[%dma_start3A_2523, %multiple_of3A_2476] : memref<32x1000000xf32, #tpu.memory_space<hbm>> -> memref<8x128xf32, #tpu.memory_space<hbm>>
        tpu.enqueue_dma source(%dma_start3A_2524 : memref<8x128xf32, #tpu.memory_space<hbm>>) target(%dma_start3A_2522 : memref<8x128xf32, #tpu.memory_space<vmem>>) target_semaphore(%arg12 : memref<!tpu.dma_semaphore, #tpu.memory_space<semaphore_mem>>)
        %dma_start3A_2525 = arith.constant 2 : i32
        %dma_start3A_2526 = arith.constant 8 : i32
        %dma_start3A_2527 = arith.constant 0 : i32
        %dma_start3A_2528 = tpu.memref_slice %arg10[%dma_start3A_2525, %dma_start3A_2526, %dma_start3A_2527] : memref<8x32x128xf32, #tpu.memory_space<vmem>> -> memref<1x8x128xf32, #tpu.memory_space<vmem>>
        %dma_start3A_2529 = tpu.memref_squeeze %dma_start3A_2528 : memref<1x8x128xf32, #tpu.memory_space<vmem>> -> memref<8x128xf32, #tpu.memory_space<vmem>>
        %dma_start3A_2530 = arith.constant 8 : i32
        %dma_start3A_2531 = tpu.memref_slice %arg5[%dma_start3A_2530, %multiple_of3A_2485] : memref<32x1000000xf32, #tpu.memory_space<hbm>> -> memref<8x128xf32, #tpu.memory_space<hbm>>
        %dma_start3A_2532 = arith.constant 8 : i32
        %dma_start3A_2533 = arith.constant 0 : i32
        %dma_start3A_2534 = tpu.memref_slice %arg10[%dma_start3A_2525, %dma_start3A_2532, %dma_start3A_2533] : memref<8x32x128xf32, #tpu.memory_space<vmem>> -> memref<1x8x128xf32, #tpu.memory_space<vmem>>
        %dma_start3A_2535 = tpu.memref_squeeze %dma_start3A_2534 : memref<1x8x128xf32, #tpu.memory_space<vmem>> -> memref<8x128xf32, #tpu.memory_space<vmem>>
        %dma_start3A_2536 = arith.constant 8 : i32
        %dma_start3A_2537 = tpu.memref_slice %arg5[%dma_start3A_2536, %multiple_of3A_2485] : memref<32x1000000xf32, #tpu.memory_space<hbm>> -> memref<8x128xf32, #tpu.memory_space<hbm>>
        tpu.enqueue_dma source(%dma_start3A_2537 : memref<8x128xf32, #tpu.memory_space<hbm>>) target(%dma_start3A_2535 : memref<8x128xf32, #tpu.memory_space<vmem>>) target_semaphore(%arg13 : memref<!tpu.dma_semaphore, #tpu.memory_space<semaphore_mem>>)
        %dma_start3A_2538 = arith.constant 2 : i32
        %dma_start3A_2539 = arith.constant 16 : i32
        %dma_start3A_2540 = arith.constant 0 : i32
        %dma_start3A_2541 = tpu.memref_slice %arg9[%dma_start3A_2538, %dma_start3A_2539, %dma_start3A_2540] : memref<8x32x128xf32, #tpu.memory_space<vmem>> -> memref<1x8x128xf32, #tpu.memory_space<vmem>>
        %dma_start3A_2542 = tpu.memref_squeeze %dma_start3A_2541 : memref<1x8x128xf32, #tpu.memory_space<vmem>> -> memref<8x128xf32, #tpu.memory_space<vmem>>
        %dma_start3A_2543 = arith.constant 16 : i32
        %dma_start3A_2544 = tpu.memref_slice %arg4[%dma_start3A_2543, %multiple_of3A_2476] : memref<32x1000000xf32, #tpu.memory_space<hbm>> -> memref<8x128xf32, #tpu.memory_space<hbm>>
        %dma_start3A_2545 = arith.constant 16 : i32
        %dma_start3A_2546 = arith.constant 0 : i32
        %dma_start3A_2547 = tpu.memref_slice %arg9[%dma_start3A_2538, %dma_start3A_2545, %dma_start3A_2546] : memref<8x32x128xf32, #tpu.memory_space<vmem>> -> memref<1x8x128xf32, #tpu.memory_space<vmem>>
        %dma_start3A_2548 = tpu.memref_squeeze %dma_start3A_2547 : memref<1x8x128xf32, #tpu.memory_space<vmem>> -> memref<8x128xf32, #tpu.memory_space<vmem>>
        %dma_start3A_2549 = arith.constant 16 : i32
        %dma_start3A_2550 = tpu.memref_slice %arg4[%dma_start3A_2549, %multiple_of3A_2476] : memref<32x1000000xf32, #tpu.memory_space<hbm>> -> memref<8x128xf32, #tpu.memory_space<hbm>>
        tpu.enqueue_dma source(%dma_start3A_2550 : memref<8x128xf32, #tpu.memory_space<hbm>>) target(%dma_start3A_2548 : memref<8x128xf32, #tpu.memory_space<vmem>>) target_semaphore(%arg14 : memref<!tpu.dma_semaphore, #tpu.memory_space<semaphore_mem>>)
        %dma_start3A_2551 = arith.constant 2 : i32
        %dma_start3A_2552 = arith.constant 16 : i32
        %dma_start3A_2553 = arith.constant 0 : i32
        %dma_start3A_2554 = tpu.memref_slice %arg10[%dma_start3A_2551, %dma_start3A_2552, %dma_start3A_2553] : memref<8x32x128xf32, #tpu.memory_space<vmem>> -> memref<1x8x128xf32, #tpu.memory_space<vmem>>
        %dma_start3A_2555 = tpu.memref_squeeze %dma_start3A_2554 : memref<1x8x128xf32, #tpu.memory_space<vmem>> -> memref<8x128xf32, #tpu.memory_space<vmem>>
        %dma_start3A_2556 = arith.constant 16 : i32
        %dma_start3A_2557 = tpu.memref_slice %arg5[%dma_start3A_2556, %multiple_of3A_2485] : memref<32x1000000xf32, #tpu.memory_space<hbm>> -> memref<8x128xf32, #tpu.memory_space<hbm>>
        %dma_start3A_2558 = arith.constant 16 : i32
        %dma_start3A_2559 = arith.constant 0 : i32
        %dma_start3A_2560 = tpu.memref_slice %arg10[%dma_start3A_2551, %dma_start3A_2558, %dma_start3A_2559] : memref<8x32x128xf32, #tpu.memory_space<vmem>> -> memref<1x8x128xf32, #tpu.memory_space<vmem>>
        %dma_start3A_2561 = tpu.memref_squeeze %dma_start3A_2560 : memref<1x8x128xf32, #tpu.memory_space<vmem>> -> memref<8x128xf32, #tpu.memory_space<vmem>>
        %dma_start3A_2562 = arith.constant 16 : i32
        %dma_start3A_2563 = tpu.memref_slice %arg5[%dma_start3A_2562, %multiple_of3A_2485] : memref<32x1000000xf32, #tpu.memory_space<hbm>> -> memref<8x128xf32, #tpu.memory_space<hbm>>
        tpu.enqueue_dma source(%dma_start3A_2563 : memref<8x128xf32, #tpu.memory_space<hbm>>) target(%dma_start3A_2561 : memref<8x128xf32, #tpu.memory_space<vmem>>) target_semaphore(%arg15 : memref<!tpu.dma_semaphore, #tpu.memory_space<semaphore_mem>>)
        %dma_start3A_2564 = arith.constant 2 : i32
        %dma_start3A_2565 = arith.constant 24 : i32
        %dma_start3A_2566 = arith.constant 0 : i32
        %dma_start3A_2567 = tpu.memref_slice %arg9[%dma_start3A_2564, %dma_start3A_2565, %dma_start3A_2566] : memref<8x32x128xf32, #tpu.memory_space<vmem>> -> memref<1x8x128xf32, #tpu.memory_space<vmem>>
        %dma_start3A_2568 = tpu.memref_squeeze %dma_start3A_2567 : memref<1x8x128xf32, #tpu.memory_space<vmem>> -> memref<8x128xf32, #tpu.memory_space<vmem>>
        %dma_start3A_2569 = arith.constant 24 : i32
        %dma_start3A_2570 = tpu.memref_slice %arg4[%dma_start3A_2569, %multiple_of3A_2476] : memref<32x1000000xf32, #tpu.memory_space<hbm>> -> memref<8x128xf32, #tpu.memory_space<hbm>>
        %dma_start3A_2571 = arith.constant 24 : i32
        %dma_start3A_2572 = arith.constant 0 : i32
        %dma_start3A_2573 = tpu.memref_slice %arg9[%dma_start3A_2564, %dma_start3A_2571, %dma_start3A_2572] : memref<8x32x128xf32, #tpu.memory_space<vmem>> -> memref<1x8x128xf32, #tpu.memory_space<vmem>>
        %dma_start3A_2574 = tpu.memref_squeeze %dma_start3A_2573 : memref<1x8x128xf32, #tpu.memory_space<vmem>> -> memref<8x128xf32, #tpu.memory_space<vmem>>
        %dma_start3A_2575 = arith.constant 24 : i32
        %dma_start3A_2576 = tpu.memref_slice %arg4[%dma_start3A_2575, %multiple_of3A_2476] : memref<32x1000000xf32, #tpu.memory_space<hbm>> -> memref<8x128xf32, #tpu.memory_space<hbm>>
        tpu.enqueue_dma source(%dma_start3A_2576 : memref<8x128xf32, #tpu.memory_space<hbm>>) target(%dma_start3A_2574 : memref<8x128xf32, #tpu.memory_space<vmem>>) target_semaphore(%arg14 : memref<!tpu.dma_semaphore, #tpu.memory_space<semaphore_mem>>)
        %dma_start3A_2577 = arith.constant 2 : i32
        %dma_start3A_2578 = arith.constant 24 : i32
        %dma_start3A_2579 = arith.constant 0 : i32
        %dma_start3A_2580 = tpu.memref_slice %arg10[%dma_start3A_2577, %dma_start3A_2578, %dma_start3A_2579] : memref<8x32x128xf32, #tpu.memory_space<vmem>> -> memref<1x8x128xf32, #tpu.memory_space<vmem>>
        %dma_start3A_2581 = tpu.memref_squeeze %dma_start3A_2580 : memref<1x8x128xf32, #tpu.memory_space<vmem>> -> memref<8x128xf32, #tpu.memory_space<vmem>>
        %dma_start3A_2582 = arith.constant 24 : i32
        %dma_start3A_2583 = tpu.memref_slice %arg5[%dma_start3A_2582, %multiple_of3A_2485] : memref<32x1000000xf32, #tpu.memory_space<hbm>> -> memref<8x128xf32, #tpu.memory_space<hbm>>
        %dma_start3A_2584 = arith.constant 24 : i32
        %dma_start3A_2585 = arith.constant 0 : i32
        %dma_start3A_2586 = tpu.memref_slice %arg10[%dma_start3A_2577, %dma_start3A_2584, %dma_start3A_2585] : memref<8x32x128xf32, #tpu.memory_space<vmem>> -> memref<1x8x128xf32, #tpu.memory_space<vmem>>
        %dma_start3A_2587 = tpu.memref_squeeze %dma_start3A_2586 : memref<1x8x128xf32, #tpu.memory_space<vmem>> -> memref<8x128xf32, #tpu.memory_space<vmem>>
        %dma_start3A_2588 = arith.constant 24 : i32
        %dma_start3A_2589 = tpu.memref_slice %arg5[%dma_start3A_2588, %multiple_of3A_2485] : memref<32x1000000xf32, #tpu.memory_space<hbm>> -> memref<8x128xf32, #tpu.memory_space<hbm>>
        tpu.enqueue_dma source(%dma_start3A_2589 : memref<8x128xf32, #tpu.memory_space<hbm>>) target(%dma_start3A_2587 : memref<8x128xf32, #tpu.memory_space<vmem>>) target_semaphore(%arg15 : memref<!tpu.dma_semaphore, #tpu.memory_space<semaphore_mem>>)
      } else {
      }
      %mul3A_1529 = arith.constant 8 : i32
      %mul3A_1530 = arith.muli %scan3A_978, %mul3A_1529 : i32
      %add3A_1531 = arith.constant 3 : i32
      %add3A_1532 = arith.addi %mul3A_1530, %add3A_1531 : i32
      %dma_wait3A_1533 = arith.constant 3 : i32
      %dma_wait3A_1534 = arith.constant 0 : i32
      %dma_wait3A_1535 = arith.constant 0 : i32
      %dma_wait3A_1536 = tpu.memref_slice %arg9[%dma_wait3A_1533, %dma_wait3A_1534, %dma_wait3A_1535] : memref<8x32x128xf32, #tpu.memory_space<vmem>> -> memref<1x8x128xf32, #tpu.memory_space<vmem>>
      %dma_wait3A_1537 = tpu.memref_squeeze %dma_wait3A_1536 : memref<1x8x128xf32, #tpu.memory_space<vmem>> -> memref<8x128xf32, #tpu.memory_space<vmem>>
      %dma_wait3A_1538 = arith.constant 0 : i32
      %dma_wait3A_1539 = arith.constant 0 : i32
      %dma_wait3A_1540 = tpu.memref_slice %arg4[%dma_wait3A_1538, %dma_wait3A_1539] : memref<32x1000000xf32, #tpu.memory_space<hbm>> -> memref<8x128xf32, #tpu.memory_space<hbm>>
      %dma_wait3A_1541 = arith.constant 0 : i32
      %dma_wait3A_1542 = arith.constant 0 : i32
      %dma_wait3A_1543 = tpu.memref_slice %arg9[%dma_wait3A_1533, %dma_wait3A_1541, %dma_wait3A_1542] : memref<8x32x128xf32, #tpu.memory_space<vmem>> -> memref<1x8x128xf32, #tpu.memory_space<vmem>>
      %dma_wait3A_1544 = tpu.memref_squeeze %dma_wait3A_1543 : memref<1x8x128xf32, #tpu.memory_space<vmem>> -> memref<8x128xf32, #tpu.memory_space<vmem>>
      %dma_wait3A_1545 = arith.constant 0 : i32
      %dma_wait3A_1546 = arith.constant 0 : i32
      %dma_wait3A_1547 = tpu.memref_slice %arg4[%dma_wait3A_1545, %dma_wait3A_1546] : memref<32x1000000xf32, #tpu.memory_space<hbm>> -> memref<8x128xf32, #tpu.memory_space<hbm>>
      tpu.wait_dma2 semaphore(%arg12 : memref<!tpu.dma_semaphore, #tpu.memory_space<semaphore_mem>>) src(%dma_wait3A_1547 : memref<8x128xf32, #tpu.memory_space<hbm>>) dst(%dma_wait3A_1544 : memref<8x128xf32, #tpu.memory_space<vmem>>)
      %dma_wait3A_1548 = arith.constant 3 : i32
      %dma_wait3A_1549 = arith.constant 0 : i32
      %dma_wait3A_1550 = arith.constant 0 : i32
      %dma_wait3A_1551 = tpu.memref_slice %arg10[%dma_wait3A_1548, %dma_wait3A_1549, %dma_wait3A_1550] : memref<8x32x128xf32, #tpu.memory_space<vmem>> -> memref<1x8x128xf32, #tpu.memory_space<vmem>>
      %dma_wait3A_1552 = tpu.memref_squeeze %dma_wait3A_1551 : memref<1x8x128xf32, #tpu.memory_space<vmem>> -> memref<8x128xf32, #tpu.memory_space<vmem>>
      %dma_wait3A_1553 = arith.constant 0 : i32
      %dma_wait3A_1554 = arith.constant 0 : i32
      %dma_wait3A_1555 = tpu.memref_slice %arg5[%dma_wait3A_1553, %dma_wait3A_1554] : memref<32x1000000xf32, #tpu.memory_space<hbm>> -> memref<8x128xf32, #tpu.memory_space<hbm>>
      %dma_wait3A_1556 = arith.constant 0 : i32
      %dma_wait3A_1557 = arith.constant 0 : i32
      %dma_wait3A_1558 = tpu.memref_slice %arg10[%dma_wait3A_1548, %dma_wait3A_1556, %dma_wait3A_1557] : memref<8x32x128xf32, #tpu.memory_space<vmem>> -> memref<1x8x128xf32, #tpu.memory_space<vmem>>
      %dma_wait3A_1559 = tpu.memref_squeeze %dma_wait3A_1558 : memref<1x8x128xf32, #tpu.memory_space<vmem>> -> memref<8x128xf32, #tpu.memory_space<vmem>>
      %dma_wait3A_1560 = arith.constant 0 : i32
      %dma_wait3A_1561 = arith.constant 0 : i32
      %dma_wait3A_1562 = tpu.memref_slice %arg5[%dma_wait3A_1560, %dma_wait3A_1561] : memref<32x1000000xf32, #tpu.memory_space<hbm>> -> memref<8x128xf32, #tpu.memory_space<hbm>>
      tpu.wait_dma2 semaphore(%arg13 : memref<!tpu.dma_semaphore, #tpu.memory_space<semaphore_mem>>) src(%dma_wait3A_1562 : memref<8x128xf32, #tpu.memory_space<hbm>>) dst(%dma_wait3A_1559 : memref<8x128xf32, #tpu.memory_space<vmem>>)
      %dma_wait3A_1563 = arith.constant 3 : i32
      %dma_wait3A_1564 = arith.constant 8 : i32
      %dma_wait3A_1565 = arith.constant 0 : i32
      %dma_wait3A_1566 = tpu.memref_slice %arg9[%dma_wait3A_1563, %dma_wait3A_1564, %dma_wait3A_1565] : memref<8x32x128xf32, #tpu.memory_space<vmem>> -> memref<1x8x128xf32, #tpu.memory_space<vmem>>
      %dma_wait3A_1567 = tpu.memref_squeeze %dma_wait3A_1566 : memref<1x8x128xf32, #tpu.memory_space<vmem>> -> memref<8x128xf32, #tpu.memory_space<vmem>>
      %dma_wait3A_1568 = arith.constant 8 : i32
      %dma_wait3A_1569 = arith.constant 0 : i32
      %dma_wait3A_1570 = tpu.memref_slice %arg4[%dma_wait3A_1568, %dma_wait3A_1569] : memref<32x1000000xf32, #tpu.memory_space<hbm>> -> memref<8x128xf32, #tpu.memory_space<hbm>>
      %dma_wait3A_1571 = arith.constant 8 : i32
      %dma_wait3A_1572 = arith.constant 0 : i32
      %dma_wait3A_1573 = tpu.memref_slice %arg9[%dma_wait3A_1563, %dma_wait3A_1571, %dma_wait3A_1572] : memref<8x32x128xf32, #tpu.memory_space<vmem>> -> memref<1x8x128xf32, #tpu.memory_space<vmem>>
      %dma_wait3A_1574 = tpu.memref_squeeze %dma_wait3A_1573 : memref<1x8x128xf32, #tpu.memory_space<vmem>> -> memref<8x128xf32, #tpu.memory_space<vmem>>
      %dma_wait3A_1575 = arith.constant 8 : i32
      %dma_wait3A_1576 = arith.constant 0 : i32
      %dma_wait3A_1577 = tpu.memref_slice %arg4[%dma_wait3A_1575, %dma_wait3A_1576] : memref<32x1000000xf32, #tpu.memory_space<hbm>> -> memref<8x128xf32, #tpu.memory_space<hbm>>
      tpu.wait_dma2 semaphore(%arg12 : memref<!tpu.dma_semaphore, #tpu.memory_space<semaphore_mem>>) src(%dma_wait3A_1577 : memref<8x128xf32, #tpu.memory_space<hbm>>) dst(%dma_wait3A_1574 : memref<8x128xf32, #tpu.memory_space<vmem>>)
      %dma_wait3A_1578 = arith.constant 3 : i32
      %dma_wait3A_1579 = arith.constant 8 : i32
      %dma_wait3A_1580 = arith.constant 0 : i32
      %dma_wait3A_1581 = tpu.memref_slice %arg10[%dma_wait3A_1578, %dma_wait3A_1579, %dma_wait3A_1580] : memref<8x32x128xf32, #tpu.memory_space<vmem>> -> memref<1x8x128xf32, #tpu.memory_space<vmem>>
      %dma_wait3A_1582 = tpu.memref_squeeze %dma_wait3A_1581 : memref<1x8x128xf32, #tpu.memory_space<vmem>> -> memref<8x128xf32, #tpu.memory_space<vmem>>
      %dma_wait3A_1583 = arith.constant 8 : i32
      %dma_wait3A_1584 = arith.constant 0 : i32
      %dma_wait3A_1585 = tpu.memref_slice %arg5[%dma_wait3A_1583, %dma_wait3A_1584] : memref<32x1000000xf32, #tpu.memory_space<hbm>> -> memref<8x128xf32, #tpu.memory_space<hbm>>
      %dma_wait3A_1586 = arith.constant 8 : i32
      %dma_wait3A_1587 = arith.constant 0 : i32
      %dma_wait3A_1588 = tpu.memref_slice %arg10[%dma_wait3A_1578, %dma_wait3A_1586, %dma_wait3A_1587] : memref<8x32x128xf32, #tpu.memory_space<vmem>> -> memref<1x8x128xf32, #tpu.memory_space<vmem>>
      %dma_wait3A_1589 = tpu.memref_squeeze %dma_wait3A_1588 : memref<1x8x128xf32, #tpu.memory_space<vmem>> -> memref<8x128xf32, #tpu.memory_space<vmem>>
      %dma_wait3A_1590 = arith.constant 8 : i32
      %dma_wait3A_1591 = arith.constant 0 : i32
      %dma_wait3A_1592 = tpu.memref_slice %arg5[%dma_wait3A_1590, %dma_wait3A_1591] : memref<32x1000000xf32, #tpu.memory_space<hbm>> -> memref<8x128xf32, #tpu.memory_space<hbm>>
      tpu.wait_dma2 semaphore(%arg13 : memref<!tpu.dma_semaphore, #tpu.memory_space<semaphore_mem>>) src(%dma_wait3A_1592 : memref<8x128xf32, #tpu.memory_space<hbm>>) dst(%dma_wait3A_1589 : memref<8x128xf32, #tpu.memory_space<vmem>>)
      %dma_wait3A_1593 = arith.constant 3 : i32
      %dma_wait3A_1594 = arith.constant 16 : i32
      %dma_wait3A_1595 = arith.constant 0 : i32
      %dma_wait3A_1596 = tpu.memref_slice %arg9[%dma_wait3A_1593, %dma_wait3A_1594, %dma_wait3A_1595] : memref<8x32x128xf32, #tpu.memory_space<vmem>> -> memref<1x8x128xf32, #tpu.memory_space<vmem>>
      %dma_wait3A_1597 = tpu.memref_squeeze %dma_wait3A_1596 : memref<1x8x128xf32, #tpu.memory_space<vmem>> -> memref<8x128xf32, #tpu.memory_space<vmem>>
      %dma_wait3A_1598 = arith.constant 16 : i32
      %dma_wait3A_1599 = arith.constant 0 : i32
      %dma_wait3A_1600 = tpu.memref_slice %arg4[%dma_wait3A_1598, %dma_wait3A_1599] : memref<32x1000000xf32, #tpu.memory_space<hbm>> -> memref<8x128xf32, #tpu.memory_space<hbm>>
      %dma_wait3A_1601 = arith.constant 16 : i32
      %dma_wait3A_1602 = arith.constant 0 : i32
      %dma_wait3A_1603 = tpu.memref_slice %arg9[%dma_wait3A_1593, %dma_wait3A_1601, %dma_wait3A_1602] : memref<8x32x128xf32, #tpu.memory_space<vmem>> -> memref<1x8x128xf32, #tpu.memory_space<vmem>>
      %dma_wait3A_1604 = tpu.memref_squeeze %dma_wait3A_1603 : memref<1x8x128xf32, #tpu.memory_space<vmem>> -> memref<8x128xf32, #tpu.memory_space<vmem>>
      %dma_wait3A_1605 = arith.constant 16 : i32
      %dma_wait3A_1606 = arith.constant 0 : i32
      %dma_wait3A_1607 = tpu.memref_slice %arg4[%dma_wait3A_1605, %dma_wait3A_1606] : memref<32x1000000xf32, #tpu.memory_space<hbm>> -> memref<8x128xf32, #tpu.memory_space<hbm>>
      tpu.wait_dma2 semaphore(%arg14 : memref<!tpu.dma_semaphore, #tpu.memory_space<semaphore_mem>>) src(%dma_wait3A_1607 : memref<8x128xf32, #tpu.memory_space<hbm>>) dst(%dma_wait3A_1604 : memref<8x128xf32, #tpu.memory_space<vmem>>)
      %dma_wait3A_1608 = arith.constant 3 : i32
      %dma_wait3A_1609 = arith.constant 16 : i32
      %dma_wait3A_1610 = arith.constant 0 : i32
      %dma_wait3A_1611 = tpu.memref_slice %arg10[%dma_wait3A_1608, %dma_wait3A_1609, %dma_wait3A_1610] : memref<8x32x128xf32, #tpu.memory_space<vmem>> -> memref<1x8x128xf32, #tpu.memory_space<vmem>>
      %dma_wait3A_1612 = tpu.memref_squeeze %dma_wait3A_1611 : memref<1x8x128xf32, #tpu.memory_space<vmem>> -> memref<8x128xf32, #tpu.memory_space<vmem>>
      %dma_wait3A_1613 = arith.constant 16 : i32
      %dma_wait3A_1614 = arith.constant 0 : i32
      %dma_wait3A_1615 = tpu.memref_slice %arg5[%dma_wait3A_1613, %dma_wait3A_1614] : memref<32x1000000xf32, #tpu.memory_space<hbm>> -> memref<8x128xf32, #tpu.memory_space<hbm>>
      %dma_wait3A_1616 = arith.constant 16 : i32
      %dma_wait3A_1617 = arith.constant 0 : i32
      %dma_wait3A_1618 = tpu.memref_slice %arg10[%dma_wait3A_1608, %dma_wait3A_1616, %dma_wait3A_1617] : memref<8x32x128xf32, #tpu.memory_space<vmem>> -> memref<1x8x128xf32, #tpu.memory_space<vmem>>
      %dma_wait3A_1619 = tpu.memref_squeeze %dma_wait3A_1618 : memref<1x8x128xf32, #tpu.memory_space<vmem>> -> memref<8x128xf32, #tpu.memory_space<vmem>>
      %dma_wait3A_1620 = arith.constant 16 : i32
      %dma_wait3A_1621 = arith.constant 0 : i32
      %dma_wait3A_1622 = tpu.memref_slice %arg5[%dma_wait3A_1620, %dma_wait3A_1621] : memref<32x1000000xf32, #tpu.memory_space<hbm>> -> memref<8x128xf32, #tpu.memory_space<hbm>>
      tpu.wait_dma2 semaphore(%arg15 : memref<!tpu.dma_semaphore, #tpu.memory_space<semaphore_mem>>) src(%dma_wait3A_1622 : memref<8x128xf32, #tpu.memory_space<hbm>>) dst(%dma_wait3A_1619 : memref<8x128xf32, #tpu.memory_space<vmem>>)
      %dma_wait3A_1623 = arith.constant 3 : i32
      %dma_wait3A_1624 = arith.constant 24 : i32
      %dma_wait3A_1625 = arith.constant 0 : i32
      %dma_wait3A_1626 = tpu.memref_slice %arg9[%dma_wait3A_1623, %dma_wait3A_1624, %dma_wait3A_1625] : memref<8x32x128xf32, #tpu.memory_space<vmem>> -> memref<1x8x128xf32, #tpu.memory_space<vmem>>
      %dma_wait3A_1627 = tpu.memref_squeeze %dma_wait3A_1626 : memref<1x8x128xf32, #tpu.memory_space<vmem>> -> memref<8x128xf32, #tpu.memory_space<vmem>>
      %dma_wait3A_1628 = arith.constant 24 : i32
      %dma_wait3A_1629 = arith.constant 0 : i32
      %dma_wait3A_1630 = tpu.memref_slice %arg4[%dma_wait3A_1628, %dma_wait3A_1629] : memref<32x1000000xf32, #tpu.memory_space<hbm>> -> memref<8x128xf32, #tpu.memory_space<hbm>>
      %dma_wait3A_1631 = arith.constant 24 : i32
      %dma_wait3A_1632 = arith.constant 0 : i32
      %dma_wait3A_1633 = tpu.memref_slice %arg9[%dma_wait3A_1623, %dma_wait3A_1631, %dma_wait3A_1632] : memref<8x32x128xf32, #tpu.memory_space<vmem>> -> memref<1x8x128xf32, #tpu.memory_space<vmem>>
      %dma_wait3A_1634 = tpu.memref_squeeze %dma_wait3A_1633 : memref<1x8x128xf32, #tpu.memory_space<vmem>> -> memref<8x128xf32, #tpu.memory_space<vmem>>
      %dma_wait3A_1635 = arith.constant 24 : i32
      %dma_wait3A_1636 = arith.constant 0 : i32
      %dma_wait3A_1637 = tpu.memref_slice %arg4[%dma_wait3A_1635, %dma_wait3A_1636] : memref<32x1000000xf32, #tpu.memory_space<hbm>> -> memref<8x128xf32, #tpu.memory_space<hbm>>
      tpu.wait_dma2 semaphore(%arg14 : memref<!tpu.dma_semaphore, #tpu.memory_space<semaphore_mem>>) src(%dma_wait3A_1637 : memref<8x128xf32, #tpu.memory_space<hbm>>) dst(%dma_wait3A_1634 : memref<8x128xf32, #tpu.memory_space<vmem>>)
      %dma_wait3A_1638 = arith.constant 3 : i32
      %dma_wait3A_1639 = arith.constant 24 : i32
      %dma_wait3A_1640 = arith.constant 0 : i32
      %dma_wait3A_1641 = tpu.memref_slice %arg10[%dma_wait3A_1638, %dma_wait3A_1639, %dma_wait3A_1640] : memref<8x32x128xf32, #tpu.memory_space<vmem>> -> memref<1x8x128xf32, #tpu.memory_space<vmem>>
      %dma_wait3A_1642 = tpu.memref_squeeze %dma_wait3A_1641 : memref<1x8x128xf32, #tpu.memory_space<vmem>> -> memref<8x128xf32, #tpu.memory_space<vmem>>
      %dma_wait3A_1643 = arith.constant 24 : i32
      %dma_wait3A_1644 = arith.constant 0 : i32
      %dma_wait3A_1645 = tpu.memref_slice %arg5[%dma_wait3A_1643, %dma_wait3A_1644] : memref<32x1000000xf32, #tpu.memory_space<hbm>> -> memref<8x128xf32, #tpu.memory_space<hbm>>
      %dma_wait3A_1646 = arith.constant 24 : i32
      %dma_wait3A_1647 = arith.constant 0 : i32
      %dma_wait3A_1648 = tpu.memref_slice %arg10[%dma_wait3A_1638, %dma_wait3A_1646, %dma_wait3A_1647] : memref<8x32x128xf32, #tpu.memory_space<vmem>> -> memref<1x8x128xf32, #tpu.memory_space<vmem>>
      %dma_wait3A_1649 = tpu.memref_squeeze %dma_wait3A_1648 : memref<1x8x128xf32, #tpu.memory_space<vmem>> -> memref<8x128xf32, #tpu.memory_space<vmem>>
      %dma_wait3A_1650 = arith.constant 24 : i32
      %dma_wait3A_1651 = arith.constant 0 : i32
      %dma_wait3A_1652 = tpu.memref_slice %arg5[%dma_wait3A_1650, %dma_wait3A_1651] : memref<32x1000000xf32, #tpu.memory_space<hbm>> -> memref<8x128xf32, #tpu.memory_space<hbm>>
      tpu.wait_dma2 semaphore(%arg15 : memref<!tpu.dma_semaphore, #tpu.memory_space<semaphore_mem>>) src(%dma_wait3A_1652 : memref<8x128xf32, #tpu.memory_space<hbm>>) dst(%dma_wait3A_1649 : memref<8x128xf32, #tpu.memory_space<vmem>>)
      %get3A_1653 = arith.index_cast %add3A_1532 : i32 to index
      %get3A_1654 = tpu.vector_load %arg7[%get3A_1653] {strides = array<i32>} : memref<528xi32, #tpu.memory_space<vmem>>, vector<16xi32>,
      %slice3A_1655 = vector.extract_strided_slice %get3A_1654 {offsets = [0], sizes = [1], strides = [1]} : vector<16xi32> to vector<1xi32>
      %squeeze3A_1656 = vector.extract %slice3A_1655[0] : i32 from vector<1xi32>
      %get3A_1657 = arith.index_cast %add3A_1532 : i32 to index
      %get3A_1658 = tpu.vector_load %arg8[%get3A_1657] {strides = array<i32>} : memref<528xi32, #tpu.memory_space<vmem>>, vector<16xi32>,
      %slice3A_1659 = vector.extract_strided_slice %get3A_1658 {offsets = [0], sizes = [1], strides = [1]} : vector<16xi32> to vector<1xi32>
      %squeeze3A_1660 = vector.extract %slice3A_1659[0] : i32 from vector<1xi32>
      %and3A_1661 = arith.constant 127 : i32
      %and3A_1662 = arith.andi %squeeze3A_1656, %and3A_1661 : i32
      %broadcast_in_dim3A_1663 = vector.broadcast %and3A_1662 : i32 to vector<16xi32>
      %and3A_1664 = arith.constant 127 : i32
      %and3A_1665 = arith.andi %squeeze3A_1660, %and3A_1664 : i32
      %broadcast_in_dim3A_1666 = vector.broadcast %and3A_1665 : i32 to vector<16xi32>
      %gather3A_1667 = arith.constant 3 : i32
      %gather3A_1668 = arith.constant 0 : i32
      %gather3A_1669 = arith.constant 0 : i32
      %gather3A_1670 = tpu.memref_slice %arg9[%gather3A_1667, %gather3A_1668, %gather3A_1669] : memref<8x32x128xf32, #tpu.memory_space<vmem>> -> memref<1x32x128xf32, #tpu.memory_space<vmem>>
      %gather3A_1671 = tpu.memref_squeeze %gather3A_1670 : memref<1x32x128xf32, #tpu.memory_space<vmem>> -> memref<32x128xf32, #tpu.memory_space<vmem>>
      %gather3A_1672 = tpu.vector_load_idx %gather3A_1671[%iota3A, %broadcast_in_dim3A_1663] : memref<32x128xf32, #tpu.memory_space<vmem>>[vector<16xi32>, vector<16xi32>], vector<16xf32>,
      %add3A_1673 = arith.constant 16 : i32
      %add3A_1674 = vector.broadcast %add3A_1673 : i32 to vector<16xi32>
      %add3A_1675 = arith.addi %iota3A, %add3A_1674 : vector<16xi32>
      %gather3A_1676 = arith.constant 3 : i32
      %gather3A_1677 = arith.constant 0 : i32
      %gather3A_1678 = arith.constant 0 : i32
      %gather3A_1679 = tpu.memref_slice %arg9[%gather3A_1676, %gather3A_1677, %gather3A_1678] : memref<8x32x128xf32, #tpu.memory_space<vmem>> -> memref<1x32x128xf32, #tpu.memory_space<vmem>>
      %gather3A_1680 = tpu.memref_squeeze %gather3A_1679 : memref<1x32x128xf32, #tpu.memory_space<vmem>> -> memref<32x128xf32, #tpu.memory_space<vmem>>
      %gather3A_1681 = tpu.vector_load_idx %gather3A_1680[%add3A_1675, %broadcast_in_dim3A_1663] : memref<32x128xf32, #tpu.memory_space<vmem>>[vector<16xi32>, vector<16xi32>], vector<16xf32>,
      %gather3A_1682 = arith.constant 3 : i32
      %gather3A_1683 = arith.constant 0 : i32
      %gather3A_1684 = arith.constant 0 : i32
      %gather3A_1685 = tpu.memref_slice %arg10[%gather3A_1682, %gather3A_1683, %gather3A_1684] : memref<8x32x128xf32, #tpu.memory_space<vmem>> -> memref<1x32x128xf32, #tpu.memory_space<vmem>>
      %gather3A_1686 = tpu.memref_squeeze %gather3A_1685 : memref<1x32x128xf32, #tpu.memory_space<vmem>> -> memref<32x128xf32, #tpu.memory_space<vmem>>
      %gather3A_1687 = tpu.vector_load_idx %gather3A_1686[%iota3A, %broadcast_in_dim3A_1666] : memref<32x128xf32, #tpu.memory_space<vmem>>[vector<16xi32>, vector<16xi32>], vector<16xf32>,
      %add3A_1688 = arith.constant 16 : i32
      %add3A_1689 = vector.broadcast %add3A_1688 : i32 to vector<16xi32>
      %add3A_1690 = arith.addi %iota3A, %add3A_1689 : vector<16xi32>
      %gather3A_1691 = arith.constant 3 : i32
      %gather3A_1692 = arith.constant 0 : i32
      %gather3A_1693 = arith.constant 0 : i32
      %gather3A_1694 = tpu.memref_slice %arg10[%gather3A_1691, %gather3A_1692, %gather3A_1693] : memref<8x32x128xf32, #tpu.memory_space<vmem>> -> memref<1x32x128xf32, #tpu.memory_space<vmem>>
      %gather3A_1695 = tpu.memref_squeeze %gather3A_1694 : memref<1x32x128xf32, #tpu.memory_space<vmem>> -> memref<32x128xf32, #tpu.memory_space<vmem>>
      %gather3A_1696 = tpu.vector_load_idx %gather3A_1695[%add3A_1690, %broadcast_in_dim3A_1666] : memref<32x128xf32, #tpu.memory_space<vmem>>[vector<16xi32>, vector<16xi32>], vector<16xf32>,
      %mul3A_1697 = arith.mulf %gather3A_1672, %gather3A_1687 : vector<16xf32>
      %mul3A_1698 = arith.mulf %gather3A_1681, %gather3A_1696 : vector<16xf32>
      %add3A_1699 = arith.addf %mul3A_1697, %mul3A_1698 : vector<16xf32>
      %and3A_1700 = arith.constant 15 : i32
      %and3A_1701 = arith.andi %add3A_1532, %and3A_1700 : i32
      %eq3A_1702 = vector.broadcast %and3A_1701 : i32 to vector<16xi32>
      %eq3A_1703 = arith.cmpi eq, %iota3A, %eq3A_1702 : vector<16xi32>
      %reduce_sum3A_1704 = arith.constant true
      %reduce_sum3A_1705 = vector.broadcast %reduce_sum3A_1704 : i1 to vector<16xi1>
      %reduce_sum3A_1706 = tpu.scan <sum>, %add3A_1699 masked %reduce_sum3A_1705 : vector<16xf32>, vector<16xi1> -> vector<16xf32>
      %reduce_sum3A_1707 = vector.extract %reduce_sum3A_1706[15] : f32 from vector<16xf32>
      %broadcast_in_dim3A_1708 = vector.broadcast %reduce_sum3A_1707 : f32 to vector<16xf32>
      %select_n3A_1709 = arith.select %eq3A_1703, %broadcast_in_dim3A_1708, %select_n3A_1523 : vector<16xi1>, vector<16xf32>
      %lt3A_1710 = arith.constant 63 : i32
      %lt3A_1711 = arith.cmpi slt, %scan3A_978, %lt3A_1710 : i32
      %convert_element_type3A_1712 = arith.extui %lt3A_1711 : i1 to i32
      %cond3A_1713 = arith.constant 0 : i32
      %cond3A_1714 = arith.cmpi ne, %convert_element_type3A_1712, %cond3A_1713 : i32
      scf.if %cond3A_1714 {
        %add3A_2466 = arith.constant 8 : i32
        %add3A_2467 = arith.addi %add3A_1532, %add3A_2466 : i32
        %get3A_2468 = arith.index_cast %add3A_2467 : i32 to index
        %get3A_2469 = tpu.vector_load %arg7[%get3A_2468] {strides = array<i32>} : memref<528xi32, #tpu.memory_space<vmem>>, vector<16xi32>,
        %slice3A_2470 = vector.extract_strided_slice %get3A_2469 {offsets = [0], sizes = [1], strides = [1]} : vector<16xi32> to vector<1xi32>
        %squeeze3A_2471 = vector.extract %slice3A_2470[0] : i32 from vector<1xi32>
        %shift_right_arithmetic3A_2472 = arith.constant 7 : i32
        %shift_right_arithmetic3A_2473 = arith.shrsi %squeeze3A_2471, %shift_right_arithmetic3A_2472 : i32
        %shift_left3A_2474 = arith.constant 7 : i32
        %shift_left3A_2475 = arith.shli %shift_right_arithmetic3A_2473, %shift_left3A_2474 : i32
        %multiple_of3A_2476 = tpu.assume_multiple %shift_left3A_2475, 128 : i32
        %get3A_2477 = arith.index_cast %add3A_2467 : i32 to index
        %get3A_2478 = tpu.vector_load %arg8[%get3A_2477] {strides = array<i32>} : memref<528xi32, #tpu.memory_space<vmem>>, vector<16xi32>,
        %slice3A_2479 = vector.extract_strided_slice %get3A_2478 {offsets = [0], sizes = [1], strides = [1]} : vector<16xi32> to vector<1xi32>
        %squeeze3A_2480 = vector.extract %slice3A_2479[0] : i32 from vector<1xi32>
        %shift_right_arithmetic3A_2481 = arith.constant 7 : i32
        %shift_right_arithmetic3A_2482 = arith.shrsi %squeeze3A_2480, %shift_right_arithmetic3A_2481 : i32
        %shift_left3A_2483 = arith.constant 7 : i32
        %shift_left3A_2484 = arith.shli %shift_right_arithmetic3A_2482, %shift_left3A_2483 : i32
        %multiple_of3A_2485 = tpu.assume_multiple %shift_left3A_2484, 128 : i32
        %dma_start3A_2486 = arith.constant 3 : i32
        %dma_start3A_2487 = arith.constant 0 : i32
        %dma_start3A_2488 = arith.constant 0 : i32
        %dma_start3A_2489 = tpu.memref_slice %arg9[%dma_start3A_2486, %dma_start3A_2487, %dma_start3A_2488] : memref<8x32x128xf32, #tpu.memory_space<vmem>> -> memref<1x8x128xf32, #tpu.memory_space<vmem>>
        %dma_start3A_2490 = tpu.memref_squeeze %dma_start3A_2489 : memref<1x8x128xf32, #tpu.memory_space<vmem>> -> memref<8x128xf32, #tpu.memory_space<vmem>>
        %dma_start3A_2491 = arith.constant 0 : i32
        %dma_start3A_2492 = tpu.memref_slice %arg4[%dma_start3A_2491, %multiple_of3A_2476] : memref<32x1000000xf32, #tpu.memory_space<hbm>> -> memref<8x128xf32, #tpu.memory_space<hbm>>
        %dma_start3A_2493 = arith.constant 0 : i32
        %dma_start3A_2494 = arith.constant 0 : i32
        %dma_start3A_2495 = tpu.memref_slice %arg9[%dma_start3A_2486, %dma_start3A_2493, %dma_start3A_2494] : memref<8x32x128xf32, #tpu.memory_space<vmem>> -> memref<1x8x128xf32, #tpu.memory_space<vmem>>
        %dma_start3A_2496 = tpu.memref_squeeze %dma_start3A_2495 : memref<1x8x128xf32, #tpu.memory_space<vmem>> -> memref<8x128xf32, #tpu.memory_space<vmem>>
        %dma_start3A_2497 = arith.constant 0 : i32
        %dma_start3A_2498 = tpu.memref_slice %arg4[%dma_start3A_2497, %multiple_of3A_2476] : memref<32x1000000xf32, #tpu.memory_space<hbm>> -> memref<8x128xf32, #tpu.memory_space<hbm>>
        tpu.enqueue_dma source(%dma_start3A_2498 : memref<8x128xf32, #tpu.memory_space<hbm>>) target(%dma_start3A_2496 : memref<8x128xf32, #tpu.memory_space<vmem>>) target_semaphore(%arg12 : memref<!tpu.dma_semaphore, #tpu.memory_space<semaphore_mem>>)
        %dma_start3A_2499 = arith.constant 3 : i32
        %dma_start3A_2500 = arith.constant 0 : i32
        %dma_start3A_2501 = arith.constant 0 : i32
        %dma_start3A_2502 = tpu.memref_slice %arg10[%dma_start3A_2499, %dma_start3A_2500, %dma_start3A_2501] : memref<8x32x128xf32, #tpu.memory_space<vmem>> -> memref<1x8x128xf32, #tpu.memory_space<vmem>>
        %dma_start3A_2503 = tpu.memref_squeeze %dma_start3A_2502 : memref<1x8x128xf32, #tpu.memory_space<vmem>> -> memref<8x128xf32, #tpu.memory_space<vmem>>
        %dma_start3A_2504 = arith.constant 0 : i32
        %dma_start3A_2505 = tpu.memref_slice %arg5[%dma_start3A_2504, %multiple_of3A_2485] : memref<32x1000000xf32, #tpu.memory_space<hbm>> -> memref<8x128xf32, #tpu.memory_space<hbm>>
        %dma_start3A_2506 = arith.constant 0 : i32
        %dma_start3A_2507 = arith.constant 0 : i32
        %dma_start3A_2508 = tpu.memref_slice %arg10[%dma_start3A_2499, %dma_start3A_2506, %dma_start3A_2507] : memref<8x32x128xf32, #tpu.memory_space<vmem>> -> memref<1x8x128xf32, #tpu.memory_space<vmem>>
        %dma_start3A_2509 = tpu.memref_squeeze %dma_start3A_2508 : memref<1x8x128xf32, #tpu.memory_space<vmem>> -> memref<8x128xf32, #tpu.memory_space<vmem>>
        %dma_start3A_2510 = arith.constant 0 : i32
        %dma_start3A_2511 = tpu.memref_slice %arg5[%dma_start3A_2510, %multiple_of3A_2485] : memref<32x1000000xf32, #tpu.memory_space<hbm>> -> memref<8x128xf32, #tpu.memory_space<hbm>>
        tpu.enqueue_dma source(%dma_start3A_2511 : memref<8x128xf32, #tpu.memory_space<hbm>>) target(%dma_start3A_2509 : memref<8x128xf32, #tpu.memory_space<vmem>>) target_semaphore(%arg13 : memref<!tpu.dma_semaphore, #tpu.memory_space<semaphore_mem>>)
        %dma_start3A_2512 = arith.constant 3 : i32
        %dma_start3A_2513 = arith.constant 8 : i32
        %dma_start3A_2514 = arith.constant 0 : i32
        %dma_start3A_2515 = tpu.memref_slice %arg9[%dma_start3A_2512, %dma_start3A_2513, %dma_start3A_2514] : memref<8x32x128xf32, #tpu.memory_space<vmem>> -> memref<1x8x128xf32, #tpu.memory_space<vmem>>
        %dma_start3A_2516 = tpu.memref_squeeze %dma_start3A_2515 : memref<1x8x128xf32, #tpu.memory_space<vmem>> -> memref<8x128xf32, #tpu.memory_space<vmem>>
        %dma_start3A_2517 = arith.constant 8 : i32
        %dma_start3A_2518 = tpu.memref_slice %arg4[%dma_start3A_2517, %multiple_of3A_2476] : memref<32x1000000xf32, #tpu.memory_space<hbm>> -> memref<8x128xf32, #tpu.memory_space<hbm>>
        %dma_start3A_2519 = arith.constant 8 : i32
        %dma_start3A_2520 = arith.constant 0 : i32
        %dma_start3A_2521 = tpu.memref_slice %arg9[%dma_start3A_2512, %dma_start3A_2519, %dma_start3A_2520] : memref<8x32x128xf32, #tpu.memory_space<vmem>> -> memref<1x8x128xf32, #tpu.memory_space<vmem>>
        %dma_start3A_2522 = tpu.memref_squeeze %dma_start3A_2521 : memref<1x8x128xf32, #tpu.memory_space<vmem>> -> memref<8x128xf32, #tpu.memory_space<vmem>>
        %dma_start3A_2523 = arith.constant 8 : i32
        %dma_start3A_2524 = tpu.memref_slice %arg4[%dma_start3A_2523, %multiple_of3A_2476] : memref<32x1000000xf32, #tpu.memory_space<hbm>> -> memref<8x128xf32, #tpu.memory_space<hbm>>
        tpu.enqueue_dma source(%dma_start3A_2524 : memref<8x128xf32, #tpu.memory_space<hbm>>) target(%dma_start3A_2522 : memref<8x128xf32, #tpu.memory_space<vmem>>) target_semaphore(%arg12 : memref<!tpu.dma_semaphore, #tpu.memory_space<semaphore_mem>>)
        %dma_start3A_2525 = arith.constant 3 : i32
        %dma_start3A_2526 = arith.constant 8 : i32
        %dma_start3A_2527 = arith.constant 0 : i32
        %dma_start3A_2528 = tpu.memref_slice %arg10[%dma_start3A_2525, %dma_start3A_2526, %dma_start3A_2527] : memref<8x32x128xf32, #tpu.memory_space<vmem>> -> memref<1x8x128xf32, #tpu.memory_space<vmem>>
        %dma_start3A_2529 = tpu.memref_squeeze %dma_start3A_2528 : memref<1x8x128xf32, #tpu.memory_space<vmem>> -> memref<8x128xf32, #tpu.memory_space<vmem>>
        %dma_start3A_2530 = arith.constant 8 : i32
        %dma_start3A_2531 = tpu.memref_slice %arg5[%dma_start3A_2530, %multiple_of3A_2485] : memref<32x1000000xf32, #tpu.memory_space<hbm>> -> memref<8x128xf32, #tpu.memory_space<hbm>>
        %dma_start3A_2532 = arith.constant 8 : i32
        %dma_start3A_2533 = arith.constant 0 : i32
        %dma_start3A_2534 = tpu.memref_slice %arg10[%dma_start3A_2525, %dma_start3A_2532, %dma_start3A_2533] : memref<8x32x128xf32, #tpu.memory_space<vmem>> -> memref<1x8x128xf32, #tpu.memory_space<vmem>>
        %dma_start3A_2535 = tpu.memref_squeeze %dma_start3A_2534 : memref<1x8x128xf32, #tpu.memory_space<vmem>> -> memref<8x128xf32, #tpu.memory_space<vmem>>
        %dma_start3A_2536 = arith.constant 8 : i32
        %dma_start3A_2537 = tpu.memref_slice %arg5[%dma_start3A_2536, %multiple_of3A_2485] : memref<32x1000000xf32, #tpu.memory_space<hbm>> -> memref<8x128xf32, #tpu.memory_space<hbm>>
        tpu.enqueue_dma source(%dma_start3A_2537 : memref<8x128xf32, #tpu.memory_space<hbm>>) target(%dma_start3A_2535 : memref<8x128xf32, #tpu.memory_space<vmem>>) target_semaphore(%arg13 : memref<!tpu.dma_semaphore, #tpu.memory_space<semaphore_mem>>)
        %dma_start3A_2538 = arith.constant 3 : i32
        %dma_start3A_2539 = arith.constant 16 : i32
        %dma_start3A_2540 = arith.constant 0 : i32
        %dma_start3A_2541 = tpu.memref_slice %arg9[%dma_start3A_2538, %dma_start3A_2539, %dma_start3A_2540] : memref<8x32x128xf32, #tpu.memory_space<vmem>> -> memref<1x8x128xf32, #tpu.memory_space<vmem>>
        %dma_start3A_2542 = tpu.memref_squeeze %dma_start3A_2541 : memref<1x8x128xf32, #tpu.memory_space<vmem>> -> memref<8x128xf32, #tpu.memory_space<vmem>>
        %dma_start3A_2543 = arith.constant 16 : i32
        %dma_start3A_2544 = tpu.memref_slice %arg4[%dma_start3A_2543, %multiple_of3A_2476] : memref<32x1000000xf32, #tpu.memory_space<hbm>> -> memref<8x128xf32, #tpu.memory_space<hbm>>
        %dma_start3A_2545 = arith.constant 16 : i32
        %dma_start3A_2546 = arith.constant 0 : i32
        %dma_start3A_2547 = tpu.memref_slice %arg9[%dma_start3A_2538, %dma_start3A_2545, %dma_start3A_2546] : memref<8x32x128xf32, #tpu.memory_space<vmem>> -> memref<1x8x128xf32, #tpu.memory_space<vmem>>
        %dma_start3A_2548 = tpu.memref_squeeze %dma_start3A_2547 : memref<1x8x128xf32, #tpu.memory_space<vmem>> -> memref<8x128xf32, #tpu.memory_space<vmem>>
        %dma_start3A_2549 = arith.constant 16 : i32
        %dma_start3A_2550 = tpu.memref_slice %arg4[%dma_start3A_2549, %multiple_of3A_2476] : memref<32x1000000xf32, #tpu.memory_space<hbm>> -> memref<8x128xf32, #tpu.memory_space<hbm>>
        tpu.enqueue_dma source(%dma_start3A_2550 : memref<8x128xf32, #tpu.memory_space<hbm>>) target(%dma_start3A_2548 : memref<8x128xf32, #tpu.memory_space<vmem>>) target_semaphore(%arg14 : memref<!tpu.dma_semaphore, #tpu.memory_space<semaphore_mem>>)
        %dma_start3A_2551 = arith.constant 3 : i32
        %dma_start3A_2552 = arith.constant 16 : i32
        %dma_start3A_2553 = arith.constant 0 : i32
        %dma_start3A_2554 = tpu.memref_slice %arg10[%dma_start3A_2551, %dma_start3A_2552, %dma_start3A_2553] : memref<8x32x128xf32, #tpu.memory_space<vmem>> -> memref<1x8x128xf32, #tpu.memory_space<vmem>>
        %dma_start3A_2555 = tpu.memref_squeeze %dma_start3A_2554 : memref<1x8x128xf32, #tpu.memory_space<vmem>> -> memref<8x128xf32, #tpu.memory_space<vmem>>
        %dma_start3A_2556 = arith.constant 16 : i32
        %dma_start3A_2557 = tpu.memref_slice %arg5[%dma_start3A_2556, %multiple_of3A_2485] : memref<32x1000000xf32, #tpu.memory_space<hbm>> -> memref<8x128xf32, #tpu.memory_space<hbm>>
        %dma_start3A_2558 = arith.constant 16 : i32
        %dma_start3A_2559 = arith.constant 0 : i32
        %dma_start3A_2560 = tpu.memref_slice %arg10[%dma_start3A_2551, %dma_start3A_2558, %dma_start3A_2559] : memref<8x32x128xf32, #tpu.memory_space<vmem>> -> memref<1x8x128xf32, #tpu.memory_space<vmem>>
        %dma_start3A_2561 = tpu.memref_squeeze %dma_start3A_2560 : memref<1x8x128xf32, #tpu.memory_space<vmem>> -> memref<8x128xf32, #tpu.memory_space<vmem>>
        %dma_start3A_2562 = arith.constant 16 : i32
        %dma_start3A_2563 = tpu.memref_slice %arg5[%dma_start3A_2562, %multiple_of3A_2485] : memref<32x1000000xf32, #tpu.memory_space<hbm>> -> memref<8x128xf32, #tpu.memory_space<hbm>>
        tpu.enqueue_dma source(%dma_start3A_2563 : memref<8x128xf32, #tpu.memory_space<hbm>>) target(%dma_start3A_2561 : memref<8x128xf32, #tpu.memory_space<vmem>>) target_semaphore(%arg15 : memref<!tpu.dma_semaphore, #tpu.memory_space<semaphore_mem>>)
        %dma_start3A_2564 = arith.constant 3 : i32
        %dma_start3A_2565 = arith.constant 24 : i32
        %dma_start3A_2566 = arith.constant 0 : i32
        %dma_start3A_2567 = tpu.memref_slice %arg9[%dma_start3A_2564, %dma_start3A_2565, %dma_start3A_2566] : memref<8x32x128xf32, #tpu.memory_space<vmem>> -> memref<1x8x128xf32, #tpu.memory_space<vmem>>
        %dma_start3A_2568 = tpu.memref_squeeze %dma_start3A_2567 : memref<1x8x128xf32, #tpu.memory_space<vmem>> -> memref<8x128xf32, #tpu.memory_space<vmem>>
        %dma_start3A_2569 = arith.constant 24 : i32
        %dma_start3A_2570 = tpu.memref_slice %arg4[%dma_start3A_2569, %multiple_of3A_2476] : memref<32x1000000xf32, #tpu.memory_space<hbm>> -> memref<8x128xf32, #tpu.memory_space<hbm>>
        %dma_start3A_2571 = arith.constant 24 : i32
        %dma_start3A_2572 = arith.constant 0 : i32
        %dma_start3A_2573 = tpu.memref_slice %arg9[%dma_start3A_2564, %dma_start3A_2571, %dma_start3A_2572] : memref<8x32x128xf32, #tpu.memory_space<vmem>> -> memref<1x8x128xf32, #tpu.memory_space<vmem>>
        %dma_start3A_2574 = tpu.memref_squeeze %dma_start3A_2573 : memref<1x8x128xf32, #tpu.memory_space<vmem>> -> memref<8x128xf32, #tpu.memory_space<vmem>>
        %dma_start3A_2575 = arith.constant 24 : i32
        %dma_start3A_2576 = tpu.memref_slice %arg4[%dma_start3A_2575, %multiple_of3A_2476] : memref<32x1000000xf32, #tpu.memory_space<hbm>> -> memref<8x128xf32, #tpu.memory_space<hbm>>
        tpu.enqueue_dma source(%dma_start3A_2576 : memref<8x128xf32, #tpu.memory_space<hbm>>) target(%dma_start3A_2574 : memref<8x128xf32, #tpu.memory_space<vmem>>) target_semaphore(%arg14 : memref<!tpu.dma_semaphore, #tpu.memory_space<semaphore_mem>>)
        %dma_start3A_2577 = arith.constant 3 : i32
        %dma_start3A_2578 = arith.constant 24 : i32
        %dma_start3A_2579 = arith.constant 0 : i32
        %dma_start3A_2580 = tpu.memref_slice %arg10[%dma_start3A_2577, %dma_start3A_2578, %dma_start3A_2579] : memref<8x32x128xf32, #tpu.memory_space<vmem>> -> memref<1x8x128xf32, #tpu.memory_space<vmem>>
        %dma_start3A_2581 = tpu.memref_squeeze %dma_start3A_2580 : memref<1x8x128xf32, #tpu.memory_space<vmem>> -> memref<8x128xf32, #tpu.memory_space<vmem>>
        %dma_start3A_2582 = arith.constant 24 : i32
        %dma_start3A_2583 = tpu.memref_slice %arg5[%dma_start3A_2582, %multiple_of3A_2485] : memref<32x1000000xf32, #tpu.memory_space<hbm>> -> memref<8x128xf32, #tpu.memory_space<hbm>>
        %dma_start3A_2584 = arith.constant 24 : i32
        %dma_start3A_2585 = arith.constant 0 : i32
        %dma_start3A_2586 = tpu.memref_slice %arg10[%dma_start3A_2577, %dma_start3A_2584, %dma_start3A_2585] : memref<8x32x128xf32, #tpu.memory_space<vmem>> -> memref<1x8x128xf32, #tpu.memory_space<vmem>>
        %dma_start3A_2587 = tpu.memref_squeeze %dma_start3A_2586 : memref<1x8x128xf32, #tpu.memory_space<vmem>> -> memref<8x128xf32, #tpu.memory_space<vmem>>
        %dma_start3A_2588 = arith.constant 24 : i32
        %dma_start3A_2589 = tpu.memref_slice %arg5[%dma_start3A_2588, %multiple_of3A_2485] : memref<32x1000000xf32, #tpu.memory_space<hbm>> -> memref<8x128xf32, #tpu.memory_space<hbm>>
        tpu.enqueue_dma source(%dma_start3A_2589 : memref<8x128xf32, #tpu.memory_space<hbm>>) target(%dma_start3A_2587 : memref<8x128xf32, #tpu.memory_space<vmem>>) target_semaphore(%arg15 : memref<!tpu.dma_semaphore, #tpu.memory_space<semaphore_mem>>)
      } else {
      }
      %mul3A_1715 = arith.constant 8 : i32
      %mul3A_1716 = arith.muli %scan3A_978, %mul3A_1715 : i32
      %add3A_1717 = arith.constant 4 : i32
      %add3A_1718 = arith.addi %mul3A_1716, %add3A_1717 : i32
      %dma_wait3A_1719 = arith.constant 4 : i32
      %dma_wait3A_1720 = arith.constant 0 : i32
      %dma_wait3A_1721 = arith.constant 0 : i32
      %dma_wait3A_1722 = tpu.memref_slice %arg9[%dma_wait3A_1719, %dma_wait3A_1720, %dma_wait3A_1721] : memref<8x32x128xf32, #tpu.memory_space<vmem>> -> memref<1x8x128xf32, #tpu.memory_space<vmem>>
      %dma_wait3A_1723 = tpu.memref_squeeze %dma_wait3A_1722 : memref<1x8x128xf32, #tpu.memory_space<vmem>> -> memref<8x128xf32, #tpu.memory_space<vmem>>
      %dma_wait3A_1724 = arith.constant 0 : i32
      %dma_wait3A_1725 = arith.constant 0 : i32
      %dma_wait3A_1726 = tpu.memref_slice %arg4[%dma_wait3A_1724, %dma_wait3A_1725] : memref<32x1000000xf32, #tpu.memory_space<hbm>> -> memref<8x128xf32, #tpu.memory_space<hbm>>
      %dma_wait3A_1727 = arith.constant 0 : i32
      %dma_wait3A_1728 = arith.constant 0 : i32
      %dma_wait3A_1729 = tpu.memref_slice %arg9[%dma_wait3A_1719, %dma_wait3A_1727, %dma_wait3A_1728] : memref<8x32x128xf32, #tpu.memory_space<vmem>> -> memref<1x8x128xf32, #tpu.memory_space<vmem>>
      %dma_wait3A_1730 = tpu.memref_squeeze %dma_wait3A_1729 : memref<1x8x128xf32, #tpu.memory_space<vmem>> -> memref<8x128xf32, #tpu.memory_space<vmem>>
      %dma_wait3A_1731 = arith.constant 0 : i32
      %dma_wait3A_1732 = arith.constant 0 : i32
      %dma_wait3A_1733 = tpu.memref_slice %arg4[%dma_wait3A_1731, %dma_wait3A_1732] : memref<32x1000000xf32, #tpu.memory_space<hbm>> -> memref<8x128xf32, #tpu.memory_space<hbm>>
      tpu.wait_dma2 semaphore(%arg12 : memref<!tpu.dma_semaphore, #tpu.memory_space<semaphore_mem>>) src(%dma_wait3A_1733 : memref<8x128xf32, #tpu.memory_space<hbm>>) dst(%dma_wait3A_1730 : memref<8x128xf32, #tpu.memory_space<vmem>>)
      %dma_wait3A_1734 = arith.constant 4 : i32
      %dma_wait3A_1735 = arith.constant 0 : i32
      %dma_wait3A_1736 = arith.constant 0 : i32
      %dma_wait3A_1737 = tpu.memref_slice %arg10[%dma_wait3A_1734, %dma_wait3A_1735, %dma_wait3A_1736] : memref<8x32x128xf32, #tpu.memory_space<vmem>> -> memref<1x8x128xf32, #tpu.memory_space<vmem>>
      %dma_wait3A_1738 = tpu.memref_squeeze %dma_wait3A_1737 : memref<1x8x128xf32, #tpu.memory_space<vmem>> -> memref<8x128xf32, #tpu.memory_space<vmem>>
      %dma_wait3A_1739 = arith.constant 0 : i32
      %dma_wait3A_1740 = arith.constant 0 : i32
      %dma_wait3A_1741 = tpu.memref_slice %arg5[%dma_wait3A_1739, %dma_wait3A_1740] : memref<32x1000000xf32, #tpu.memory_space<hbm>> -> memref<8x128xf32, #tpu.memory_space<hbm>>
      %dma_wait3A_1742 = arith.constant 0 : i32
      %dma_wait3A_1743 = arith.constant 0 : i32
      %dma_wait3A_1744 = tpu.memref_slice %arg10[%dma_wait3A_1734, %dma_wait3A_1742, %dma_wait3A_1743] : memref<8x32x128xf32, #tpu.memory_space<vmem>> -> memref<1x8x128xf32, #tpu.memory_space<vmem>>
      %dma_wait3A_1745 = tpu.memref_squeeze %dma_wait3A_1744 : memref<1x8x128xf32, #tpu.memory_space<vmem>> -> memref<8x128xf32, #tpu.memory_space<vmem>>
      %dma_wait3A_1746 = arith.constant 0 : i32
      %dma_wait3A_1747 = arith.constant 0 : i32
      %dma_wait3A_1748 = tpu.memref_slice %arg5[%dma_wait3A_1746, %dma_wait3A_1747] : memref<32x1000000xf32, #tpu.memory_space<hbm>> -> memref<8x128xf32, #tpu.memory_space<hbm>>
      tpu.wait_dma2 semaphore(%arg13 : memref<!tpu.dma_semaphore, #tpu.memory_space<semaphore_mem>>) src(%dma_wait3A_1748 : memref<8x128xf32, #tpu.memory_space<hbm>>) dst(%dma_wait3A_1745 : memref<8x128xf32, #tpu.memory_space<vmem>>)
      %dma_wait3A_1749 = arith.constant 4 : i32
      %dma_wait3A_1750 = arith.constant 8 : i32
      %dma_wait3A_1751 = arith.constant 0 : i32
      %dma_wait3A_1752 = tpu.memref_slice %arg9[%dma_wait3A_1749, %dma_wait3A_1750, %dma_wait3A_1751] : memref<8x32x128xf32, #tpu.memory_space<vmem>> -> memref<1x8x128xf32, #tpu.memory_space<vmem>>
      %dma_wait3A_1753 = tpu.memref_squeeze %dma_wait3A_1752 : memref<1x8x128xf32, #tpu.memory_space<vmem>> -> memref<8x128xf32, #tpu.memory_space<vmem>>
      %dma_wait3A_1754 = arith.constant 8 : i32
      %dma_wait3A_1755 = arith.constant 0 : i32
      %dma_wait3A_1756 = tpu.memref_slice %arg4[%dma_wait3A_1754, %dma_wait3A_1755] : memref<32x1000000xf32, #tpu.memory_space<hbm>> -> memref<8x128xf32, #tpu.memory_space<hbm>>
      %dma_wait3A_1757 = arith.constant 8 : i32
      %dma_wait3A_1758 = arith.constant 0 : i32
      %dma_wait3A_1759 = tpu.memref_slice %arg9[%dma_wait3A_1749, %dma_wait3A_1757, %dma_wait3A_1758] : memref<8x32x128xf32, #tpu.memory_space<vmem>> -> memref<1x8x128xf32, #tpu.memory_space<vmem>>
      %dma_wait3A_1760 = tpu.memref_squeeze %dma_wait3A_1759 : memref<1x8x128xf32, #tpu.memory_space<vmem>> -> memref<8x128xf32, #tpu.memory_space<vmem>>
      %dma_wait3A_1761 = arith.constant 8 : i32
      %dma_wait3A_1762 = arith.constant 0 : i32
      %dma_wait3A_1763 = tpu.memref_slice %arg4[%dma_wait3A_1761, %dma_wait3A_1762] : memref<32x1000000xf32, #tpu.memory_space<hbm>> -> memref<8x128xf32, #tpu.memory_space<hbm>>
      tpu.wait_dma2 semaphore(%arg12 : memref<!tpu.dma_semaphore, #tpu.memory_space<semaphore_mem>>) src(%dma_wait3A_1763 : memref<8x128xf32, #tpu.memory_space<hbm>>) dst(%dma_wait3A_1760 : memref<8x128xf32, #tpu.memory_space<vmem>>)
      %dma_wait3A_1764 = arith.constant 4 : i32
      %dma_wait3A_1765 = arith.constant 8 : i32
      %dma_wait3A_1766 = arith.constant 0 : i32
      %dma_wait3A_1767 = tpu.memref_slice %arg10[%dma_wait3A_1764, %dma_wait3A_1765, %dma_wait3A_1766] : memref<8x32x128xf32, #tpu.memory_space<vmem>> -> memref<1x8x128xf32, #tpu.memory_space<vmem>>
      %dma_wait3A_1768 = tpu.memref_squeeze %dma_wait3A_1767 : memref<1x8x128xf32, #tpu.memory_space<vmem>> -> memref<8x128xf32, #tpu.memory_space<vmem>>
      %dma_wait3A_1769 = arith.constant 8 : i32
      %dma_wait3A_1770 = arith.constant 0 : i32
      %dma_wait3A_1771 = tpu.memref_slice %arg5[%dma_wait3A_1769, %dma_wait3A_1770] : memref<32x1000000xf32, #tpu.memory_space<hbm>> -> memref<8x128xf32, #tpu.memory_space<hbm>>
      %dma_wait3A_1772 = arith.constant 8 : i32
      %dma_wait3A_1773 = arith.constant 0 : i32
      %dma_wait3A_1774 = tpu.memref_slice %arg10[%dma_wait3A_1764, %dma_wait3A_1772, %dma_wait3A_1773] : memref<8x32x128xf32, #tpu.memory_space<vmem>> -> memref<1x8x128xf32, #tpu.memory_space<vmem>>
      %dma_wait3A_1775 = tpu.memref_squeeze %dma_wait3A_1774 : memref<1x8x128xf32, #tpu.memory_space<vmem>> -> memref<8x128xf32, #tpu.memory_space<vmem>>
      %dma_wait3A_1776 = arith.constant 8 : i32
      %dma_wait3A_1777 = arith.constant 0 : i32
      %dma_wait3A_1778 = tpu.memref_slice %arg5[%dma_wait3A_1776, %dma_wait3A_1777] : memref<32x1000000xf32, #tpu.memory_space<hbm>> -> memref<8x128xf32, #tpu.memory_space<hbm>>
      tpu.wait_dma2 semaphore(%arg13 : memref<!tpu.dma_semaphore, #tpu.memory_space<semaphore_mem>>) src(%dma_wait3A_1778 : memref<8x128xf32, #tpu.memory_space<hbm>>) dst(%dma_wait3A_1775 : memref<8x128xf32, #tpu.memory_space<vmem>>)
      %dma_wait3A_1779 = arith.constant 4 : i32
      %dma_wait3A_1780 = arith.constant 16 : i32
      %dma_wait3A_1781 = arith.constant 0 : i32
      %dma_wait3A_1782 = tpu.memref_slice %arg9[%dma_wait3A_1779, %dma_wait3A_1780, %dma_wait3A_1781] : memref<8x32x128xf32, #tpu.memory_space<vmem>> -> memref<1x8x128xf32, #tpu.memory_space<vmem>>
      %dma_wait3A_1783 = tpu.memref_squeeze %dma_wait3A_1782 : memref<1x8x128xf32, #tpu.memory_space<vmem>> -> memref<8x128xf32, #tpu.memory_space<vmem>>
      %dma_wait3A_1784 = arith.constant 16 : i32
      %dma_wait3A_1785 = arith.constant 0 : i32
      %dma_wait3A_1786 = tpu.memref_slice %arg4[%dma_wait3A_1784, %dma_wait3A_1785] : memref<32x1000000xf32, #tpu.memory_space<hbm>> -> memref<8x128xf32, #tpu.memory_space<hbm>>
      %dma_wait3A_1787 = arith.constant 16 : i32
      %dma_wait3A_1788 = arith.constant 0 : i32
      %dma_wait3A_1789 = tpu.memref_slice %arg9[%dma_wait3A_1779, %dma_wait3A_1787, %dma_wait3A_1788] : memref<8x32x128xf32, #tpu.memory_space<vmem>> -> memref<1x8x128xf32, #tpu.memory_space<vmem>>
      %dma_wait3A_1790 = tpu.memref_squeeze %dma_wait3A_1789 : memref<1x8x128xf32, #tpu.memory_space<vmem>> -> memref<8x128xf32, #tpu.memory_space<vmem>>
      %dma_wait3A_1791 = arith.constant 16 : i32
      %dma_wait3A_1792 = arith.constant 0 : i32
      %dma_wait3A_1793 = tpu.memref_slice %arg4[%dma_wait3A_1791, %dma_wait3A_1792] : memref<32x1000000xf32, #tpu.memory_space<hbm>> -> memref<8x128xf32, #tpu.memory_space<hbm>>
      tpu.wait_dma2 semaphore(%arg14 : memref<!tpu.dma_semaphore, #tpu.memory_space<semaphore_mem>>) src(%dma_wait3A_1793 : memref<8x128xf32, #tpu.memory_space<hbm>>) dst(%dma_wait3A_1790 : memref<8x128xf32, #tpu.memory_space<vmem>>)
      %dma_wait3A_1794 = arith.constant 4 : i32
      %dma_wait3A_1795 = arith.constant 16 : i32
      %dma_wait3A_1796 = arith.constant 0 : i32
      %dma_wait3A_1797 = tpu.memref_slice %arg10[%dma_wait3A_1794, %dma_wait3A_1795, %dma_wait3A_1796] : memref<8x32x128xf32, #tpu.memory_space<vmem>> -> memref<1x8x128xf32, #tpu.memory_space<vmem>>
      %dma_wait3A_1798 = tpu.memref_squeeze %dma_wait3A_1797 : memref<1x8x128xf32, #tpu.memory_space<vmem>> -> memref<8x128xf32, #tpu.memory_space<vmem>>
      %dma_wait3A_1799 = arith.constant 16 : i32
      %dma_wait3A_1800 = arith.constant 0 : i32
      %dma_wait3A_1801 = tpu.memref_slice %arg5[%dma_wait3A_1799, %dma_wait3A_1800] : memref<32x1000000xf32, #tpu.memory_space<hbm>> -> memref<8x128xf32, #tpu.memory_space<hbm>>
      %dma_wait3A_1802 = arith.constant 16 : i32
      %dma_wait3A_1803 = arith.constant 0 : i32
      %dma_wait3A_1804 = tpu.memref_slice %arg10[%dma_wait3A_1794, %dma_wait3A_1802, %dma_wait3A_1803] : memref<8x32x128xf32, #tpu.memory_space<vmem>> -> memref<1x8x128xf32, #tpu.memory_space<vmem>>
      %dma_wait3A_1805 = tpu.memref_squeeze %dma_wait3A_1804 : memref<1x8x128xf32, #tpu.memory_space<vmem>> -> memref<8x128xf32, #tpu.memory_space<vmem>>
      %dma_wait3A_1806 = arith.constant 16 : i32
      %dma_wait3A_1807 = arith.constant 0 : i32
      %dma_wait3A_1808 = tpu.memref_slice %arg5[%dma_wait3A_1806, %dma_wait3A_1807] : memref<32x1000000xf32, #tpu.memory_space<hbm>> -> memref<8x128xf32, #tpu.memory_space<hbm>>
      tpu.wait_dma2 semaphore(%arg15 : memref<!tpu.dma_semaphore, #tpu.memory_space<semaphore_mem>>) src(%dma_wait3A_1808 : memref<8x128xf32, #tpu.memory_space<hbm>>) dst(%dma_wait3A_1805 : memref<8x128xf32, #tpu.memory_space<vmem>>)
      %dma_wait3A_1809 = arith.constant 4 : i32
      %dma_wait3A_1810 = arith.constant 24 : i32
      %dma_wait3A_1811 = arith.constant 0 : i32
      %dma_wait3A_1812 = tpu.memref_slice %arg9[%dma_wait3A_1809, %dma_wait3A_1810, %dma_wait3A_1811] : memref<8x32x128xf32, #tpu.memory_space<vmem>> -> memref<1x8x128xf32, #tpu.memory_space<vmem>>
      %dma_wait3A_1813 = tpu.memref_squeeze %dma_wait3A_1812 : memref<1x8x128xf32, #tpu.memory_space<vmem>> -> memref<8x128xf32, #tpu.memory_space<vmem>>
      %dma_wait3A_1814 = arith.constant 24 : i32
      %dma_wait3A_1815 = arith.constant 0 : i32
      %dma_wait3A_1816 = tpu.memref_slice %arg4[%dma_wait3A_1814, %dma_wait3A_1815] : memref<32x1000000xf32, #tpu.memory_space<hbm>> -> memref<8x128xf32, #tpu.memory_space<hbm>>
      %dma_wait3A_1817 = arith.constant 24 : i32
      %dma_wait3A_1818 = arith.constant 0 : i32
      %dma_wait3A_1819 = tpu.memref_slice %arg9[%dma_wait3A_1809, %dma_wait3A_1817, %dma_wait3A_1818] : memref<8x32x128xf32, #tpu.memory_space<vmem>> -> memref<1x8x128xf32, #tpu.memory_space<vmem>>
      %dma_wait3A_1820 = tpu.memref_squeeze %dma_wait3A_1819 : memref<1x8x128xf32, #tpu.memory_space<vmem>> -> memref<8x128xf32, #tpu.memory_space<vmem>>
      %dma_wait3A_1821 = arith.constant 24 : i32
      %dma_wait3A_1822 = arith.constant 0 : i32
      %dma_wait3A_1823 = tpu.memref_slice %arg4[%dma_wait3A_1821, %dma_wait3A_1822] : memref<32x1000000xf32, #tpu.memory_space<hbm>> -> memref<8x128xf32, #tpu.memory_space<hbm>>
      tpu.wait_dma2 semaphore(%arg14 : memref<!tpu.dma_semaphore, #tpu.memory_space<semaphore_mem>>) src(%dma_wait3A_1823 : memref<8x128xf32, #tpu.memory_space<hbm>>) dst(%dma_wait3A_1820 : memref<8x128xf32, #tpu.memory_space<vmem>>)
      %dma_wait3A_1824 = arith.constant 4 : i32
      %dma_wait3A_1825 = arith.constant 24 : i32
      %dma_wait3A_1826 = arith.constant 0 : i32
      %dma_wait3A_1827 = tpu.memref_slice %arg10[%dma_wait3A_1824, %dma_wait3A_1825, %dma_wait3A_1826] : memref<8x32x128xf32, #tpu.memory_space<vmem>> -> memref<1x8x128xf32, #tpu.memory_space<vmem>>
      %dma_wait3A_1828 = tpu.memref_squeeze %dma_wait3A_1827 : memref<1x8x128xf32, #tpu.memory_space<vmem>> -> memref<8x128xf32, #tpu.memory_space<vmem>>
      %dma_wait3A_1829 = arith.constant 24 : i32
      %dma_wait3A_1830 = arith.constant 0 : i32
      %dma_wait3A_1831 = tpu.memref_slice %arg5[%dma_wait3A_1829, %dma_wait3A_1830] : memref<32x1000000xf32, #tpu.memory_space<hbm>> -> memref<8x128xf32, #tpu.memory_space<hbm>>
      %dma_wait3A_1832 = arith.constant 24 : i32
      %dma_wait3A_1833 = arith.constant 0 : i32
      %dma_wait3A_1834 = tpu.memref_slice %arg10[%dma_wait3A_1824, %dma_wait3A_1832, %dma_wait3A_1833] : memref<8x32x128xf32, #tpu.memory_space<vmem>> -> memref<1x8x128xf32, #tpu.memory_space<vmem>>
      %dma_wait3A_1835 = tpu.memref_squeeze %dma_wait3A_1834 : memref<1x8x128xf32, #tpu.memory_space<vmem>> -> memref<8x128xf32, #tpu.memory_space<vmem>>
      %dma_wait3A_1836 = arith.constant 24 : i32
      %dma_wait3A_1837 = arith.constant 0 : i32
      %dma_wait3A_1838 = tpu.memref_slice %arg5[%dma_wait3A_1836, %dma_wait3A_1837] : memref<32x1000000xf32, #tpu.memory_space<hbm>> -> memref<8x128xf32, #tpu.memory_space<hbm>>
      tpu.wait_dma2 semaphore(%arg15 : memref<!tpu.dma_semaphore, #tpu.memory_space<semaphore_mem>>) src(%dma_wait3A_1838 : memref<8x128xf32, #tpu.memory_space<hbm>>) dst(%dma_wait3A_1835 : memref<8x128xf32, #tpu.memory_space<vmem>>)
      %get3A_1839 = arith.index_cast %add3A_1718 : i32 to index
      %get3A_1840 = tpu.vector_load %arg7[%get3A_1839] {strides = array<i32>} : memref<528xi32, #tpu.memory_space<vmem>>, vector<16xi32>,
      %slice3A_1841 = vector.extract_strided_slice %get3A_1840 {offsets = [0], sizes = [1], strides = [1]} : vector<16xi32> to vector<1xi32>
      %squeeze3A_1842 = vector.extract %slice3A_1841[0] : i32 from vector<1xi32>
      %get3A_1843 = arith.index_cast %add3A_1718 : i32 to index
      %get3A_1844 = tpu.vector_load %arg8[%get3A_1843] {strides = array<i32>} : memref<528xi32, #tpu.memory_space<vmem>>, vector<16xi32>,
      %slice3A_1845 = vector.extract_strided_slice %get3A_1844 {offsets = [0], sizes = [1], strides = [1]} : vector<16xi32> to vector<1xi32>
      %squeeze3A_1846 = vector.extract %slice3A_1845[0] : i32 from vector<1xi32>
      %and3A_1847 = arith.constant 127 : i32
      %and3A_1848 = arith.andi %squeeze3A_1842, %and3A_1847 : i32
      %broadcast_in_dim3A_1849 = vector.broadcast %and3A_1848 : i32 to vector<16xi32>
      %and3A_1850 = arith.constant 127 : i32
      %and3A_1851 = arith.andi %squeeze3A_1846, %and3A_1850 : i32
      %broadcast_in_dim3A_1852 = vector.broadcast %and3A_1851 : i32 to vector<16xi32>
      %gather3A_1853 = arith.constant 4 : i32
      %gather3A_1854 = arith.constant 0 : i32
      %gather3A_1855 = arith.constant 0 : i32
      %gather3A_1856 = tpu.memref_slice %arg9[%gather3A_1853, %gather3A_1854, %gather3A_1855] : memref<8x32x128xf32, #tpu.memory_space<vmem>> -> memref<1x32x128xf32, #tpu.memory_space<vmem>>
      %gather3A_1857 = tpu.memref_squeeze %gather3A_1856 : memref<1x32x128xf32, #tpu.memory_space<vmem>> -> memref<32x128xf32, #tpu.memory_space<vmem>>
      %gather3A_1858 = tpu.vector_load_idx %gather3A_1857[%iota3A, %broadcast_in_dim3A_1849] : memref<32x128xf32, #tpu.memory_space<vmem>>[vector<16xi32>, vector<16xi32>], vector<16xf32>,
      %add3A_1859 = arith.constant 16 : i32
      %add3A_1860 = vector.broadcast %add3A_1859 : i32 to vector<16xi32>
      %add3A_1861 = arith.addi %iota3A, %add3A_1860 : vector<16xi32>
      %gather3A_1862 = arith.constant 4 : i32
      %gather3A_1863 = arith.constant 0 : i32
      %gather3A_1864 = arith.constant 0 : i32
      %gather3A_1865 = tpu.memref_slice %arg9[%gather3A_1862, %gather3A_1863, %gather3A_1864] : memref<8x32x128xf32, #tpu.memory_space<vmem>> -> memref<1x32x128xf32, #tpu.memory_space<vmem>>
      %gather3A_1866 = tpu.memref_squeeze %gather3A_1865 : memref<1x32x128xf32, #tpu.memory_space<vmem>> -> memref<32x128xf32, #tpu.memory_space<vmem>>
      %gather3A_1867 = tpu.vector_load_idx %gather3A_1866[%add3A_1861, %broadcast_in_dim3A_1849] : memref<32x128xf32, #tpu.memory_space<vmem>>[vector<16xi32>, vector<16xi32>], vector<16xf32>,
      %gather3A_1868 = arith.constant 4 : i32
      %gather3A_1869 = arith.constant 0 : i32
      %gather3A_1870 = arith.constant 0 : i32
      %gather3A_1871 = tpu.memref_slice %arg10[%gather3A_1868, %gather3A_1869, %gather3A_1870] : memref<8x32x128xf32, #tpu.memory_space<vmem>> -> memref<1x32x128xf32, #tpu.memory_space<vmem>>
      %gather3A_1872 = tpu.memref_squeeze %gather3A_1871 : memref<1x32x128xf32, #tpu.memory_space<vmem>> -> memref<32x128xf32, #tpu.memory_space<vmem>>
      %gather3A_1873 = tpu.vector_load_idx %gather3A_1872[%iota3A, %broadcast_in_dim3A_1852] : memref<32x128xf32, #tpu.memory_space<vmem>>[vector<16xi32>, vector<16xi32>], vector<16xf32>,
      %add3A_1874 = arith.constant 16 : i32
      %add3A_1875 = vector.broadcast %add3A_1874 : i32 to vector<16xi32>
      %add3A_1876 = arith.addi %iota3A, %add3A_1875 : vector<16xi32>
      %gather3A_1877 = arith.constant 4 : i32
      %gather3A_1878 = arith.constant 0 : i32
      %gather3A_1879 = arith.constant 0 : i32
      %gather3A_1880 = tpu.memref_slice %arg10[%gather3A_1877, %gather3A_1878, %gather3A_1879] : memref<8x32x128xf32, #tpu.memory_space<vmem>> -> memref<1x32x128xf32, #tpu.memory_space<vmem>>
      %gather3A_1881 = tpu.memref_squeeze %gather3A_1880 : memref<1x32x128xf32, #tpu.memory_space<vmem>> -> memref<32x128xf32, #tpu.memory_space<vmem>>
      %gather3A_1882 = tpu.vector_load_idx %gather3A_1881[%add3A_1876, %broadcast_in_dim3A_1852] : memref<32x128xf32, #tpu.memory_space<vmem>>[vector<16xi32>, vector<16xi32>], vector<16xf32>,
      %mul3A_1883 = arith.mulf %gather3A_1858, %gather3A_1873 : vector<16xf32>
      %mul3A_1884 = arith.mulf %gather3A_1867, %gather3A_1882 : vector<16xf32>
      %add3A_1885 = arith.addf %mul3A_1883, %mul3A_1884 : vector<16xf32>
      %and3A_1886 = arith.constant 15 : i32
      %and3A_1887 = arith.andi %add3A_1718, %and3A_1886 : i32
      %eq3A_1888 = vector.broadcast %and3A_1887 : i32 to vector<16xi32>
      %eq3A_1889 = arith.cmpi eq, %iota3A, %eq3A_1888 : vector<16xi32>
      %reduce_sum3A_1890 = arith.constant true
      %reduce_sum3A_1891 = vector.broadcast %reduce_sum3A_1890 : i1 to vector<16xi1>
      %reduce_sum3A_1892 = tpu.scan <sum>, %add3A_1885 masked %reduce_sum3A_1891 : vector<16xf32>, vector<16xi1> -> vector<16xf32>
      %reduce_sum3A_1893 = vector.extract %reduce_sum3A_1892[15] : f32 from vector<16xf32>
      %broadcast_in_dim3A_1894 = vector.broadcast %reduce_sum3A_1893 : f32 to vector<16xf32>
      %select_n3A_1895 = arith.select %eq3A_1889, %broadcast_in_dim3A_1894, %select_n3A_1709 : vector<16xi1>, vector<16xf32>
      %lt3A_1896 = arith.constant 63 : i32
      %lt3A_1897 = arith.cmpi slt, %scan3A_978, %lt3A_1896 : i32
      %convert_element_type3A_1898 = arith.extui %lt3A_1897 : i1 to i32
      %cond3A_1899 = arith.constant 0 : i32
      %cond3A_1900 = arith.cmpi ne, %convert_element_type3A_1898, %cond3A_1899 : i32
      scf.if %cond3A_1900 {
        %add3A_2466 = arith.constant 8 : i32
        %add3A_2467 = arith.addi %add3A_1718, %add3A_2466 : i32
        %get3A_2468 = arith.index_cast %add3A_2467 : i32 to index
        %get3A_2469 = tpu.vector_load %arg7[%get3A_2468] {strides = array<i32>} : memref<528xi32, #tpu.memory_space<vmem>>, vector<16xi32>,
        %slice3A_2470 = vector.extract_strided_slice %get3A_2469 {offsets = [0], sizes = [1], strides = [1]} : vector<16xi32> to vector<1xi32>
        %squeeze3A_2471 = vector.extract %slice3A_2470[0] : i32 from vector<1xi32>
        %shift_right_arithmetic3A_2472 = arith.constant 7 : i32
        %shift_right_arithmetic3A_2473 = arith.shrsi %squeeze3A_2471, %shift_right_arithmetic3A_2472 : i32
        %shift_left3A_2474 = arith.constant 7 : i32
        %shift_left3A_2475 = arith.shli %shift_right_arithmetic3A_2473, %shift_left3A_2474 : i32
        %multiple_of3A_2476 = tpu.assume_multiple %shift_left3A_2475, 128 : i32
        %get3A_2477 = arith.index_cast %add3A_2467 : i32 to index
        %get3A_2478 = tpu.vector_load %arg8[%get3A_2477] {strides = array<i32>} : memref<528xi32, #tpu.memory_space<vmem>>, vector<16xi32>,
        %slice3A_2479 = vector.extract_strided_slice %get3A_2478 {offsets = [0], sizes = [1], strides = [1]} : vector<16xi32> to vector<1xi32>
        %squeeze3A_2480 = vector.extract %slice3A_2479[0] : i32 from vector<1xi32>
        %shift_right_arithmetic3A_2481 = arith.constant 7 : i32
        %shift_right_arithmetic3A_2482 = arith.shrsi %squeeze3A_2480, %shift_right_arithmetic3A_2481 : i32
        %shift_left3A_2483 = arith.constant 7 : i32
        %shift_left3A_2484 = arith.shli %shift_right_arithmetic3A_2482, %shift_left3A_2483 : i32
        %multiple_of3A_2485 = tpu.assume_multiple %shift_left3A_2484, 128 : i32
        %dma_start3A_2486 = arith.constant 4 : i32
        %dma_start3A_2487 = arith.constant 0 : i32
        %dma_start3A_2488 = arith.constant 0 : i32
        %dma_start3A_2489 = tpu.memref_slice %arg9[%dma_start3A_2486, %dma_start3A_2487, %dma_start3A_2488] : memref<8x32x128xf32, #tpu.memory_space<vmem>> -> memref<1x8x128xf32, #tpu.memory_space<vmem>>
        %dma_start3A_2490 = tpu.memref_squeeze %dma_start3A_2489 : memref<1x8x128xf32, #tpu.memory_space<vmem>> -> memref<8x128xf32, #tpu.memory_space<vmem>>
        %dma_start3A_2491 = arith.constant 0 : i32
        %dma_start3A_2492 = tpu.memref_slice %arg4[%dma_start3A_2491, %multiple_of3A_2476] : memref<32x1000000xf32, #tpu.memory_space<hbm>> -> memref<8x128xf32, #tpu.memory_space<hbm>>
        %dma_start3A_2493 = arith.constant 0 : i32
        %dma_start3A_2494 = arith.constant 0 : i32
        %dma_start3A_2495 = tpu.memref_slice %arg9[%dma_start3A_2486, %dma_start3A_2493, %dma_start3A_2494] : memref<8x32x128xf32, #tpu.memory_space<vmem>> -> memref<1x8x128xf32, #tpu.memory_space<vmem>>
        %dma_start3A_2496 = tpu.memref_squeeze %dma_start3A_2495 : memref<1x8x128xf32, #tpu.memory_space<vmem>> -> memref<8x128xf32, #tpu.memory_space<vmem>>
        %dma_start3A_2497 = arith.constant 0 : i32
        %dma_start3A_2498 = tpu.memref_slice %arg4[%dma_start3A_2497, %multiple_of3A_2476] : memref<32x1000000xf32, #tpu.memory_space<hbm>> -> memref<8x128xf32, #tpu.memory_space<hbm>>
        tpu.enqueue_dma source(%dma_start3A_2498 : memref<8x128xf32, #tpu.memory_space<hbm>>) target(%dma_start3A_2496 : memref<8x128xf32, #tpu.memory_space<vmem>>) target_semaphore(%arg12 : memref<!tpu.dma_semaphore, #tpu.memory_space<semaphore_mem>>)
        %dma_start3A_2499 = arith.constant 4 : i32
        %dma_start3A_2500 = arith.constant 0 : i32
        %dma_start3A_2501 = arith.constant 0 : i32
        %dma_start3A_2502 = tpu.memref_slice %arg10[%dma_start3A_2499, %dma_start3A_2500, %dma_start3A_2501] : memref<8x32x128xf32, #tpu.memory_space<vmem>> -> memref<1x8x128xf32, #tpu.memory_space<vmem>>
        %dma_start3A_2503 = tpu.memref_squeeze %dma_start3A_2502 : memref<1x8x128xf32, #tpu.memory_space<vmem>> -> memref<8x128xf32, #tpu.memory_space<vmem>>
        %dma_start3A_2504 = arith.constant 0 : i32
        %dma_start3A_2505 = tpu.memref_slice %arg5[%dma_start3A_2504, %multiple_of3A_2485] : memref<32x1000000xf32, #tpu.memory_space<hbm>> -> memref<8x128xf32, #tpu.memory_space<hbm>>
        %dma_start3A_2506 = arith.constant 0 : i32
        %dma_start3A_2507 = arith.constant 0 : i32
        %dma_start3A_2508 = tpu.memref_slice %arg10[%dma_start3A_2499, %dma_start3A_2506, %dma_start3A_2507] : memref<8x32x128xf32, #tpu.memory_space<vmem>> -> memref<1x8x128xf32, #tpu.memory_space<vmem>>
        %dma_start3A_2509 = tpu.memref_squeeze %dma_start3A_2508 : memref<1x8x128xf32, #tpu.memory_space<vmem>> -> memref<8x128xf32, #tpu.memory_space<vmem>>
        %dma_start3A_2510 = arith.constant 0 : i32
        %dma_start3A_2511 = tpu.memref_slice %arg5[%dma_start3A_2510, %multiple_of3A_2485] : memref<32x1000000xf32, #tpu.memory_space<hbm>> -> memref<8x128xf32, #tpu.memory_space<hbm>>
        tpu.enqueue_dma source(%dma_start3A_2511 : memref<8x128xf32, #tpu.memory_space<hbm>>) target(%dma_start3A_2509 : memref<8x128xf32, #tpu.memory_space<vmem>>) target_semaphore(%arg13 : memref<!tpu.dma_semaphore, #tpu.memory_space<semaphore_mem>>)
        %dma_start3A_2512 = arith.constant 4 : i32
        %dma_start3A_2513 = arith.constant 8 : i32
        %dma_start3A_2514 = arith.constant 0 : i32
        %dma_start3A_2515 = tpu.memref_slice %arg9[%dma_start3A_2512, %dma_start3A_2513, %dma_start3A_2514] : memref<8x32x128xf32, #tpu.memory_space<vmem>> -> memref<1x8x128xf32, #tpu.memory_space<vmem>>
        %dma_start3A_2516 = tpu.memref_squeeze %dma_start3A_2515 : memref<1x8x128xf32, #tpu.memory_space<vmem>> -> memref<8x128xf32, #tpu.memory_space<vmem>>
        %dma_start3A_2517 = arith.constant 8 : i32
        %dma_start3A_2518 = tpu.memref_slice %arg4[%dma_start3A_2517, %multiple_of3A_2476] : memref<32x1000000xf32, #tpu.memory_space<hbm>> -> memref<8x128xf32, #tpu.memory_space<hbm>>
        %dma_start3A_2519 = arith.constant 8 : i32
        %dma_start3A_2520 = arith.constant 0 : i32
        %dma_start3A_2521 = tpu.memref_slice %arg9[%dma_start3A_2512, %dma_start3A_2519, %dma_start3A_2520] : memref<8x32x128xf32, #tpu.memory_space<vmem>> -> memref<1x8x128xf32, #tpu.memory_space<vmem>>
        %dma_start3A_2522 = tpu.memref_squeeze %dma_start3A_2521 : memref<1x8x128xf32, #tpu.memory_space<vmem>> -> memref<8x128xf32, #tpu.memory_space<vmem>>
        %dma_start3A_2523 = arith.constant 8 : i32
        %dma_start3A_2524 = tpu.memref_slice %arg4[%dma_start3A_2523, %multiple_of3A_2476] : memref<32x1000000xf32, #tpu.memory_space<hbm>> -> memref<8x128xf32, #tpu.memory_space<hbm>>
        tpu.enqueue_dma source(%dma_start3A_2524 : memref<8x128xf32, #tpu.memory_space<hbm>>) target(%dma_start3A_2522 : memref<8x128xf32, #tpu.memory_space<vmem>>) target_semaphore(%arg12 : memref<!tpu.dma_semaphore, #tpu.memory_space<semaphore_mem>>)
        %dma_start3A_2525 = arith.constant 4 : i32
        %dma_start3A_2526 = arith.constant 8 : i32
        %dma_start3A_2527 = arith.constant 0 : i32
        %dma_start3A_2528 = tpu.memref_slice %arg10[%dma_start3A_2525, %dma_start3A_2526, %dma_start3A_2527] : memref<8x32x128xf32, #tpu.memory_space<vmem>> -> memref<1x8x128xf32, #tpu.memory_space<vmem>>
        %dma_start3A_2529 = tpu.memref_squeeze %dma_start3A_2528 : memref<1x8x128xf32, #tpu.memory_space<vmem>> -> memref<8x128xf32, #tpu.memory_space<vmem>>
        %dma_start3A_2530 = arith.constant 8 : i32
        %dma_start3A_2531 = tpu.memref_slice %arg5[%dma_start3A_2530, %multiple_of3A_2485] : memref<32x1000000xf32, #tpu.memory_space<hbm>> -> memref<8x128xf32, #tpu.memory_space<hbm>>
        %dma_start3A_2532 = arith.constant 8 : i32
        %dma_start3A_2533 = arith.constant 0 : i32
        %dma_start3A_2534 = tpu.memref_slice %arg10[%dma_start3A_2525, %dma_start3A_2532, %dma_start3A_2533] : memref<8x32x128xf32, #tpu.memory_space<vmem>> -> memref<1x8x128xf32, #tpu.memory_space<vmem>>
        %dma_start3A_2535 = tpu.memref_squeeze %dma_start3A_2534 : memref<1x8x128xf32, #tpu.memory_space<vmem>> -> memref<8x128xf32, #tpu.memory_space<vmem>>
        %dma_start3A_2536 = arith.constant 8 : i32
        %dma_start3A_2537 = tpu.memref_slice %arg5[%dma_start3A_2536, %multiple_of3A_2485] : memref<32x1000000xf32, #tpu.memory_space<hbm>> -> memref<8x128xf32, #tpu.memory_space<hbm>>
        tpu.enqueue_dma source(%dma_start3A_2537 : memref<8x128xf32, #tpu.memory_space<hbm>>) target(%dma_start3A_2535 : memref<8x128xf32, #tpu.memory_space<vmem>>) target_semaphore(%arg13 : memref<!tpu.dma_semaphore, #tpu.memory_space<semaphore_mem>>)
        %dma_start3A_2538 = arith.constant 4 : i32
        %dma_start3A_2539 = arith.constant 16 : i32
        %dma_start3A_2540 = arith.constant 0 : i32
        %dma_start3A_2541 = tpu.memref_slice %arg9[%dma_start3A_2538, %dma_start3A_2539, %dma_start3A_2540] : memref<8x32x128xf32, #tpu.memory_space<vmem>> -> memref<1x8x128xf32, #tpu.memory_space<vmem>>
        %dma_start3A_2542 = tpu.memref_squeeze %dma_start3A_2541 : memref<1x8x128xf32, #tpu.memory_space<vmem>> -> memref<8x128xf32, #tpu.memory_space<vmem>>
        %dma_start3A_2543 = arith.constant 16 : i32
        %dma_start3A_2544 = tpu.memref_slice %arg4[%dma_start3A_2543, %multiple_of3A_2476] : memref<32x1000000xf32, #tpu.memory_space<hbm>> -> memref<8x128xf32, #tpu.memory_space<hbm>>
        %dma_start3A_2545 = arith.constant 16 : i32
        %dma_start3A_2546 = arith.constant 0 : i32
        %dma_start3A_2547 = tpu.memref_slice %arg9[%dma_start3A_2538, %dma_start3A_2545, %dma_start3A_2546] : memref<8x32x128xf32, #tpu.memory_space<vmem>> -> memref<1x8x128xf32, #tpu.memory_space<vmem>>
        %dma_start3A_2548 = tpu.memref_squeeze %dma_start3A_2547 : memref<1x8x128xf32, #tpu.memory_space<vmem>> -> memref<8x128xf32, #tpu.memory_space<vmem>>
        %dma_start3A_2549 = arith.constant 16 : i32
        %dma_start3A_2550 = tpu.memref_slice %arg4[%dma_start3A_2549, %multiple_of3A_2476] : memref<32x1000000xf32, #tpu.memory_space<hbm>> -> memref<8x128xf32, #tpu.memory_space<hbm>>
        tpu.enqueue_dma source(%dma_start3A_2550 : memref<8x128xf32, #tpu.memory_space<hbm>>) target(%dma_start3A_2548 : memref<8x128xf32, #tpu.memory_space<vmem>>) target_semaphore(%arg14 : memref<!tpu.dma_semaphore, #tpu.memory_space<semaphore_mem>>)
        %dma_start3A_2551 = arith.constant 4 : i32
        %dma_start3A_2552 = arith.constant 16 : i32
        %dma_start3A_2553 = arith.constant 0 : i32
        %dma_start3A_2554 = tpu.memref_slice %arg10[%dma_start3A_2551, %dma_start3A_2552, %dma_start3A_2553] : memref<8x32x128xf32, #tpu.memory_space<vmem>> -> memref<1x8x128xf32, #tpu.memory_space<vmem>>
        %dma_start3A_2555 = tpu.memref_squeeze %dma_start3A_2554 : memref<1x8x128xf32, #tpu.memory_space<vmem>> -> memref<8x128xf32, #tpu.memory_space<vmem>>
        %dma_start3A_2556 = arith.constant 16 : i32
        %dma_start3A_2557 = tpu.memref_slice %arg5[%dma_start3A_2556, %multiple_of3A_2485] : memref<32x1000000xf32, #tpu.memory_space<hbm>> -> memref<8x128xf32, #tpu.memory_space<hbm>>
        %dma_start3A_2558 = arith.constant 16 : i32
        %dma_start3A_2559 = arith.constant 0 : i32
        %dma_start3A_2560 = tpu.memref_slice %arg10[%dma_start3A_2551, %dma_start3A_2558, %dma_start3A_2559] : memref<8x32x128xf32, #tpu.memory_space<vmem>> -> memref<1x8x128xf32, #tpu.memory_space<vmem>>
        %dma_start3A_2561 = tpu.memref_squeeze %dma_start3A_2560 : memref<1x8x128xf32, #tpu.memory_space<vmem>> -> memref<8x128xf32, #tpu.memory_space<vmem>>
        %dma_start3A_2562 = arith.constant 16 : i32
        %dma_start3A_2563 = tpu.memref_slice %arg5[%dma_start3A_2562, %multiple_of3A_2485] : memref<32x1000000xf32, #tpu.memory_space<hbm>> -> memref<8x128xf32, #tpu.memory_space<hbm>>
        tpu.enqueue_dma source(%dma_start3A_2563 : memref<8x128xf32, #tpu.memory_space<hbm>>) target(%dma_start3A_2561 : memref<8x128xf32, #tpu.memory_space<vmem>>) target_semaphore(%arg15 : memref<!tpu.dma_semaphore, #tpu.memory_space<semaphore_mem>>)
        %dma_start3A_2564 = arith.constant 4 : i32
        %dma_start3A_2565 = arith.constant 24 : i32
        %dma_start3A_2566 = arith.constant 0 : i32
        %dma_start3A_2567 = tpu.memref_slice %arg9[%dma_start3A_2564, %dma_start3A_2565, %dma_start3A_2566] : memref<8x32x128xf32, #tpu.memory_space<vmem>> -> memref<1x8x128xf32, #tpu.memory_space<vmem>>
        %dma_start3A_2568 = tpu.memref_squeeze %dma_start3A_2567 : memref<1x8x128xf32, #tpu.memory_space<vmem>> -> memref<8x128xf32, #tpu.memory_space<vmem>>
        %dma_start3A_2569 = arith.constant 24 : i32
        %dma_start3A_2570 = tpu.memref_slice %arg4[%dma_start3A_2569, %multiple_of3A_2476] : memref<32x1000000xf32, #tpu.memory_space<hbm>> -> memref<8x128xf32, #tpu.memory_space<hbm>>
        %dma_start3A_2571 = arith.constant 24 : i32
        %dma_start3A_2572 = arith.constant 0 : i32
        %dma_start3A_2573 = tpu.memref_slice %arg9[%dma_start3A_2564, %dma_start3A_2571, %dma_start3A_2572] : memref<8x32x128xf32, #tpu.memory_space<vmem>> -> memref<1x8x128xf32, #tpu.memory_space<vmem>>
        %dma_start3A_2574 = tpu.memref_squeeze %dma_start3A_2573 : memref<1x8x128xf32, #tpu.memory_space<vmem>> -> memref<8x128xf32, #tpu.memory_space<vmem>>
        %dma_start3A_2575 = arith.constant 24 : i32
        %dma_start3A_2576 = tpu.memref_slice %arg4[%dma_start3A_2575, %multiple_of3A_2476] : memref<32x1000000xf32, #tpu.memory_space<hbm>> -> memref<8x128xf32, #tpu.memory_space<hbm>>
        tpu.enqueue_dma source(%dma_start3A_2576 : memref<8x128xf32, #tpu.memory_space<hbm>>) target(%dma_start3A_2574 : memref<8x128xf32, #tpu.memory_space<vmem>>) target_semaphore(%arg14 : memref<!tpu.dma_semaphore, #tpu.memory_space<semaphore_mem>>)
        %dma_start3A_2577 = arith.constant 4 : i32
        %dma_start3A_2578 = arith.constant 24 : i32
        %dma_start3A_2579 = arith.constant 0 : i32
        %dma_start3A_2580 = tpu.memref_slice %arg10[%dma_start3A_2577, %dma_start3A_2578, %dma_start3A_2579] : memref<8x32x128xf32, #tpu.memory_space<vmem>> -> memref<1x8x128xf32, #tpu.memory_space<vmem>>
        %dma_start3A_2581 = tpu.memref_squeeze %dma_start3A_2580 : memref<1x8x128xf32, #tpu.memory_space<vmem>> -> memref<8x128xf32, #tpu.memory_space<vmem>>
        %dma_start3A_2582 = arith.constant 24 : i32
        %dma_start3A_2583 = tpu.memref_slice %arg5[%dma_start3A_2582, %multiple_of3A_2485] : memref<32x1000000xf32, #tpu.memory_space<hbm>> -> memref<8x128xf32, #tpu.memory_space<hbm>>
        %dma_start3A_2584 = arith.constant 24 : i32
        %dma_start3A_2585 = arith.constant 0 : i32
        %dma_start3A_2586 = tpu.memref_slice %arg10[%dma_start3A_2577, %dma_start3A_2584, %dma_start3A_2585] : memref<8x32x128xf32, #tpu.memory_space<vmem>> -> memref<1x8x128xf32, #tpu.memory_space<vmem>>
        %dma_start3A_2587 = tpu.memref_squeeze %dma_start3A_2586 : memref<1x8x128xf32, #tpu.memory_space<vmem>> -> memref<8x128xf32, #tpu.memory_space<vmem>>
        %dma_start3A_2588 = arith.constant 24 : i32
        %dma_start3A_2589 = tpu.memref_slice %arg5[%dma_start3A_2588, %multiple_of3A_2485] : memref<32x1000000xf32, #tpu.memory_space<hbm>> -> memref<8x128xf32, #tpu.memory_space<hbm>>
        tpu.enqueue_dma source(%dma_start3A_2589 : memref<8x128xf32, #tpu.memory_space<hbm>>) target(%dma_start3A_2587 : memref<8x128xf32, #tpu.memory_space<vmem>>) target_semaphore(%arg15 : memref<!tpu.dma_semaphore, #tpu.memory_space<semaphore_mem>>)
      } else {
      }
      %mul3A_1901 = arith.constant 8 : i32
      %mul3A_1902 = arith.muli %scan3A_978, %mul3A_1901 : i32
      %add3A_1903 = arith.constant 5 : i32
      %add3A_1904 = arith.addi %mul3A_1902, %add3A_1903 : i32
      %dma_wait3A_1905 = arith.constant 5 : i32
      %dma_wait3A_1906 = arith.constant 0 : i32
      %dma_wait3A_1907 = arith.constant 0 : i32
      %dma_wait3A_1908 = tpu.memref_slice %arg9[%dma_wait3A_1905, %dma_wait3A_1906, %dma_wait3A_1907] : memref<8x32x128xf32, #tpu.memory_space<vmem>> -> memref<1x8x128xf32, #tpu.memory_space<vmem>>
      %dma_wait3A_1909 = tpu.memref_squeeze %dma_wait3A_1908 : memref<1x8x128xf32, #tpu.memory_space<vmem>> -> memref<8x128xf32, #tpu.memory_space<vmem>>
      %dma_wait3A_1910 = arith.constant 0 : i32
      %dma_wait3A_1911 = arith.constant 0 : i32
      %dma_wait3A_1912 = tpu.memref_slice %arg4[%dma_wait3A_1910, %dma_wait3A_1911] : memref<32x1000000xf32, #tpu.memory_space<hbm>> -> memref<8x128xf32, #tpu.memory_space<hbm>>
      %dma_wait3A_1913 = arith.constant 0 : i32
      %dma_wait3A_1914 = arith.constant 0 : i32
      %dma_wait3A_1915 = tpu.memref_slice %arg9[%dma_wait3A_1905, %dma_wait3A_1913, %dma_wait3A_1914] : memref<8x32x128xf32, #tpu.memory_space<vmem>> -> memref<1x8x128xf32, #tpu.memory_space<vmem>>
      %dma_wait3A_1916 = tpu.memref_squeeze %dma_wait3A_1915 : memref<1x8x128xf32, #tpu.memory_space<vmem>> -> memref<8x128xf32, #tpu.memory_space<vmem>>
      %dma_wait3A_1917 = arith.constant 0 : i32
      %dma_wait3A_1918 = arith.constant 0 : i32
      %dma_wait3A_1919 = tpu.memref_slice %arg4[%dma_wait3A_1917, %dma_wait3A_1918] : memref<32x1000000xf32, #tpu.memory_space<hbm>> -> memref<8x128xf32, #tpu.memory_space<hbm>>
      tpu.wait_dma2 semaphore(%arg12 : memref<!tpu.dma_semaphore, #tpu.memory_space<semaphore_mem>>) src(%dma_wait3A_1919 : memref<8x128xf32, #tpu.memory_space<hbm>>) dst(%dma_wait3A_1916 : memref<8x128xf32, #tpu.memory_space<vmem>>)
      %dma_wait3A_1920 = arith.constant 5 : i32
      %dma_wait3A_1921 = arith.constant 0 : i32
      %dma_wait3A_1922 = arith.constant 0 : i32
      %dma_wait3A_1923 = tpu.memref_slice %arg10[%dma_wait3A_1920, %dma_wait3A_1921, %dma_wait3A_1922] : memref<8x32x128xf32, #tpu.memory_space<vmem>> -> memref<1x8x128xf32, #tpu.memory_space<vmem>>
      %dma_wait3A_1924 = tpu.memref_squeeze %dma_wait3A_1923 : memref<1x8x128xf32, #tpu.memory_space<vmem>> -> memref<8x128xf32, #tpu.memory_space<vmem>>
      %dma_wait3A_1925 = arith.constant 0 : i32
      %dma_wait3A_1926 = arith.constant 0 : i32
      %dma_wait3A_1927 = tpu.memref_slice %arg5[%dma_wait3A_1925, %dma_wait3A_1926] : memref<32x1000000xf32, #tpu.memory_space<hbm>> -> memref<8x128xf32, #tpu.memory_space<hbm>>
      %dma_wait3A_1928 = arith.constant 0 : i32
      %dma_wait3A_1929 = arith.constant 0 : i32
      %dma_wait3A_1930 = tpu.memref_slice %arg10[%dma_wait3A_1920, %dma_wait3A_1928, %dma_wait3A_1929] : memref<8x32x128xf32, #tpu.memory_space<vmem>> -> memref<1x8x128xf32, #tpu.memory_space<vmem>>
      %dma_wait3A_1931 = tpu.memref_squeeze %dma_wait3A_1930 : memref<1x8x128xf32, #tpu.memory_space<vmem>> -> memref<8x128xf32, #tpu.memory_space<vmem>>
      %dma_wait3A_1932 = arith.constant 0 : i32
      %dma_wait3A_1933 = arith.constant 0 : i32
      %dma_wait3A_1934 = tpu.memref_slice %arg5[%dma_wait3A_1932, %dma_wait3A_1933] : memref<32x1000000xf32, #tpu.memory_space<hbm>> -> memref<8x128xf32, #tpu.memory_space<hbm>>
      tpu.wait_dma2 semaphore(%arg13 : memref<!tpu.dma_semaphore, #tpu.memory_space<semaphore_mem>>) src(%dma_wait3A_1934 : memref<8x128xf32, #tpu.memory_space<hbm>>) dst(%dma_wait3A_1931 : memref<8x128xf32, #tpu.memory_space<vmem>>)
      %dma_wait3A_1935 = arith.constant 5 : i32
      %dma_wait3A_1936 = arith.constant 8 : i32
      %dma_wait3A_1937 = arith.constant 0 : i32
      %dma_wait3A_1938 = tpu.memref_slice %arg9[%dma_wait3A_1935, %dma_wait3A_1936, %dma_wait3A_1937] : memref<8x32x128xf32, #tpu.memory_space<vmem>> -> memref<1x8x128xf32, #tpu.memory_space<vmem>>
      %dma_wait3A_1939 = tpu.memref_squeeze %dma_wait3A_1938 : memref<1x8x128xf32, #tpu.memory_space<vmem>> -> memref<8x128xf32, #tpu.memory_space<vmem>>
      %dma_wait3A_1940 = arith.constant 8 : i32
      %dma_wait3A_1941 = arith.constant 0 : i32
      %dma_wait3A_1942 = tpu.memref_slice %arg4[%dma_wait3A_1940, %dma_wait3A_1941] : memref<32x1000000xf32, #tpu.memory_space<hbm>> -> memref<8x128xf32, #tpu.memory_space<hbm>>
      %dma_wait3A_1943 = arith.constant 8 : i32
      %dma_wait3A_1944 = arith.constant 0 : i32
      %dma_wait3A_1945 = tpu.memref_slice %arg9[%dma_wait3A_1935, %dma_wait3A_1943, %dma_wait3A_1944] : memref<8x32x128xf32, #tpu.memory_space<vmem>> -> memref<1x8x128xf32, #tpu.memory_space<vmem>>
      %dma_wait3A_1946 = tpu.memref_squeeze %dma_wait3A_1945 : memref<1x8x128xf32, #tpu.memory_space<vmem>> -> memref<8x128xf32, #tpu.memory_space<vmem>>
      %dma_wait3A_1947 = arith.constant 8 : i32
      %dma_wait3A_1948 = arith.constant 0 : i32
      %dma_wait3A_1949 = tpu.memref_slice %arg4[%dma_wait3A_1947, %dma_wait3A_1948] : memref<32x1000000xf32, #tpu.memory_space<hbm>> -> memref<8x128xf32, #tpu.memory_space<hbm>>
      tpu.wait_dma2 semaphore(%arg12 : memref<!tpu.dma_semaphore, #tpu.memory_space<semaphore_mem>>) src(%dma_wait3A_1949 : memref<8x128xf32, #tpu.memory_space<hbm>>) dst(%dma_wait3A_1946 : memref<8x128xf32, #tpu.memory_space<vmem>>)
      %dma_wait3A_1950 = arith.constant 5 : i32
      %dma_wait3A_1951 = arith.constant 8 : i32
      %dma_wait3A_1952 = arith.constant 0 : i32
      %dma_wait3A_1953 = tpu.memref_slice %arg10[%dma_wait3A_1950, %dma_wait3A_1951, %dma_wait3A_1952] : memref<8x32x128xf32, #tpu.memory_space<vmem>> -> memref<1x8x128xf32, #tpu.memory_space<vmem>>
      %dma_wait3A_1954 = tpu.memref_squeeze %dma_wait3A_1953 : memref<1x8x128xf32, #tpu.memory_space<vmem>> -> memref<8x128xf32, #tpu.memory_space<vmem>>
      %dma_wait3A_1955 = arith.constant 8 : i32
      %dma_wait3A_1956 = arith.constant 0 : i32
      %dma_wait3A_1957 = tpu.memref_slice %arg5[%dma_wait3A_1955, %dma_wait3A_1956] : memref<32x1000000xf32, #tpu.memory_space<hbm>> -> memref<8x128xf32, #tpu.memory_space<hbm>>
      %dma_wait3A_1958 = arith.constant 8 : i32
      %dma_wait3A_1959 = arith.constant 0 : i32
      %dma_wait3A_1960 = tpu.memref_slice %arg10[%dma_wait3A_1950, %dma_wait3A_1958, %dma_wait3A_1959] : memref<8x32x128xf32, #tpu.memory_space<vmem>> -> memref<1x8x128xf32, #tpu.memory_space<vmem>>
      %dma_wait3A_1961 = tpu.memref_squeeze %dma_wait3A_1960 : memref<1x8x128xf32, #tpu.memory_space<vmem>> -> memref<8x128xf32, #tpu.memory_space<vmem>>
      %dma_wait3A_1962 = arith.constant 8 : i32
      %dma_wait3A_1963 = arith.constant 0 : i32
      %dma_wait3A_1964 = tpu.memref_slice %arg5[%dma_wait3A_1962, %dma_wait3A_1963] : memref<32x1000000xf32, #tpu.memory_space<hbm>> -> memref<8x128xf32, #tpu.memory_space<hbm>>
      tpu.wait_dma2 semaphore(%arg13 : memref<!tpu.dma_semaphore, #tpu.memory_space<semaphore_mem>>) src(%dma_wait3A_1964 : memref<8x128xf32, #tpu.memory_space<hbm>>) dst(%dma_wait3A_1961 : memref<8x128xf32, #tpu.memory_space<vmem>>)
      %dma_wait3A_1965 = arith.constant 5 : i32
      %dma_wait3A_1966 = arith.constant 16 : i32
      %dma_wait3A_1967 = arith.constant 0 : i32
      %dma_wait3A_1968 = tpu.memref_slice %arg9[%dma_wait3A_1965, %dma_wait3A_1966, %dma_wait3A_1967] : memref<8x32x128xf32, #tpu.memory_space<vmem>> -> memref<1x8x128xf32, #tpu.memory_space<vmem>>
      %dma_wait3A_1969 = tpu.memref_squeeze %dma_wait3A_1968 : memref<1x8x128xf32, #tpu.memory_space<vmem>> -> memref<8x128xf32, #tpu.memory_space<vmem>>
      %dma_wait3A_1970 = arith.constant 16 : i32
      %dma_wait3A_1971 = arith.constant 0 : i32
      %dma_wait3A_1972 = tpu.memref_slice %arg4[%dma_wait3A_1970, %dma_wait3A_1971] : memref<32x1000000xf32, #tpu.memory_space<hbm>> -> memref<8x128xf32, #tpu.memory_space<hbm>>
      %dma_wait3A_1973 = arith.constant 16 : i32
      %dma_wait3A_1974 = arith.constant 0 : i32
      %dma_wait3A_1975 = tpu.memref_slice %arg9[%dma_wait3A_1965, %dma_wait3A_1973, %dma_wait3A_1974] : memref<8x32x128xf32, #tpu.memory_space<vmem>> -> memref<1x8x128xf32, #tpu.memory_space<vmem>>
      %dma_wait3A_1976 = tpu.memref_squeeze %dma_wait3A_1975 : memref<1x8x128xf32, #tpu.memory_space<vmem>> -> memref<8x128xf32, #tpu.memory_space<vmem>>
      %dma_wait3A_1977 = arith.constant 16 : i32
      %dma_wait3A_1978 = arith.constant 0 : i32
      %dma_wait3A_1979 = tpu.memref_slice %arg4[%dma_wait3A_1977, %dma_wait3A_1978] : memref<32x1000000xf32, #tpu.memory_space<hbm>> -> memref<8x128xf32, #tpu.memory_space<hbm>>
      tpu.wait_dma2 semaphore(%arg14 : memref<!tpu.dma_semaphore, #tpu.memory_space<semaphore_mem>>) src(%dma_wait3A_1979 : memref<8x128xf32, #tpu.memory_space<hbm>>) dst(%dma_wait3A_1976 : memref<8x128xf32, #tpu.memory_space<vmem>>)
      %dma_wait3A_1980 = arith.constant 5 : i32
      %dma_wait3A_1981 = arith.constant 16 : i32
      %dma_wait3A_1982 = arith.constant 0 : i32
      %dma_wait3A_1983 = tpu.memref_slice %arg10[%dma_wait3A_1980, %dma_wait3A_1981, %dma_wait3A_1982] : memref<8x32x128xf32, #tpu.memory_space<vmem>> -> memref<1x8x128xf32, #tpu.memory_space<vmem>>
      %dma_wait3A_1984 = tpu.memref_squeeze %dma_wait3A_1983 : memref<1x8x128xf32, #tpu.memory_space<vmem>> -> memref<8x128xf32, #tpu.memory_space<vmem>>
      %dma_wait3A_1985 = arith.constant 16 : i32
      %dma_wait3A_1986 = arith.constant 0 : i32
      %dma_wait3A_1987 = tpu.memref_slice %arg5[%dma_wait3A_1985, %dma_wait3A_1986] : memref<32x1000000xf32, #tpu.memory_space<hbm>> -> memref<8x128xf32, #tpu.memory_space<hbm>>
      %dma_wait3A_1988 = arith.constant 16 : i32
      %dma_wait3A_1989 = arith.constant 0 : i32
      %dma_wait3A_1990 = tpu.memref_slice %arg10[%dma_wait3A_1980, %dma_wait3A_1988, %dma_wait3A_1989] : memref<8x32x128xf32, #tpu.memory_space<vmem>> -> memref<1x8x128xf32, #tpu.memory_space<vmem>>
      %dma_wait3A_1991 = tpu.memref_squeeze %dma_wait3A_1990 : memref<1x8x128xf32, #tpu.memory_space<vmem>> -> memref<8x128xf32, #tpu.memory_space<vmem>>
      %dma_wait3A_1992 = arith.constant 16 : i32
      %dma_wait3A_1993 = arith.constant 0 : i32
      %dma_wait3A_1994 = tpu.memref_slice %arg5[%dma_wait3A_1992, %dma_wait3A_1993] : memref<32x1000000xf32, #tpu.memory_space<hbm>> -> memref<8x128xf32, #tpu.memory_space<hbm>>
      tpu.wait_dma2 semaphore(%arg15 : memref<!tpu.dma_semaphore, #tpu.memory_space<semaphore_mem>>) src(%dma_wait3A_1994 : memref<8x128xf32, #tpu.memory_space<hbm>>) dst(%dma_wait3A_1991 : memref<8x128xf32, #tpu.memory_space<vmem>>)
      %dma_wait3A_1995 = arith.constant 5 : i32
      %dma_wait3A_1996 = arith.constant 24 : i32
      %dma_wait3A_1997 = arith.constant 0 : i32
      %dma_wait3A_1998 = tpu.memref_slice %arg9[%dma_wait3A_1995, %dma_wait3A_1996, %dma_wait3A_1997] : memref<8x32x128xf32, #tpu.memory_space<vmem>> -> memref<1x8x128xf32, #tpu.memory_space<vmem>>
      %dma_wait3A_1999 = tpu.memref_squeeze %dma_wait3A_1998 : memref<1x8x128xf32, #tpu.memory_space<vmem>> -> memref<8x128xf32, #tpu.memory_space<vmem>>
      %dma_wait3A_2000 = arith.constant 24 : i32
      %dma_wait3A_2001 = arith.constant 0 : i32
      %dma_wait3A_2002 = tpu.memref_slice %arg4[%dma_wait3A_2000, %dma_wait3A_2001] : memref<32x1000000xf32, #tpu.memory_space<hbm>> -> memref<8x128xf32, #tpu.memory_space<hbm>>
      %dma_wait3A_2003 = arith.constant 24 : i32
      %dma_wait3A_2004 = arith.constant 0 : i32
      %dma_wait3A_2005 = tpu.memref_slice %arg9[%dma_wait3A_1995, %dma_wait3A_2003, %dma_wait3A_2004] : memref<8x32x128xf32, #tpu.memory_space<vmem>> -> memref<1x8x128xf32, #tpu.memory_space<vmem>>
      %dma_wait3A_2006 = tpu.memref_squeeze %dma_wait3A_2005 : memref<1x8x128xf32, #tpu.memory_space<vmem>> -> memref<8x128xf32, #tpu.memory_space<vmem>>
      %dma_wait3A_2007 = arith.constant 24 : i32
      %dma_wait3A_2008 = arith.constant 0 : i32
      %dma_wait3A_2009 = tpu.memref_slice %arg4[%dma_wait3A_2007, %dma_wait3A_2008] : memref<32x1000000xf32, #tpu.memory_space<hbm>> -> memref<8x128xf32, #tpu.memory_space<hbm>>
      tpu.wait_dma2 semaphore(%arg14 : memref<!tpu.dma_semaphore, #tpu.memory_space<semaphore_mem>>) src(%dma_wait3A_2009 : memref<8x128xf32, #tpu.memory_space<hbm>>) dst(%dma_wait3A_2006 : memref<8x128xf32, #tpu.memory_space<vmem>>)
      %dma_wait3A_2010 = arith.constant 5 : i32
      %dma_wait3A_2011 = arith.constant 24 : i32
      %dma_wait3A_2012 = arith.constant 0 : i32
      %dma_wait3A_2013 = tpu.memref_slice %arg10[%dma_wait3A_2010, %dma_wait3A_2011, %dma_wait3A_2012] : memref<8x32x128xf32, #tpu.memory_space<vmem>> -> memref<1x8x128xf32, #tpu.memory_space<vmem>>
      %dma_wait3A_2014 = tpu.memref_squeeze %dma_wait3A_2013 : memref<1x8x128xf32, #tpu.memory_space<vmem>> -> memref<8x128xf32, #tpu.memory_space<vmem>>
      %dma_wait3A_2015 = arith.constant 24 : i32
      %dma_wait3A_2016 = arith.constant 0 : i32
      %dma_wait3A_2017 = tpu.memref_slice %arg5[%dma_wait3A_2015, %dma_wait3A_2016] : memref<32x1000000xf32, #tpu.memory_space<hbm>> -> memref<8x128xf32, #tpu.memory_space<hbm>>
      %dma_wait3A_2018 = arith.constant 24 : i32
      %dma_wait3A_2019 = arith.constant 0 : i32
      %dma_wait3A_2020 = tpu.memref_slice %arg10[%dma_wait3A_2010, %dma_wait3A_2018, %dma_wait3A_2019] : memref<8x32x128xf32, #tpu.memory_space<vmem>> -> memref<1x8x128xf32, #tpu.memory_space<vmem>>
      %dma_wait3A_2021 = tpu.memref_squeeze %dma_wait3A_2020 : memref<1x8x128xf32, #tpu.memory_space<vmem>> -> memref<8x128xf32, #tpu.memory_space<vmem>>
      %dma_wait3A_2022 = arith.constant 24 : i32
      %dma_wait3A_2023 = arith.constant 0 : i32
      %dma_wait3A_2024 = tpu.memref_slice %arg5[%dma_wait3A_2022, %dma_wait3A_2023] : memref<32x1000000xf32, #tpu.memory_space<hbm>> -> memref<8x128xf32, #tpu.memory_space<hbm>>
      tpu.wait_dma2 semaphore(%arg15 : memref<!tpu.dma_semaphore, #tpu.memory_space<semaphore_mem>>) src(%dma_wait3A_2024 : memref<8x128xf32, #tpu.memory_space<hbm>>) dst(%dma_wait3A_2021 : memref<8x128xf32, #tpu.memory_space<vmem>>)
      %get3A_2025 = arith.index_cast %add3A_1904 : i32 to index
      %get3A_2026 = tpu.vector_load %arg7[%get3A_2025] {strides = array<i32>} : memref<528xi32, #tpu.memory_space<vmem>>, vector<16xi32>,
      %slice3A_2027 = vector.extract_strided_slice %get3A_2026 {offsets = [0], sizes = [1], strides = [1]} : vector<16xi32> to vector<1xi32>
      %squeeze3A_2028 = vector.extract %slice3A_2027[0] : i32 from vector<1xi32>
      %get3A_2029 = arith.index_cast %add3A_1904 : i32 to index
      %get3A_2030 = tpu.vector_load %arg8[%get3A_2029] {strides = array<i32>} : memref<528xi32, #tpu.memory_space<vmem>>, vector<16xi32>,
      %slice3A_2031 = vector.extract_strided_slice %get3A_2030 {offsets = [0], sizes = [1], strides = [1]} : vector<16xi32> to vector<1xi32>
      %squeeze3A_2032 = vector.extract %slice3A_2031[0] : i32 from vector<1xi32>
      %and3A_2033 = arith.constant 127 : i32
      %and3A_2034 = arith.andi %squeeze3A_2028, %and3A_2033 : i32
      %broadcast_in_dim3A_2035 = vector.broadcast %and3A_2034 : i32 to vector<16xi32>
      %and3A_2036 = arith.constant 127 : i32
      %and3A_2037 = arith.andi %squeeze3A_2032, %and3A_2036 : i32
      %broadcast_in_dim3A_2038 = vector.broadcast %and3A_2037 : i32 to vector<16xi32>
      %gather3A_2039 = arith.constant 5 : i32
      %gather3A_2040 = arith.constant 0 : i32
      %gather3A_2041 = arith.constant 0 : i32
      %gather3A_2042 = tpu.memref_slice %arg9[%gather3A_2039, %gather3A_2040, %gather3A_2041] : memref<8x32x128xf32, #tpu.memory_space<vmem>> -> memref<1x32x128xf32, #tpu.memory_space<vmem>>
      %gather3A_2043 = tpu.memref_squeeze %gather3A_2042 : memref<1x32x128xf32, #tpu.memory_space<vmem>> -> memref<32x128xf32, #tpu.memory_space<vmem>>
      %gather3A_2044 = tpu.vector_load_idx %gather3A_2043[%iota3A, %broadcast_in_dim3A_2035] : memref<32x128xf32, #tpu.memory_space<vmem>>[vector<16xi32>, vector<16xi32>], vector<16xf32>,
      %add3A_2045 = arith.constant 16 : i32
      %add3A_2046 = vector.broadcast %add3A_2045 : i32 to vector<16xi32>
      %add3A_2047 = arith.addi %iota3A, %add3A_2046 : vector<16xi32>
      %gather3A_2048 = arith.constant 5 : i32
      %gather3A_2049 = arith.constant 0 : i32
      %gather3A_2050 = arith.constant 0 : i32
      %gather3A_2051 = tpu.memref_slice %arg9[%gather3A_2048, %gather3A_2049, %gather3A_2050] : memref<8x32x128xf32, #tpu.memory_space<vmem>> -> memref<1x32x128xf32, #tpu.memory_space<vmem>>
      %gather3A_2052 = tpu.memref_squeeze %gather3A_2051 : memref<1x32x128xf32, #tpu.memory_space<vmem>> -> memref<32x128xf32, #tpu.memory_space<vmem>>
      %gather3A_2053 = tpu.vector_load_idx %gather3A_2052[%add3A_2047, %broadcast_in_dim3A_2035] : memref<32x128xf32, #tpu.memory_space<vmem>>[vector<16xi32>, vector<16xi32>], vector<16xf32>,
      %gather3A_2054 = arith.constant 5 : i32
      %gather3A_2055 = arith.constant 0 : i32
      %gather3A_2056 = arith.constant 0 : i32
      %gather3A_2057 = tpu.memref_slice %arg10[%gather3A_2054, %gather3A_2055, %gather3A_2056] : memref<8x32x128xf32, #tpu.memory_space<vmem>> -> memref<1x32x128xf32, #tpu.memory_space<vmem>>
      %gather3A_2058 = tpu.memref_squeeze %gather3A_2057 : memref<1x32x128xf32, #tpu.memory_space<vmem>> -> memref<32x128xf32, #tpu.memory_space<vmem>>
      %gather3A_2059 = tpu.vector_load_idx %gather3A_2058[%iota3A, %broadcast_in_dim3A_2038] : memref<32x128xf32, #tpu.memory_space<vmem>>[vector<16xi32>, vector<16xi32>], vector<16xf32>,
      %add3A_2060 = arith.constant 16 : i32
      %add3A_2061 = vector.broadcast %add3A_2060 : i32 to vector<16xi32>
      %add3A_2062 = arith.addi %iota3A, %add3A_2061 : vector<16xi32>
      %gather3A_2063 = arith.constant 5 : i32
      %gather3A_2064 = arith.constant 0 : i32
      %gather3A_2065 = arith.constant 0 : i32
      %gather3A_2066 = tpu.memref_slice %arg10[%gather3A_2063, %gather3A_2064, %gather3A_2065] : memref<8x32x128xf32, #tpu.memory_space<vmem>> -> memref<1x32x128xf32, #tpu.memory_space<vmem>>
      %gather3A_2067 = tpu.memref_squeeze %gather3A_2066 : memref<1x32x128xf32, #tpu.memory_space<vmem>> -> memref<32x128xf32, #tpu.memory_space<vmem>>
      %gather3A_2068 = tpu.vector_load_idx %gather3A_2067[%add3A_2062, %broadcast_in_dim3A_2038] : memref<32x128xf32, #tpu.memory_space<vmem>>[vector<16xi32>, vector<16xi32>], vector<16xf32>,
      %mul3A_2069 = arith.mulf %gather3A_2044, %gather3A_2059 : vector<16xf32>
      %mul3A_2070 = arith.mulf %gather3A_2053, %gather3A_2068 : vector<16xf32>
      %add3A_2071 = arith.addf %mul3A_2069, %mul3A_2070 : vector<16xf32>
      %and3A_2072 = arith.constant 15 : i32
      %and3A_2073 = arith.andi %add3A_1904, %and3A_2072 : i32
      %eq3A_2074 = vector.broadcast %and3A_2073 : i32 to vector<16xi32>
      %eq3A_2075 = arith.cmpi eq, %iota3A, %eq3A_2074 : vector<16xi32>
      %reduce_sum3A_2076 = arith.constant true
      %reduce_sum3A_2077 = vector.broadcast %reduce_sum3A_2076 : i1 to vector<16xi1>
      %reduce_sum3A_2078 = tpu.scan <sum>, %add3A_2071 masked %reduce_sum3A_2077 : vector<16xf32>, vector<16xi1> -> vector<16xf32>
      %reduce_sum3A_2079 = vector.extract %reduce_sum3A_2078[15] : f32 from vector<16xf32>
      %broadcast_in_dim3A_2080 = vector.broadcast %reduce_sum3A_2079 : f32 to vector<16xf32>
      %select_n3A_2081 = arith.select %eq3A_2075, %broadcast_in_dim3A_2080, %select_n3A_1895 : vector<16xi1>, vector<16xf32>
      %lt3A_2082 = arith.constant 63 : i32
      %lt3A_2083 = arith.cmpi slt, %scan3A_978, %lt3A_2082 : i32
      %convert_element_type3A_2084 = arith.extui %lt3A_2083 : i1 to i32
      %cond3A_2085 = arith.constant 0 : i32
      %cond3A_2086 = arith.cmpi ne, %convert_element_type3A_2084, %cond3A_2085 : i32
      scf.if %cond3A_2086 {
        %add3A_2466 = arith.constant 8 : i32
        %add3A_2467 = arith.addi %add3A_1904, %add3A_2466 : i32
        %get3A_2468 = arith.index_cast %add3A_2467 : i32 to index
        %get3A_2469 = tpu.vector_load %arg7[%get3A_2468] {strides = array<i32>} : memref<528xi32, #tpu.memory_space<vmem>>, vector<16xi32>,
        %slice3A_2470 = vector.extract_strided_slice %get3A_2469 {offsets = [0], sizes = [1], strides = [1]} : vector<16xi32> to vector<1xi32>
        %squeeze3A_2471 = vector.extract %slice3A_2470[0] : i32 from vector<1xi32>
        %shift_right_arithmetic3A_2472 = arith.constant 7 : i32
        %shift_right_arithmetic3A_2473 = arith.shrsi %squeeze3A_2471, %shift_right_arithmetic3A_2472 : i32
        %shift_left3A_2474 = arith.constant 7 : i32
        %shift_left3A_2475 = arith.shli %shift_right_arithmetic3A_2473, %shift_left3A_2474 : i32
        %multiple_of3A_2476 = tpu.assume_multiple %shift_left3A_2475, 128 : i32
        %get3A_2477 = arith.index_cast %add3A_2467 : i32 to index
        %get3A_2478 = tpu.vector_load %arg8[%get3A_2477] {strides = array<i32>} : memref<528xi32, #tpu.memory_space<vmem>>, vector<16xi32>,
        %slice3A_2479 = vector.extract_strided_slice %get3A_2478 {offsets = [0], sizes = [1], strides = [1]} : vector<16xi32> to vector<1xi32>
        %squeeze3A_2480 = vector.extract %slice3A_2479[0] : i32 from vector<1xi32>
        %shift_right_arithmetic3A_2481 = arith.constant 7 : i32
        %shift_right_arithmetic3A_2482 = arith.shrsi %squeeze3A_2480, %shift_right_arithmetic3A_2481 : i32
        %shift_left3A_2483 = arith.constant 7 : i32
        %shift_left3A_2484 = arith.shli %shift_right_arithmetic3A_2482, %shift_left3A_2483 : i32
        %multiple_of3A_2485 = tpu.assume_multiple %shift_left3A_2484, 128 : i32
        %dma_start3A_2486 = arith.constant 5 : i32
        %dma_start3A_2487 = arith.constant 0 : i32
        %dma_start3A_2488 = arith.constant 0 : i32
        %dma_start3A_2489 = tpu.memref_slice %arg9[%dma_start3A_2486, %dma_start3A_2487, %dma_start3A_2488] : memref<8x32x128xf32, #tpu.memory_space<vmem>> -> memref<1x8x128xf32, #tpu.memory_space<vmem>>
        %dma_start3A_2490 = tpu.memref_squeeze %dma_start3A_2489 : memref<1x8x128xf32, #tpu.memory_space<vmem>> -> memref<8x128xf32, #tpu.memory_space<vmem>>
        %dma_start3A_2491 = arith.constant 0 : i32
        %dma_start3A_2492 = tpu.memref_slice %arg4[%dma_start3A_2491, %multiple_of3A_2476] : memref<32x1000000xf32, #tpu.memory_space<hbm>> -> memref<8x128xf32, #tpu.memory_space<hbm>>
        %dma_start3A_2493 = arith.constant 0 : i32
        %dma_start3A_2494 = arith.constant 0 : i32
        %dma_start3A_2495 = tpu.memref_slice %arg9[%dma_start3A_2486, %dma_start3A_2493, %dma_start3A_2494] : memref<8x32x128xf32, #tpu.memory_space<vmem>> -> memref<1x8x128xf32, #tpu.memory_space<vmem>>
        %dma_start3A_2496 = tpu.memref_squeeze %dma_start3A_2495 : memref<1x8x128xf32, #tpu.memory_space<vmem>> -> memref<8x128xf32, #tpu.memory_space<vmem>>
        %dma_start3A_2497 = arith.constant 0 : i32
        %dma_start3A_2498 = tpu.memref_slice %arg4[%dma_start3A_2497, %multiple_of3A_2476] : memref<32x1000000xf32, #tpu.memory_space<hbm>> -> memref<8x128xf32, #tpu.memory_space<hbm>>
        tpu.enqueue_dma source(%dma_start3A_2498 : memref<8x128xf32, #tpu.memory_space<hbm>>) target(%dma_start3A_2496 : memref<8x128xf32, #tpu.memory_space<vmem>>) target_semaphore(%arg12 : memref<!tpu.dma_semaphore, #tpu.memory_space<semaphore_mem>>)
        %dma_start3A_2499 = arith.constant 5 : i32
        %dma_start3A_2500 = arith.constant 0 : i32
        %dma_start3A_2501 = arith.constant 0 : i32
        %dma_start3A_2502 = tpu.memref_slice %arg10[%dma_start3A_2499, %dma_start3A_2500, %dma_start3A_2501] : memref<8x32x128xf32, #tpu.memory_space<vmem>> -> memref<1x8x128xf32, #tpu.memory_space<vmem>>
        %dma_start3A_2503 = tpu.memref_squeeze %dma_start3A_2502 : memref<1x8x128xf32, #tpu.memory_space<vmem>> -> memref<8x128xf32, #tpu.memory_space<vmem>>
        %dma_start3A_2504 = arith.constant 0 : i32
        %dma_start3A_2505 = tpu.memref_slice %arg5[%dma_start3A_2504, %multiple_of3A_2485] : memref<32x1000000xf32, #tpu.memory_space<hbm>> -> memref<8x128xf32, #tpu.memory_space<hbm>>
        %dma_start3A_2506 = arith.constant 0 : i32
        %dma_start3A_2507 = arith.constant 0 : i32
        %dma_start3A_2508 = tpu.memref_slice %arg10[%dma_start3A_2499, %dma_start3A_2506, %dma_start3A_2507] : memref<8x32x128xf32, #tpu.memory_space<vmem>> -> memref<1x8x128xf32, #tpu.memory_space<vmem>>
        %dma_start3A_2509 = tpu.memref_squeeze %dma_start3A_2508 : memref<1x8x128xf32, #tpu.memory_space<vmem>> -> memref<8x128xf32, #tpu.memory_space<vmem>>
        %dma_start3A_2510 = arith.constant 0 : i32
        %dma_start3A_2511 = tpu.memref_slice %arg5[%dma_start3A_2510, %multiple_of3A_2485] : memref<32x1000000xf32, #tpu.memory_space<hbm>> -> memref<8x128xf32, #tpu.memory_space<hbm>>
        tpu.enqueue_dma source(%dma_start3A_2511 : memref<8x128xf32, #tpu.memory_space<hbm>>) target(%dma_start3A_2509 : memref<8x128xf32, #tpu.memory_space<vmem>>) target_semaphore(%arg13 : memref<!tpu.dma_semaphore, #tpu.memory_space<semaphore_mem>>)
        %dma_start3A_2512 = arith.constant 5 : i32
        %dma_start3A_2513 = arith.constant 8 : i32
        %dma_start3A_2514 = arith.constant 0 : i32
        %dma_start3A_2515 = tpu.memref_slice %arg9[%dma_start3A_2512, %dma_start3A_2513, %dma_start3A_2514] : memref<8x32x128xf32, #tpu.memory_space<vmem>> -> memref<1x8x128xf32, #tpu.memory_space<vmem>>
        %dma_start3A_2516 = tpu.memref_squeeze %dma_start3A_2515 : memref<1x8x128xf32, #tpu.memory_space<vmem>> -> memref<8x128xf32, #tpu.memory_space<vmem>>
        %dma_start3A_2517 = arith.constant 8 : i32
        %dma_start3A_2518 = tpu.memref_slice %arg4[%dma_start3A_2517, %multiple_of3A_2476] : memref<32x1000000xf32, #tpu.memory_space<hbm>> -> memref<8x128xf32, #tpu.memory_space<hbm>>
        %dma_start3A_2519 = arith.constant 8 : i32
        %dma_start3A_2520 = arith.constant 0 : i32
        %dma_start3A_2521 = tpu.memref_slice %arg9[%dma_start3A_2512, %dma_start3A_2519, %dma_start3A_2520] : memref<8x32x128xf32, #tpu.memory_space<vmem>> -> memref<1x8x128xf32, #tpu.memory_space<vmem>>
        %dma_start3A_2522 = tpu.memref_squeeze %dma_start3A_2521 : memref<1x8x128xf32, #tpu.memory_space<vmem>> -> memref<8x128xf32, #tpu.memory_space<vmem>>
        %dma_start3A_2523 = arith.constant 8 : i32
        %dma_start3A_2524 = tpu.memref_slice %arg4[%dma_start3A_2523, %multiple_of3A_2476] : memref<32x1000000xf32, #tpu.memory_space<hbm>> -> memref<8x128xf32, #tpu.memory_space<hbm>>
        tpu.enqueue_dma source(%dma_start3A_2524 : memref<8x128xf32, #tpu.memory_space<hbm>>) target(%dma_start3A_2522 : memref<8x128xf32, #tpu.memory_space<vmem>>) target_semaphore(%arg12 : memref<!tpu.dma_semaphore, #tpu.memory_space<semaphore_mem>>)
        %dma_start3A_2525 = arith.constant 5 : i32
        %dma_start3A_2526 = arith.constant 8 : i32
        %dma_start3A_2527 = arith.constant 0 : i32
        %dma_start3A_2528 = tpu.memref_slice %arg10[%dma_start3A_2525, %dma_start3A_2526, %dma_start3A_2527] : memref<8x32x128xf32, #tpu.memory_space<vmem>> -> memref<1x8x128xf32, #tpu.memory_space<vmem>>
        %dma_start3A_2529 = tpu.memref_squeeze %dma_start3A_2528 : memref<1x8x128xf32, #tpu.memory_space<vmem>> -> memref<8x128xf32, #tpu.memory_space<vmem>>
        %dma_start3A_2530 = arith.constant 8 : i32
        %dma_start3A_2531 = tpu.memref_slice %arg5[%dma_start3A_2530, %multiple_of3A_2485] : memref<32x1000000xf32, #tpu.memory_space<hbm>> -> memref<8x128xf32, #tpu.memory_space<hbm>>
        %dma_start3A_2532 = arith.constant 8 : i32
        %dma_start3A_2533 = arith.constant 0 : i32
        %dma_start3A_2534 = tpu.memref_slice %arg10[%dma_start3A_2525, %dma_start3A_2532, %dma_start3A_2533] : memref<8x32x128xf32, #tpu.memory_space<vmem>> -> memref<1x8x128xf32, #tpu.memory_space<vmem>>
        %dma_start3A_2535 = tpu.memref_squeeze %dma_start3A_2534 : memref<1x8x128xf32, #tpu.memory_space<vmem>> -> memref<8x128xf32, #tpu.memory_space<vmem>>
        %dma_start3A_2536 = arith.constant 8 : i32
        %dma_start3A_2537 = tpu.memref_slice %arg5[%dma_start3A_2536, %multiple_of3A_2485] : memref<32x1000000xf32, #tpu.memory_space<hbm>> -> memref<8x128xf32, #tpu.memory_space<hbm>>
        tpu.enqueue_dma source(%dma_start3A_2537 : memref<8x128xf32, #tpu.memory_space<hbm>>) target(%dma_start3A_2535 : memref<8x128xf32, #tpu.memory_space<vmem>>) target_semaphore(%arg13 : memref<!tpu.dma_semaphore, #tpu.memory_space<semaphore_mem>>)
        %dma_start3A_2538 = arith.constant 5 : i32
        %dma_start3A_2539 = arith.constant 16 : i32
        %dma_start3A_2540 = arith.constant 0 : i32
        %dma_start3A_2541 = tpu.memref_slice %arg9[%dma_start3A_2538, %dma_start3A_2539, %dma_start3A_2540] : memref<8x32x128xf32, #tpu.memory_space<vmem>> -> memref<1x8x128xf32, #tpu.memory_space<vmem>>
        %dma_start3A_2542 = tpu.memref_squeeze %dma_start3A_2541 : memref<1x8x128xf32, #tpu.memory_space<vmem>> -> memref<8x128xf32, #tpu.memory_space<vmem>>
        %dma_start3A_2543 = arith.constant 16 : i32
        %dma_start3A_2544 = tpu.memref_slice %arg4[%dma_start3A_2543, %multiple_of3A_2476] : memref<32x1000000xf32, #tpu.memory_space<hbm>> -> memref<8x128xf32, #tpu.memory_space<hbm>>
        %dma_start3A_2545 = arith.constant 16 : i32
        %dma_start3A_2546 = arith.constant 0 : i32
        %dma_start3A_2547 = tpu.memref_slice %arg9[%dma_start3A_2538, %dma_start3A_2545, %dma_start3A_2546] : memref<8x32x128xf32, #tpu.memory_space<vmem>> -> memref<1x8x128xf32, #tpu.memory_space<vmem>>
        %dma_start3A_2548 = tpu.memref_squeeze %dma_start3A_2547 : memref<1x8x128xf32, #tpu.memory_space<vmem>> -> memref<8x128xf32, #tpu.memory_space<vmem>>
        %dma_start3A_2549 = arith.constant 16 : i32
        %dma_start3A_2550 = tpu.memref_slice %arg4[%dma_start3A_2549, %multiple_of3A_2476] : memref<32x1000000xf32, #tpu.memory_space<hbm>> -> memref<8x128xf32, #tpu.memory_space<hbm>>
        tpu.enqueue_dma source(%dma_start3A_2550 : memref<8x128xf32, #tpu.memory_space<hbm>>) target(%dma_start3A_2548 : memref<8x128xf32, #tpu.memory_space<vmem>>) target_semaphore(%arg14 : memref<!tpu.dma_semaphore, #tpu.memory_space<semaphore_mem>>)
        %dma_start3A_2551 = arith.constant 5 : i32
        %dma_start3A_2552 = arith.constant 16 : i32
        %dma_start3A_2553 = arith.constant 0 : i32
        %dma_start3A_2554 = tpu.memref_slice %arg10[%dma_start3A_2551, %dma_start3A_2552, %dma_start3A_2553] : memref<8x32x128xf32, #tpu.memory_space<vmem>> -> memref<1x8x128xf32, #tpu.memory_space<vmem>>
        %dma_start3A_2555 = tpu.memref_squeeze %dma_start3A_2554 : memref<1x8x128xf32, #tpu.memory_space<vmem>> -> memref<8x128xf32, #tpu.memory_space<vmem>>
        %dma_start3A_2556 = arith.constant 16 : i32
        %dma_start3A_2557 = tpu.memref_slice %arg5[%dma_start3A_2556, %multiple_of3A_2485] : memref<32x1000000xf32, #tpu.memory_space<hbm>> -> memref<8x128xf32, #tpu.memory_space<hbm>>
        %dma_start3A_2558 = arith.constant 16 : i32
        %dma_start3A_2559 = arith.constant 0 : i32
        %dma_start3A_2560 = tpu.memref_slice %arg10[%dma_start3A_2551, %dma_start3A_2558, %dma_start3A_2559] : memref<8x32x128xf32, #tpu.memory_space<vmem>> -> memref<1x8x128xf32, #tpu.memory_space<vmem>>
        %dma_start3A_2561 = tpu.memref_squeeze %dma_start3A_2560 : memref<1x8x128xf32, #tpu.memory_space<vmem>> -> memref<8x128xf32, #tpu.memory_space<vmem>>
        %dma_start3A_2562 = arith.constant 16 : i32
        %dma_start3A_2563 = tpu.memref_slice %arg5[%dma_start3A_2562, %multiple_of3A_2485] : memref<32x1000000xf32, #tpu.memory_space<hbm>> -> memref<8x128xf32, #tpu.memory_space<hbm>>
        tpu.enqueue_dma source(%dma_start3A_2563 : memref<8x128xf32, #tpu.memory_space<hbm>>) target(%dma_start3A_2561 : memref<8x128xf32, #tpu.memory_space<vmem>>) target_semaphore(%arg15 : memref<!tpu.dma_semaphore, #tpu.memory_space<semaphore_mem>>)
        %dma_start3A_2564 = arith.constant 5 : i32
        %dma_start3A_2565 = arith.constant 24 : i32
        %dma_start3A_2566 = arith.constant 0 : i32
        %dma_start3A_2567 = tpu.memref_slice %arg9[%dma_start3A_2564, %dma_start3A_2565, %dma_start3A_2566] : memref<8x32x128xf32, #tpu.memory_space<vmem>> -> memref<1x8x128xf32, #tpu.memory_space<vmem>>
        %dma_start3A_2568 = tpu.memref_squeeze %dma_start3A_2567 : memref<1x8x128xf32, #tpu.memory_space<vmem>> -> memref<8x128xf32, #tpu.memory_space<vmem>>
        %dma_start3A_2569 = arith.constant 24 : i32
        %dma_start3A_2570 = tpu.memref_slice %arg4[%dma_start3A_2569, %multiple_of3A_2476] : memref<32x1000000xf32, #tpu.memory_space<hbm>> -> memref<8x128xf32, #tpu.memory_space<hbm>>
        %dma_start3A_2571 = arith.constant 24 : i32
        %dma_start3A_2572 = arith.constant 0 : i32
        %dma_start3A_2573 = tpu.memref_slice %arg9[%dma_start3A_2564, %dma_start3A_2571, %dma_start3A_2572] : memref<8x32x128xf32, #tpu.memory_space<vmem>> -> memref<1x8x128xf32, #tpu.memory_space<vmem>>
        %dma_start3A_2574 = tpu.memref_squeeze %dma_start3A_2573 : memref<1x8x128xf32, #tpu.memory_space<vmem>> -> memref<8x128xf32, #tpu.memory_space<vmem>>
        %dma_start3A_2575 = arith.constant 24 : i32
        %dma_start3A_2576 = tpu.memref_slice %arg4[%dma_start3A_2575, %multiple_of3A_2476] : memref<32x1000000xf32, #tpu.memory_space<hbm>> -> memref<8x128xf32, #tpu.memory_space<hbm>>
        tpu.enqueue_dma source(%dma_start3A_2576 : memref<8x128xf32, #tpu.memory_space<hbm>>) target(%dma_start3A_2574 : memref<8x128xf32, #tpu.memory_space<vmem>>) target_semaphore(%arg14 : memref<!tpu.dma_semaphore, #tpu.memory_space<semaphore_mem>>)
        %dma_start3A_2577 = arith.constant 5 : i32
        %dma_start3A_2578 = arith.constant 24 : i32
        %dma_start3A_2579 = arith.constant 0 : i32
        %dma_start3A_2580 = tpu.memref_slice %arg10[%dma_start3A_2577, %dma_start3A_2578, %dma_start3A_2579] : memref<8x32x128xf32, #tpu.memory_space<vmem>> -> memref<1x8x128xf32, #tpu.memory_space<vmem>>
        %dma_start3A_2581 = tpu.memref_squeeze %dma_start3A_2580 : memref<1x8x128xf32, #tpu.memory_space<vmem>> -> memref<8x128xf32, #tpu.memory_space<vmem>>
        %dma_start3A_2582 = arith.constant 24 : i32
        %dma_start3A_2583 = tpu.memref_slice %arg5[%dma_start3A_2582, %multiple_of3A_2485] : memref<32x1000000xf32, #tpu.memory_space<hbm>> -> memref<8x128xf32, #tpu.memory_space<hbm>>
        %dma_start3A_2584 = arith.constant 24 : i32
        %dma_start3A_2585 = arith.constant 0 : i32
        %dma_start3A_2586 = tpu.memref_slice %arg10[%dma_start3A_2577, %dma_start3A_2584, %dma_start3A_2585] : memref<8x32x128xf32, #tpu.memory_space<vmem>> -> memref<1x8x128xf32, #tpu.memory_space<vmem>>
        %dma_start3A_2587 = tpu.memref_squeeze %dma_start3A_2586 : memref<1x8x128xf32, #tpu.memory_space<vmem>> -> memref<8x128xf32, #tpu.memory_space<vmem>>
        %dma_start3A_2588 = arith.constant 24 : i32
        %dma_start3A_2589 = tpu.memref_slice %arg5[%dma_start3A_2588, %multiple_of3A_2485] : memref<32x1000000xf32, #tpu.memory_space<hbm>> -> memref<8x128xf32, #tpu.memory_space<hbm>>
        tpu.enqueue_dma source(%dma_start3A_2589 : memref<8x128xf32, #tpu.memory_space<hbm>>) target(%dma_start3A_2587 : memref<8x128xf32, #tpu.memory_space<vmem>>) target_semaphore(%arg15 : memref<!tpu.dma_semaphore, #tpu.memory_space<semaphore_mem>>)
      } else {
      }
      %mul3A_2087 = arith.constant 8 : i32
      %mul3A_2088 = arith.muli %scan3A_978, %mul3A_2087 : i32
      %add3A_2089 = arith.constant 6 : i32
      %add3A_2090 = arith.addi %mul3A_2088, %add3A_2089 : i32
      %dma_wait3A_2091 = arith.constant 6 : i32
      %dma_wait3A_2092 = arith.constant 0 : i32
      %dma_wait3A_2093 = arith.constant 0 : i32
      %dma_wait3A_2094 = tpu.memref_slice %arg9[%dma_wait3A_2091, %dma_wait3A_2092, %dma_wait3A_2093] : memref<8x32x128xf32, #tpu.memory_space<vmem>> -> memref<1x8x128xf32, #tpu.memory_space<vmem>>
      %dma_wait3A_2095 = tpu.memref_squeeze %dma_wait3A_2094 : memref<1x8x128xf32, #tpu.memory_space<vmem>> -> memref<8x128xf32, #tpu.memory_space<vmem>>
      %dma_wait3A_2096 = arith.constant 0 : i32
      %dma_wait3A_2097 = arith.constant 0 : i32
      %dma_wait3A_2098 = tpu.memref_slice %arg4[%dma_wait3A_2096, %dma_wait3A_2097] : memref<32x1000000xf32, #tpu.memory_space<hbm>> -> memref<8x128xf32, #tpu.memory_space<hbm>>
      %dma_wait3A_2099 = arith.constant 0 : i32
      %dma_wait3A_2100 = arith.constant 0 : i32
      %dma_wait3A_2101 = tpu.memref_slice %arg9[%dma_wait3A_2091, %dma_wait3A_2099, %dma_wait3A_2100] : memref<8x32x128xf32, #tpu.memory_space<vmem>> -> memref<1x8x128xf32, #tpu.memory_space<vmem>>
      %dma_wait3A_2102 = tpu.memref_squeeze %dma_wait3A_2101 : memref<1x8x128xf32, #tpu.memory_space<vmem>> -> memref<8x128xf32, #tpu.memory_space<vmem>>
      %dma_wait3A_2103 = arith.constant 0 : i32
      %dma_wait3A_2104 = arith.constant 0 : i32
      %dma_wait3A_2105 = tpu.memref_slice %arg4[%dma_wait3A_2103, %dma_wait3A_2104] : memref<32x1000000xf32, #tpu.memory_space<hbm>> -> memref<8x128xf32, #tpu.memory_space<hbm>>
      tpu.wait_dma2 semaphore(%arg12 : memref<!tpu.dma_semaphore, #tpu.memory_space<semaphore_mem>>) src(%dma_wait3A_2105 : memref<8x128xf32, #tpu.memory_space<hbm>>) dst(%dma_wait3A_2102 : memref<8x128xf32, #tpu.memory_space<vmem>>)
      %dma_wait3A_2106 = arith.constant 6 : i32
      %dma_wait3A_2107 = arith.constant 0 : i32
      %dma_wait3A_2108 = arith.constant 0 : i32
      %dma_wait3A_2109 = tpu.memref_slice %arg10[%dma_wait3A_2106, %dma_wait3A_2107, %dma_wait3A_2108] : memref<8x32x128xf32, #tpu.memory_space<vmem>> -> memref<1x8x128xf32, #tpu.memory_space<vmem>>
      %dma_wait3A_2110 = tpu.memref_squeeze %dma_wait3A_2109 : memref<1x8x128xf32, #tpu.memory_space<vmem>> -> memref<8x128xf32, #tpu.memory_space<vmem>>
      %dma_wait3A_2111 = arith.constant 0 : i32
      %dma_wait3A_2112 = arith.constant 0 : i32
      %dma_wait3A_2113 = tpu.memref_slice %arg5[%dma_wait3A_2111, %dma_wait3A_2112] : memref<32x1000000xf32, #tpu.memory_space<hbm>> -> memref<8x128xf32, #tpu.memory_space<hbm>>
      %dma_wait3A_2114 = arith.constant 0 : i32
      %dma_wait3A_2115 = arith.constant 0 : i32
      %dma_wait3A_2116 = tpu.memref_slice %arg10[%dma_wait3A_2106, %dma_wait3A_2114, %dma_wait3A_2115] : memref<8x32x128xf32, #tpu.memory_space<vmem>> -> memref<1x8x128xf32, #tpu.memory_space<vmem>>
      %dma_wait3A_2117 = tpu.memref_squeeze %dma_wait3A_2116 : memref<1x8x128xf32, #tpu.memory_space<vmem>> -> memref<8x128xf32, #tpu.memory_space<vmem>>
      %dma_wait3A_2118 = arith.constant 0 : i32
      %dma_wait3A_2119 = arith.constant 0 : i32
      %dma_wait3A_2120 = tpu.memref_slice %arg5[%dma_wait3A_2118, %dma_wait3A_2119] : memref<32x1000000xf32, #tpu.memory_space<hbm>> -> memref<8x128xf32, #tpu.memory_space<hbm>>
      tpu.wait_dma2 semaphore(%arg13 : memref<!tpu.dma_semaphore, #tpu.memory_space<semaphore_mem>>) src(%dma_wait3A_2120 : memref<8x128xf32, #tpu.memory_space<hbm>>) dst(%dma_wait3A_2117 : memref<8x128xf32, #tpu.memory_space<vmem>>)
      %dma_wait3A_2121 = arith.constant 6 : i32
      %dma_wait3A_2122 = arith.constant 8 : i32
      %dma_wait3A_2123 = arith.constant 0 : i32
      %dma_wait3A_2124 = tpu.memref_slice %arg9[%dma_wait3A_2121, %dma_wait3A_2122, %dma_wait3A_2123] : memref<8x32x128xf32, #tpu.memory_space<vmem>> -> memref<1x8x128xf32, #tpu.memory_space<vmem>>
      %dma_wait3A_2125 = tpu.memref_squeeze %dma_wait3A_2124 : memref<1x8x128xf32, #tpu.memory_space<vmem>> -> memref<8x128xf32, #tpu.memory_space<vmem>>
      %dma_wait3A_2126 = arith.constant 8 : i32
      %dma_wait3A_2127 = arith.constant 0 : i32
      %dma_wait3A_2128 = tpu.memref_slice %arg4[%dma_wait3A_2126, %dma_wait3A_2127] : memref<32x1000000xf32, #tpu.memory_space<hbm>> -> memref<8x128xf32, #tpu.memory_space<hbm>>
      %dma_wait3A_2129 = arith.constant 8 : i32
      %dma_wait3A_2130 = arith.constant 0 : i32
      %dma_wait3A_2131 = tpu.memref_slice %arg9[%dma_wait3A_2121, %dma_wait3A_2129, %dma_wait3A_2130] : memref<8x32x128xf32, #tpu.memory_space<vmem>> -> memref<1x8x128xf32, #tpu.memory_space<vmem>>
      %dma_wait3A_2132 = tpu.memref_squeeze %dma_wait3A_2131 : memref<1x8x128xf32, #tpu.memory_space<vmem>> -> memref<8x128xf32, #tpu.memory_space<vmem>>
      %dma_wait3A_2133 = arith.constant 8 : i32
      %dma_wait3A_2134 = arith.constant 0 : i32
      %dma_wait3A_2135 = tpu.memref_slice %arg4[%dma_wait3A_2133, %dma_wait3A_2134] : memref<32x1000000xf32, #tpu.memory_space<hbm>> -> memref<8x128xf32, #tpu.memory_space<hbm>>
      tpu.wait_dma2 semaphore(%arg12 : memref<!tpu.dma_semaphore, #tpu.memory_space<semaphore_mem>>) src(%dma_wait3A_2135 : memref<8x128xf32, #tpu.memory_space<hbm>>) dst(%dma_wait3A_2132 : memref<8x128xf32, #tpu.memory_space<vmem>>)
      %dma_wait3A_2136 = arith.constant 6 : i32
      %dma_wait3A_2137 = arith.constant 8 : i32
      %dma_wait3A_2138 = arith.constant 0 : i32
      %dma_wait3A_2139 = tpu.memref_slice %arg10[%dma_wait3A_2136, %dma_wait3A_2137, %dma_wait3A_2138] : memref<8x32x128xf32, #tpu.memory_space<vmem>> -> memref<1x8x128xf32, #tpu.memory_space<vmem>>
      %dma_wait3A_2140 = tpu.memref_squeeze %dma_wait3A_2139 : memref<1x8x128xf32, #tpu.memory_space<vmem>> -> memref<8x128xf32, #tpu.memory_space<vmem>>
      %dma_wait3A_2141 = arith.constant 8 : i32
      %dma_wait3A_2142 = arith.constant 0 : i32
      %dma_wait3A_2143 = tpu.memref_slice %arg5[%dma_wait3A_2141, %dma_wait3A_2142] : memref<32x1000000xf32, #tpu.memory_space<hbm>> -> memref<8x128xf32, #tpu.memory_space<hbm>>
      %dma_wait3A_2144 = arith.constant 8 : i32
      %dma_wait3A_2145 = arith.constant 0 : i32
      %dma_wait3A_2146 = tpu.memref_slice %arg10[%dma_wait3A_2136, %dma_wait3A_2144, %dma_wait3A_2145] : memref<8x32x128xf32, #tpu.memory_space<vmem>> -> memref<1x8x128xf32, #tpu.memory_space<vmem>>
      %dma_wait3A_2147 = tpu.memref_squeeze %dma_wait3A_2146 : memref<1x8x128xf32, #tpu.memory_space<vmem>> -> memref<8x128xf32, #tpu.memory_space<vmem>>
      %dma_wait3A_2148 = arith.constant 8 : i32
      %dma_wait3A_2149 = arith.constant 0 : i32
      %dma_wait3A_2150 = tpu.memref_slice %arg5[%dma_wait3A_2148, %dma_wait3A_2149] : memref<32x1000000xf32, #tpu.memory_space<hbm>> -> memref<8x128xf32, #tpu.memory_space<hbm>>
      tpu.wait_dma2 semaphore(%arg13 : memref<!tpu.dma_semaphore, #tpu.memory_space<semaphore_mem>>) src(%dma_wait3A_2150 : memref<8x128xf32, #tpu.memory_space<hbm>>) dst(%dma_wait3A_2147 : memref<8x128xf32, #tpu.memory_space<vmem>>)
      %dma_wait3A_2151 = arith.constant 6 : i32
      %dma_wait3A_2152 = arith.constant 16 : i32
      %dma_wait3A_2153 = arith.constant 0 : i32
      %dma_wait3A_2154 = tpu.memref_slice %arg9[%dma_wait3A_2151, %dma_wait3A_2152, %dma_wait3A_2153] : memref<8x32x128xf32, #tpu.memory_space<vmem>> -> memref<1x8x128xf32, #tpu.memory_space<vmem>>
      %dma_wait3A_2155 = tpu.memref_squeeze %dma_wait3A_2154 : memref<1x8x128xf32, #tpu.memory_space<vmem>> -> memref<8x128xf32, #tpu.memory_space<vmem>>
      %dma_wait3A_2156 = arith.constant 16 : i32
      %dma_wait3A_2157 = arith.constant 0 : i32
      %dma_wait3A_2158 = tpu.memref_slice %arg4[%dma_wait3A_2156, %dma_wait3A_2157] : memref<32x1000000xf32, #tpu.memory_space<hbm>> -> memref<8x128xf32, #tpu.memory_space<hbm>>
      %dma_wait3A_2159 = arith.constant 16 : i32
      %dma_wait3A_2160 = arith.constant 0 : i32
      %dma_wait3A_2161 = tpu.memref_slice %arg9[%dma_wait3A_2151, %dma_wait3A_2159, %dma_wait3A_2160] : memref<8x32x128xf32, #tpu.memory_space<vmem>> -> memref<1x8x128xf32, #tpu.memory_space<vmem>>
      %dma_wait3A_2162 = tpu.memref_squeeze %dma_wait3A_2161 : memref<1x8x128xf32, #tpu.memory_space<vmem>> -> memref<8x128xf32, #tpu.memory_space<vmem>>
      %dma_wait3A_2163 = arith.constant 16 : i32
      %dma_wait3A_2164 = arith.constant 0 : i32
      %dma_wait3A_2165 = tpu.memref_slice %arg4[%dma_wait3A_2163, %dma_wait3A_2164] : memref<32x1000000xf32, #tpu.memory_space<hbm>> -> memref<8x128xf32, #tpu.memory_space<hbm>>
      tpu.wait_dma2 semaphore(%arg14 : memref<!tpu.dma_semaphore, #tpu.memory_space<semaphore_mem>>) src(%dma_wait3A_2165 : memref<8x128xf32, #tpu.memory_space<hbm>>) dst(%dma_wait3A_2162 : memref<8x128xf32, #tpu.memory_space<vmem>>)
      %dma_wait3A_2166 = arith.constant 6 : i32
      %dma_wait3A_2167 = arith.constant 16 : i32
      %dma_wait3A_2168 = arith.constant 0 : i32
      %dma_wait3A_2169 = tpu.memref_slice %arg10[%dma_wait3A_2166, %dma_wait3A_2167, %dma_wait3A_2168] : memref<8x32x128xf32, #tpu.memory_space<vmem>> -> memref<1x8x128xf32, #tpu.memory_space<vmem>>
      %dma_wait3A_2170 = tpu.memref_squeeze %dma_wait3A_2169 : memref<1x8x128xf32, #tpu.memory_space<vmem>> -> memref<8x128xf32, #tpu.memory_space<vmem>>
      %dma_wait3A_2171 = arith.constant 16 : i32
      %dma_wait3A_2172 = arith.constant 0 : i32
      %dma_wait3A_2173 = tpu.memref_slice %arg5[%dma_wait3A_2171, %dma_wait3A_2172] : memref<32x1000000xf32, #tpu.memory_space<hbm>> -> memref<8x128xf32, #tpu.memory_space<hbm>>
      %dma_wait3A_2174 = arith.constant 16 : i32
      %dma_wait3A_2175 = arith.constant 0 : i32
      %dma_wait3A_2176 = tpu.memref_slice %arg10[%dma_wait3A_2166, %dma_wait3A_2174, %dma_wait3A_2175] : memref<8x32x128xf32, #tpu.memory_space<vmem>> -> memref<1x8x128xf32, #tpu.memory_space<vmem>>
      %dma_wait3A_2177 = tpu.memref_squeeze %dma_wait3A_2176 : memref<1x8x128xf32, #tpu.memory_space<vmem>> -> memref<8x128xf32, #tpu.memory_space<vmem>>
      %dma_wait3A_2178 = arith.constant 16 : i32
      %dma_wait3A_2179 = arith.constant 0 : i32
      %dma_wait3A_2180 = tpu.memref_slice %arg5[%dma_wait3A_2178, %dma_wait3A_2179] : memref<32x1000000xf32, #tpu.memory_space<hbm>> -> memref<8x128xf32, #tpu.memory_space<hbm>>
      tpu.wait_dma2 semaphore(%arg15 : memref<!tpu.dma_semaphore, #tpu.memory_space<semaphore_mem>>) src(%dma_wait3A_2180 : memref<8x128xf32, #tpu.memory_space<hbm>>) dst(%dma_wait3A_2177 : memref<8x128xf32, #tpu.memory_space<vmem>>)
      %dma_wait3A_2181 = arith.constant 6 : i32
      %dma_wait3A_2182 = arith.constant 24 : i32
      %dma_wait3A_2183 = arith.constant 0 : i32
      %dma_wait3A_2184 = tpu.memref_slice %arg9[%dma_wait3A_2181, %dma_wait3A_2182, %dma_wait3A_2183] : memref<8x32x128xf32, #tpu.memory_space<vmem>> -> memref<1x8x128xf32, #tpu.memory_space<vmem>>
      %dma_wait3A_2185 = tpu.memref_squeeze %dma_wait3A_2184 : memref<1x8x128xf32, #tpu.memory_space<vmem>> -> memref<8x128xf32, #tpu.memory_space<vmem>>
      %dma_wait3A_2186 = arith.constant 24 : i32
      %dma_wait3A_2187 = arith.constant 0 : i32
      %dma_wait3A_2188 = tpu.memref_slice %arg4[%dma_wait3A_2186, %dma_wait3A_2187] : memref<32x1000000xf32, #tpu.memory_space<hbm>> -> memref<8x128xf32, #tpu.memory_space<hbm>>
      %dma_wait3A_2189 = arith.constant 24 : i32
      %dma_wait3A_2190 = arith.constant 0 : i32
      %dma_wait3A_2191 = tpu.memref_slice %arg9[%dma_wait3A_2181, %dma_wait3A_2189, %dma_wait3A_2190] : memref<8x32x128xf32, #tpu.memory_space<vmem>> -> memref<1x8x128xf32, #tpu.memory_space<vmem>>
      %dma_wait3A_2192 = tpu.memref_squeeze %dma_wait3A_2191 : memref<1x8x128xf32, #tpu.memory_space<vmem>> -> memref<8x128xf32, #tpu.memory_space<vmem>>
      %dma_wait3A_2193 = arith.constant 24 : i32
      %dma_wait3A_2194 = arith.constant 0 : i32
      %dma_wait3A_2195 = tpu.memref_slice %arg4[%dma_wait3A_2193, %dma_wait3A_2194] : memref<32x1000000xf32, #tpu.memory_space<hbm>> -> memref<8x128xf32, #tpu.memory_space<hbm>>
      tpu.wait_dma2 semaphore(%arg14 : memref<!tpu.dma_semaphore, #tpu.memory_space<semaphore_mem>>) src(%dma_wait3A_2195 : memref<8x128xf32, #tpu.memory_space<hbm>>) dst(%dma_wait3A_2192 : memref<8x128xf32, #tpu.memory_space<vmem>>)
      %dma_wait3A_2196 = arith.constant 6 : i32
      %dma_wait3A_2197 = arith.constant 24 : i32
      %dma_wait3A_2198 = arith.constant 0 : i32
      %dma_wait3A_2199 = tpu.memref_slice %arg10[%dma_wait3A_2196, %dma_wait3A_2197, %dma_wait3A_2198] : memref<8x32x128xf32, #tpu.memory_space<vmem>> -> memref<1x8x128xf32, #tpu.memory_space<vmem>>
      %dma_wait3A_2200 = tpu.memref_squeeze %dma_wait3A_2199 : memref<1x8x128xf32, #tpu.memory_space<vmem>> -> memref<8x128xf32, #tpu.memory_space<vmem>>
      %dma_wait3A_2201 = arith.constant 24 : i32
      %dma_wait3A_2202 = arith.constant 0 : i32
      %dma_wait3A_2203 = tpu.memref_slice %arg5[%dma_wait3A_2201, %dma_wait3A_2202] : memref<32x1000000xf32, #tpu.memory_space<hbm>> -> memref<8x128xf32, #tpu.memory_space<hbm>>
      %dma_wait3A_2204 = arith.constant 24 : i32
      %dma_wait3A_2205 = arith.constant 0 : i32
      %dma_wait3A_2206 = tpu.memref_slice %arg10[%dma_wait3A_2196, %dma_wait3A_2204, %dma_wait3A_2205] : memref<8x32x128xf32, #tpu.memory_space<vmem>> -> memref<1x8x128xf32, #tpu.memory_space<vmem>>
      %dma_wait3A_2207 = tpu.memref_squeeze %dma_wait3A_2206 : memref<1x8x128xf32, #tpu.memory_space<vmem>> -> memref<8x128xf32, #tpu.memory_space<vmem>>
      %dma_wait3A_2208 = arith.constant 24 : i32
      %dma_wait3A_2209 = arith.constant 0 : i32
      %dma_wait3A_2210 = tpu.memref_slice %arg5[%dma_wait3A_2208, %dma_wait3A_2209] : memref<32x1000000xf32, #tpu.memory_space<hbm>> -> memref<8x128xf32, #tpu.memory_space<hbm>>
      tpu.wait_dma2 semaphore(%arg15 : memref<!tpu.dma_semaphore, #tpu.memory_space<semaphore_mem>>) src(%dma_wait3A_2210 : memref<8x128xf32, #tpu.memory_space<hbm>>) dst(%dma_wait3A_2207 : memref<8x128xf32, #tpu.memory_space<vmem>>)
      %get3A_2211 = arith.index_cast %add3A_2090 : i32 to index
      %get3A_2212 = tpu.vector_load %arg7[%get3A_2211] {strides = array<i32>} : memref<528xi32, #tpu.memory_space<vmem>>, vector<16xi32>,
      %slice3A_2213 = vector.extract_strided_slice %get3A_2212 {offsets = [0], sizes = [1], strides = [1]} : vector<16xi32> to vector<1xi32>
      %squeeze3A_2214 = vector.extract %slice3A_2213[0] : i32 from vector<1xi32>
      %get3A_2215 = arith.index_cast %add3A_2090 : i32 to index
      %get3A_2216 = tpu.vector_load %arg8[%get3A_2215] {strides = array<i32>} : memref<528xi32, #tpu.memory_space<vmem>>, vector<16xi32>,
      %slice3A_2217 = vector.extract_strided_slice %get3A_2216 {offsets = [0], sizes = [1], strides = [1]} : vector<16xi32> to vector<1xi32>
      %squeeze3A_2218 = vector.extract %slice3A_2217[0] : i32 from vector<1xi32>
      %and3A_2219 = arith.constant 127 : i32
      %and3A_2220 = arith.andi %squeeze3A_2214, %and3A_2219 : i32
      %broadcast_in_dim3A_2221 = vector.broadcast %and3A_2220 : i32 to vector<16xi32>
      %and3A_2222 = arith.constant 127 : i32
      %and3A_2223 = arith.andi %squeeze3A_2218, %and3A_2222 : i32
      %broadcast_in_dim3A_2224 = vector.broadcast %and3A_2223 : i32 to vector<16xi32>
      %gather3A_2225 = arith.constant 6 : i32
      %gather3A_2226 = arith.constant 0 : i32
      %gather3A_2227 = arith.constant 0 : i32
      %gather3A_2228 = tpu.memref_slice %arg9[%gather3A_2225, %gather3A_2226, %gather3A_2227] : memref<8x32x128xf32, #tpu.memory_space<vmem>> -> memref<1x32x128xf32, #tpu.memory_space<vmem>>
      %gather3A_2229 = tpu.memref_squeeze %gather3A_2228 : memref<1x32x128xf32, #tpu.memory_space<vmem>> -> memref<32x128xf32, #tpu.memory_space<vmem>>
      %gather3A_2230 = tpu.vector_load_idx %gather3A_2229[%iota3A, %broadcast_in_dim3A_2221] : memref<32x128xf32, #tpu.memory_space<vmem>>[vector<16xi32>, vector<16xi32>], vector<16xf32>,
      %add3A_2231 = arith.constant 16 : i32
      %add3A_2232 = vector.broadcast %add3A_2231 : i32 to vector<16xi32>
      %add3A_2233 = arith.addi %iota3A, %add3A_2232 : vector<16xi32>
      %gather3A_2234 = arith.constant 6 : i32
      %gather3A_2235 = arith.constant 0 : i32
      %gather3A_2236 = arith.constant 0 : i32
      %gather3A_2237 = tpu.memref_slice %arg9[%gather3A_2234, %gather3A_2235, %gather3A_2236] : memref<8x32x128xf32, #tpu.memory_space<vmem>> -> memref<1x32x128xf32, #tpu.memory_space<vmem>>
      %gather3A_2238 = tpu.memref_squeeze %gather3A_2237 : memref<1x32x128xf32, #tpu.memory_space<vmem>> -> memref<32x128xf32, #tpu.memory_space<vmem>>
      %gather3A_2239 = tpu.vector_load_idx %gather3A_2238[%add3A_2233, %broadcast_in_dim3A_2221] : memref<32x128xf32, #tpu.memory_space<vmem>>[vector<16xi32>, vector<16xi32>], vector<16xf32>,
      %gather3A_2240 = arith.constant 6 : i32
      %gather3A_2241 = arith.constant 0 : i32
      %gather3A_2242 = arith.constant 0 : i32
      %gather3A_2243 = tpu.memref_slice %arg10[%gather3A_2240, %gather3A_2241, %gather3A_2242] : memref<8x32x128xf32, #tpu.memory_space<vmem>> -> memref<1x32x128xf32, #tpu.memory_space<vmem>>
      %gather3A_2244 = tpu.memref_squeeze %gather3A_2243 : memref<1x32x128xf32, #tpu.memory_space<vmem>> -> memref<32x128xf32, #tpu.memory_space<vmem>>
      %gather3A_2245 = tpu.vector_load_idx %gather3A_2244[%iota3A, %broadcast_in_dim3A_2224] : memref<32x128xf32, #tpu.memory_space<vmem>>[vector<16xi32>, vector<16xi32>], vector<16xf32>,
      %add3A_2246 = arith.constant 16 : i32
      %add3A_2247 = vector.broadcast %add3A_2246 : i32 to vector<16xi32>
      %add3A_2248 = arith.addi %iota3A, %add3A_2247 : vector<16xi32>
      %gather3A_2249 = arith.constant 6 : i32
      %gather3A_2250 = arith.constant 0 : i32
      %gather3A_2251 = arith.constant 0 : i32
      %gather3A_2252 = tpu.memref_slice %arg10[%gather3A_2249, %gather3A_2250, %gather3A_2251] : memref<8x32x128xf32, #tpu.memory_space<vmem>> -> memref<1x32x128xf32, #tpu.memory_space<vmem>>
      %gather3A_2253 = tpu.memref_squeeze %gather3A_2252 : memref<1x32x128xf32, #tpu.memory_space<vmem>> -> memref<32x128xf32, #tpu.memory_space<vmem>>
      %gather3A_2254 = tpu.vector_load_idx %gather3A_2253[%add3A_2248, %broadcast_in_dim3A_2224] : memref<32x128xf32, #tpu.memory_space<vmem>>[vector<16xi32>, vector<16xi32>], vector<16xf32>,
      %mul3A_2255 = arith.mulf %gather3A_2230, %gather3A_2245 : vector<16xf32>
      %mul3A_2256 = arith.mulf %gather3A_2239, %gather3A_2254 : vector<16xf32>
      %add3A_2257 = arith.addf %mul3A_2255, %mul3A_2256 : vector<16xf32>
      %and3A_2258 = arith.constant 15 : i32
      %and3A_2259 = arith.andi %add3A_2090, %and3A_2258 : i32
      %eq3A_2260 = vector.broadcast %and3A_2259 : i32 to vector<16xi32>
      %eq3A_2261 = arith.cmpi eq, %iota3A, %eq3A_2260 : vector<16xi32>
      %reduce_sum3A_2262 = arith.constant true
      %reduce_sum3A_2263 = vector.broadcast %reduce_sum3A_2262 : i1 to vector<16xi1>
      %reduce_sum3A_2264 = tpu.scan <sum>, %add3A_2257 masked %reduce_sum3A_2263 : vector<16xf32>, vector<16xi1> -> vector<16xf32>
      %reduce_sum3A_2265 = vector.extract %reduce_sum3A_2264[15] : f32 from vector<16xf32>
      %broadcast_in_dim3A_2266 = vector.broadcast %reduce_sum3A_2265 : f32 to vector<16xf32>
      %select_n3A_2267 = arith.select %eq3A_2261, %broadcast_in_dim3A_2266, %select_n3A_2081 : vector<16xi1>, vector<16xf32>
      %lt3A_2268 = arith.constant 63 : i32
      %lt3A_2269 = arith.cmpi slt, %scan3A_978, %lt3A_2268 : i32
      %convert_element_type3A_2270 = arith.extui %lt3A_2269 : i1 to i32
      %cond3A_2271 = arith.constant 0 : i32
      %cond3A_2272 = arith.cmpi ne, %convert_element_type3A_2270, %cond3A_2271 : i32
      scf.if %cond3A_2272 {
        %add3A_2466 = arith.constant 8 : i32
        %add3A_2467 = arith.addi %add3A_2090, %add3A_2466 : i32
        %get3A_2468 = arith.index_cast %add3A_2467 : i32 to index
        %get3A_2469 = tpu.vector_load %arg7[%get3A_2468] {strides = array<i32>} : memref<528xi32, #tpu.memory_space<vmem>>, vector<16xi32>,
        %slice3A_2470 = vector.extract_strided_slice %get3A_2469 {offsets = [0], sizes = [1], strides = [1]} : vector<16xi32> to vector<1xi32>
        %squeeze3A_2471 = vector.extract %slice3A_2470[0] : i32 from vector<1xi32>
        %shift_right_arithmetic3A_2472 = arith.constant 7 : i32
        %shift_right_arithmetic3A_2473 = arith.shrsi %squeeze3A_2471, %shift_right_arithmetic3A_2472 : i32
        %shift_left3A_2474 = arith.constant 7 : i32
        %shift_left3A_2475 = arith.shli %shift_right_arithmetic3A_2473, %shift_left3A_2474 : i32
        %multiple_of3A_2476 = tpu.assume_multiple %shift_left3A_2475, 128 : i32
        %get3A_2477 = arith.index_cast %add3A_2467 : i32 to index
        %get3A_2478 = tpu.vector_load %arg8[%get3A_2477] {strides = array<i32>} : memref<528xi32, #tpu.memory_space<vmem>>, vector<16xi32>,
        %slice3A_2479 = vector.extract_strided_slice %get3A_2478 {offsets = [0], sizes = [1], strides = [1]} : vector<16xi32> to vector<1xi32>
        %squeeze3A_2480 = vector.extract %slice3A_2479[0] : i32 from vector<1xi32>
        %shift_right_arithmetic3A_2481 = arith.constant 7 : i32
        %shift_right_arithmetic3A_2482 = arith.shrsi %squeeze3A_2480, %shift_right_arithmetic3A_2481 : i32
        %shift_left3A_2483 = arith.constant 7 : i32
        %shift_left3A_2484 = arith.shli %shift_right_arithmetic3A_2482, %shift_left3A_2483 : i32
        %multiple_of3A_2485 = tpu.assume_multiple %shift_left3A_2484, 128 : i32
        %dma_start3A_2486 = arith.constant 6 : i32
        %dma_start3A_2487 = arith.constant 0 : i32
        %dma_start3A_2488 = arith.constant 0 : i32
        %dma_start3A_2489 = tpu.memref_slice %arg9[%dma_start3A_2486, %dma_start3A_2487, %dma_start3A_2488] : memref<8x32x128xf32, #tpu.memory_space<vmem>> -> memref<1x8x128xf32, #tpu.memory_space<vmem>>
        %dma_start3A_2490 = tpu.memref_squeeze %dma_start3A_2489 : memref<1x8x128xf32, #tpu.memory_space<vmem>> -> memref<8x128xf32, #tpu.memory_space<vmem>>
        %dma_start3A_2491 = arith.constant 0 : i32
        %dma_start3A_2492 = tpu.memref_slice %arg4[%dma_start3A_2491, %multiple_of3A_2476] : memref<32x1000000xf32, #tpu.memory_space<hbm>> -> memref<8x128xf32, #tpu.memory_space<hbm>>
        %dma_start3A_2493 = arith.constant 0 : i32
        %dma_start3A_2494 = arith.constant 0 : i32
        %dma_start3A_2495 = tpu.memref_slice %arg9[%dma_start3A_2486, %dma_start3A_2493, %dma_start3A_2494] : memref<8x32x128xf32, #tpu.memory_space<vmem>> -> memref<1x8x128xf32, #tpu.memory_space<vmem>>
        %dma_start3A_2496 = tpu.memref_squeeze %dma_start3A_2495 : memref<1x8x128xf32, #tpu.memory_space<vmem>> -> memref<8x128xf32, #tpu.memory_space<vmem>>
        %dma_start3A_2497 = arith.constant 0 : i32
        %dma_start3A_2498 = tpu.memref_slice %arg4[%dma_start3A_2497, %multiple_of3A_2476] : memref<32x1000000xf32, #tpu.memory_space<hbm>> -> memref<8x128xf32, #tpu.memory_space<hbm>>
        tpu.enqueue_dma source(%dma_start3A_2498 : memref<8x128xf32, #tpu.memory_space<hbm>>) target(%dma_start3A_2496 : memref<8x128xf32, #tpu.memory_space<vmem>>) target_semaphore(%arg12 : memref<!tpu.dma_semaphore, #tpu.memory_space<semaphore_mem>>)
        %dma_start3A_2499 = arith.constant 6 : i32
        %dma_start3A_2500 = arith.constant 0 : i32
        %dma_start3A_2501 = arith.constant 0 : i32
        %dma_start3A_2502 = tpu.memref_slice %arg10[%dma_start3A_2499, %dma_start3A_2500, %dma_start3A_2501] : memref<8x32x128xf32, #tpu.memory_space<vmem>> -> memref<1x8x128xf32, #tpu.memory_space<vmem>>
        %dma_start3A_2503 = tpu.memref_squeeze %dma_start3A_2502 : memref<1x8x128xf32, #tpu.memory_space<vmem>> -> memref<8x128xf32, #tpu.memory_space<vmem>>
        %dma_start3A_2504 = arith.constant 0 : i32
        %dma_start3A_2505 = tpu.memref_slice %arg5[%dma_start3A_2504, %multiple_of3A_2485] : memref<32x1000000xf32, #tpu.memory_space<hbm>> -> memref<8x128xf32, #tpu.memory_space<hbm>>
        %dma_start3A_2506 = arith.constant 0 : i32
        %dma_start3A_2507 = arith.constant 0 : i32
        %dma_start3A_2508 = tpu.memref_slice %arg10[%dma_start3A_2499, %dma_start3A_2506, %dma_start3A_2507] : memref<8x32x128xf32, #tpu.memory_space<vmem>> -> memref<1x8x128xf32, #tpu.memory_space<vmem>>
        %dma_start3A_2509 = tpu.memref_squeeze %dma_start3A_2508 : memref<1x8x128xf32, #tpu.memory_space<vmem>> -> memref<8x128xf32, #tpu.memory_space<vmem>>
        %dma_start3A_2510 = arith.constant 0 : i32
        %dma_start3A_2511 = tpu.memref_slice %arg5[%dma_start3A_2510, %multiple_of3A_2485] : memref<32x1000000xf32, #tpu.memory_space<hbm>> -> memref<8x128xf32, #tpu.memory_space<hbm>>
        tpu.enqueue_dma source(%dma_start3A_2511 : memref<8x128xf32, #tpu.memory_space<hbm>>) target(%dma_start3A_2509 : memref<8x128xf32, #tpu.memory_space<vmem>>) target_semaphore(%arg13 : memref<!tpu.dma_semaphore, #tpu.memory_space<semaphore_mem>>)
        %dma_start3A_2512 = arith.constant 6 : i32
        %dma_start3A_2513 = arith.constant 8 : i32
        %dma_start3A_2514 = arith.constant 0 : i32
        %dma_start3A_2515 = tpu.memref_slice %arg9[%dma_start3A_2512, %dma_start3A_2513, %dma_start3A_2514] : memref<8x32x128xf32, #tpu.memory_space<vmem>> -> memref<1x8x128xf32, #tpu.memory_space<vmem>>
        %dma_start3A_2516 = tpu.memref_squeeze %dma_start3A_2515 : memref<1x8x128xf32, #tpu.memory_space<vmem>> -> memref<8x128xf32, #tpu.memory_space<vmem>>
        %dma_start3A_2517 = arith.constant 8 : i32
        %dma_start3A_2518 = tpu.memref_slice %arg4[%dma_start3A_2517, %multiple_of3A_2476] : memref<32x1000000xf32, #tpu.memory_space<hbm>> -> memref<8x128xf32, #tpu.memory_space<hbm>>
        %dma_start3A_2519 = arith.constant 8 : i32
        %dma_start3A_2520 = arith.constant 0 : i32
        %dma_start3A_2521 = tpu.memref_slice %arg9[%dma_start3A_2512, %dma_start3A_2519, %dma_start3A_2520] : memref<8x32x128xf32, #tpu.memory_space<vmem>> -> memref<1x8x128xf32, #tpu.memory_space<vmem>>
        %dma_start3A_2522 = tpu.memref_squeeze %dma_start3A_2521 : memref<1x8x128xf32, #tpu.memory_space<vmem>> -> memref<8x128xf32, #tpu.memory_space<vmem>>
        %dma_start3A_2523 = arith.constant 8 : i32
        %dma_start3A_2524 = tpu.memref_slice %arg4[%dma_start3A_2523, %multiple_of3A_2476] : memref<32x1000000xf32, #tpu.memory_space<hbm>> -> memref<8x128xf32, #tpu.memory_space<hbm>>
        tpu.enqueue_dma source(%dma_start3A_2524 : memref<8x128xf32, #tpu.memory_space<hbm>>) target(%dma_start3A_2522 : memref<8x128xf32, #tpu.memory_space<vmem>>) target_semaphore(%arg12 : memref<!tpu.dma_semaphore, #tpu.memory_space<semaphore_mem>>)
        %dma_start3A_2525 = arith.constant 6 : i32
        %dma_start3A_2526 = arith.constant 8 : i32
        %dma_start3A_2527 = arith.constant 0 : i32
        %dma_start3A_2528 = tpu.memref_slice %arg10[%dma_start3A_2525, %dma_start3A_2526, %dma_start3A_2527] : memref<8x32x128xf32, #tpu.memory_space<vmem>> -> memref<1x8x128xf32, #tpu.memory_space<vmem>>
        %dma_start3A_2529 = tpu.memref_squeeze %dma_start3A_2528 : memref<1x8x128xf32, #tpu.memory_space<vmem>> -> memref<8x128xf32, #tpu.memory_space<vmem>>
        %dma_start3A_2530 = arith.constant 8 : i32
        %dma_start3A_2531 = tpu.memref_slice %arg5[%dma_start3A_2530, %multiple_of3A_2485] : memref<32x1000000xf32, #tpu.memory_space<hbm>> -> memref<8x128xf32, #tpu.memory_space<hbm>>
        %dma_start3A_2532 = arith.constant 8 : i32
        %dma_start3A_2533 = arith.constant 0 : i32
        %dma_start3A_2534 = tpu.memref_slice %arg10[%dma_start3A_2525, %dma_start3A_2532, %dma_start3A_2533] : memref<8x32x128xf32, #tpu.memory_space<vmem>> -> memref<1x8x128xf32, #tpu.memory_space<vmem>>
        %dma_start3A_2535 = tpu.memref_squeeze %dma_start3A_2534 : memref<1x8x128xf32, #tpu.memory_space<vmem>> -> memref<8x128xf32, #tpu.memory_space<vmem>>
        %dma_start3A_2536 = arith.constant 8 : i32
        %dma_start3A_2537 = tpu.memref_slice %arg5[%dma_start3A_2536, %multiple_of3A_2485] : memref<32x1000000xf32, #tpu.memory_space<hbm>> -> memref<8x128xf32, #tpu.memory_space<hbm>>
        tpu.enqueue_dma source(%dma_start3A_2537 : memref<8x128xf32, #tpu.memory_space<hbm>>) target(%dma_start3A_2535 : memref<8x128xf32, #tpu.memory_space<vmem>>) target_semaphore(%arg13 : memref<!tpu.dma_semaphore, #tpu.memory_space<semaphore_mem>>)
        %dma_start3A_2538 = arith.constant 6 : i32
        %dma_start3A_2539 = arith.constant 16 : i32
        %dma_start3A_2540 = arith.constant 0 : i32
        %dma_start3A_2541 = tpu.memref_slice %arg9[%dma_start3A_2538, %dma_start3A_2539, %dma_start3A_2540] : memref<8x32x128xf32, #tpu.memory_space<vmem>> -> memref<1x8x128xf32, #tpu.memory_space<vmem>>
        %dma_start3A_2542 = tpu.memref_squeeze %dma_start3A_2541 : memref<1x8x128xf32, #tpu.memory_space<vmem>> -> memref<8x128xf32, #tpu.memory_space<vmem>>
        %dma_start3A_2543 = arith.constant 16 : i32
        %dma_start3A_2544 = tpu.memref_slice %arg4[%dma_start3A_2543, %multiple_of3A_2476] : memref<32x1000000xf32, #tpu.memory_space<hbm>> -> memref<8x128xf32, #tpu.memory_space<hbm>>
        %dma_start3A_2545 = arith.constant 16 : i32
        %dma_start3A_2546 = arith.constant 0 : i32
        %dma_start3A_2547 = tpu.memref_slice %arg9[%dma_start3A_2538, %dma_start3A_2545, %dma_start3A_2546] : memref<8x32x128xf32, #tpu.memory_space<vmem>> -> memref<1x8x128xf32, #tpu.memory_space<vmem>>
        %dma_start3A_2548 = tpu.memref_squeeze %dma_start3A_2547 : memref<1x8x128xf32, #tpu.memory_space<vmem>> -> memref<8x128xf32, #tpu.memory_space<vmem>>
        %dma_start3A_2549 = arith.constant 16 : i32
        %dma_start3A_2550 = tpu.memref_slice %arg4[%dma_start3A_2549, %multiple_of3A_2476] : memref<32x1000000xf32, #tpu.memory_space<hbm>> -> memref<8x128xf32, #tpu.memory_space<hbm>>
        tpu.enqueue_dma source(%dma_start3A_2550 : memref<8x128xf32, #tpu.memory_space<hbm>>) target(%dma_start3A_2548 : memref<8x128xf32, #tpu.memory_space<vmem>>) target_semaphore(%arg14 : memref<!tpu.dma_semaphore, #tpu.memory_space<semaphore_mem>>)
        %dma_start3A_2551 = arith.constant 6 : i32
        %dma_start3A_2552 = arith.constant 16 : i32
        %dma_start3A_2553 = arith.constant 0 : i32
        %dma_start3A_2554 = tpu.memref_slice %arg10[%dma_start3A_2551, %dma_start3A_2552, %dma_start3A_2553] : memref<8x32x128xf32, #tpu.memory_space<vmem>> -> memref<1x8x128xf32, #tpu.memory_space<vmem>>
        %dma_start3A_2555 = tpu.memref_squeeze %dma_start3A_2554 : memref<1x8x128xf32, #tpu.memory_space<vmem>> -> memref<8x128xf32, #tpu.memory_space<vmem>>
        %dma_start3A_2556 = arith.constant 16 : i32
        %dma_start3A_2557 = tpu.memref_slice %arg5[%dma_start3A_2556, %multiple_of3A_2485] : memref<32x1000000xf32, #tpu.memory_space<hbm>> -> memref<8x128xf32, #tpu.memory_space<hbm>>
        %dma_start3A_2558 = arith.constant 16 : i32
        %dma_start3A_2559 = arith.constant 0 : i32
        %dma_start3A_2560 = tpu.memref_slice %arg10[%dma_start3A_2551, %dma_start3A_2558, %dma_start3A_2559] : memref<8x32x128xf32, #tpu.memory_space<vmem>> -> memref<1x8x128xf32, #tpu.memory_space<vmem>>
        %dma_start3A_2561 = tpu.memref_squeeze %dma_start3A_2560 : memref<1x8x128xf32, #tpu.memory_space<vmem>> -> memref<8x128xf32, #tpu.memory_space<vmem>>
        %dma_start3A_2562 = arith.constant 16 : i32
        %dma_start3A_2563 = tpu.memref_slice %arg5[%dma_start3A_2562, %multiple_of3A_2485] : memref<32x1000000xf32, #tpu.memory_space<hbm>> -> memref<8x128xf32, #tpu.memory_space<hbm>>
        tpu.enqueue_dma source(%dma_start3A_2563 : memref<8x128xf32, #tpu.memory_space<hbm>>) target(%dma_start3A_2561 : memref<8x128xf32, #tpu.memory_space<vmem>>) target_semaphore(%arg15 : memref<!tpu.dma_semaphore, #tpu.memory_space<semaphore_mem>>)
        %dma_start3A_2564 = arith.constant 6 : i32
        %dma_start3A_2565 = arith.constant 24 : i32
        %dma_start3A_2566 = arith.constant 0 : i32
        %dma_start3A_2567 = tpu.memref_slice %arg9[%dma_start3A_2564, %dma_start3A_2565, %dma_start3A_2566] : memref<8x32x128xf32, #tpu.memory_space<vmem>> -> memref<1x8x128xf32, #tpu.memory_space<vmem>>
        %dma_start3A_2568 = tpu.memref_squeeze %dma_start3A_2567 : memref<1x8x128xf32, #tpu.memory_space<vmem>> -> memref<8x128xf32, #tpu.memory_space<vmem>>
        %dma_start3A_2569 = arith.constant 24 : i32
        %dma_start3A_2570 = tpu.memref_slice %arg4[%dma_start3A_2569, %multiple_of3A_2476] : memref<32x1000000xf32, #tpu.memory_space<hbm>> -> memref<8x128xf32, #tpu.memory_space<hbm>>
        %dma_start3A_2571 = arith.constant 24 : i32
        %dma_start3A_2572 = arith.constant 0 : i32
        %dma_start3A_2573 = tpu.memref_slice %arg9[%dma_start3A_2564, %dma_start3A_2571, %dma_start3A_2572] : memref<8x32x128xf32, #tpu.memory_space<vmem>> -> memref<1x8x128xf32, #tpu.memory_space<vmem>>
        %dma_start3A_2574 = tpu.memref_squeeze %dma_start3A_2573 : memref<1x8x128xf32, #tpu.memory_space<vmem>> -> memref<8x128xf32, #tpu.memory_space<vmem>>
        %dma_start3A_2575 = arith.constant 24 : i32
        %dma_start3A_2576 = tpu.memref_slice %arg4[%dma_start3A_2575, %multiple_of3A_2476] : memref<32x1000000xf32, #tpu.memory_space<hbm>> -> memref<8x128xf32, #tpu.memory_space<hbm>>
        tpu.enqueue_dma source(%dma_start3A_2576 : memref<8x128xf32, #tpu.memory_space<hbm>>) target(%dma_start3A_2574 : memref<8x128xf32, #tpu.memory_space<vmem>>) target_semaphore(%arg14 : memref<!tpu.dma_semaphore, #tpu.memory_space<semaphore_mem>>)
        %dma_start3A_2577 = arith.constant 6 : i32
        %dma_start3A_2578 = arith.constant 24 : i32
        %dma_start3A_2579 = arith.constant 0 : i32
        %dma_start3A_2580 = tpu.memref_slice %arg10[%dma_start3A_2577, %dma_start3A_2578, %dma_start3A_2579] : memref<8x32x128xf32, #tpu.memory_space<vmem>> -> memref<1x8x128xf32, #tpu.memory_space<vmem>>
        %dma_start3A_2581 = tpu.memref_squeeze %dma_start3A_2580 : memref<1x8x128xf32, #tpu.memory_space<vmem>> -> memref<8x128xf32, #tpu.memory_space<vmem>>
        %dma_start3A_2582 = arith.constant 24 : i32
        %dma_start3A_2583 = tpu.memref_slice %arg5[%dma_start3A_2582, %multiple_of3A_2485] : memref<32x1000000xf32, #tpu.memory_space<hbm>> -> memref<8x128xf32, #tpu.memory_space<hbm>>
        %dma_start3A_2584 = arith.constant 24 : i32
        %dma_start3A_2585 = arith.constant 0 : i32
        %dma_start3A_2586 = tpu.memref_slice %arg10[%dma_start3A_2577, %dma_start3A_2584, %dma_start3A_2585] : memref<8x32x128xf32, #tpu.memory_space<vmem>> -> memref<1x8x128xf32, #tpu.memory_space<vmem>>
        %dma_start3A_2587 = tpu.memref_squeeze %dma_start3A_2586 : memref<1x8x128xf32, #tpu.memory_space<vmem>> -> memref<8x128xf32, #tpu.memory_space<vmem>>
        %dma_start3A_2588 = arith.constant 24 : i32
        %dma_start3A_2589 = tpu.memref_slice %arg5[%dma_start3A_2588, %multiple_of3A_2485] : memref<32x1000000xf32, #tpu.memory_space<hbm>> -> memref<8x128xf32, #tpu.memory_space<hbm>>
        tpu.enqueue_dma source(%dma_start3A_2589 : memref<8x128xf32, #tpu.memory_space<hbm>>) target(%dma_start3A_2587 : memref<8x128xf32, #tpu.memory_space<vmem>>) target_semaphore(%arg15 : memref<!tpu.dma_semaphore, #tpu.memory_space<semaphore_mem>>)
      } else {
      }
      %mul3A_2273 = arith.constant 8 : i32
      %mul3A_2274 = arith.muli %scan3A_978, %mul3A_2273 : i32
      %add3A_2275 = arith.constant 7 : i32
      %add3A_2276 = arith.addi %mul3A_2274, %add3A_2275 : i32
      %dma_wait3A_2277 = arith.constant 7 : i32
      %dma_wait3A_2278 = arith.constant 0 : i32
      %dma_wait3A_2279 = arith.constant 0 : i32
      %dma_wait3A_2280 = tpu.memref_slice %arg9[%dma_wait3A_2277, %dma_wait3A_2278, %dma_wait3A_2279] : memref<8x32x128xf32, #tpu.memory_space<vmem>> -> memref<1x8x128xf32, #tpu.memory_space<vmem>>
      %dma_wait3A_2281 = tpu.memref_squeeze %dma_wait3A_2280 : memref<1x8x128xf32, #tpu.memory_space<vmem>> -> memref<8x128xf32, #tpu.memory_space<vmem>>
      %dma_wait3A_2282 = arith.constant 0 : i32
      %dma_wait3A_2283 = arith.constant 0 : i32
      %dma_wait3A_2284 = tpu.memref_slice %arg4[%dma_wait3A_2282, %dma_wait3A_2283] : memref<32x1000000xf32, #tpu.memory_space<hbm>> -> memref<8x128xf32, #tpu.memory_space<hbm>>
      %dma_wait3A_2285 = arith.constant 0 : i32
      %dma_wait3A_2286 = arith.constant 0 : i32
      %dma_wait3A_2287 = tpu.memref_slice %arg9[%dma_wait3A_2277, %dma_wait3A_2285, %dma_wait3A_2286] : memref<8x32x128xf32, #tpu.memory_space<vmem>> -> memref<1x8x128xf32, #tpu.memory_space<vmem>>
      %dma_wait3A_2288 = tpu.memref_squeeze %dma_wait3A_2287 : memref<1x8x128xf32, #tpu.memory_space<vmem>> -> memref<8x128xf32, #tpu.memory_space<vmem>>
      %dma_wait3A_2289 = arith.constant 0 : i32
      %dma_wait3A_2290 = arith.constant 0 : i32
      %dma_wait3A_2291 = tpu.memref_slice %arg4[%dma_wait3A_2289, %dma_wait3A_2290] : memref<32x1000000xf32, #tpu.memory_space<hbm>> -> memref<8x128xf32, #tpu.memory_space<hbm>>
      tpu.wait_dma2 semaphore(%arg12 : memref<!tpu.dma_semaphore, #tpu.memory_space<semaphore_mem>>) src(%dma_wait3A_2291 : memref<8x128xf32, #tpu.memory_space<hbm>>) dst(%dma_wait3A_2288 : memref<8x128xf32, #tpu.memory_space<vmem>>)
      %dma_wait3A_2292 = arith.constant 7 : i32
      %dma_wait3A_2293 = arith.constant 0 : i32
      %dma_wait3A_2294 = arith.constant 0 : i32
      %dma_wait3A_2295 = tpu.memref_slice %arg10[%dma_wait3A_2292, %dma_wait3A_2293, %dma_wait3A_2294] : memref<8x32x128xf32, #tpu.memory_space<vmem>> -> memref<1x8x128xf32, #tpu.memory_space<vmem>>
      %dma_wait3A_2296 = tpu.memref_squeeze %dma_wait3A_2295 : memref<1x8x128xf32, #tpu.memory_space<vmem>> -> memref<8x128xf32, #tpu.memory_space<vmem>>
      %dma_wait3A_2297 = arith.constant 0 : i32
      %dma_wait3A_2298 = arith.constant 0 : i32
      %dma_wait3A_2299 = tpu.memref_slice %arg5[%dma_wait3A_2297, %dma_wait3A_2298] : memref<32x1000000xf32, #tpu.memory_space<hbm>> -> memref<8x128xf32, #tpu.memory_space<hbm>>
      %dma_wait3A_2300 = arith.constant 0 : i32
      %dma_wait3A_2301 = arith.constant 0 : i32
      %dma_wait3A_2302 = tpu.memref_slice %arg10[%dma_wait3A_2292, %dma_wait3A_2300, %dma_wait3A_2301] : memref<8x32x128xf32, #tpu.memory_space<vmem>> -> memref<1x8x128xf32, #tpu.memory_space<vmem>>
      %dma_wait3A_2303 = tpu.memref_squeeze %dma_wait3A_2302 : memref<1x8x128xf32, #tpu.memory_space<vmem>> -> memref<8x128xf32, #tpu.memory_space<vmem>>
      %dma_wait3A_2304 = arith.constant 0 : i32
      %dma_wait3A_2305 = arith.constant 0 : i32
      %dma_wait3A_2306 = tpu.memref_slice %arg5[%dma_wait3A_2304, %dma_wait3A_2305] : memref<32x1000000xf32, #tpu.memory_space<hbm>> -> memref<8x128xf32, #tpu.memory_space<hbm>>
      tpu.wait_dma2 semaphore(%arg13 : memref<!tpu.dma_semaphore, #tpu.memory_space<semaphore_mem>>) src(%dma_wait3A_2306 : memref<8x128xf32, #tpu.memory_space<hbm>>) dst(%dma_wait3A_2303 : memref<8x128xf32, #tpu.memory_space<vmem>>)
      %dma_wait3A_2307 = arith.constant 7 : i32
      %dma_wait3A_2308 = arith.constant 8 : i32
      %dma_wait3A_2309 = arith.constant 0 : i32
      %dma_wait3A_2310 = tpu.memref_slice %arg9[%dma_wait3A_2307, %dma_wait3A_2308, %dma_wait3A_2309] : memref<8x32x128xf32, #tpu.memory_space<vmem>> -> memref<1x8x128xf32, #tpu.memory_space<vmem>>
      %dma_wait3A_2311 = tpu.memref_squeeze %dma_wait3A_2310 : memref<1x8x128xf32, #tpu.memory_space<vmem>> -> memref<8x128xf32, #tpu.memory_space<vmem>>
      %dma_wait3A_2312 = arith.constant 8 : i32
      %dma_wait3A_2313 = arith.constant 0 : i32
      %dma_wait3A_2314 = tpu.memref_slice %arg4[%dma_wait3A_2312, %dma_wait3A_2313] : memref<32x1000000xf32, #tpu.memory_space<hbm>> -> memref<8x128xf32, #tpu.memory_space<hbm>>
      %dma_wait3A_2315 = arith.constant 8 : i32
      %dma_wait3A_2316 = arith.constant 0 : i32
      %dma_wait3A_2317 = tpu.memref_slice %arg9[%dma_wait3A_2307, %dma_wait3A_2315, %dma_wait3A_2316] : memref<8x32x128xf32, #tpu.memory_space<vmem>> -> memref<1x8x128xf32, #tpu.memory_space<vmem>>
      %dma_wait3A_2318 = tpu.memref_squeeze %dma_wait3A_2317 : memref<1x8x128xf32, #tpu.memory_space<vmem>> -> memref<8x128xf32, #tpu.memory_space<vmem>>
      %dma_wait3A_2319 = arith.constant 8 : i32
      %dma_wait3A_2320 = arith.constant 0 : i32
      %dma_wait3A_2321 = tpu.memref_slice %arg4[%dma_wait3A_2319, %dma_wait3A_2320] : memref<32x1000000xf32, #tpu.memory_space<hbm>> -> memref<8x128xf32, #tpu.memory_space<hbm>>
      tpu.wait_dma2 semaphore(%arg12 : memref<!tpu.dma_semaphore, #tpu.memory_space<semaphore_mem>>) src(%dma_wait3A_2321 : memref<8x128xf32, #tpu.memory_space<hbm>>) dst(%dma_wait3A_2318 : memref<8x128xf32, #tpu.memory_space<vmem>>)
      %dma_wait3A_2322 = arith.constant 7 : i32
      %dma_wait3A_2323 = arith.constant 8 : i32
      %dma_wait3A_2324 = arith.constant 0 : i32
      %dma_wait3A_2325 = tpu.memref_slice %arg10[%dma_wait3A_2322, %dma_wait3A_2323, %dma_wait3A_2324] : memref<8x32x128xf32, #tpu.memory_space<vmem>> -> memref<1x8x128xf32, #tpu.memory_space<vmem>>
      %dma_wait3A_2326 = tpu.memref_squeeze %dma_wait3A_2325 : memref<1x8x128xf32, #tpu.memory_space<vmem>> -> memref<8x128xf32, #tpu.memory_space<vmem>>
      %dma_wait3A_2327 = arith.constant 8 : i32
      %dma_wait3A_2328 = arith.constant 0 : i32
      %dma_wait3A_2329 = tpu.memref_slice %arg5[%dma_wait3A_2327, %dma_wait3A_2328] : memref<32x1000000xf32, #tpu.memory_space<hbm>> -> memref<8x128xf32, #tpu.memory_space<hbm>>
      %dma_wait3A_2330 = arith.constant 8 : i32
      %dma_wait3A_2331 = arith.constant 0 : i32
      %dma_wait3A_2332 = tpu.memref_slice %arg10[%dma_wait3A_2322, %dma_wait3A_2330, %dma_wait3A_2331] : memref<8x32x128xf32, #tpu.memory_space<vmem>> -> memref<1x8x128xf32, #tpu.memory_space<vmem>>
      %dma_wait3A_2333 = tpu.memref_squeeze %dma_wait3A_2332 : memref<1x8x128xf32, #tpu.memory_space<vmem>> -> memref<8x128xf32, #tpu.memory_space<vmem>>
      %dma_wait3A_2334 = arith.constant 8 : i32
      %dma_wait3A_2335 = arith.constant 0 : i32
      %dma_wait3A_2336 = tpu.memref_slice %arg5[%dma_wait3A_2334, %dma_wait3A_2335] : memref<32x1000000xf32, #tpu.memory_space<hbm>> -> memref<8x128xf32, #tpu.memory_space<hbm>>
      tpu.wait_dma2 semaphore(%arg13 : memref<!tpu.dma_semaphore, #tpu.memory_space<semaphore_mem>>) src(%dma_wait3A_2336 : memref<8x128xf32, #tpu.memory_space<hbm>>) dst(%dma_wait3A_2333 : memref<8x128xf32, #tpu.memory_space<vmem>>)
      %dma_wait3A_2337 = arith.constant 7 : i32
      %dma_wait3A_2338 = arith.constant 16 : i32
      %dma_wait3A_2339 = arith.constant 0 : i32
      %dma_wait3A_2340 = tpu.memref_slice %arg9[%dma_wait3A_2337, %dma_wait3A_2338, %dma_wait3A_2339] : memref<8x32x128xf32, #tpu.memory_space<vmem>> -> memref<1x8x128xf32, #tpu.memory_space<vmem>>
      %dma_wait3A_2341 = tpu.memref_squeeze %dma_wait3A_2340 : memref<1x8x128xf32, #tpu.memory_space<vmem>> -> memref<8x128xf32, #tpu.memory_space<vmem>>
      %dma_wait3A_2342 = arith.constant 16 : i32
      %dma_wait3A_2343 = arith.constant 0 : i32
      %dma_wait3A_2344 = tpu.memref_slice %arg4[%dma_wait3A_2342, %dma_wait3A_2343] : memref<32x1000000xf32, #tpu.memory_space<hbm>> -> memref<8x128xf32, #tpu.memory_space<hbm>>
      %dma_wait3A_2345 = arith.constant 16 : i32
      %dma_wait3A_2346 = arith.constant 0 : i32
      %dma_wait3A_2347 = tpu.memref_slice %arg9[%dma_wait3A_2337, %dma_wait3A_2345, %dma_wait3A_2346] : memref<8x32x128xf32, #tpu.memory_space<vmem>> -> memref<1x8x128xf32, #tpu.memory_space<vmem>>
      %dma_wait3A_2348 = tpu.memref_squeeze %dma_wait3A_2347 : memref<1x8x128xf32, #tpu.memory_space<vmem>> -> memref<8x128xf32, #tpu.memory_space<vmem>>
      %dma_wait3A_2349 = arith.constant 16 : i32
      %dma_wait3A_2350 = arith.constant 0 : i32
      %dma_wait3A_2351 = tpu.memref_slice %arg4[%dma_wait3A_2349, %dma_wait3A_2350] : memref<32x1000000xf32, #tpu.memory_space<hbm>> -> memref<8x128xf32, #tpu.memory_space<hbm>>
      tpu.wait_dma2 semaphore(%arg14 : memref<!tpu.dma_semaphore, #tpu.memory_space<semaphore_mem>>) src(%dma_wait3A_2351 : memref<8x128xf32, #tpu.memory_space<hbm>>) dst(%dma_wait3A_2348 : memref<8x128xf32, #tpu.memory_space<vmem>>)
      %dma_wait3A_2352 = arith.constant 7 : i32
      %dma_wait3A_2353 = arith.constant 16 : i32
      %dma_wait3A_2354 = arith.constant 0 : i32
      %dma_wait3A_2355 = tpu.memref_slice %arg10[%dma_wait3A_2352, %dma_wait3A_2353, %dma_wait3A_2354] : memref<8x32x128xf32, #tpu.memory_space<vmem>> -> memref<1x8x128xf32, #tpu.memory_space<vmem>>
      %dma_wait3A_2356 = tpu.memref_squeeze %dma_wait3A_2355 : memref<1x8x128xf32, #tpu.memory_space<vmem>> -> memref<8x128xf32, #tpu.memory_space<vmem>>
      %dma_wait3A_2357 = arith.constant 16 : i32
      %dma_wait3A_2358 = arith.constant 0 : i32
      %dma_wait3A_2359 = tpu.memref_slice %arg5[%dma_wait3A_2357, %dma_wait3A_2358] : memref<32x1000000xf32, #tpu.memory_space<hbm>> -> memref<8x128xf32, #tpu.memory_space<hbm>>
      %dma_wait3A_2360 = arith.constant 16 : i32
      %dma_wait3A_2361 = arith.constant 0 : i32
      %dma_wait3A_2362 = tpu.memref_slice %arg10[%dma_wait3A_2352, %dma_wait3A_2360, %dma_wait3A_2361] : memref<8x32x128xf32, #tpu.memory_space<vmem>> -> memref<1x8x128xf32, #tpu.memory_space<vmem>>
      %dma_wait3A_2363 = tpu.memref_squeeze %dma_wait3A_2362 : memref<1x8x128xf32, #tpu.memory_space<vmem>> -> memref<8x128xf32, #tpu.memory_space<vmem>>
      %dma_wait3A_2364 = arith.constant 16 : i32
      %dma_wait3A_2365 = arith.constant 0 : i32
      %dma_wait3A_2366 = tpu.memref_slice %arg5[%dma_wait3A_2364, %dma_wait3A_2365] : memref<32x1000000xf32, #tpu.memory_space<hbm>> -> memref<8x128xf32, #tpu.memory_space<hbm>>
      tpu.wait_dma2 semaphore(%arg15 : memref<!tpu.dma_semaphore, #tpu.memory_space<semaphore_mem>>) src(%dma_wait3A_2366 : memref<8x128xf32, #tpu.memory_space<hbm>>) dst(%dma_wait3A_2363 : memref<8x128xf32, #tpu.memory_space<vmem>>)
      %dma_wait3A_2367 = arith.constant 7 : i32
      %dma_wait3A_2368 = arith.constant 24 : i32
      %dma_wait3A_2369 = arith.constant 0 : i32
      %dma_wait3A_2370 = tpu.memref_slice %arg9[%dma_wait3A_2367, %dma_wait3A_2368, %dma_wait3A_2369] : memref<8x32x128xf32, #tpu.memory_space<vmem>> -> memref<1x8x128xf32, #tpu.memory_space<vmem>>
      %dma_wait3A_2371 = tpu.memref_squeeze %dma_wait3A_2370 : memref<1x8x128xf32, #tpu.memory_space<vmem>> -> memref<8x128xf32, #tpu.memory_space<vmem>>
      %dma_wait3A_2372 = arith.constant 24 : i32
      %dma_wait3A_2373 = arith.constant 0 : i32
      %dma_wait3A_2374 = tpu.memref_slice %arg4[%dma_wait3A_2372, %dma_wait3A_2373] : memref<32x1000000xf32, #tpu.memory_space<hbm>> -> memref<8x128xf32, #tpu.memory_space<hbm>>
      %dma_wait3A_2375 = arith.constant 24 : i32
      %dma_wait3A_2376 = arith.constant 0 : i32
      %dma_wait3A_2377 = tpu.memref_slice %arg9[%dma_wait3A_2367, %dma_wait3A_2375, %dma_wait3A_2376] : memref<8x32x128xf32, #tpu.memory_space<vmem>> -> memref<1x8x128xf32, #tpu.memory_space<vmem>>
      %dma_wait3A_2378 = tpu.memref_squeeze %dma_wait3A_2377 : memref<1x8x128xf32, #tpu.memory_space<vmem>> -> memref<8x128xf32, #tpu.memory_space<vmem>>
      %dma_wait3A_2379 = arith.constant 24 : i32
      %dma_wait3A_2380 = arith.constant 0 : i32
      %dma_wait3A_2381 = tpu.memref_slice %arg4[%dma_wait3A_2379, %dma_wait3A_2380] : memref<32x1000000xf32, #tpu.memory_space<hbm>> -> memref<8x128xf32, #tpu.memory_space<hbm>>
      tpu.wait_dma2 semaphore(%arg14 : memref<!tpu.dma_semaphore, #tpu.memory_space<semaphore_mem>>) src(%dma_wait3A_2381 : memref<8x128xf32, #tpu.memory_space<hbm>>) dst(%dma_wait3A_2378 : memref<8x128xf32, #tpu.memory_space<vmem>>)
      %dma_wait3A_2382 = arith.constant 7 : i32
      %dma_wait3A_2383 = arith.constant 24 : i32
      %dma_wait3A_2384 = arith.constant 0 : i32
      %dma_wait3A_2385 = tpu.memref_slice %arg10[%dma_wait3A_2382, %dma_wait3A_2383, %dma_wait3A_2384] : memref<8x32x128xf32, #tpu.memory_space<vmem>> -> memref<1x8x128xf32, #tpu.memory_space<vmem>>
      %dma_wait3A_2386 = tpu.memref_squeeze %dma_wait3A_2385 : memref<1x8x128xf32, #tpu.memory_space<vmem>> -> memref<8x128xf32, #tpu.memory_space<vmem>>
      %dma_wait3A_2387 = arith.constant 24 : i32
      %dma_wait3A_2388 = arith.constant 0 : i32
      %dma_wait3A_2389 = tpu.memref_slice %arg5[%dma_wait3A_2387, %dma_wait3A_2388] : memref<32x1000000xf32, #tpu.memory_space<hbm>> -> memref<8x128xf32, #tpu.memory_space<hbm>>
      %dma_wait3A_2390 = arith.constant 24 : i32
      %dma_wait3A_2391 = arith.constant 0 : i32
      %dma_wait3A_2392 = tpu.memref_slice %arg10[%dma_wait3A_2382, %dma_wait3A_2390, %dma_wait3A_2391] : memref<8x32x128xf32, #tpu.memory_space<vmem>> -> memref<1x8x128xf32, #tpu.memory_space<vmem>>
      %dma_wait3A_2393 = tpu.memref_squeeze %dma_wait3A_2392 : memref<1x8x128xf32, #tpu.memory_space<vmem>> -> memref<8x128xf32, #tpu.memory_space<vmem>>
      %dma_wait3A_2394 = arith.constant 24 : i32
      %dma_wait3A_2395 = arith.constant 0 : i32
      %dma_wait3A_2396 = tpu.memref_slice %arg5[%dma_wait3A_2394, %dma_wait3A_2395] : memref<32x1000000xf32, #tpu.memory_space<hbm>> -> memref<8x128xf32, #tpu.memory_space<hbm>>
      tpu.wait_dma2 semaphore(%arg15 : memref<!tpu.dma_semaphore, #tpu.memory_space<semaphore_mem>>) src(%dma_wait3A_2396 : memref<8x128xf32, #tpu.memory_space<hbm>>) dst(%dma_wait3A_2393 : memref<8x128xf32, #tpu.memory_space<vmem>>)
      %get3A_2397 = arith.index_cast %add3A_2276 : i32 to index
      %get3A_2398 = tpu.vector_load %arg7[%get3A_2397] {strides = array<i32>} : memref<528xi32, #tpu.memory_space<vmem>>, vector<16xi32>,
      %slice3A_2399 = vector.extract_strided_slice %get3A_2398 {offsets = [0], sizes = [1], strides = [1]} : vector<16xi32> to vector<1xi32>
      %squeeze3A_2400 = vector.extract %slice3A_2399[0] : i32 from vector<1xi32>
      %get3A_2401 = arith.index_cast %add3A_2276 : i32 to index
      %get3A_2402 = tpu.vector_load %arg8[%get3A_2401] {strides = array<i32>} : memref<528xi32, #tpu.memory_space<vmem>>, vector<16xi32>,
      %slice3A_2403 = vector.extract_strided_slice %get3A_2402 {offsets = [0], sizes = [1], strides = [1]} : vector<16xi32> to vector<1xi32>
      %squeeze3A_2404 = vector.extract %slice3A_2403[0] : i32 from vector<1xi32>
      %and3A_2405 = arith.constant 127 : i32
      %and3A_2406 = arith.andi %squeeze3A_2400, %and3A_2405 : i32
      %broadcast_in_dim3A_2407 = vector.broadcast %and3A_2406 : i32 to vector<16xi32>
      %and3A_2408 = arith.constant 127 : i32
      %and3A_2409 = arith.andi %squeeze3A_2404, %and3A_2408 : i32
      %broadcast_in_dim3A_2410 = vector.broadcast %and3A_2409 : i32 to vector<16xi32>
      %gather3A_2411 = arith.constant 7 : i32
      %gather3A_2412 = arith.constant 0 : i32
      %gather3A_2413 = arith.constant 0 : i32
      %gather3A_2414 = tpu.memref_slice %arg9[%gather3A_2411, %gather3A_2412, %gather3A_2413] : memref<8x32x128xf32, #tpu.memory_space<vmem>> -> memref<1x32x128xf32, #tpu.memory_space<vmem>>
      %gather3A_2415 = tpu.memref_squeeze %gather3A_2414 : memref<1x32x128xf32, #tpu.memory_space<vmem>> -> memref<32x128xf32, #tpu.memory_space<vmem>>
      %gather3A_2416 = tpu.vector_load_idx %gather3A_2415[%iota3A, %broadcast_in_dim3A_2407] : memref<32x128xf32, #tpu.memory_space<vmem>>[vector<16xi32>, vector<16xi32>], vector<16xf32>,
      %add3A_2417 = arith.constant 16 : i32
      %add3A_2418 = vector.broadcast %add3A_2417 : i32 to vector<16xi32>
      %add3A_2419 = arith.addi %iota3A, %add3A_2418 : vector<16xi32>
      %gather3A_2420 = arith.constant 7 : i32
      %gather3A_2421 = arith.constant 0 : i32
      %gather3A_2422 = arith.constant 0 : i32
      %gather3A_2423 = tpu.memref_slice %arg9[%gather3A_2420, %gather3A_2421, %gather3A_2422] : memref<8x32x128xf32, #tpu.memory_space<vmem>> -> memref<1x32x128xf32, #tpu.memory_space<vmem>>
      %gather3A_2424 = tpu.memref_squeeze %gather3A_2423 : memref<1x32x128xf32, #tpu.memory_space<vmem>> -> memref<32x128xf32, #tpu.memory_space<vmem>>
      %gather3A_2425 = tpu.vector_load_idx %gather3A_2424[%add3A_2419, %broadcast_in_dim3A_2407] : memref<32x128xf32, #tpu.memory_space<vmem>>[vector<16xi32>, vector<16xi32>], vector<16xf32>,
      %gather3A_2426 = arith.constant 7 : i32
      %gather3A_2427 = arith.constant 0 : i32
      %gather3A_2428 = arith.constant 0 : i32
      %gather3A_2429 = tpu.memref_slice %arg10[%gather3A_2426, %gather3A_2427, %gather3A_2428] : memref<8x32x128xf32, #tpu.memory_space<vmem>> -> memref<1x32x128xf32, #tpu.memory_space<vmem>>
      %gather3A_2430 = tpu.memref_squeeze %gather3A_2429 : memref<1x32x128xf32, #tpu.memory_space<vmem>> -> memref<32x128xf32, #tpu.memory_space<vmem>>
      %gather3A_2431 = tpu.vector_load_idx %gather3A_2430[%iota3A, %broadcast_in_dim3A_2410] : memref<32x128xf32, #tpu.memory_space<vmem>>[vector<16xi32>, vector<16xi32>], vector<16xf32>,
      %add3A_2432 = arith.constant 16 : i32
      %add3A_2433 = vector.broadcast %add3A_2432 : i32 to vector<16xi32>
      %add3A_2434 = arith.addi %iota3A, %add3A_2433 : vector<16xi32>
      %gather3A_2435 = arith.constant 7 : i32
      %gather3A_2436 = arith.constant 0 : i32
      %gather3A_2437 = arith.constant 0 : i32
      %gather3A_2438 = tpu.memref_slice %arg10[%gather3A_2435, %gather3A_2436, %gather3A_2437] : memref<8x32x128xf32, #tpu.memory_space<vmem>> -> memref<1x32x128xf32, #tpu.memory_space<vmem>>
      %gather3A_2439 = tpu.memref_squeeze %gather3A_2438 : memref<1x32x128xf32, #tpu.memory_space<vmem>> -> memref<32x128xf32, #tpu.memory_space<vmem>>
      %gather3A_2440 = tpu.vector_load_idx %gather3A_2439[%add3A_2434, %broadcast_in_dim3A_2410] : memref<32x128xf32, #tpu.memory_space<vmem>>[vector<16xi32>, vector<16xi32>], vector<16xf32>,
      %mul3A_2441 = arith.mulf %gather3A_2416, %gather3A_2431 : vector<16xf32>
      %mul3A_2442 = arith.mulf %gather3A_2425, %gather3A_2440 : vector<16xf32>
      %add3A_2443 = arith.addf %mul3A_2441, %mul3A_2442 : vector<16xf32>
      %and3A_2444 = arith.constant 15 : i32
      %and3A_2445 = arith.andi %add3A_2276, %and3A_2444 : i32
      %eq3A_2446 = vector.broadcast %and3A_2445 : i32 to vector<16xi32>
      %eq3A_2447 = arith.cmpi eq, %iota3A, %eq3A_2446 : vector<16xi32>
      %reduce_sum3A_2448 = arith.constant true
      %reduce_sum3A_2449 = vector.broadcast %reduce_sum3A_2448 : i1 to vector<16xi1>
      %reduce_sum3A_2450 = tpu.scan <sum>, %add3A_2443 masked %reduce_sum3A_2449 : vector<16xf32>, vector<16xi1> -> vector<16xf32>
      %reduce_sum3A_2451 = vector.extract %reduce_sum3A_2450[15] : f32 from vector<16xf32>
      %broadcast_in_dim3A_2452 = vector.broadcast %reduce_sum3A_2451 : f32 to vector<16xf32>
      %select_n3A_2453 = arith.select %eq3A_2447, %broadcast_in_dim3A_2452, %select_n3A_2267 : vector<16xi1>, vector<16xf32>
      %lt3A_2454 = arith.constant 63 : i32
      %lt3A_2455 = arith.cmpi slt, %scan3A_978, %lt3A_2454 : i32
      %convert_element_type3A_2456 = arith.extui %lt3A_2455 : i1 to i32
      %cond3A_2457 = arith.constant 0 : i32
      %cond3A_2458 = arith.cmpi ne, %convert_element_type3A_2456, %cond3A_2457 : i32
      scf.if %cond3A_2458 {
        %add3A_2466 = arith.constant 8 : i32
        %add3A_2467 = arith.addi %add3A_2276, %add3A_2466 : i32
        %get3A_2468 = arith.index_cast %add3A_2467 : i32 to index
        %get3A_2469 = tpu.vector_load %arg7[%get3A_2468] {strides = array<i32>} : memref<528xi32, #tpu.memory_space<vmem>>, vector<16xi32>,
        %slice3A_2470 = vector.extract_strided_slice %get3A_2469 {offsets = [0], sizes = [1], strides = [1]} : vector<16xi32> to vector<1xi32>
        %squeeze3A_2471 = vector.extract %slice3A_2470[0] : i32 from vector<1xi32>
        %shift_right_arithmetic3A_2472 = arith.constant 7 : i32
        %shift_right_arithmetic3A_2473 = arith.shrsi %squeeze3A_2471, %shift_right_arithmetic3A_2472 : i32
        %shift_left3A_2474 = arith.constant 7 : i32
        %shift_left3A_2475 = arith.shli %shift_right_arithmetic3A_2473, %shift_left3A_2474 : i32
        %multiple_of3A_2476 = tpu.assume_multiple %shift_left3A_2475, 128 : i32
        %get3A_2477 = arith.index_cast %add3A_2467 : i32 to index
        %get3A_2478 = tpu.vector_load %arg8[%get3A_2477] {strides = array<i32>} : memref<528xi32, #tpu.memory_space<vmem>>, vector<16xi32>,
        %slice3A_2479 = vector.extract_strided_slice %get3A_2478 {offsets = [0], sizes = [1], strides = [1]} : vector<16xi32> to vector<1xi32>
        %squeeze3A_2480 = vector.extract %slice3A_2479[0] : i32 from vector<1xi32>
        %shift_right_arithmetic3A_2481 = arith.constant 7 : i32
        %shift_right_arithmetic3A_2482 = arith.shrsi %squeeze3A_2480, %shift_right_arithmetic3A_2481 : i32
        %shift_left3A_2483 = arith.constant 7 : i32
        %shift_left3A_2484 = arith.shli %shift_right_arithmetic3A_2482, %shift_left3A_2483 : i32
        %multiple_of3A_2485 = tpu.assume_multiple %shift_left3A_2484, 128 : i32
        %dma_start3A_2486 = arith.constant 7 : i32
        %dma_start3A_2487 = arith.constant 0 : i32
        %dma_start3A_2488 = arith.constant 0 : i32
        %dma_start3A_2489 = tpu.memref_slice %arg9[%dma_start3A_2486, %dma_start3A_2487, %dma_start3A_2488] : memref<8x32x128xf32, #tpu.memory_space<vmem>> -> memref<1x8x128xf32, #tpu.memory_space<vmem>>
        %dma_start3A_2490 = tpu.memref_squeeze %dma_start3A_2489 : memref<1x8x128xf32, #tpu.memory_space<vmem>> -> memref<8x128xf32, #tpu.memory_space<vmem>>
        %dma_start3A_2491 = arith.constant 0 : i32
        %dma_start3A_2492 = tpu.memref_slice %arg4[%dma_start3A_2491, %multiple_of3A_2476] : memref<32x1000000xf32, #tpu.memory_space<hbm>> -> memref<8x128xf32, #tpu.memory_space<hbm>>
        %dma_start3A_2493 = arith.constant 0 : i32
        %dma_start3A_2494 = arith.constant 0 : i32
        %dma_start3A_2495 = tpu.memref_slice %arg9[%dma_start3A_2486, %dma_start3A_2493, %dma_start3A_2494] : memref<8x32x128xf32, #tpu.memory_space<vmem>> -> memref<1x8x128xf32, #tpu.memory_space<vmem>>
        %dma_start3A_2496 = tpu.memref_squeeze %dma_start3A_2495 : memref<1x8x128xf32, #tpu.memory_space<vmem>> -> memref<8x128xf32, #tpu.memory_space<vmem>>
        %dma_start3A_2497 = arith.constant 0 : i32
        %dma_start3A_2498 = tpu.memref_slice %arg4[%dma_start3A_2497, %multiple_of3A_2476] : memref<32x1000000xf32, #tpu.memory_space<hbm>> -> memref<8x128xf32, #tpu.memory_space<hbm>>
        tpu.enqueue_dma source(%dma_start3A_2498 : memref<8x128xf32, #tpu.memory_space<hbm>>) target(%dma_start3A_2496 : memref<8x128xf32, #tpu.memory_space<vmem>>) target_semaphore(%arg12 : memref<!tpu.dma_semaphore, #tpu.memory_space<semaphore_mem>>)
        %dma_start3A_2499 = arith.constant 7 : i32
        %dma_start3A_2500 = arith.constant 0 : i32
        %dma_start3A_2501 = arith.constant 0 : i32
        %dma_start3A_2502 = tpu.memref_slice %arg10[%dma_start3A_2499, %dma_start3A_2500, %dma_start3A_2501] : memref<8x32x128xf32, #tpu.memory_space<vmem>> -> memref<1x8x128xf32, #tpu.memory_space<vmem>>
        %dma_start3A_2503 = tpu.memref_squeeze %dma_start3A_2502 : memref<1x8x128xf32, #tpu.memory_space<vmem>> -> memref<8x128xf32, #tpu.memory_space<vmem>>
        %dma_start3A_2504 = arith.constant 0 : i32
        %dma_start3A_2505 = tpu.memref_slice %arg5[%dma_start3A_2504, %multiple_of3A_2485] : memref<32x1000000xf32, #tpu.memory_space<hbm>> -> memref<8x128xf32, #tpu.memory_space<hbm>>
        %dma_start3A_2506 = arith.constant 0 : i32
        %dma_start3A_2507 = arith.constant 0 : i32
        %dma_start3A_2508 = tpu.memref_slice %arg10[%dma_start3A_2499, %dma_start3A_2506, %dma_start3A_2507] : memref<8x32x128xf32, #tpu.memory_space<vmem>> -> memref<1x8x128xf32, #tpu.memory_space<vmem>>
        %dma_start3A_2509 = tpu.memref_squeeze %dma_start3A_2508 : memref<1x8x128xf32, #tpu.memory_space<vmem>> -> memref<8x128xf32, #tpu.memory_space<vmem>>
        %dma_start3A_2510 = arith.constant 0 : i32
        %dma_start3A_2511 = tpu.memref_slice %arg5[%dma_start3A_2510, %multiple_of3A_2485] : memref<32x1000000xf32, #tpu.memory_space<hbm>> -> memref<8x128xf32, #tpu.memory_space<hbm>>
        tpu.enqueue_dma source(%dma_start3A_2511 : memref<8x128xf32, #tpu.memory_space<hbm>>) target(%dma_start3A_2509 : memref<8x128xf32, #tpu.memory_space<vmem>>) target_semaphore(%arg13 : memref<!tpu.dma_semaphore, #tpu.memory_space<semaphore_mem>>)
        %dma_start3A_2512 = arith.constant 7 : i32
        %dma_start3A_2513 = arith.constant 8 : i32
        %dma_start3A_2514 = arith.constant 0 : i32
        %dma_start3A_2515 = tpu.memref_slice %arg9[%dma_start3A_2512, %dma_start3A_2513, %dma_start3A_2514] : memref<8x32x128xf32, #tpu.memory_space<vmem>> -> memref<1x8x128xf32, #tpu.memory_space<vmem>>
        %dma_start3A_2516 = tpu.memref_squeeze %dma_start3A_2515 : memref<1x8x128xf32, #tpu.memory_space<vmem>> -> memref<8x128xf32, #tpu.memory_space<vmem>>
        %dma_start3A_2517 = arith.constant 8 : i32
        %dma_start3A_2518 = tpu.memref_slice %arg4[%dma_start3A_2517, %multiple_of3A_2476] : memref<32x1000000xf32, #tpu.memory_space<hbm>> -> memref<8x128xf32, #tpu.memory_space<hbm>>
        %dma_start3A_2519 = arith.constant 8 : i32
        %dma_start3A_2520 = arith.constant 0 : i32
        %dma_start3A_2521 = tpu.memref_slice %arg9[%dma_start3A_2512, %dma_start3A_2519, %dma_start3A_2520] : memref<8x32x128xf32, #tpu.memory_space<vmem>> -> memref<1x8x128xf32, #tpu.memory_space<vmem>>
        %dma_start3A_2522 = tpu.memref_squeeze %dma_start3A_2521 : memref<1x8x128xf32, #tpu.memory_space<vmem>> -> memref<8x128xf32, #tpu.memory_space<vmem>>
        %dma_start3A_2523 = arith.constant 8 : i32
        %dma_start3A_2524 = tpu.memref_slice %arg4[%dma_start3A_2523, %multiple_of3A_2476] : memref<32x1000000xf32, #tpu.memory_space<hbm>> -> memref<8x128xf32, #tpu.memory_space<hbm>>
        tpu.enqueue_dma source(%dma_start3A_2524 : memref<8x128xf32, #tpu.memory_space<hbm>>) target(%dma_start3A_2522 : memref<8x128xf32, #tpu.memory_space<vmem>>) target_semaphore(%arg12 : memref<!tpu.dma_semaphore, #tpu.memory_space<semaphore_mem>>)
        %dma_start3A_2525 = arith.constant 7 : i32
        %dma_start3A_2526 = arith.constant 8 : i32
        %dma_start3A_2527 = arith.constant 0 : i32
        %dma_start3A_2528 = tpu.memref_slice %arg10[%dma_start3A_2525, %dma_start3A_2526, %dma_start3A_2527] : memref<8x32x128xf32, #tpu.memory_space<vmem>> -> memref<1x8x128xf32, #tpu.memory_space<vmem>>
        %dma_start3A_2529 = tpu.memref_squeeze %dma_start3A_2528 : memref<1x8x128xf32, #tpu.memory_space<vmem>> -> memref<8x128xf32, #tpu.memory_space<vmem>>
        %dma_start3A_2530 = arith.constant 8 : i32
        %dma_start3A_2531 = tpu.memref_slice %arg5[%dma_start3A_2530, %multiple_of3A_2485] : memref<32x1000000xf32, #tpu.memory_space<hbm>> -> memref<8x128xf32, #tpu.memory_space<hbm>>
        %dma_start3A_2532 = arith.constant 8 : i32
        %dma_start3A_2533 = arith.constant 0 : i32
        %dma_start3A_2534 = tpu.memref_slice %arg10[%dma_start3A_2525, %dma_start3A_2532, %dma_start3A_2533] : memref<8x32x128xf32, #tpu.memory_space<vmem>> -> memref<1x8x128xf32, #tpu.memory_space<vmem>>
        %dma_start3A_2535 = tpu.memref_squeeze %dma_start3A_2534 : memref<1x8x128xf32, #tpu.memory_space<vmem>> -> memref<8x128xf32, #tpu.memory_space<vmem>>
        %dma_start3A_2536 = arith.constant 8 : i32
        %dma_start3A_2537 = tpu.memref_slice %arg5[%dma_start3A_2536, %multiple_of3A_2485] : memref<32x1000000xf32, #tpu.memory_space<hbm>> -> memref<8x128xf32, #tpu.memory_space<hbm>>
        tpu.enqueue_dma source(%dma_start3A_2537 : memref<8x128xf32, #tpu.memory_space<hbm>>) target(%dma_start3A_2535 : memref<8x128xf32, #tpu.memory_space<vmem>>) target_semaphore(%arg13 : memref<!tpu.dma_semaphore, #tpu.memory_space<semaphore_mem>>)
        %dma_start3A_2538 = arith.constant 7 : i32
        %dma_start3A_2539 = arith.constant 16 : i32
        %dma_start3A_2540 = arith.constant 0 : i32
        %dma_start3A_2541 = tpu.memref_slice %arg9[%dma_start3A_2538, %dma_start3A_2539, %dma_start3A_2540] : memref<8x32x128xf32, #tpu.memory_space<vmem>> -> memref<1x8x128xf32, #tpu.memory_space<vmem>>
        %dma_start3A_2542 = tpu.memref_squeeze %dma_start3A_2541 : memref<1x8x128xf32, #tpu.memory_space<vmem>> -> memref<8x128xf32, #tpu.memory_space<vmem>>
        %dma_start3A_2543 = arith.constant 16 : i32
        %dma_start3A_2544 = tpu.memref_slice %arg4[%dma_start3A_2543, %multiple_of3A_2476] : memref<32x1000000xf32, #tpu.memory_space<hbm>> -> memref<8x128xf32, #tpu.memory_space<hbm>>
        %dma_start3A_2545 = arith.constant 16 : i32
        %dma_start3A_2546 = arith.constant 0 : i32
        %dma_start3A_2547 = tpu.memref_slice %arg9[%dma_start3A_2538, %dma_start3A_2545, %dma_start3A_2546] : memref<8x32x128xf32, #tpu.memory_space<vmem>> -> memref<1x8x128xf32, #tpu.memory_space<vmem>>
        %dma_start3A_2548 = tpu.memref_squeeze %dma_start3A_2547 : memref<1x8x128xf32, #tpu.memory_space<vmem>> -> memref<8x128xf32, #tpu.memory_space<vmem>>
        %dma_start3A_2549 = arith.constant 16 : i32
        %dma_start3A_2550 = tpu.memref_slice %arg4[%dma_start3A_2549, %multiple_of3A_2476] : memref<32x1000000xf32, #tpu.memory_space<hbm>> -> memref<8x128xf32, #tpu.memory_space<hbm>>
        tpu.enqueue_dma source(%dma_start3A_2550 : memref<8x128xf32, #tpu.memory_space<hbm>>) target(%dma_start3A_2548 : memref<8x128xf32, #tpu.memory_space<vmem>>) target_semaphore(%arg14 : memref<!tpu.dma_semaphore, #tpu.memory_space<semaphore_mem>>)
        %dma_start3A_2551 = arith.constant 7 : i32
        %dma_start3A_2552 = arith.constant 16 : i32
        %dma_start3A_2553 = arith.constant 0 : i32
        %dma_start3A_2554 = tpu.memref_slice %arg10[%dma_start3A_2551, %dma_start3A_2552, %dma_start3A_2553] : memref<8x32x128xf32, #tpu.memory_space<vmem>> -> memref<1x8x128xf32, #tpu.memory_space<vmem>>
        %dma_start3A_2555 = tpu.memref_squeeze %dma_start3A_2554 : memref<1x8x128xf32, #tpu.memory_space<vmem>> -> memref<8x128xf32, #tpu.memory_space<vmem>>
        %dma_start3A_2556 = arith.constant 16 : i32
        %dma_start3A_2557 = tpu.memref_slice %arg5[%dma_start3A_2556, %multiple_of3A_2485] : memref<32x1000000xf32, #tpu.memory_space<hbm>> -> memref<8x128xf32, #tpu.memory_space<hbm>>
        %dma_start3A_2558 = arith.constant 16 : i32
        %dma_start3A_2559 = arith.constant 0 : i32
        %dma_start3A_2560 = tpu.memref_slice %arg10[%dma_start3A_2551, %dma_start3A_2558, %dma_start3A_2559] : memref<8x32x128xf32, #tpu.memory_space<vmem>> -> memref<1x8x128xf32, #tpu.memory_space<vmem>>
        %dma_start3A_2561 = tpu.memref_squeeze %dma_start3A_2560 : memref<1x8x128xf32, #tpu.memory_space<vmem>> -> memref<8x128xf32, #tpu.memory_space<vmem>>
        %dma_start3A_2562 = arith.constant 16 : i32
        %dma_start3A_2563 = tpu.memref_slice %arg5[%dma_start3A_2562, %multiple_of3A_2485] : memref<32x1000000xf32, #tpu.memory_space<hbm>> -> memref<8x128xf32, #tpu.memory_space<hbm>>
        tpu.enqueue_dma source(%dma_start3A_2563 : memref<8x128xf32, #tpu.memory_space<hbm>>) target(%dma_start3A_2561 : memref<8x128xf32, #tpu.memory_space<vmem>>) target_semaphore(%arg15 : memref<!tpu.dma_semaphore, #tpu.memory_space<semaphore_mem>>)
        %dma_start3A_2564 = arith.constant 7 : i32
        %dma_start3A_2565 = arith.constant 24 : i32
        %dma_start3A_2566 = arith.constant 0 : i32
        %dma_start3A_2567 = tpu.memref_slice %arg9[%dma_start3A_2564, %dma_start3A_2565, %dma_start3A_2566] : memref<8x32x128xf32, #tpu.memory_space<vmem>> -> memref<1x8x128xf32, #tpu.memory_space<vmem>>
        %dma_start3A_2568 = tpu.memref_squeeze %dma_start3A_2567 : memref<1x8x128xf32, #tpu.memory_space<vmem>> -> memref<8x128xf32, #tpu.memory_space<vmem>>
        %dma_start3A_2569 = arith.constant 24 : i32
        %dma_start3A_2570 = tpu.memref_slice %arg4[%dma_start3A_2569, %multiple_of3A_2476] : memref<32x1000000xf32, #tpu.memory_space<hbm>> -> memref<8x128xf32, #tpu.memory_space<hbm>>
        %dma_start3A_2571 = arith.constant 24 : i32
        %dma_start3A_2572 = arith.constant 0 : i32
        %dma_start3A_2573 = tpu.memref_slice %arg9[%dma_start3A_2564, %dma_start3A_2571, %dma_start3A_2572] : memref<8x32x128xf32, #tpu.memory_space<vmem>> -> memref<1x8x128xf32, #tpu.memory_space<vmem>>
        %dma_start3A_2574 = tpu.memref_squeeze %dma_start3A_2573 : memref<1x8x128xf32, #tpu.memory_space<vmem>> -> memref<8x128xf32, #tpu.memory_space<vmem>>
        %dma_start3A_2575 = arith.constant 24 : i32
        %dma_start3A_2576 = tpu.memref_slice %arg4[%dma_start3A_2575, %multiple_of3A_2476] : memref<32x1000000xf32, #tpu.memory_space<hbm>> -> memref<8x128xf32, #tpu.memory_space<hbm>>
        tpu.enqueue_dma source(%dma_start3A_2576 : memref<8x128xf32, #tpu.memory_space<hbm>>) target(%dma_start3A_2574 : memref<8x128xf32, #tpu.memory_space<vmem>>) target_semaphore(%arg14 : memref<!tpu.dma_semaphore, #tpu.memory_space<semaphore_mem>>)
        %dma_start3A_2577 = arith.constant 7 : i32
        %dma_start3A_2578 = arith.constant 24 : i32
        %dma_start3A_2579 = arith.constant 0 : i32
        %dma_start3A_2580 = tpu.memref_slice %arg10[%dma_start3A_2577, %dma_start3A_2578, %dma_start3A_2579] : memref<8x32x128xf32, #tpu.memory_space<vmem>> -> memref<1x8x128xf32, #tpu.memory_space<vmem>>
        %dma_start3A_2581 = tpu.memref_squeeze %dma_start3A_2580 : memref<1x8x128xf32, #tpu.memory_space<vmem>> -> memref<8x128xf32, #tpu.memory_space<vmem>>
        %dma_start3A_2582 = arith.constant 24 : i32
        %dma_start3A_2583 = tpu.memref_slice %arg5[%dma_start3A_2582, %multiple_of3A_2485] : memref<32x1000000xf32, #tpu.memory_space<hbm>> -> memref<8x128xf32, #tpu.memory_space<hbm>>
        %dma_start3A_2584 = arith.constant 24 : i32
        %dma_start3A_2585 = arith.constant 0 : i32
        %dma_start3A_2586 = tpu.memref_slice %arg10[%dma_start3A_2577, %dma_start3A_2584, %dma_start3A_2585] : memref<8x32x128xf32, #tpu.memory_space<vmem>> -> memref<1x8x128xf32, #tpu.memory_space<vmem>>
        %dma_start3A_2587 = tpu.memref_squeeze %dma_start3A_2586 : memref<1x8x128xf32, #tpu.memory_space<vmem>> -> memref<8x128xf32, #tpu.memory_space<vmem>>
        %dma_start3A_2588 = arith.constant 24 : i32
        %dma_start3A_2589 = tpu.memref_slice %arg5[%dma_start3A_2588, %multiple_of3A_2485] : memref<32x1000000xf32, #tpu.memory_space<hbm>> -> memref<8x128xf32, #tpu.memory_space<hbm>>
        tpu.enqueue_dma source(%dma_start3A_2589 : memref<8x128xf32, #tpu.memory_space<hbm>>) target(%dma_start3A_2587 : memref<8x128xf32, #tpu.memory_space<vmem>>) target_semaphore(%arg15 : memref<!tpu.dma_semaphore, #tpu.memory_space<semaphore_mem>>)
      } else {
      }
      %and3A_2459 = arith.constant 1 : i32
      %and3A_2460 = arith.andi %scan3A_978, %and3A_2459 : i32
      %eq3A_2461 = arith.constant 1 : i32
      %eq3A_2462 = arith.cmpi eq, %and3A_2460, %eq3A_2461 : i32
      %convert_element_type3A_2463 = arith.extui %eq3A_2462 : i1 to i32
      %cond3A_2464 = arith.constant 0 : i32
      %cond3A_2465 = arith.cmpi ne, %convert_element_type3A_2463, %cond3A_2464 : i32
      scf.if %cond3A_2465 {
        %shift_right_arithmetic3A_2466 = arith.constant 1 : i32
        %shift_right_arithmetic3A_2467 = arith.shrsi %scan3A_978, %shift_right_arithmetic3A_2466 : i32
        %mul3A_2468 = arith.constant 16 : i32
        %mul3A_2469 = arith.muli %shift_right_arithmetic3A_2467, %mul3A_2468 : i32
        %multiple_of3A_2470 = tpu.assume_multiple %mul3A_2469, 16 : i32
        %swap3A = arith.index_cast %multiple_of3A_2470 : i32 to index
        %swap3A_2471 = tpu.vector_load %arg11[%swap3A] {strides = array<i32>} : memref<512xf32, #tpu.memory_space<vmem>>, vector<16xf32>,
        tpu.vector_store %arg11[%swap3A], %select_n3A_2453 {strides = array<i32>} : memref<512xf32, #tpu.memory_space<vmem>>, vector<16xf32>,
      } else {
      }
      scf.yield %select_n3A_2453 : vector<16xf32>
    }
    %scan3A_977 = arith.constant 64 : i32
    "tpu.region"() ({
      %run_scoped3A = tpu.sem_alloc : memref<!tpu.dma_semaphore, #tpu.memory_space<semaphore_mem>>
      %dma_start3A_978 = tpu.memref_slice %arg6[%mul3A_2] : memref<16384xf32, #tpu.memory_space<hbm>> -> memref<512xf32, #tpu.memory_space<hbm>>
      %dma_start3A_979 = tpu.memref_slice %arg6[%mul3A_2] : memref<16384xf32, #tpu.memory_space<hbm>> -> memref<512xf32, #tpu.memory_space<hbm>>
      tpu.enqueue_dma source(%arg11 : memref<512xf32, #tpu.memory_space<vmem>>) target(%dma_start3A_979 : memref<512xf32, #tpu.memory_space<hbm>>) target_semaphore(%run_scoped3A : memref<!tpu.dma_semaphore, #tpu.memory_space<semaphore_mem>>)
      %dma_wait3A = tpu.memref_slice %arg6[%mul3A_2] : memref<16384xf32, #tpu.memory_space<hbm>> -> memref<512xf32, #tpu.memory_space<hbm>>
      %dma_wait3A_980 = tpu.memref_slice %arg6[%mul3A_2] : memref<16384xf32, #tpu.memory_space<hbm>> -> memref<512xf32, #tpu.memory_space<hbm>>
      tpu.wait_dma2 semaphore(%run_scoped3A : memref<!tpu.dma_semaphore, #tpu.memory_space<semaphore_mem>>) src(%arg11 : memref<512xf32, #tpu.memory_space<vmem>>) dst(%dma_wait3A_980 : memref<512xf32, #tpu.memory_space<hbm>>)
      tpu.yield
    }) : () -> ()
    return
  }
}

</mosaic_0001>

<sc_bundles>
// kernel: kernel.3.cloned.1.call-start
scs
__scs_entry_jumppad:
0x0: {  	(pc) =	sbr.rel $0x88, $3  }
0x1: {  	(tag) =	ssettag $0x0;
	lr =	simm.s32 $0x1  }
0x2: {  	[smem:$0x3F9D] =	sst lr;
	_ =	strace $0xD0000000  }
0x3: {  	_ = 	snop  }
0x4: {  	_ = 	snop  }
0x5: {  	_ = 	snop  }
0x6: {  	_ = 	snop  }
0x7: {  	_ = 	snop  }
__scs_overlays_trampoline_lowered:
0x8: {  	[smem:$0x3FAC] =	sst s0  }
0x9: {  	[smem:$0x3FAD] =	sst s1  }
0xa: {  	[smem:$0x3FAE] =	sst s2  }
0xb: {  	[smem:$0x3FAF] =	sst s3  }
0xc: {  	[smem:$0x3FB0] =	sst s4  }
0xd: {  	[smem:$0x3FB1] =	sst s5  }
0xe: {  	[smem:$0x3FB2] =	sst s6  }
0xf: {  	[smem:$0x3FB3] =	sst s7  }
0x10: {  	[smem:$0x3FB4] =	sst s8  }
0x11: {  	[smem:$0x3FB5] =	sst s9;
	s0 =	simm.s32 @!p0 $0x0  }
0x12: {  	s1 =	sld [smem:$0x3F9B];
	s0 =	simm.s32 @p0 $0x1  }
0x13: {  	[smem:$0x3FB6] =	sst s0;
	s0 =	simm.s32 @!p1 $0x0  }
0x14: {  	s2 =	sld [smem:$0x3F9A];
	s0 =	simm.s32 @p1 $0x1  }
0x15: {  	[smem:$0x3FB7] =	sst s0;
	s0 =	simm.s32 @!p2 $0x0  }
0x16: {  	s3 =	sld [smem:$0x3FDB];
	s0 =	simm.s32 @p2 $0x1  }
0x17: {  	s4 =	simm.s32 $0x1BF5;
	[smem:$0x3FB9] =	sst s0  }
0x18: {  	s0 =	sld [smem:$0x3F9C];
	_ =	swait.ge [sflag:s4], $0x0  }
0x19: {  	s7 =	sld [smem:$0x3F9D]  }
0x1a: {  	s8 =	sadd.s32 $0xFFFFE003, lr  }
0x1b: {  	s9 =	sadd.s32 $0xFFFFFEF7, lr;
	s5 =	simm.s32 $0xFFFFFFFF;
	p2 =	slt.u32 s8, $0xFFFFF086  }
0x1c: {  	p1 =	slt.u32 s9, $0xF7A;
	s5 =	simm.s32 @!p2 $0x0  }
0x1d: {  	s5 =	simm.s32 @p1 $0x1;
	p0 =	seq.s32 s7, s2  }
0x1e: {  	s7 =	smul.u32 @!p0 $0xF7A, s2;
	p2 =	seq.s32 @!p0 s5, $0x0  }
0x1f: {  	s9 =	smul.u32 $0xF7A, s1;
	s8 =	simm.s32 @!p0 $0x1BF5;
	p2 =	por !p2, p0  }
0x20: {  	[sflag:s8] =	ssyncset.s32 @!p0 $0xFFFFF086;
	s6 =	sadd.s32 @!p0 s3, s7;
	s7 =	simm.s32 @!p0 $0x108  }
0x21: {  	s3 =	sadd.s32 s3, s9;
	s6 =	sadd.s32 @!p0 $0x88, s6;
	s7 =	simm.s32 @p2 $0x1082  }
0x22: {  	[simem:s7], [sflag:s8] =	dma.local @!p0 [hbm:s6], $0xF7A  }
0x23: {  	s9 =	sor.u32 $0xD0000000, s2;
	s6 =	simm.s32 $0x108;
	_ =	swait.ge @!p0 [sflag:s8], $0x0  }
0x24: {  	s3 =	sadd.s32 $0x88, s3;
	s6 =	simm.s32 @!p1 $0x1082;
	[sflag:s4] =	ssyncset.s32 $0xFFFFF086  }
0x25: {  	[simem:s6], [sflag:s4] =	dma.local [hbm:s3], $0xF7A  }
0x26: {  	[smem:$0x3F9D] =	sst s1;
	(tag) =	ssettag s2;
	_ =	strace s9  }
0x27: {  	s1 =	sld [smem:$0x3FAD]  }
0x28: {  	s2 =	sld [smem:$0x3FAE]  }
0x29: {  	s4 =	sld [smem:$0x3FB0]  }
0x2a: {  	p0 =	seq.s32 s5, $0x0;
	s5 =	sld [smem:$0x3FB1]  }
0x2b: {  	s6 =	sld [smem:$0x3FB2]  }
0x2c: {  	s7 =	sld [smem:$0x3FB3]  }
0x2d: {  	s3 =	simm.s32 $0x108;
	s8 =	sld [smem:$0x3FB4]  }
0x2e: {  	s3 =	simm.s32 @!p0 $0x1082;
	s9 =	sld [smem:$0x3FB5]  }
0x2f: {  	lr =	sadd.s32 s0, s3;
	s0 =	sld [smem:$0x3FAC]  }
0x30: {  	s3 =	sld [smem:$0x3FAF]  }
0x31: {  	[smem:$0x3FB8] =	sst s10  }
0x32: {  	s10 =	sld [smem:$0x3FB6];
	_ =	sdelay $0x3  }
0x33: {  	p0 =	seq.s32 s10, $0x1;
	s10 =	sld [smem:$0x3FB8];
	_ =	sdelay $0x3  }
0x34: {  	[smem:$0x3FB8] =	sst s10  }
0x35: {  	s10 =	sld [smem:$0x3FB7];
	_ =	sdelay $0x3  }
0x36: {  	p1 =	seq.s32 s10, $0x1;
	s10 =	sld [smem:$0x3FB8];
	_ =	sdelay $0x3  }
0x37: {  	[smem:$0x3FB8] =	sst s10  }
0x38: {  	s10 =	sld [smem:$0x3FB9]  }
0x39: {  	_ = 	snop;
	(pc) =	sbr.ind lr, $3  }
0x3a: {  	_ = 	snop  }
0x3b: {  	_ = 	snop  }
0x3c: {  	p2 =	seq.s32 s10, $0x1;
	s10 =	sld [smem:$0x3FB8]  }
0x3d: {  	_ =	shalt  }
0x3e: {  	_ =	shalt  }
0x3f: {  	_ =	shalt  }
0x40: {  	_ =	shalt  }
0x41: {  	_ =	shalt  }
0x42: {  	_ =	shalt  }
0x43: {  	_ =	shalt  }
0x44: {  	_ =	shalt  }
0x45: {  	_ =	shalt  }
0x46: {  	_ =	shalt  }
0x47: {  	_ =	shalt  }
0x48: {  	_ =	shalt  }
0x49: {  	_ =	shalt  }
0x4a: {  	_ =	shalt  }
0x4b: {  	_ =	shalt  }
0x4c: {  	_ =	shalt  }
0x4d: {  	_ =	shalt  }
0x4e: {  	_ =	shalt  }
0x4f: {  	_ =	shalt  }
0x50: {  	_ =	shalt  }
0x51: {  	_ =	shalt  }
0x52: {  	_ =	shalt  }
0x53: {  	_ =	shalt  }
0x54: {  	_ =	shalt  }
0x55: {  	_ =	shalt  }
0x56: {  	_ =	shalt  }
0x57: {  	_ =	shalt  }
0x58: {  	_ =	shalt  }
0x59: {  	_ =	shalt  }
0x5a: {  	_ =	shalt  }
0x5b: {  	_ =	shalt  }
0x5c: {  	_ =	shalt  }
0x5d: {  	_ =	shalt  }
0x5e: {  	_ =	shalt  }
0x5f: {  	_ =	shalt  }
0x60: {  	_ =	shalt  }
0x61: {  	_ =	shalt  }
0x62: {  	_ =	shalt  }
0x63: {  	_ =	shalt  }
0x64: {  	_ =	shalt  }
0x65: {  	_ =	shalt  }
0x66: {  	_ =	shalt  }
0x67: {  	_ =	shalt  }
0x68: {  	_ =	shalt  }
0x69: {  	_ =	shalt  }
0x6a: {  	_ =	shalt  }
0x6b: {  	_ =	shalt  }
0x6c: {  	_ =	shalt  }
0x6d: {  	_ =	shalt  }
0x6e: {  	_ =	shalt  }
0x6f: {  	_ =	shalt  }
0x70: {  	_ =	shalt  }
0x71: {  	_ =	shalt  }
0x72: {  	_ =	shalt  }
0x73: {  	_ =	shalt  }
0x74: {  	_ =	shalt  }
0x75: {  	_ =	shalt  }
0x76: {  	_ =	shalt  }
0x77: {  	_ =	shalt  }
0x78: {  	_ =	shalt  }
0x79: {  	_ =	shalt  }
0x7a: {  	_ =	shalt  }
0x7b: {  	_ =	shalt  }
0x7c: {  	_ =	shalt  }
0x7d: {  	_ =	shalt  }
0x7e: {  	_ =	shalt  }
0x7f: {  	_ =	shalt  }
0x80: {  	_ =	shalt  }
0x81: {  	_ =	shalt  }
0x82: {  	_ =	shalt  }
0x83: {  	_ =	shalt  }
0x84: {  	_ =	shalt  }
0x85: {  	_ =	shalt  }
0x86: {  	_ =	shalt  }
0x87: {  	_ =	shalt  }
.Lfunc_end0:
.L_simem_size_0:
called_computation_lowered:
.L_overlay_start_0:
0x88: {  	s2 =	sld [smem:$0x3FD9]  }
0x89: {  	s3 =	sld [smem:$0x3FFE];
	_ =	sdelay $0x1  }
0x8a: {  	s1 =	srdreg.scid  }
0x8b: {  	s0 =	sand.u32 $0x1, s1  }
0x8c: {  	s18 =	sshll.u32 s0, $0xA;
	s2 =	sadd.s32 s3, s2  }
0x8d: {  	s2 =	sadd.s32 s2, s18  }
0x8e: {  	[smem:$0x3FC4] =	sst s2  }
0x8f: {  	_ = 	snop  }
0x90: {  	s2 =	sld [smem:$0x3FC9]  }
0x91: {  	s19 =	sld [smem:$0x3FC8]  }
0x92: {  	s4 =	sld [smem:$0x3FC7]  }
0x93: {  	s5 =	sld [smem:$0x3FC6]  }
0x94: {  	s6 =	sld [smem:$0x3FD0];
	(tm) =	ssettm $0x1  }
0x95: {  	s7 =	sld [smem:$0x3FFB];
	_ =	sdelay $0x3  }
0x96: {  	_ =	strace s7  }
0x97: {  	s7 =	sld [smem:$0x3FFC];
	_ =	sdelay $0x3  }
0x98: {  	_ =	strace s7  }
0x99: {  	s7 =	sld [smem:$0x3FFD];
	_ =	sdelay $0x3  }
0x9a: {  	_ =	strace s7  }
0x9b: {  	_ =	strace $0x8FFFFFFF  }
0x9c: {  	s20 =	sld [smem:$0x3FDB];
	_ =	sdelay $0x1  }
0x9d: {  	s8 =	simm.s32 $_scs_section_size  }
0x9e: {  	s9 =	simm.s32 $_size__tile_overlayer_lowered;
	s10 =	simm.s32 $_tile_overlayer_lowered  }
0x9f: {  	s23 =	simm.s32 $0x1BFF;
	s22 =	sshll.u32 s10, $0x1;
	s7 =	sadd.s32 s8, s20  }
0xa0: {  	s11 =	simm.s32 $0x0;
	s21 =	sshll.u32 s9, $0x1;
	s9 =	sadd.s32 s22, s7  }
0xa1: {  	[timem:s11], [sflag:s23] =	dma.local [hbm:s9], s21  }
0xa2: {  	_ =	swait.ge [sflag:s23], s21  }
0xa3: {  	s8 =	ssub.s32 $0x0, s21;
	[sflag:s23] =	ssyncset.done $0x0  }
0xa4: {  	[sflag:s23] =	ssyncadd.s32 s8;
	_ =	sdelay $0x1  }
0xa5: {  	s24 =	simm.s32 $0x1B8B  }
0xa6: {  	_ =	swait.ge [sflag:s24], $0x1  }
0xa7: {  	[sflag:s24] =	ssyncset.done $0x0  }
0xa8: {  	s25 =	simm.s32 $0x1B8E;
	[sflag:s24] =	ssyncadd.s32 $0xFFFFFFFF  }
0xa9: {  	s26 =	simm.s32 $execute0_lowered;
	[smem:$0x3FD2] =	sst s25  }
0xaa: {  	s8 =	sshll.u32 s26, $0x1;
	_ =	strace $0x80000046;
	[dreg:$0x1] =	wrdreg $0xFFFFFFFF  }
0xab: {  	s28 =	simm.s32 $_size_execute0_lowered;
	s7 =	sadd.s32 s7, s8;
	[dreg:$0x0] =	wrdreg $0x0  }
0xac: {  	s8 =	sshll.u32 s28, $0x1;
	[dreg:$0x2] =	wrdreg s7  }
0xad: {  	[dreg:$0x3] =	wrdreg s8  }
0xae: {  	[dreg:$0x4] =	wrdreg $0xC0  }
0xaf: {  	_ =	task [dreg:s11], $0x5FFFF  }
0xb0: {  	[dreg:$0x1] =	wrdreg $0xFFFFFFFF  }
0xb1: {  	[dreg:$0x0] =	wrdreg $0x60  }
0xb2: {  	[dreg:$0x2] =	wrdreg s2  }
0xb3: {  	[dreg:$0x3] =	wrdreg s19  }
0xb4: {  	[dreg:$0x4] =	wrdreg s4  }
0xb5: {  	[dreg:$0x5] =	wrdreg s5  }
0xb6: {  	[dreg:$0x6] =	wrdreg s6  }
0xb7: {  	[dreg:$0x7] =	wrdreg $0x9  }
0xb8: {  	_ =	task.clear_ibuf [dreg:s11], $0x8FFFF;
	_ =	strace $0x90000046  }
0xb9: {  	s29 =	simm.s32 $0x9;
	_ =	strace $0x80000048  }
0xba: {  	_ =	swait.ge [sflag:s29], $0x1  }
0xbb: {  	[sflag:s29] =	ssyncadd.s32 $0xFFFFFFFF  }
0xbc: {  	_ =	strace $0x90000048  }
0xbd: {  	_ =	sfence  }
0xbe: {  	s30 =	sld [smem:$0x0];
	_ =	sdelay $0x2  }
0xbf: {  	s31 =	sshll.u32 s1, $0xD;
	s1 =	sshrl.u32 s1, $0x2  }
0xc0: {  	s3 =	sand.u32 $0x4000, s31;
	s1 =	sadd.s32 s1, s30  }
0xc1: {  	s0 =	sor.u32 s3, s0;
	s1 =	sshll.u32 s1, $0x11  }
0xc2: {  	s0 =	sor.u32 s1, s0  }
0xc3: {  	s0 =	sadd.s32 $0x8F2B, s0  }
0xc4: {  	[sflag:s0] =	ssyncadd.remote.s32 $0x1  }
0xc5: {  	_ =	sfence.sel $0xFFFF  }
0xc6: {  	[dreg:$0x0] =	wrdreg $0xFFFFFFFF;
	(pc) =	sbr.abs _section_cstart, $3  }
0xc7: {  	[dreg:$0x1] =	wrdreg $0xFFFFFFFF  }
0xc8: {  	_ =	task.clear_ibuf [dreg:s11], $0x2FFFF;
	_ =	strace $0x9FFFFFFF  }
0xc9: {  	(tm) =	ssettm $0x7FFFFFFF  }
tec
execute0_lowered:
.L_overlay_start_1:
0x0: {  	(tag) =	ssettag $0x1  }
0x1: {  	s0 =	rddreg [dreg:$0x0]  }
0x2: {  	s3 =	rddreg [dreg:$0x1]  }
0x3: {  	s1 =	rddreg [dreg:$0x2]  }
0x4: {  	s2 =	rddreg [dreg:$0x3]  }
0x5: {  	s5 =	rddreg [dreg:$0x4]  }
0x6: {  	s6 =	srdreg.scid;
	s10 =	simm.s32 $0x0;
	s8 =	stileid.u32  }
0x7: {  	s12 =	simm.s32 $0x500;
	s19 =	simm.s32 $0x8500;
	s20 =	simm.s32 $0x1500  }
0x8: {  	s4 =	simm.s32 $0x9500;
	s28 =	simm.s32 $0x2500;
	s29 =	simm.s32 $0xA500  }
0x9: {  	s14 =	simm.s32 $0x3500;
	s15 =	simm.s32 $0xB500;
	s13 =	simm.s32 $0x5500  }
0xa: {  	s16 =	simm.s32 $0xD500;
	s30 =	simm.s32 $0x6500;
	s31 =	simm.s32 $0xE500  }
0xb: {  	s22 =	simm.s32 $0x7500;
	s23 =	simm.s32 $0xF500;
	s6 =	sand.u32 $0x1, s6  }
0xc: {  	s8 =	sshll.u32 s8, $0x7;
	s7 =	ssub.s32 $0x2, s6;
	s6 =	sshll.u32 s6, $0x6  }
0xd: {  	s21 =	simm.s32 $0x1;
	[smem:$0x7FF] =	sst s10;
	s6 =	sor.u32 s6, s8  }
0xe: {  	_ =	strace $0x80000047;
	s9 =	sshrl.u32 s7, $0x1;
	s0 =	sadd.s32 s0, s6  }
0xf: {  	s7 =	ssub.s32 s7, s9;
	s24 =	sadd.s32 s3, s6;
	[dreg:$0x6] =	wrdreg s0  }
0x10: {  	v0 =	vlaneseq.u32;
	s25 =	sadd.s32 s5, s6;
	s6 =	simm.s32 $0x5;
	[dreg:$0x7] =	wrdreg s24  }
0x11: {  	v1 =	vmul.u32 $0x80, v0;
	s3 =	simm.s32 $0x4;
	[dreg:$0x8] =	wrdreg s25;
	s26 =	smax.u32 s7, $0x1  }
0x12: {  	s24 =	simm.s32 $0x4500;
	s25 =	simm.s32 $0xC500;
	s0 =	simm.s32 $0x3  }
0x13: {  	v2 =	vor.u32 $0x800, v1;
	s7 =	simm.s32 $0x0;
	[dreg:$0x9] =	wrdreg s26;
	s26 =	simm.s32 $0x2  }
.LBB2_1:
0x14: {  	[dreg:$0xa] =	wrdreg s7  }
0x15: {  	s5 =	rddreg [dreg:$0x6]  }
0x16: {  	[tilespmem:s10], [sflag:$0x5] =	stream.linear.gather [hbm4b:s5+s10], $0x200, $0x38;
	[tilespmem:$0x10700] =	vst v63  }
0x17: {  	_ =	swait.ge [sflag:s6], $0x200  }
0x18: {  	[sflag:s6] =	ssyncset.done $0x0  }
0x19: {  	s11 =	simm.s32 $0x280;
	s9 =	rddreg [dreg:$0x7];
	[sflag:s6] =	ssyncadd.s32 $0xFFFFFE00  }
0x1a: {  	[tilespmem:s11], [sflag:$0x5] =	stream.linear.gather [hbm4b:s9+s10], $0x200, $0x38;
	[tilespmem:$0x10700] =	vst v63  }
0x1b: {  	_ =	swait.ge [sflag:s6], $0x200  }
0x1c: {  	[sflag:s6] =	ssyncset.done $0x0  }
0x1d: {  	[sflag:s6] =	ssyncadd.s32 $0xFFFFFE00  }
0x1e: {  	v3 =	vld [tilespmem:$0x0]  }
0x1f: {  	v4 =	vld [tilespmem:$0x280];
	_ =	sdelay $0x3  }
0x20: {  	(v2sf) =	vpush v3, $0x0  }
0x21: {  	(v2sf) =	vpush v4, $0x0;
	_ =	sdelay $0xd  }
0x22: {  	s17 =	spop (v2sf)  }
0x23: {  	s5 =	sand.u32 $0xFFFFF80, s17;
	s18 =	spop (v2sf)  }
0x24: {  	s5 =	sadd.s32 s1, s5;
	s6 =	sand.u32 $0xFFFFF80, s18  }
0x25: {  	[tilespmem:s12], [sflag:$0x1] =	stream.linear.gather [hbm4b:s5+s10], $0x400, $0x38;
	[tilespmem:$0x10700] =	vst v63  }
0x26: {  	s6 =	sadd.s32 s2, s6  }
0x27: {  	[tilespmem:s19], [sflag:$0x2] =	stream.linear.gather [hbm4b:s6+s10], $0x400, $0x38;
	[tilespmem:$0x10700] =	vst v63  }
0x28: {  	s8 =	simm.s32 $0x900;
	s19 =	sadd.s32 $0xF4280, s5  }
0x29: {  	[tilespmem:s8], [sflag:$0x1] =	stream.linear.gather [hbm4b:s19+s10], $0x400, $0x38;
	[tilespmem:$0x10700] =	vst v63  }
0x2a: {  	s9 =	simm.s32 $0x8900;
	s8 =	sadd.s32 $0xF4280, s6  }
0x2b: {  	[tilespmem:s9], [sflag:$0x2] =	stream.linear.gather [hbm4b:s8+s10], $0x400, $0x38;
	[tilespmem:$0x10700] =	vst v63  }
0x2c: {  	s11 =	sadd.s32 $0x1E8500, s5;
	s12 =	simm.s32 $0xD00  }
0x2d: {  	[tilespmem:s12], [sflag:$0x3] =	stream.linear.gather [hbm4b:s11+s10], $0x400, $0x38;
	[tilespmem:$0x10700] =	vst v63  }
0x2e: {  	s18 =	simm.s32 $0x8D00;
	s17 =	sadd.s32 $0x1E8500, s6  }
0x2f: {  	[tilespmem:s18], [sflag:$0x4] =	stream.linear.gather [hbm4b:s17+s10], $0x400, $0x38;
	[tilespmem:$0x10700] =	vst v63  }
0x30: {  	s5 =	sadd.s32 $0x2DC780, s5;
	s19 =	simm.s32 $0x1100  }
0x31: {  	[tilespmem:s19], [sflag:$0x3] =	stream.linear.gather [hbm4b:s5+s10], $0x400, $0x38;
	[tilespmem:$0x10700] =	vst v63  }
0x32: {  	s7 =	simm.s32 $0x9100;
	s6 =	sadd.s32 $0x2DC780, s6  }
0x33: {  	[tilespmem:s7], [sflag:$0x4] =	stream.linear.gather [hbm4b:s6+s10], $0x400, $0x38;
	[tilespmem:$0x10700] =	vst v63  }
0x34: {  	v3 =	vld [tilespmem:$0x1]  }
0x35: {  	v4 =	vld [tilespmem:$0x281];
	_ =	sdelay $0x3  }
0x36: {  	(v2sf) =	vpush v3, $0x0  }
0x37: {  	(v2sf) =	vpush v4, $0x0;
	_ =	sdelay $0xd  }
0x38: {  	s8 =	spop (v2sf)  }
0x39: {  	s5 =	sand.u32 $0xFFFFF80, s8;
	s9 =	spop (v2sf)  }
0x3a: {  	s5 =	sadd.s32 s1, s5;
	s6 =	sand.u32 $0xFFFFF80, s9  }
0x3b: {  	[tilespmem:s20], [sflag:$0x1] =	stream.linear.gather [hbm4b:s5+s10], $0x400, $0x38;
	[tilespmem:$0x10700] =	vst v63  }
0x3c: {  	s6 =	sadd.s32 s2, s6  }
0x3d: {  	[tilespmem:s4], [sflag:$0x2] =	stream.linear.gather [hbm4b:s6+s10], $0x400, $0x38;
	[tilespmem:$0x10700] =	vst v63  }
0x3e: {  	s12 =	simm.s32 $0x1900;
	s11 =	sadd.s32 $0xF4280, s5  }
0x3f: {  	[tilespmem:s12], [sflag:$0x1] =	stream.linear.gather [hbm4b:s11+s10], $0x400, $0x38;
	[tilespmem:$0x10700] =	vst v63  }
0x40: {  	s18 =	simm.s32 $0x9900;
	s17 =	sadd.s32 $0xF4280, s6  }
0x41: {  	[tilespmem:s18], [sflag:$0x2] =	stream.linear.gather [hbm4b:s17+s10], $0x400, $0x38;
	[tilespmem:$0x10700] =	vst v63  }
0x42: {  	s19 =	sadd.s32 $0x1E8500, s5;
	s20 =	simm.s32 $0x1D00  }
0x43: {  	[tilespmem:s20], [sflag:$0x3] =	stream.linear.gather [hbm4b:s19+s10], $0x400, $0x38;
	[tilespmem:$0x10700] =	vst v63  }
0x44: {  	s8 =	simm.s32 $0x9D00;
	s4 =	sadd.s32 $0x1E8500, s6  }
0x45: {  	[tilespmem:s8], [sflag:$0x4] =	stream.linear.gather [hbm4b:s4+s10], $0x400, $0x38;
	[tilespmem:$0x10700] =	vst v63  }
0x46: {  	s9 =	simm.s32 $0x2100;
	s5 =	sadd.s32 $0x2DC780, s5  }
0x47: {  	[tilespmem:s9], [sflag:$0x3] =	stream.linear.gather [hbm4b:s5+s10], $0x400, $0x38;
	[tilespmem:$0x10700] =	vst v63  }
0x48: {  	s11 =	sadd.s32 $0x2DC780, s6;
	s12 =	simm.s32 $0xA100  }
0x49: {  	[tilespmem:s12], [sflag:$0x4] =	stream.linear.gather [hbm4b:s11+s10], $0x400, $0x38;
	[tilespmem:$0x10700] =	vst v63  }
0x4a: {  	v3 =	vld [tilespmem:$0x2]  }
0x4b: {  	v4 =	vld [tilespmem:$0x282];
	_ =	sdelay $0x3  }
0x4c: {  	(v2sf) =	vpush v3, $0x0  }
0x4d: {  	(v2sf) =	vpush v4, $0x0;
	_ =	sdelay $0xd  }
0x4e: {  	s17 =	spop (v2sf)  }
0x4f: {  	s5 =	sand.u32 $0xFFFFF80, s17;
	s18 =	spop (v2sf)  }
0x50: {  	s5 =	sadd.s32 s1, s5;
	s6 =	sand.u32 $0xFFFFF80, s18  }
0x51: {  	[tilespmem:s28], [sflag:$0x1] =	stream.linear.gather [hbm4b:s5+s10], $0x400, $0x38;
	[tilespmem:$0x10700] =	vst v63  }
0x52: {  	s6 =	sadd.s32 s2, s6  }
0x53: {  	[tilespmem:s29], [sflag:$0x2] =	stream.linear.gather [hbm4b:s6+s10], $0x400, $0x38;
	[tilespmem:$0x10700] =	vst v63  }
0x54: {  	s20 =	simm.s32 $0x2900;
	s19 =	sadd.s32 $0xF4280, s5  }
0x55: {  	[tilespmem:s20], [sflag:$0x1] =	stream.linear.gather [hbm4b:s19+s10], $0x400, $0x38;
	[tilespmem:$0x10700] =	vst v63  }
0x56: {  	s8 =	simm.s32 $0xA900;
	s4 =	sadd.s32 $0xF4280, s6  }
0x57: {  	[tilespmem:s8], [sflag:$0x2] =	stream.linear.gather [hbm4b:s4+s10], $0x400, $0x38;
	[tilespmem:$0x10700] =	vst v63  }
0x58: {  	s11 =	simm.s32 $0x2D00;
	s9 =	sadd.s32 $0x1E8500, s5  }
0x59: {  	[tilespmem:s11], [sflag:$0x3] =	stream.linear.gather [hbm4b:s9+s10], $0x400, $0x38;
	[tilespmem:$0x10700] =	vst v63  }
0x5a: {  	s17 =	simm.s32 $0xAD00;
	s12 =	sadd.s32 $0x1E8500, s6  }
0x5b: {  	[tilespmem:s17], [sflag:$0x4] =	stream.linear.gather [hbm4b:s12+s10], $0x400, $0x38;
	[tilespmem:$0x10700] =	vst v63  }
0x5c: {  	s18 =	simm.s32 $0x3100;
	s5 =	sadd.s32 $0x2DC780, s5  }
0x5d: {  	[tilespmem:s18], [sflag:$0x3] =	stream.linear.gather [hbm4b:s5+s10], $0x400, $0x38;
	[tilespmem:$0x10700] =	vst v63  }
0x5e: {  	s19 =	sadd.s32 $0x2DC780, s6;
	s20 =	simm.s32 $0xB100  }
0x5f: {  	[tilespmem:s20], [sflag:$0x4] =	stream.linear.gather [hbm4b:s19+s10], $0x400, $0x38;
	[tilespmem:$0x10700] =	vst v63  }
0x60: {  	v3 =	vld [tilespmem:$0x3]  }
0x61: {  	v4 =	vld [tilespmem:$0x283];
	_ =	sdelay $0x3  }
0x62: {  	(v2sf) =	vpush v3, $0x0  }
0x63: {  	(v2sf) =	vpush v4, $0x0;
	_ =	sdelay $0xd  }
0x64: {  	s6 =	spop (v2sf)  }
0x65: {  	s5 =	sand.u32 $0xFFFFF80, s6;
	s7 =	spop (v2sf)  }
0x66: {  	s5 =	sadd.s32 s1, s5;
	s6 =	sand.u32 $0xFFFFF80, s7  }
0x67: {  	[tilespmem:s14], [sflag:$0x1] =	stream.linear.gather [hbm4b:s5+s10], $0x400, $0x38;
	[tilespmem:$0x10700] =	vst v63  }
0x68: {  	s6 =	sadd.s32 s2, s6  }
0x69: {  	[tilespmem:s15], [sflag:$0x2] =	stream.linear.gather [hbm4b:s6+s10], $0x400, $0x38;
	[tilespmem:$0x10700] =	vst v63  }
0x6a: {  	s9 =	simm.s32 $0x3900;
	s8 =	sadd.s32 $0xF4280, s5  }
0x6b: {  	[tilespmem:s9], [sflag:$0x1] =	stream.linear.gather [hbm4b:s8+s10], $0x400, $0x38;
	[tilespmem:$0x10700] =	vst v63  }
0x6c: {  	s12 =	simm.s32 $0xB900;
	s11 =	sadd.s32 $0xF4280, s6  }
0x6d: {  	[tilespmem:s12], [sflag:$0x2] =	stream.linear.gather [hbm4b:s11+s10], $0x400, $0x38;
	[tilespmem:$0x10700] =	vst v63  }
0x6e: {  	s18 =	simm.s32 $0x3D00;
	s17 =	sadd.s32 $0x1E8500, s5  }
0x6f: {  	[tilespmem:s18], [sflag:$0x3] =	stream.linear.gather [hbm4b:s17+s10], $0x400, $0x38;
	[tilespmem:$0x10700] =	vst v63  }
0x70: {  	s20 =	simm.s32 $0xBD00;
	s19 =	sadd.s32 $0x1E8500, s6  }
0x71: {  	[tilespmem:s20], [sflag:$0x4] =	stream.linear.gather [hbm4b:s19+s10], $0x400, $0x38;
	[tilespmem:$0x10700] =	vst v63  }
0x72: {  	s7 =	simm.s32 $0x4100;
	s5 =	sadd.s32 $0x2DC780, s5  }
0x73: {  	[tilespmem:s7], [sflag:$0x3] =	stream.linear.gather [hbm4b:s5+s10], $0x400, $0x38;
	[tilespmem:$0x10700] =	vst v63  }
0x74: {  	s8 =	sadd.s32 $0x2DC780, s6;
	s9 =	simm.s32 $0xC100  }
0x75: {  	[tilespmem:s9], [sflag:$0x4] =	stream.linear.gather [hbm4b:s8+s10], $0x400, $0x38;
	[tilespmem:$0x10700] =	vst v63  }
0x76: {  	v3 =	vld [tilespmem:$0x4]  }
0x77: {  	v4 =	vld [tilespmem:$0x284];
	_ =	sdelay $0x3  }
0x78: {  	(v2sf) =	vpush v3, $0x0  }
0x79: {  	(v2sf) =	vpush v4, $0x0;
	_ =	sdelay $0xd  }
0x7a: {  	s11 =	spop (v2sf)  }
0x7b: {  	s5 =	sand.u32 $0xFFFFF80, s11;
	s12 =	spop (v2sf)  }
0x7c: {  	s5 =	sadd.s32 s1, s5;
	s6 =	sand.u32 $0xFFFFF80, s12  }
0x7d: {  	[tilespmem:s24], [sflag:$0x1] =	stream.linear.gather [hbm4b:s5+s10], $0x400, $0x38;
	[tilespmem:$0x10700] =	vst v63  }
0x7e: {  	s6 =	sadd.s32 s2, s6  }
0x7f: {  	[tilespmem:s25], [sflag:$0x2] =	stream.linear.gather [hbm4b:s6+s10], $0x400, $0x38;
	[tilespmem:$0x10700] =	vst v63  }
0x80: {  	s18 =	simm.s32 $0x4900;
	s17 =	sadd.s32 $0xF4280, s5  }
0x81: {  	[tilespmem:s18], [sflag:$0x1] =	stream.linear.gather [hbm4b:s17+s10], $0x400, $0x38;
	[tilespmem:$0x10700] =	vst v63  }
0x82: {  	s20 =	simm.s32 $0xC900;
	s19 =	sadd.s32 $0xF4280, s6  }
0x83: {  	[tilespmem:s20], [sflag:$0x2] =	stream.linear.gather [hbm4b:s19+s10], $0x400, $0x38;
	[tilespmem:$0x10700] =	vst v63  }
0x84: {  	s8 =	simm.s32 $0x4D00;
	s4 =	sadd.s32 $0x1E8500, s5  }
0x85: {  	[tilespmem:s8], [sflag:$0x3] =	stream.linear.gather [hbm4b:s4+s10], $0x400, $0x38;
	[tilespmem:$0x10700] =	vst v63  }
0x86: {  	s11 =	simm.s32 $0xCD00;
	s9 =	sadd.s32 $0x1E8500, s6  }
0x87: {  	[tilespmem:s11], [sflag:$0x4] =	stream.linear.gather [hbm4b:s9+s10], $0x400, $0x38;
	[tilespmem:$0x10700] =	vst v63  }
0x88: {  	s12 =	simm.s32 $0x5100;
	s5 =	sadd.s32 $0x2DC780, s5  }
0x89: {  	[tilespmem:s12], [sflag:$0x3] =	stream.linear.gather [hbm4b:s5+s10], $0x400, $0x38;
	[tilespmem:$0x10700] =	vst v63  }
0x8a: {  	s17 =	sadd.s32 $0x2DC780, s6;
	s18 =	simm.s32 $0xD100  }
0x8b: {  	[tilespmem:s18], [sflag:$0x4] =	stream.linear.gather [hbm4b:s17+s10], $0x400, $0x38;
	[tilespmem:$0x10700] =	vst v63  }
0x8c: {  	v3 =	vld [tilespmem:$0x5]  }
0x8d: {  	v4 =	vld [tilespmem:$0x285];
	_ =	sdelay $0x3  }
0x8e: {  	(v2sf) =	vpush v3, $0x0  }
0x8f: {  	(v2sf) =	vpush v4, $0x0;
	_ =	sdelay $0xd  }
0x90: {  	s19 =	spop (v2sf)  }
0x91: {  	s5 =	sand.u32 $0xFFFFF80, s19;
	s20 =	spop (v2sf)  }
0x92: {  	s5 =	sadd.s32 s1, s5;
	s6 =	sand.u32 $0xFFFFF80, s20  }
0x93: {  	[tilespmem:s13], [sflag:$0x1] =	stream.linear.gather [hbm4b:s5+s10], $0x400, $0x38;
	[tilespmem:$0x10700] =	vst v63  }
0x94: {  	s6 =	sadd.s32 s2, s6  }
0x95: {  	[tilespmem:s16], [sflag:$0x2] =	stream.linear.gather [hbm4b:s6+s10], $0x400, $0x38;
	[tilespmem:$0x10700] =	vst v63  }
0x96: {  	s8 =	simm.s32 $0x5900;
	s4 =	sadd.s32 $0xF4280, s5  }
0x97: {  	[tilespmem:s8], [sflag:$0x1] =	stream.linear.gather [hbm4b:s4+s10], $0x400, $0x38;
	[tilespmem:$0x10700] =	vst v63  }
0x98: {  	s11 =	simm.s32 $0xD900;
	s9 =	sadd.s32 $0xF4280, s6  }
0x99: {  	[tilespmem:s11], [sflag:$0x2] =	stream.linear.gather [hbm4b:s9+s10], $0x400, $0x38;
	[tilespmem:$0x10700] =	vst v63  }
0x9a: {  	s17 =	simm.s32 $0x5D00;
	s12 =	sadd.s32 $0x1E8500, s5  }
0x9b: {  	[tilespmem:s17], [sflag:$0x3] =	stream.linear.gather [hbm4b:s12+s10], $0x400, $0x38;
	[tilespmem:$0x10700] =	vst v63  }
0x9c: {  	s19 =	simm.s32 $0xDD00;
	s18 =	sadd.s32 $0x1E8500, s6  }
0x9d: {  	[tilespmem:s19], [sflag:$0x4] =	stream.linear.gather [hbm4b:s18+s10], $0x400, $0x38;
	[tilespmem:$0x10700] =	vst v63  }
0x9e: {  	s20 =	simm.s32 $0x6100;
	s5 =	sadd.s32 $0x2DC780, s5  }
0x9f: {  	[tilespmem:s20], [sflag:$0x3] =	stream.linear.gather [hbm4b:s5+s10], $0x400, $0x38;
	[tilespmem:$0x10700] =	vst v63  }
0xa0: {  	s7 =	simm.s32 $0xE100;
	s6 =	sadd.s32 $0x2DC780, s6  }
0xa1: {  	[tilespmem:s7], [sflag:$0x4] =	stream.linear.gather [hbm4b:s6+s10], $0x400, $0x38;
	[tilespmem:$0x10700] =	vst v63  }
0xa2: {  	v3 =	vld [tilespmem:$0x6]  }
0xa3: {  	v4 =	vld [tilespmem:$0x286];
	_ =	sdelay $0x3  }
0xa4: {  	(v2sf) =	vpush v3, $0x0  }
0xa5: {  	(v2sf) =	vpush v4, $0x0;
	_ =	sdelay $0xd  }
0xa6: {  	s8 =	spop (v2sf)  }
0xa7: {  	s5 =	sand.u32 $0xFFFFF80, s8;
	s9 =	spop (v2sf)  }
0xa8: {  	s5 =	sadd.s32 s1, s5;
	s6 =	sand.u32 $0xFFFFF80, s9  }
0xa9: {  	[tilespmem:s30], [sflag:$0x1] =	stream.linear.gather [hbm4b:s5+s10], $0x400, $0x38;
	[tilespmem:$0x10700] =	vst v63  }
0xaa: {  	s6 =	sadd.s32 s2, s6  }
0xab: {  	[tilespmem:s31], [sflag:$0x2] =	stream.linear.gather [hbm4b:s6+s10], $0x400, $0x38;
	[tilespmem:$0x10700] =	vst v63  }
0xac: {  	s12 =	simm.s32 $0x6900;
	s11 =	sadd.s32 $0xF4280, s5  }
0xad: {  	[tilespmem:s12], [sflag:$0x1] =	stream.linear.gather [hbm4b:s11+s10], $0x400, $0x38;
	[tilespmem:$0x10700] =	vst v63  }
0xae: {  	s18 =	simm.s32 $0xE900;
	s17 =	sadd.s32 $0xF4280, s6  }
0xaf: {  	[tilespmem:s18], [sflag:$0x2] =	stream.linear.gather [hbm4b:s17+s10], $0x400, $0x38;
	[tilespmem:$0x10700] =	vst v63  }
0xb0: {  	s20 =	simm.s32 $0x6D00;
	s19 =	sadd.s32 $0x1E8500, s5  }
0xb1: {  	[tilespmem:s20], [sflag:$0x3] =	stream.linear.gather [hbm4b:s19+s10], $0x400, $0x38;
	[tilespmem:$0x10700] =	vst v63  }
0xb2: {  	s8 =	simm.s32 $0xED00;
	s4 =	sadd.s32 $0x1E8500, s6  }
0xb3: {  	[tilespmem:s8], [sflag:$0x4] =	stream.linear.gather [hbm4b:s4+s10], $0x400, $0x38;
	[tilespmem:$0x10700] =	vst v63  }
0xb4: {  	s9 =	simm.s32 $0x7100;
	s5 =	sadd.s32 $0x2DC780, s5  }
0xb5: {  	[tilespmem:s9], [sflag:$0x3] =	stream.linear.gather [hbm4b:s5+s10], $0x400, $0x38;
	[tilespmem:$0x10700] =	vst v63  }
0xb6: {  	s11 =	sadd.s32 $0x2DC780, s6;
	s12 =	simm.s32 $0xF100  }
0xb7: {  	[tilespmem:s12], [sflag:$0x4] =	stream.linear.gather [hbm4b:s11+s10], $0x400, $0x38;
	[tilespmem:$0x10700] =	vst v63  }
0xb8: {  	v3 =	vld [tilespmem:$0x7]  }
0xb9: {  	v4 =	vld [tilespmem:$0x287];
	_ =	sdelay $0x3  }
0xba: {  	(v2sf) =	vpush v3, $0x0  }
0xbb: {  	(v2sf) =	vpush v4, $0x0;
	_ =	sdelay $0xd  }
0xbc: {  	s17 =	spop (v2sf)  }
0xbd: {  	s5 =	sand.u32 $0xFFFFF80, s17;
	s18 =	spop (v2sf)  }
0xbe: {  	s5 =	sadd.s32 s1, s5;
	s6 =	sand.u32 $0xFFFFF80, s18  }
0xbf: {  	[tilespmem:s22], [sflag:$0x1] =	stream.linear.gather [hbm4b:s5+s10], $0x400, $0x38;
	[tilespmem:$0x10700] =	vst v63  }
0xc0: {  	s6 =	sadd.s32 s2, s6  }
0xc1: {  	[tilespmem:s23], [sflag:$0x2] =	stream.linear.gather [hbm4b:s6+s10], $0x400, $0x38;
	[tilespmem:$0x10700] =	vst v63  }
0xc2: {  	s20 =	simm.s32 $0x7900;
	s19 =	sadd.s32 $0xF4280, s5  }
0xc3: {  	[tilespmem:s20], [sflag:$0x1] =	stream.linear.gather [hbm4b:s19+s10], $0x400, $0x38;
	[tilespmem:$0x10700] =	vst v63  }
0xc4: {  	s8 =	simm.s32 $0xF900;
	s4 =	sadd.s32 $0xF4280, s6  }
0xc5: {  	[tilespmem:s8], [sflag:$0x2] =	stream.linear.gather [hbm4b:s4+s10], $0x400, $0x38;
	[tilespmem:$0x10700] =	vst v63  }
0xc6: {  	s11 =	simm.s32 $0x7D00;
	s9 =	sadd.s32 $0x1E8500, s5  }
0xc7: {  	[tilespmem:s11], [sflag:$0x3] =	stream.linear.gather [hbm4b:s9+s10], $0x400, $0x38;
	[tilespmem:$0x10700] =	vst v63  }
0xc8: {  	s17 =	simm.s32 $0xFD00;
	s12 =	sadd.s32 $0x1E8500, s6  }
0xc9: {  	[tilespmem:s17], [sflag:$0x4] =	stream.linear.gather [hbm4b:s12+s10], $0x400, $0x38;
	[tilespmem:$0x10700] =	vst v63  }
0xca: {  	s18 =	simm.s32 $0x8100;
	s5 =	sadd.s32 $0x2DC780, s5  }
0xcb: {  	[tilespmem:s18], [sflag:$0x3] =	stream.linear.gather [hbm4b:s5+s10], $0x400, $0x38;
	[tilespmem:$0x10700] =	vst v63  }
0xcc: {  	s19 =	sadd.s32 $0x2DC780, s6;
	s20 =	simm.s32 $0x10100;
	s6 =	simm.s32 $0x0  }
0xcd: {  	[tilespmem:s20], [sflag:$0x4] =	stream.linear.gather [hbm4b:s19+s10], $0x400, $0x38;
	[tilespmem:$0x10700] =	vst v63  }
0xce: {  	v3 =	vimm.f32 $0.0e+00;
	s18 =	simm.s32 $0x288;
	s5 =	simm.s32 $0x0;
	s10 =	simm.s32 $0x8  }
.LBB2_2:
0xcf: {  	_ =	swait.ge [sflag:s21], $0x400  }
0xd0: {  	[sflag:s21] =	ssyncset.done $0x0  }
0xd1: {  	[sflag:s21] =	ssyncadd.s32 $0xFFFFFC00  }
0xd2: {  	_ =	swait.ge [sflag:s26], $0x400  }
0xd3: {  	[sflag:s26] =	ssyncset.done $0x0  }
0xd4: {  	[sflag:s26] =	ssyncadd.s32 $0xFFFFFC00  }
0xd5: {  	_ =	swait.ge [sflag:s21], $0x400  }
0xd6: {  	[sflag:s21] =	ssyncset.done $0x0  }
0xd7: {  	[sflag:s21] =	ssyncadd.s32 $0xFFFFFC00  }
0xd8: {  	_ =	swait.ge [sflag:s26], $0x400  }
0xd9: {  	[sflag:s26] =	ssyncset.done $0x0  }
0xda: {  	[sflag:s26] =	ssyncadd.s32 $0xFFFFFC00  }
0xdb: {  	_ =	swait.ge [sflag:s0], $0x400  }
0xdc: {  	[sflag:s0] =	ssyncset.done $0x0  }
0xdd: {  	[sflag:s0] =	ssyncadd.s32 $0xFFFFFC00  }
0xde: {  	_ =	swait.ge [sflag:s3], $0x400  }
0xdf: {  	[sflag:s3] =	ssyncset.done $0x0  }
0xe0: {  	[sflag:s3] =	ssyncadd.s32 $0xFFFFFC00  }
0xe1: {  	_ =	swait.ge [sflag:s0], $0x400  }
0xe2: {  	[sflag:s0] =	ssyncset.done $0x0  }
0xe3: {  	[sflag:s0] =	ssyncadd.s32 $0xFFFFFC00  }
0xe4: {  	_ =	swait.ge [sflag:s3], $0x400  }
0xe5: {  	[sflag:s3] =	ssyncset.done $0x0  }
0xe6: {  	[sflag:s3] =	ssyncadd.s32 $0xFFFFFC00  }
0xe7: {  	v4 =	vld [tilespmem:s10+$0xFFFFFFF8];
	_ =	sdelay $0x1  }
0xe8: {  	v5 =	vld [tilespmem:s18+$0xFFFFFFF8];
	_ =	sdelay $0x2  }
0xe9: {  	(v2sf) =	vpush v4, $0x0;
	_ =	sdelay $0x1  }
0xea: {  	(v2sf) =	vpush v5, $0x0;
	_ =	sdelay $0x2  }
0xeb: {  	p0 =	seq.s32 s5, $0x1F8  }
0xec: {  	v4 =	vld @!p0 [tilespmem:s10+$0x0]  }
0xed: {  	v5 =	vld @!p0 [tilespmem:s18+$0x0];
	_ =	sdelay $0x3  }
0xee: {  	(v2sf) =	vpush @!p0 v4, $0x0  }
0xef: {  	(v2sf) =	vpush @!p0 v5, $0x0;
	_ =	sdelay $0x2  }
0xf0: {  	s7 =	spop (v2sf)  }
0xf1: {  	s7 =	sand.u32 $0x7F, s7  }
0xf2: {  	s8 =	spop (v2sf);
	v4 =	vor.u32 s7, v1  }
0xf3: {  	s8 =	sand.u32 $0x7F, s8;
	v5 =	vor.u32 s7, v2  }
0xf4: {  	v6 =	vor.u32 s8, v1  }
0xf5: {  	v7 =	vor.u32 s8, v2  }
0xf6: {  	s9 =	simm.s32 $0x500  }
0xf7: {  	v4 =	vld.idx.msk [tilespmem:v4+s9+$0x0], $0xffff  }
0xf8: {  	s11 =	simm.s32 $0x8500;
	v5 =	vld.idx.msk [tilespmem:v5+s9+$0x0], $0xffff  }
0xf9: {  	v6 =	vld.idx.msk [tilespmem:v6+s11+$0x0], $0xffff  }
0xfa: {  	v7 =	vld.idx.msk [tilespmem:v7+s11+$0x0], $0xffff  }
0xfb: {  	s7 =	spop @!p0 (v2sf)  }
0xfc: {  	s17 =	simm.s32 @!p0 $0x500;
	s8 =	spop @!p0 (v2sf);
	s7 =	sand.u32 @!p0 $0xFFFFF80, s7  }
0xfd: {  	s9 =	sadd.s32 @!p0 s1, s7;
	s7 =	simm.s32 @!p0 $0x0;
	s8 =	sand.u32 @!p0 $0xFFFFF80, s8  }
0xfe: {  	[tilespmem:s17], [sflag:$0x1] =	stream.linear.gather @!p0 [hbm4b:s9+s7], $0x400, $0x38;
	[tilespmem:$0x10700] =	vst v63  }
0xff: {  	s8 =	sadd.s32 @!p0 s2, s8;
	s17 =	simm.s32 @!p0 $0x8500;
	v4 =	vmul.f32 v6, v4;
	v5 =	vmul.f32 v7, v5  }
0x100: {  	[tilespmem:s17], [sflag:$0x2] =	stream.linear.gather @!p0 [hbm4b:s8+s7], $0x400, $0x38;
	[tilespmem:$0x10700] =	vst v63  }
0x101: {  	s11 =	simm.s32 @!p0 $0x900;
	s17 =	sadd.s32 @!p0 $0xF4280, s9;
	v4 =	vadd.f32 v5, v4  }
0x102: {  	[tilespmem:s11], [sflag:$0x1] =	stream.linear.gather @!p0 [hbm4b:s17+s7], $0x400, $0x38;
	[tilespmem:$0x10700] =	vst v63  }
0x103: {  	(xrf2) =	vadd.scan.msk.f32 $0xffff, v4  }
0x104: {  	s11 =	sadd.s32 @!p0 $0xF4280, s8;
	s17 =	simm.s32 @!p0 $0x8900  }
0x105: {  	[tilespmem:s17], [sflag:$0x2] =	stream.linear.gather @!p0 [hbm4b:s11+s7], $0x400, $0x38;
	[tilespmem:$0x10700] =	vst v63  }
0x106: {  	s11 =	sadd.s32 @!p0 $0x1E8500, s9;
	s17 =	simm.s32 @!p0 $0xD00  }
0x107: {  	[tilespmem:s17], [sflag:$0x3] =	stream.linear.gather @!p0 [hbm4b:s11+s7], $0x400, $0x38;
	[tilespmem:$0x10700] =	vst v63  }
0x108: {  	s11 =	sadd.s32 @!p0 $0x1E8500, s8;
	s17 =	simm.s32 @!p0 $0x8D00  }
0x109: {  	[tilespmem:s17], [sflag:$0x4] =	stream.linear.gather @!p0 [hbm4b:s11+s7], $0x400, $0x38;
	[tilespmem:$0x10700] =	vst v63  }
0x10a: {  	s9 =	sadd.s32 @!p0 $0x2DC780, s9;
	s11 =	simm.s32 @!p0 $0x1100  }
0x10b: {  	[tilespmem:s11], [sflag:$0x3] =	stream.linear.gather @!p0 [hbm4b:s9+s7], $0x400, $0x38;
	[tilespmem:$0x10700] =	vst v63  }
0x10c: {  	s8 =	sadd.s32 @!p0 $0x2DC780, s8;
	s9 =	simm.s32 @!p0 $0x9100  }
0x10d: {  	[tilespmem:s9], [sflag:$0x4] =	stream.linear.gather @!p0 [hbm4b:s8+s7], $0x400, $0x38;
	v4, _, _ =	vpop (xrf2);
	[tilespmem:$0x10700] =	vst v63  }
0x10e: {  	_ =	swait.ge [sflag:s21], $0x400  }
0x10f: {  	[sflag:s21] =	ssyncset.done $0x0  }
0x110: {  	[sflag:s21] =	ssyncadd.s32 $0xFFFFFC00  }
0x111: {  	_ =	swait.ge [sflag:s26], $0x400  }
0x112: {  	[sflag:s26] =	ssyncset.done $0x0  }
0x113: {  	[sflag:s26] =	ssyncadd.s32 $0xFFFFFC00  }
0x114: {  	_ =	swait.ge [sflag:s21], $0x400  }
0x115: {  	[sflag:s21] =	ssyncset.done $0x0  }
0x116: {  	[sflag:s21] =	ssyncadd.s32 $0xFFFFFC00  }
0x117: {  	_ =	swait.ge [sflag:s26], $0x400  }
0x118: {  	[sflag:s26] =	ssyncset.done $0x0  }
0x119: {  	[sflag:s26] =	ssyncadd.s32 $0xFFFFFC00  }
0x11a: {  	_ =	swait.ge [sflag:s0], $0x400  }
0x11b: {  	[sflag:s0] =	ssyncset.done $0x0  }
0x11c: {  	[sflag:s0] =	ssyncadd.s32 $0xFFFFFC00  }
0x11d: {  	_ =	swait.ge [sflag:s3], $0x400  }
0x11e: {  	[sflag:s3] =	ssyncset.done $0x0  }
0x11f: {  	[sflag:s3] =	ssyncadd.s32 $0xFFFFFC00  }
0x120: {  	_ =	swait.ge [sflag:s0], $0x400  }
0x121: {  	[sflag:s0] =	ssyncset.done $0x0  }
0x122: {  	[sflag:s0] =	ssyncadd.s32 $0xFFFFFC00  }
0x123: {  	_ =	swait.ge [sflag:s3], $0x400  }
0x124: {  	[sflag:s3] =	ssyncset.done $0x0  }
0x125: {  	[sflag:s3] =	ssyncadd.s32 $0xFFFFFC00  }
0x126: {  	v5 =	vld [tilespmem:s10+$0xFFFFFFF9];
	_ =	sdelay $0x1  }
0x127: {  	v25 =	vld [tilespmem:s18+$0xFFFFFFF9];
	_ =	sdelay $0x2  }
0x128: {  	(v2sf) =	vpush v5, $0x0;
	_ =	sdelay $0x1  }
0x129: {  	(v2sf) =	vpush v25, $0x0;
	_ =	sdelay $0x2  }
0x12a: {  	v5 =	vld @!p0 [tilespmem:s10+$0x1];
	_ =	sdelay $0x1  }
0x12b: {  	v6 =	vld @!p0 [tilespmem:s18+$0x1];
	_ =	sdelay $0x2  }
0x12c: {  	(v2sf) =	vpush @!p0 v5, $0x0;
	_ =	sdelay $0x1  }
0x12d: {  	(v2sf) =	vpush @!p0 v6, $0x0;
	_ =	sdelay $0x2  }
0x12e: {  	s17 =	spop (v2sf)  }
0x12f: {  	s8 =	sand.u32 $0x7F, s17  }
0x130: {  	s20 =	spop (v2sf);
	v5 =	vor.u32 s8, v1  }
0x131: {  	s9 =	sand.u32 $0x7F, s20;
	v26 =	vor.u32 s8, v2  }
0x132: {  	v27 =	vor.u32 s9, v1  }
0x133: {  	v8 =	vor.u32 s9, v2  }
0x134: {  	s4 =	simm.s32 $0x1500  }
0x135: {  	v5 =	vld.idx.msk [tilespmem:v5+s4+$0x0], $0xffff  }
0x136: {  	s9 =	simm.s32 $0x9500;
	v6 =	vld.idx.msk [tilespmem:v26+s4+$0x0], $0xffff  }
0x137: {  	v7 =	vld.idx.msk [tilespmem:v27+s9+$0x0], $0xffff  }
0x138: {  	s8 =	spop @!p0 (v2sf);
	v8 =	vld.idx.msk [tilespmem:v8+s9+$0x0], $0xffff  }
0x139: {  	s8 =	sand.u32 @!p0 $0xFFFFF80, s8  }
0x13a: {  	s11 =	simm.s32 @!p0 $0x1500;
	s8 =	sadd.s32 @!p0 s1, s8;
	s9 =	spop @!p0 (v2sf)  }
0x13b: {  	[tilespmem:s11], [sflag:$0x1] =	stream.linear.gather @!p0 [hbm4b:s8+s7], $0x400, $0x38;
	[tilespmem:$0x10700] =	vst v63  }
0x13c: {  	s9 =	sand.u32 @!p0 $0xFFFFF80, s9  }
0x13d: {  	s11 =	simm.s32 @!p0 $0x9500;
	s9 =	sadd.s32 @!p0 s2, s9;
	v5 =	vmul.f32 v7, v5;
	v6 =	vmul.f32 v8, v6  }
0x13e: {  	[tilespmem:s11], [sflag:$0x2] =	stream.linear.gather @!p0 [hbm4b:s9+s7], $0x400, $0x38;
	[tilespmem:$0x10700] =	vst v63  }
0x13f: {  	s17 =	simm.s32 @!p0 $0x1900;
	s11 =	sadd.s32 @!p0 $0xF4280, s8;
	v5 =	vadd.f32 v6, v5  }
0x140: {  	[tilespmem:s17], [sflag:$0x1] =	stream.linear.gather @!p0 [hbm4b:s11+s7], $0x400, $0x38;
	[tilespmem:$0x10700] =	vst v63  }
0x141: {  	(xrf2) =	vadd.scan.msk.f32 $0xffff, v5  }
0x142: {  	s11 =	sadd.s32 @!p0 $0xF4280, s9;
	s17 =	simm.s32 @!p0 $0x9900  }
0x143: {  	[tilespmem:s17], [sflag:$0x2] =	stream.linear.gather @!p0 [hbm4b:s11+s7], $0x400, $0x38;
	[tilespmem:$0x10700] =	vst v63  }
0x144: {  	s11 =	sadd.s32 @!p0 $0x1E8500, s8;
	s17 =	simm.s32 @!p0 $0x1D00  }
0x145: {  	[tilespmem:s17], [sflag:$0x3] =	stream.linear.gather @!p0 [hbm4b:s11+s7], $0x400, $0x38;
	[tilespmem:$0x10700] =	vst v63  }
0x146: {  	s11 =	sadd.s32 @!p0 $0x1E8500, s9;
	s17 =	simm.s32 @!p0 $0x9D00  }
0x147: {  	[tilespmem:s17], [sflag:$0x4] =	stream.linear.gather @!p0 [hbm4b:s11+s7], $0x400, $0x38;
	[tilespmem:$0x10700] =	vst v63  }
0x148: {  	s8 =	sadd.s32 @!p0 $0x2DC780, s8;
	s11 =	simm.s32 @!p0 $0x2100  }
0x149: {  	[tilespmem:s11], [sflag:$0x3] =	stream.linear.gather @!p0 [hbm4b:s8+s7], $0x400, $0x38;
	[tilespmem:$0x10700] =	vst v63  }
0x14a: {  	s8 =	sadd.s32 @!p0 $0x2DC780, s9;
	s9 =	simm.s32 @!p0 $0xA100  }
0x14b: {  	[tilespmem:s9], [sflag:$0x4] =	stream.linear.gather @!p0 [hbm4b:s8+s7], $0x400, $0x38;
	v5, _, _ =	vpop (xrf2);
	[tilespmem:$0x10700] =	vst v63  }
0x14c: {  	_ =	swait.ge [sflag:s21], $0x400  }
0x14d: {  	[sflag:s21] =	ssyncset.done $0x0  }
0x14e: {  	[sflag:s21] =	ssyncadd.s32 $0xFFFFFC00  }
0x14f: {  	_ =	swait.ge [sflag:s26], $0x400  }
0x150: {  	[sflag:s26] =	ssyncset.done $0x0  }
0x151: {  	[sflag:s26] =	ssyncadd.s32 $0xFFFFFC00  }
0x152: {  	_ =	swait.ge [sflag:s21], $0x400  }
0x153: {  	[sflag:s21] =	ssyncset.done $0x0  }
0x154: {  	[sflag:s21] =	ssyncadd.s32 $0xFFFFFC00  }
0x155: {  	_ =	swait.ge [sflag:s26], $0x400  }
0x156: {  	[sflag:s26] =	ssyncset.done $0x0  }
0x157: {  	[sflag:s26] =	ssyncadd.s32 $0xFFFFFC00  }
0x158: {  	_ =	swait.ge [sflag:s0], $0x400  }
0x159: {  	[sflag:s0] =	ssyncset.done $0x0  }
0x15a: {  	[sflag:s0] =	ssyncadd.s32 $0xFFFFFC00  }
0x15b: {  	_ =	swait.ge [sflag:s3], $0x400  }
0x15c: {  	[sflag:s3] =	ssyncset.done $0x0  }
0x15d: {  	[sflag:s3] =	ssyncadd.s32 $0xFFFFFC00  }
0x15e: {  	_ =	swait.ge [sflag:s0], $0x400  }
0x15f: {  	[sflag:s0] =	ssyncset.done $0x0  }
0x160: {  	[sflag:s0] =	ssyncadd.s32 $0xFFFFFC00  }
0x161: {  	_ =	swait.ge [sflag:s3], $0x400  }
0x162: {  	[sflag:s3] =	ssyncset.done $0x0  }
0x163: {  	[sflag:s3] =	ssyncadd.s32 $0xFFFFFC00  }
0x164: {  	v28 =	vld [tilespmem:s10+$0xFFFFFFFA];
	_ =	sdelay $0x1  }
0x165: {  	v29 =	vld [tilespmem:s18+$0xFFFFFFFA];
	_ =	sdelay $0x2  }
0x166: {  	(v2sf) =	vpush v28, $0x0;
	_ =	sdelay $0x1  }
0x167: {  	(v2sf) =	vpush v29, $0x0;
	_ =	sdelay $0x3  }
0x168: {  	v6 =	vld @!p0 [tilespmem:s10+$0x2]  }
0x169: {  	v7 =	vld @!p0 [tilespmem:s18+$0x2];
	_ =	sdelay $0x3  }
0x16a: {  	(v2sf) =	vpush @!p0 v6, $0x0  }
0x16b: {  	(v2sf) =	vpush @!p0 v7, $0x0;
	_ =	sdelay $0x2  }
0x16c: {  	s11 =	spop (v2sf)  }
0x16d: {  	s8 =	sand.u32 $0x7F, s11  }
0x16e: {  	s17 =	spop (v2sf);
	v30 =	vor.u32 s8, v1  }
0x16f: {  	s9 =	sand.u32 $0x7F, s17;
	v31 =	vor.u32 s8, v2  }
0x170: {  	v32 =	vor.u32 s9, v1  }
0x171: {  	v9 =	vor.u32 s9, v2;
	_ =	sdelay $0x1  }
0x172: {  	v6 =	vld.idx.msk [tilespmem:v30+s28+$0x0], $0xffff  }
0x173: {  	v7 =	vld.idx.msk [tilespmem:v31+s28+$0x0], $0xffff  }
0x174: {  	v8 =	vld.idx.msk [tilespmem:v32+s29+$0x0], $0xffff  }
0x175: {  	v9 =	vld.idx.msk [tilespmem:v9+s29+$0x0], $0xffff  }
0x176: {  	s8 =	spop @!p0 (v2sf)  }
0x177: {  	s8 =	sand.u32 @!p0 $0xFFFFF80, s8;
	s9 =	spop @!p0 (v2sf)  }
0x178: {  	s11 =	simm.s32 @!p0 $0x2500;
	s8 =	sadd.s32 @!p0 s1, s8;
	s9 =	sand.u32 @!p0 $0xFFFFF80, s9  }
0x179: {  	[tilespmem:s11], [sflag:$0x1] =	stream.linear.gather @!p0 [hbm4b:s8+s7], $0x400, $0x38;
	[tilespmem:$0x10700] =	vst v63  }
0x17a: {  	s9 =	sadd.s32 @!p0 s2, s9;
	s11 =	simm.s32 @!p0 $0xA500;
	v6 =	vmul.f32 v8, v6;
	v7 =	vmul.f32 v9, v7  }
0x17b: {  	[tilespmem:s11], [sflag:$0x2] =	stream.linear.gather @!p0 [hbm4b:s9+s7], $0x400, $0x38;
	[tilespmem:$0x10700] =	vst v63  }
0x17c: {  	s17 =	simm.s32 @!p0 $0x2900;
	s11 =	sadd.s32 @!p0 $0xF4280, s8;
	v6 =	vadd.f32 v7, v6  }
0x17d: {  	[tilespmem:s17], [sflag:$0x1] =	stream.linear.gather @!p0 [hbm4b:s11+s7], $0x400, $0x38;
	[tilespmem:$0x10700] =	vst v63  }
0x17e: {  	(xrf2) =	vadd.scan.msk.f32 $0xffff, v6  }
0x17f: {  	s11 =	sadd.s32 @!p0 $0xF4280, s9;
	s17 =	simm.s32 @!p0 $0xA900  }
0x180: {  	[tilespmem:s17], [sflag:$0x2] =	stream.linear.gather @!p0 [hbm4b:s11+s7], $0x400, $0x38;
	[tilespmem:$0x10700] =	vst v63  }
0x181: {  	s11 =	sadd.s32 @!p0 $0x1E8500, s8;
	s17 =	simm.s32 @!p0 $0x2D00  }
0x182: {  	[tilespmem:s17], [sflag:$0x3] =	stream.linear.gather @!p0 [hbm4b:s11+s7], $0x400, $0x38;
	[tilespmem:$0x10700] =	vst v63  }
0x183: {  	s11 =	sadd.s32 @!p0 $0x1E8500, s9;
	s17 =	simm.s32 @!p0 $0xAD00  }
0x184: {  	[tilespmem:s17], [sflag:$0x4] =	stream.linear.gather @!p0 [hbm4b:s11+s7], $0x400, $0x38;
	[tilespmem:$0x10700] =	vst v63  }
0x185: {  	s8 =	sadd.s32 @!p0 $0x2DC780, s8;
	s11 =	simm.s32 @!p0 $0x3100  }
0x186: {  	[tilespmem:s11], [sflag:$0x3] =	stream.linear.gather @!p0 [hbm4b:s8+s7], $0x400, $0x38;
	[tilespmem:$0x10700] =	vst v63  }
0x187: {  	s8 =	sadd.s32 @!p0 $0x2DC780, s9;
	s9 =	simm.s32 @!p0 $0xB100  }
0x188: {  	[tilespmem:s9], [sflag:$0x4] =	stream.linear.gather @!p0 [hbm4b:s8+s7], $0x400, $0x38;
	v6, _, _ =	vpop (xrf2);
	[tilespmem:$0x10700] =	vst v63  }
0x189: {  	_ =	swait.ge [sflag:s21], $0x400  }
0x18a: {  	[sflag:s21] =	ssyncset.done $0x0  }
0x18b: {  	[sflag:s21] =	ssyncadd.s32 $0xFFFFFC00  }
0x18c: {  	_ =	swait.ge [sflag:s26], $0x400  }
0x18d: {  	[sflag:s26] =	ssyncset.done $0x0  }
0x18e: {  	[sflag:s26] =	ssyncadd.s32 $0xFFFFFC00  }
0x18f: {  	_ =	swait.ge [sflag:s21], $0x400  }
0x190: {  	[sflag:s21] =	ssyncset.done $0x0  }
0x191: {  	[sflag:s21] =	ssyncadd.s32 $0xFFFFFC00  }
0x192: {  	_ =	swait.ge [sflag:s26], $0x400  }
0x193: {  	[sflag:s26] =	ssyncset.done $0x0  }
0x194: {  	[sflag:s26] =	ssyncadd.s32 $0xFFFFFC00  }
0x195: {  	_ =	swait.ge [sflag:s0], $0x400  }
0x196: {  	[sflag:s0] =	ssyncset.done $0x0  }
0x197: {  	[sflag:s0] =	ssyncadd.s32 $0xFFFFFC00  }
0x198: {  	_ =	swait.ge [sflag:s3], $0x400  }
0x199: {  	[sflag:s3] =	ssyncset.done $0x0  }
0x19a: {  	[sflag:s3] =	ssyncadd.s32 $0xFFFFFC00  }
0x19b: {  	_ =	swait.ge [sflag:s0], $0x400  }
0x19c: {  	[sflag:s0] =	ssyncset.done $0x0  }
0x19d: {  	[sflag:s0] =	ssyncadd.s32 $0xFFFFFC00  }
0x19e: {  	_ =	swait.ge [sflag:s3], $0x400  }
0x19f: {  	[sflag:s3] =	ssyncset.done $0x0  }
0x1a0: {  	[sflag:s3] =	ssyncadd.s32 $0xFFFFFC00  }
0x1a1: {  	v33 =	vld [tilespmem:s10+$0xFFFFFFFB];
	_ =	sdelay $0x1  }
0x1a2: {  	v34 =	vld [tilespmem:s18+$0xFFFFFFFB];
	_ =	sdelay $0x2  }
0x1a3: {  	(v2sf) =	vpush v33, $0x0;
	_ =	sdelay $0x1  }
0x1a4: {  	(v2sf) =	vpush v34, $0x0;
	_ =	sdelay $0x3  }
0x1a5: {  	v7 =	vld @!p0 [tilespmem:s10+$0x3]  }
0x1a6: {  	v8 =	vld @!p0 [tilespmem:s18+$0x3];
	_ =	sdelay $0x3  }
0x1a7: {  	(v2sf) =	vpush @!p0 v7, $0x0  }
0x1a8: {  	(v2sf) =	vpush @!p0 v8, $0x0;
	_ =	sdelay $0x2  }
0x1a9: {  	s11 =	spop (v2sf)  }
0x1aa: {  	s8 =	sand.u32 $0x7F, s11  }
0x1ab: {  	s17 =	spop (v2sf);
	v35 =	vor.u32 s8, v1  }
0x1ac: {  	s9 =	sand.u32 $0x7F, s17;
	v36 =	vor.u32 s8, v2  }
0x1ad: {  	v37 =	vor.u32 s9, v1  }
0x1ae: {  	v10 =	vor.u32 s9, v2;
	_ =	sdelay $0x1  }
0x1af: {  	v7 =	vld.idx.msk [tilespmem:v35+s14+$0x0], $0xffff  }
0x1b0: {  	v8 =	vld.idx.msk [tilespmem:v36+s14+$0x0], $0xffff  }
0x1b1: {  	v9 =	vld.idx.msk [tilespmem:v37+s15+$0x0], $0xffff  }
0x1b2: {  	v10 =	vld.idx.msk [tilespmem:v10+s15+$0x0], $0xffff  }
0x1b3: {  	s8 =	spop @!p0 (v2sf)  }
0x1b4: {  	s8 =	sand.u32 @!p0 $0xFFFFF80, s8;
	s9 =	spop @!p0 (v2sf)  }
0x1b5: {  	s11 =	simm.s32 @!p0 $0x3500;
	s8 =	sadd.s32 @!p0 s1, s8;
	s9 =	sand.u32 @!p0 $0xFFFFF80, s9  }
0x1b6: {  	[tilespmem:s11], [sflag:$0x1] =	stream.linear.gather @!p0 [hbm4b:s8+s7], $0x400, $0x38;
	[tilespmem:$0x10700] =	vst v63  }
0x1b7: {  	s9 =	sadd.s32 @!p0 s2, s9;
	s11 =	simm.s32 @!p0 $0xB500;
	v7 =	vmul.f32 v9, v7;
	v8 =	vmul.f32 v10, v8  }
0x1b8: {  	[tilespmem:s11], [sflag:$0x2] =	stream.linear.gather @!p0 [hbm4b:s9+s7], $0x400, $0x38;
	[tilespmem:$0x10700] =	vst v63  }
0x1b9: {  	s17 =	simm.s32 @!p0 $0x3900;
	s11 =	sadd.s32 @!p0 $0xF4280, s8;
	v7 =	vadd.f32 v8, v7  }
0x1ba: {  	[tilespmem:s17], [sflag:$0x1] =	stream.linear.gather @!p0 [hbm4b:s11+s7], $0x400, $0x38;
	[tilespmem:$0x10700] =	vst v63  }
0x1bb: {  	(xrf2) =	vadd.scan.msk.f32 $0xffff, v7  }
0x1bc: {  	s11 =	sadd.s32 @!p0 $0xF4280, s9;
	s17 =	simm.s32 @!p0 $0xB900  }
0x1bd: {  	[tilespmem:s17], [sflag:$0x2] =	stream.linear.gather @!p0 [hbm4b:s11+s7], $0x400, $0x38;
	[tilespmem:$0x10700] =	vst v63  }
0x1be: {  	s11 =	sadd.s32 @!p0 $0x1E8500, s8;
	s17 =	simm.s32 @!p0 $0x3D00  }
0x1bf: {  	[tilespmem:s17], [sflag:$0x3] =	stream.linear.gather @!p0 [hbm4b:s11+s7], $0x400, $0x38;
	[tilespmem:$0x10700] =	vst v63  }
0x1c0: {  	s11 =	sadd.s32 @!p0 $0x1E8500, s9;
	s17 =	simm.s32 @!p0 $0xBD00  }
0x1c1: {  	[tilespmem:s17], [sflag:$0x4] =	stream.linear.gather @!p0 [hbm4b:s11+s7], $0x400, $0x38;
	[tilespmem:$0x10700] =	vst v63  }
0x1c2: {  	s8 =	sadd.s32 @!p0 $0x2DC780, s8;
	s11 =	simm.s32 @!p0 $0x4100  }
0x1c3: {  	[tilespmem:s11], [sflag:$0x3] =	stream.linear.gather @!p0 [hbm4b:s8+s7], $0x400, $0x38;
	[tilespmem:$0x10700] =	vst v63  }
0x1c4: {  	s8 =	sadd.s32 @!p0 $0x2DC780, s9;
	s9 =	simm.s32 @!p0 $0xC100  }
0x1c5: {  	[tilespmem:s9], [sflag:$0x4] =	stream.linear.gather @!p0 [hbm4b:s8+s7], $0x400, $0x38;
	v7, _, _ =	vpop (xrf2);
	[tilespmem:$0x10700] =	vst v63  }
0x1c6: {  	_ =	swait.ge [sflag:s21], $0x400  }
0x1c7: {  	[sflag:s21] =	ssyncset.done $0x0  }
0x1c8: {  	[sflag:s21] =	ssyncadd.s32 $0xFFFFFC00  }
0x1c9: {  	_ =	swait.ge [sflag:s26], $0x400  }
0x1ca: {  	[sflag:s26] =	ssyncset.done $0x0  }
0x1cb: {  	[sflag:s26] =	ssyncadd.s32 $0xFFFFFC00  }
0x1cc: {  	_ =	swait.ge [sflag:s21], $0x400  }
0x1cd: {  	[sflag:s21] =	ssyncset.done $0x0  }
0x1ce: {  	[sflag:s21] =	ssyncadd.s32 $0xFFFFFC00  }
0x1cf: {  	_ =	swait.ge [sflag:s26], $0x400  }
0x1d0: {  	[sflag:s26] =	ssyncset.done $0x0  }
0x1d1: {  	[sflag:s26] =	ssyncadd.s32 $0xFFFFFC00  }
0x1d2: {  	_ =	swait.ge [sflag:s0], $0x400  }
0x1d3: {  	[sflag:s0] =	ssyncset.done $0x0  }
0x1d4: {  	[sflag:s0] =	ssyncadd.s32 $0xFFFFFC00  }
0x1d5: {  	_ =	swait.ge [sflag:s3], $0x400  }
0x1d6: {  	[sflag:s3] =	ssyncset.done $0x0  }
0x1d7: {  	[sflag:s3] =	ssyncadd.s32 $0xFFFFFC00  }
0x1d8: {  	_ =	swait.ge [sflag:s0], $0x400  }
0x1d9: {  	[sflag:s0] =	ssyncset.done $0x0  }
0x1da: {  	[sflag:s0] =	ssyncadd.s32 $0xFFFFFC00  }
0x1db: {  	_ =	swait.ge [sflag:s3], $0x400  }
0x1dc: {  	[sflag:s3] =	ssyncset.done $0x0  }
0x1dd: {  	[sflag:s3] =	ssyncadd.s32 $0xFFFFFC00  }
0x1de: {  	v38 =	vld [tilespmem:s10+$0xFFFFFFFC];
	_ =	sdelay $0x1  }
0x1df: {  	v39 =	vld [tilespmem:s18+$0xFFFFFFFC];
	_ =	sdelay $0x2  }
0x1e0: {  	(v2sf) =	vpush v38, $0x0;
	_ =	sdelay $0x1  }
0x1e1: {  	(v2sf) =	vpush v39, $0x0;
	_ =	sdelay $0x3  }
0x1e2: {  	v8 =	vld @!p0 [tilespmem:s10+$0x4]  }
0x1e3: {  	v9 =	vld @!p0 [tilespmem:s18+$0x4];
	_ =	sdelay $0x3  }
0x1e4: {  	(v2sf) =	vpush @!p0 v8, $0x0  }
0x1e5: {  	(v2sf) =	vpush @!p0 v9, $0x0;
	_ =	sdelay $0x2  }
0x1e6: {  	s11 =	spop (v2sf)  }
0x1e7: {  	s8 =	sand.u32 $0x7F, s11  }
0x1e8: {  	s17 =	spop (v2sf);
	v40 =	vor.u32 s8, v1  }
0x1e9: {  	s9 =	sand.u32 $0x7F, s17;
	v41 =	vor.u32 s8, v2  }
0x1ea: {  	v42 =	vor.u32 s9, v1  }
0x1eb: {  	v11 =	vor.u32 s9, v2;
	_ =	sdelay $0x1  }
0x1ec: {  	v8 =	vld.idx.msk [tilespmem:v40+s24+$0x0], $0xffff  }
0x1ed: {  	v9 =	vld.idx.msk [tilespmem:v41+s24+$0x0], $0xffff  }
0x1ee: {  	v10 =	vld.idx.msk [tilespmem:v42+s25+$0x0], $0xffff  }
0x1ef: {  	v11 =	vld.idx.msk [tilespmem:v11+s25+$0x0], $0xffff  }
0x1f0: {  	s8 =	spop @!p0 (v2sf)  }
0x1f1: {  	s8 =	sand.u32 @!p0 $0xFFFFF80, s8;
	s9 =	spop @!p0 (v2sf)  }
0x1f2: {  	s11 =	simm.s32 @!p0 $0x4500;
	s8 =	sadd.s32 @!p0 s1, s8;
	s9 =	sand.u32 @!p0 $0xFFFFF80, s9  }
0x1f3: {  	[tilespmem:s11], [sflag:$0x1] =	stream.linear.gather @!p0 [hbm4b:s8+s7], $0x400, $0x38;
	[tilespmem:$0x10700] =	vst v63  }
0x1f4: {  	s9 =	sadd.s32 @!p0 s2, s9;
	s11 =	simm.s32 @!p0 $0xC500;
	v8 =	vmul.f32 v10, v8;
	v9 =	vmul.f32 v11, v9  }
0x1f5: {  	[tilespmem:s11], [sflag:$0x2] =	stream.linear.gather @!p0 [hbm4b:s9+s7], $0x400, $0x38;
	[tilespmem:$0x10700] =	vst v63  }
0x1f6: {  	s17 =	simm.s32 @!p0 $0x4900;
	s11 =	sadd.s32 @!p0 $0xF4280, s8;
	v8 =	vadd.f32 v9, v8  }
0x1f7: {  	[tilespmem:s17], [sflag:$0x1] =	stream.linear.gather @!p0 [hbm4b:s11+s7], $0x400, $0x38;
	[tilespmem:$0x10700] =	vst v63  }
0x1f8: {  	(xrf2) =	vadd.scan.msk.f32 $0xffff, v8  }
0x1f9: {  	s11 =	sadd.s32 @!p0 $0xF4280, s9;
	s17 =	simm.s32 @!p0 $0xC900  }
0x1fa: {  	[tilespmem:s17], [sflag:$0x2] =	stream.linear.gather @!p0 [hbm4b:s11+s7], $0x400, $0x38;
	[tilespmem:$0x10700] =	vst v63  }
0x1fb: {  	s11 =	sadd.s32 @!p0 $0x1E8500, s8;
	s17 =	simm.s32 @!p0 $0x4D00  }
0x1fc: {  	[tilespmem:s17], [sflag:$0x3] =	stream.linear.gather @!p0 [hbm4b:s11+s7], $0x400, $0x38;
	[tilespmem:$0x10700] =	vst v63  }
0x1fd: {  	s11 =	sadd.s32 @!p0 $0x1E8500, s9;
	s17 =	simm.s32 @!p0 $0xCD00  }
0x1fe: {  	[tilespmem:s17], [sflag:$0x4] =	stream.linear.gather @!p0 [hbm4b:s11+s7], $0x400, $0x38;
	[tilespmem:$0x10700] =	vst v63  }
0x1ff: {  	s8 =	sadd.s32 @!p0 $0x2DC780, s8;
	s11 =	simm.s32 @!p0 $0x5100  }
0x200: {  	[tilespmem:s11], [sflag:$0x3] =	stream.linear.gather @!p0 [hbm4b:s8+s7], $0x400, $0x38;
	[tilespmem:$0x10700] =	vst v63  }
0x201: {  	s8 =	sadd.s32 @!p0 $0x2DC780, s9;
	s9 =	simm.s32 @!p0 $0xD100  }
0x202: {  	[tilespmem:s9], [sflag:$0x4] =	stream.linear.gather @!p0 [hbm4b:s8+s7], $0x400, $0x38;
	v8, _, _ =	vpop (xrf2);
	[tilespmem:$0x10700] =	vst v63  }
0x203: {  	_ =	swait.ge [sflag:s21], $0x400  }
0x204: {  	[sflag:s21] =	ssyncset.done $0x0  }
0x205: {  	[sflag:s21] =	ssyncadd.s32 $0xFFFFFC00  }
0x206: {  	_ =	swait.ge [sflag:s26], $0x400  }
0x207: {  	[sflag:s26] =	ssyncset.done $0x0  }
0x208: {  	[sflag:s26] =	ssyncadd.s32 $0xFFFFFC00  }
0x209: {  	_ =	swait.ge [sflag:s21], $0x400  }
0x20a: {  	[sflag:s21] =	ssyncset.done $0x0  }
0x20b: {  	[sflag:s21] =	ssyncadd.s32 $0xFFFFFC00  }
0x20c: {  	_ =	swait.ge [sflag:s26], $0x400  }
0x20d: {  	[sflag:s26] =	ssyncset.done $0x0  }
0x20e: {  	[sflag:s26] =	ssyncadd.s32 $0xFFFFFC00  }
0x20f: {  	_ =	swait.ge [sflag:s0], $0x400  }
0x210: {  	[sflag:s0] =	ssyncset.done $0x0  }
0x211: {  	[sflag:s0] =	ssyncadd.s32 $0xFFFFFC00  }
0x212: {  	_ =	swait.ge [sflag:s3], $0x400  }
0x213: {  	[sflag:s3] =	ssyncset.done $0x0  }
0x214: {  	[sflag:s3] =	ssyncadd.s32 $0xFFFFFC00  }
0x215: {  	_ =	swait.ge [sflag:s0], $0x400  }
0x216: {  	[sflag:s0] =	ssyncset.done $0x0  }
0x217: {  	[sflag:s0] =	ssyncadd.s32 $0xFFFFFC00  }
0x218: {  	_ =	swait.ge [sflag:s3], $0x400  }
0x219: {  	[sflag:s3] =	ssyncset.done $0x0  }
0x21a: {  	[sflag:s3] =	ssyncadd.s32 $0xFFFFFC00  }
0x21b: {  	v43 =	vld [tilespmem:s10+$0xFFFFFFFD];
	_ =	sdelay $0x1  }
0x21c: {  	v44 =	vld [tilespmem:s18+$0xFFFFFFFD];
	_ =	sdelay $0x2  }
0x21d: {  	(v2sf) =	vpush v43, $0x0;
	_ =	sdelay $0x1  }
0x21e: {  	(v2sf) =	vpush v44, $0x0;
	_ =	sdelay $0x3  }
0x21f: {  	v9 =	vld @!p0 [tilespmem:s10+$0x5]  }
0x220: {  	v10 =	vld @!p0 [tilespmem:s18+$0x5];
	_ =	sdelay $0x3  }
0x221: {  	(v2sf) =	vpush @!p0 v9, $0x0  }
0x222: {  	(v2sf) =	vpush @!p0 v10, $0x0;
	_ =	sdelay $0x2  }
0x223: {  	s11 =	spop (v2sf)  }
0x224: {  	s8 =	sand.u32 $0x7F, s11  }
0x225: {  	s17 =	spop (v2sf);
	v45 =	vor.u32 s8, v1  }
0x226: {  	s9 =	sand.u32 $0x7F, s17;
	v46 =	vor.u32 s8, v2  }
0x227: {  	v47 =	vor.u32 s9, v1  }
0x228: {  	v12 =	vor.u32 s9, v2;
	_ =	sdelay $0x1  }
0x229: {  	v9 =	vld.idx.msk [tilespmem:v45+s13+$0x0], $0xffff  }
0x22a: {  	v10 =	vld.idx.msk [tilespmem:v46+s13+$0x0], $0xffff  }
0x22b: {  	v11 =	vld.idx.msk [tilespmem:v47+s16+$0x0], $0xffff  }
0x22c: {  	v12 =	vld.idx.msk [tilespmem:v12+s16+$0x0], $0xffff  }
0x22d: {  	s8 =	spop @!p0 (v2sf)  }
0x22e: {  	s8 =	sand.u32 @!p0 $0xFFFFF80, s8;
	s9 =	spop @!p0 (v2sf)  }
0x22f: {  	s11 =	simm.s32 @!p0 $0x5500;
	s8 =	sadd.s32 @!p0 s1, s8;
	s9 =	sand.u32 @!p0 $0xFFFFF80, s9  }
0x230: {  	[tilespmem:s11], [sflag:$0x1] =	stream.linear.gather @!p0 [hbm4b:s8+s7], $0x400, $0x38;
	[tilespmem:$0x10700] =	vst v63  }
0x231: {  	s9 =	sadd.s32 @!p0 s2, s9;
	s11 =	simm.s32 @!p0 $0xD500;
	v9 =	vmul.f32 v11, v9;
	v10 =	vmul.f32 v12, v10  }
0x232: {  	[tilespmem:s11], [sflag:$0x2] =	stream.linear.gather @!p0 [hbm4b:s9+s7], $0x400, $0x38;
	[tilespmem:$0x10700] =	vst v63  }
0x233: {  	s17 =	simm.s32 @!p0 $0x5900;
	s11 =	sadd.s32 @!p0 $0xF4280, s8;
	v9 =	vadd.f32 v10, v9  }
0x234: {  	[tilespmem:s17], [sflag:$0x1] =	stream.linear.gather @!p0 [hbm4b:s11+s7], $0x400, $0x38;
	[tilespmem:$0x10700] =	vst v63  }
0x235: {  	(xrf2) =	vadd.scan.msk.f32 $0xffff, v9  }
0x236: {  	s11 =	sadd.s32 @!p0 $0xF4280, s9;
	s17 =	simm.s32 @!p0 $0xD900  }
0x237: {  	[tilespmem:s17], [sflag:$0x2] =	stream.linear.gather @!p0 [hbm4b:s11+s7], $0x400, $0x38;
	[tilespmem:$0x10700] =	vst v63  }
0x238: {  	s11 =	sadd.s32 @!p0 $0x1E8500, s8;
	s17 =	simm.s32 @!p0 $0x5D00  }
0x239: {  	[tilespmem:s17], [sflag:$0x3] =	stream.linear.gather @!p0 [hbm4b:s11+s7], $0x400, $0x38;
	[tilespmem:$0x10700] =	vst v63  }
0x23a: {  	s11 =	sadd.s32 @!p0 $0x1E8500, s9;
	s17 =	simm.s32 @!p0 $0xDD00  }
0x23b: {  	[tilespmem:s17], [sflag:$0x4] =	stream.linear.gather @!p0 [hbm4b:s11+s7], $0x400, $0x38;
	[tilespmem:$0x10700] =	vst v63  }
0x23c: {  	s8 =	sadd.s32 @!p0 $0x2DC780, s8;
	s11 =	simm.s32 @!p0 $0x6100  }
0x23d: {  	[tilespmem:s11], [sflag:$0x3] =	stream.linear.gather @!p0 [hbm4b:s8+s7], $0x400, $0x38;
	[tilespmem:$0x10700] =	vst v63  }
0x23e: {  	s8 =	sadd.s32 @!p0 $0x2DC780, s9;
	s9 =	simm.s32 @!p0 $0xE100  }
0x23f: {  	[tilespmem:s9], [sflag:$0x4] =	stream.linear.gather @!p0 [hbm4b:s8+s7], $0x400, $0x38;
	v9, _, _ =	vpop (xrf2);
	[tilespmem:$0x10700] =	vst v63  }
0x240: {  	_ =	swait.ge [sflag:s21], $0x400  }
0x241: {  	[sflag:s21] =	ssyncset.done $0x0  }
0x242: {  	[sflag:s21] =	ssyncadd.s32 $0xFFFFFC00  }
0x243: {  	_ =	swait.ge [sflag:s26], $0x400  }
0x244: {  	[sflag:s26] =	ssyncset.done $0x0  }
0x245: {  	[sflag:s26] =	ssyncadd.s32 $0xFFFFFC00  }
0x246: {  	_ =	swait.ge [sflag:s21], $0x400  }
0x247: {  	[sflag:s21] =	ssyncset.done $0x0  }
0x248: {  	[sflag:s21] =	ssyncadd.s32 $0xFFFFFC00  }
0x249: {  	_ =	swait.ge [sflag:s26], $0x400  }
0x24a: {  	[sflag:s26] =	ssyncset.done $0x0  }
0x24b: {  	[sflag:s26] =	ssyncadd.s32 $0xFFFFFC00  }
0x24c: {  	_ =	swait.ge [sflag:s0], $0x400  }
0x24d: {  	[sflag:s0] =	ssyncset.done $0x0  }
0x24e: {  	[sflag:s0] =	ssyncadd.s32 $0xFFFFFC00  }
0x24f: {  	_ =	swait.ge [sflag:s3], $0x400  }
0x250: {  	[sflag:s3] =	ssyncset.done $0x0  }
0x251: {  	[sflag:s3] =	ssyncadd.s32 $0xFFFFFC00  }
0x252: {  	_ =	swait.ge [sflag:s0], $0x400  }
0x253: {  	[sflag:s0] =	ssyncset.done $0x0  }
0x254: {  	[sflag:s0] =	ssyncadd.s32 $0xFFFFFC00  }
0x255: {  	_ =	swait.ge [sflag:s3], $0x400  }
0x256: {  	[sflag:s3] =	ssyncset.done $0x0  }
0x257: {  	[sflag:s3] =	ssyncadd.s32 $0xFFFFFC00  }
0x258: {  	v48 =	vld [tilespmem:s10+$0xFFFFFFFE];
	_ =	sdelay $0x1  }
0x259: {  	v49 =	vld [tilespmem:s18+$0xFFFFFFFE];
	_ =	sdelay $0x2  }
0x25a: {  	(v2sf) =	vpush v48, $0x0;
	_ =	sdelay $0x1  }
0x25b: {  	(v2sf) =	vpush v49, $0x0;
	_ =	sdelay $0x3  }
0x25c: {  	v10 =	vld @!p0 [tilespmem:s10+$0x6]  }
0x25d: {  	v11 =	vld @!p0 [tilespmem:s18+$0x6];
	_ =	sdelay $0x3  }
0x25e: {  	(v2sf) =	vpush @!p0 v10, $0x0  }
0x25f: {  	(v2sf) =	vpush @!p0 v11, $0x0;
	_ =	sdelay $0x2  }
0x260: {  	s11 =	spop (v2sf)  }
0x261: {  	s8 =	sand.u32 $0x7F, s11  }
0x262: {  	s17 =	spop (v2sf);
	v50 =	vor.u32 s8, v1  }
0x263: {  	s9 =	sand.u32 $0x7F, s17;
	v51 =	vor.u32 s8, v2  }
0x264: {  	v52 =	vor.u32 s9, v1  }
0x265: {  	v13 =	vor.u32 s9, v2;
	_ =	sdelay $0x1  }
0x266: {  	v10 =	vld.idx.msk [tilespmem:v50+s30+$0x0], $0xffff  }
0x267: {  	v11 =	vld.idx.msk [tilespmem:v51+s30+$0x0], $0xffff  }
0x268: {  	v12 =	vld.idx.msk [tilespmem:v52+s31+$0x0], $0xffff  }
0x269: {  	v13 =	vld.idx.msk [tilespmem:v13+s31+$0x0], $0xffff  }
0x26a: {  	s8 =	spop @!p0 (v2sf)  }
0x26b: {  	s8 =	sand.u32 @!p0 $0xFFFFF80, s8;
	s9 =	spop @!p0 (v2sf)  }
0x26c: {  	s11 =	simm.s32 @!p0 $0x6500;
	s8 =	sadd.s32 @!p0 s1, s8;
	s9 =	sand.u32 @!p0 $0xFFFFF80, s9  }
0x26d: {  	[tilespmem:s11], [sflag:$0x1] =	stream.linear.gather @!p0 [hbm4b:s8+s7], $0x400, $0x38;
	[tilespmem:$0x10700] =	vst v63  }
0x26e: {  	s9 =	sadd.s32 @!p0 s2, s9;
	s11 =	simm.s32 @!p0 $0xE500;
	v10 =	vmul.f32 v12, v10;
	v11 =	vmul.f32 v13, v11  }
0x26f: {  	[tilespmem:s11], [sflag:$0x2] =	stream.linear.gather @!p0 [hbm4b:s9+s7], $0x400, $0x38;
	[tilespmem:$0x10700] =	vst v63  }
0x270: {  	s17 =	simm.s32 @!p0 $0x6900;
	s11 =	sadd.s32 @!p0 $0xF4280, s8;
	v10 =	vadd.f32 v11, v10  }
0x271: {  	[tilespmem:s17], [sflag:$0x1] =	stream.linear.gather @!p0 [hbm4b:s11+s7], $0x400, $0x38;
	[tilespmem:$0x10700] =	vst v63  }
0x272: {  	(xrf2) =	vadd.scan.msk.f32 $0xffff, v10  }
0x273: {  	s11 =	sadd.s32 @!p0 $0xF4280, s9;
	s17 =	simm.s32 @!p0 $0xE900  }
0x274: {  	[tilespmem:s17], [sflag:$0x2] =	stream.linear.gather @!p0 [hbm4b:s11+s7], $0x400, $0x38;
	[tilespmem:$0x10700] =	vst v63  }
0x275: {  	s11 =	sadd.s32 @!p0 $0x1E8500, s8;
	s17 =	simm.s32 @!p0 $0x6D00  }
0x276: {  	[tilespmem:s17], [sflag:$0x3] =	stream.linear.gather @!p0 [hbm4b:s11+s7], $0x400, $0x38;
	[tilespmem:$0x10700] =	vst v63  }
0x277: {  	s11 =	sadd.s32 @!p0 $0x1E8500, s9;
	s17 =	simm.s32 @!p0 $0xED00  }
0x278: {  	[tilespmem:s17], [sflag:$0x4] =	stream.linear.gather @!p0 [hbm4b:s11+s7], $0x400, $0x38;
	[tilespmem:$0x10700] =	vst v63  }
0x279: {  	s8 =	sadd.s32 @!p0 $0x2DC780, s8;
	s11 =	simm.s32 @!p0 $0x7100  }
0x27a: {  	[tilespmem:s11], [sflag:$0x3] =	stream.linear.gather @!p0 [hbm4b:s8+s7], $0x400, $0x38;
	[tilespmem:$0x10700] =	vst v63  }
0x27b: {  	s8 =	sadd.s32 @!p0 $0x2DC780, s9;
	s9 =	simm.s32 @!p0 $0xF100  }
0x27c: {  	[tilespmem:s9], [sflag:$0x4] =	stream.linear.gather @!p0 [hbm4b:s8+s7], $0x400, $0x38;
	v10, _, _ =	vpop (xrf2);
	[tilespmem:$0x10700] =	vst v63  }
0x27d: {  	_ =	swait.ge [sflag:s21], $0x400  }
0x27e: {  	[sflag:s21] =	ssyncset.done $0x0  }
0x27f: {  	[sflag:s21] =	ssyncadd.s32 $0xFFFFFC00  }
0x280: {  	_ =	swait.ge [sflag:s26], $0x400  }
0x281: {  	[sflag:s26] =	ssyncset.done $0x0  }
0x282: {  	[sflag:s26] =	ssyncadd.s32 $0xFFFFFC00  }
0x283: {  	_ =	swait.ge [sflag:s21], $0x400  }
0x284: {  	[sflag:s21] =	ssyncset.done $0x0  }
0x285: {  	[sflag:s21] =	ssyncadd.s32 $0xFFFFFC00  }
0x286: {  	_ =	swait.ge [sflag:s26], $0x400  }
0x287: {  	[sflag:s26] =	ssyncset.done $0x0  }
0x288: {  	[sflag:s26] =	ssyncadd.s32 $0xFFFFFC00  }
0x289: {  	_ =	swait.ge [sflag:s0], $0x400  }
0x28a: {  	[sflag:s0] =	ssyncset.done $0x0  }
0x28b: {  	[sflag:s0] =	ssyncadd.s32 $0xFFFFFC00  }
0x28c: {  	_ =	swait.ge [sflag:s3], $0x400  }
0x28d: {  	[sflag:s3] =	ssyncset.done $0x0  }
0x28e: {  	[sflag:s3] =	ssyncadd.s32 $0xFFFFFC00  }
0x28f: {  	_ =	swait.ge [sflag:s0], $0x400  }
0x290: {  	[sflag:s0] =	ssyncset.done $0x0  }
0x291: {  	[sflag:s0] =	ssyncadd.s32 $0xFFFFFC00  }
0x292: {  	_ =	swait.ge [sflag:s3], $0x400  }
0x293: {  	[sflag:s3] =	ssyncset.done $0x0  }
0x294: {  	[sflag:s3] =	ssyncadd.s32 $0xFFFFFC00  }
0x295: {  	v53 =	vld [tilespmem:s10+$0xFFFFFFFF];
	_ =	sdelay $0x1  }
0x296: {  	v54 =	vld [tilespmem:s18+$0xFFFFFFFF];
	_ =	sdelay $0x2  }
0x297: {  	(v2sf) =	vpush v53, $0x0;
	_ =	sdelay $0x1  }
0x298: {  	v11 =	vld @!p0 [tilespmem:s10+$0x7];
	(v2sf) =	vpush v54, $0x0  }
0x299: {  	v12 =	vld @!p0 [tilespmem:s18+$0x7];
	_ =	sdelay $0x3  }
0x29a: {  	(v2sf) =	vpush @!p0 v11, $0x0  }
0x29b: {  	(v2sf) =	vpush @!p0 v12, $0x0;
	_ =	sdelay $0x6  }
0x29c: {  	s11 =	spop (v2sf)  }
0x29d: {  	s8 =	sand.u32 $0x7F, s11  }
0x29e: {  	s17 =	spop (v2sf);
	v55 =	vor.u32 s8, v1  }
0x29f: {  	s9 =	sand.u32 $0x7F, s17;
	v56 =	vor.u32 s8, v2  }
0x2a0: {  	v57 =	vor.u32 s9, v1  }
0x2a1: {  	v14 =	vor.u32 s9, v2;
	_ =	sdelay $0x1  }
0x2a2: {  	s8 =	spop @!p0 (v2sf);
	v11 =	vld.idx.msk [tilespmem:v55+s22+$0x0], $0xffff  }
0x2a3: {  	s8 =	sand.u32 @!p0 $0xFFFFF80, s8;
	s9 =	spop @!p0 (v2sf);
	v12 =	vld.idx.msk [tilespmem:v56+s22+$0x0], $0xffff  }
0x2a4: {  	s11 =	simm.s32 @!p0 $0x7500;
	s8 =	sadd.s32 @!p0 s1, s8;
	s9 =	sand.u32 @!p0 $0xFFFFF80, s9;
	v13 =	vld.idx.msk [tilespmem:v57+s23+$0x0], $0xffff  }
0x2a5: {  	v14 =	vld.idx.msk [tilespmem:v14+s23+$0x0], $0xffff;
	[tilespmem:s11], [sflag:$0x1] =	stream.linear.gather @!p0 [hbm4b:s8+s7], $0x400, $0x38  }
0x2a6: {  	s9 =	sadd.s32 @!p0 s2, s9;
	s11 =	simm.s32 @!p0 $0xF500  }
0x2a7: {  	[tilespmem:s11], [sflag:$0x2] =	stream.linear.gather @!p0 [hbm4b:s9+s7], $0x400, $0x38;
	[tilespmem:$0x10700] =	vst v63  }
0x2a8: {  	s17 =	simm.s32 @!p0 $0x7900;
	s11 =	sadd.s32 @!p0 $0xF4280, s8  }
0x2a9: {  	[tilespmem:s17], [sflag:$0x1] =	stream.linear.gather @!p0 [hbm4b:s11+s7], $0x400, $0x38;
	[tilespmem:$0x10700] =	vst v63  }
0x2aa: {  	s11 =	sadd.s32 @!p0 $0xF4280, s9;
	s17 =	simm.s32 @!p0 $0xF900  }
0x2ab: {  	[tilespmem:s17], [sflag:$0x2] =	stream.linear.gather @!p0 [hbm4b:s11+s7], $0x400, $0x38;
	[tilespmem:$0x10700] =	vst v63  }
0x2ac: {  	s11 =	sadd.s32 @!p0 $0x1E8500, s8;
	s17 =	simm.s32 @!p0 $0x7D00  }
0x2ad: {  	[tilespmem:s17], [sflag:$0x3] =	stream.linear.gather @!p0 [hbm4b:s11+s7], $0x400, $0x38;
	[tilespmem:$0x10700] =	vst v63  }
0x2ae: {  	v11 =	vmul.f32 v13, v11;
	v12 =	vmul.f32 v14, v12;
	s11 =	sadd.s32 @!p0 $0x1E8500, s9;
	s17 =	simm.s32 @!p0 $0xFD00  }
0x2af: {  	[tilespmem:s17], [sflag:$0x4] =	stream.linear.gather @!p0 [hbm4b:s11+s7], $0x400, $0x38;
	[tilespmem:$0x10700] =	vst v63  }
0x2b0: {  	s8 =	sadd.s32 @!p0 $0x2DC780, s8;
	v11 =	vadd.f32 v12, v11;
	s11 =	simm.s32 @!p0 $0x8100  }
0x2b1: {  	[tilespmem:s11], [sflag:$0x3] =	stream.linear.gather @!p0 [hbm4b:s8+s7], $0x400, $0x38;
	[tilespmem:$0x10700] =	vst v63  }
0x2b2: {  	(xrf2) =	vadd.scan.msk.f32 $0xffff, v11;
	s8 =	sadd.s32 @!p0 $0x2DC780, s9;
	s9 =	simm.s32 @!p0 $0x10100  }
0x2b3: {  	[tilespmem:s9], [sflag:$0x4] =	stream.linear.gather @!p0 [hbm4b:s8+s7], $0x400, $0x38;
	[tilespmem:$0x10700] =	vst v63  }
0x2b4: {  	s7 =	sand.u32 $0x8, s5  }
0x2b5: {  	v4 =	vbroadcast v4, $0xF;
	s17 =	sadd.s32 $0x2, s5;
	s11 =	sadd.s32 $0x1, s5;
	v58 =	vmov s7  }
0x2b6: {  	v5 =	vbroadcast v5, $0xF;
	v6 =	vbroadcast v6, $0xF;
	s8 =	sand.u32 $0x9, s11;
	s9 =	sand.u32 $0xA, s17;
	vm0 =	veq.s32 v58, v0  }
0x2b7: {  	v59 =	vbroadcast v8, $0xF;
	s11 =	sadd.s32 $0x3, s5;
	s17 =	sadd.s32 $0x4, s5;
	s7 =	sor.u32 $0x7, s7;
	v3 =	vsel vm0, v4, v3;
	v4 =	vmov s8  }
0x2b8: {  	v61 =	vbroadcast v10, $0xF;
	s8 =	sand.u32 $0xB, s11;
	s11 =	sand.u32 $0xC, s17;
	s17 =	sadd.s32 $0x5, s5;
	vm9 =	veq.s32 v4, v0;
	v4 =	vmov s9  }
0x2b9: {  	v62 =	vmov s7;
	s9 =	sand.u32 $0xD, s17;
	v3 =	vsel vm9, v5, v3;
	vm10 =	veq.s32 v4, v0  }
0x2ba: {  	v4 =	vmov s8;
	v5 =	vbroadcast v7, $0xF;
	v60 =	vmov s9  }
0x2bb: {  	v3 =	vsel vm10, v6, v3;
	vm11 =	veq.s32 v4, v0;
	v4 =	vmov s11;
	s11 =	sadd.s32 $0x6, s5  }
0x2bc: {  	v3 =	vsel vm11, v5, v3;
	vm12 =	veq.s32 v4, v0;
	s17 =	sand.u32 $0xE, s11;
	v5 =	vbroadcast v9, $0xF  }
0x2bd: {  	s7 =	sand.u32 @!p0 $0x1, s6;
	v63, _, _ =	vpop (xrf2);
	vm13 =	veq.s32 v60, v0;
	v4 =	vmov s17;
	v3 =	vsel vm12, v59, v3  }
0x2be: {  	p1 =	seq.s32 @!p0 s7, $0x0;
	v3 =	vsel vm13, v5, v3;
	vm14 =	veq.s32 v4, v0;
	v4 =	vbroadcast v63, $0xF  }
0x2bf: {  	vm15 =	veq.s32 v62, v0;
	p0 =	por p0, !p1;
	v3 =	vsel vm14, v61, v3  }
0x2c0: {  	s7 =	sand.u32 @p0 $0x1F0, s5;
	s5 =	sadd.s32 $0x8, s5;
	v3 =	vsel vm15, v4, v3  }
0x2c1: {  	[tilespmem:s7+$0x10500] =	vst @p0 v3;
	p0 =	sne.s32 s5, $0x200  }
.Ltmp0:
0x2c2: {  	_ = 	snop;
	(pc) =	sbr.rel @p0 .LBB2_2-.Ltmp0, $4  }
0x2c3: {  	_ = 	snop  }
0x2c4: {  	s12 =	simm.s32 $0x500  }
0x2c5: {  	s19 =	simm.s32 $0x8500;
	s20 =	simm.s32 $0x1500;
	s4 =	simm.s32 $0x9500  }
0x2c6: {  	s18 =	sadd.s32 $0x8, s18;
	s10 =	sadd.s32 $0x8, s10;
	s6 =	sadd.s32 $0x1, s6  }
0x2c7: {  	s5 =	rddreg [dreg:$0x8];
	s10 =	simm.s32 $0x0;
	s6 =	simm.s32 $0x10500  }
0x2c8: {  	[hbm4b:s5+s10] =	stream.linear.scatter [tilespmem:s6], [sflag:$0x5], $0x200, $0x38;
	[tilespmem:$0x10700] =	vst v63  }
0x2c9: {  	s6 =	simm.s32 $0x5  }
0x2ca: {  	_ =	swait.ge [sflag:s6], $0x200  }
0x2cb: {  	s7 =	rddreg [dreg:$0xa]  }
0x2cc: {  	s18 =	rddreg [dreg:$0x9];
	s7 =	sadd.s32 $0x1, s7  }
0x2cd: {  	p0 =	sne.s32 s7, s18  }
.Ltmp1:
0x2ce: {  	_ = 	snop;
	(pc) =	sbr.rel @p0 .LBB2_1-.Ltmp1, $3  }
0x2cf: {  	_ =	sdelay $0x1  }
0x2d0: {  	[sflag:s6] =	ssyncset.done $0x0  }
0x2d1: {  	[sflag:s6] =	ssyncadd.s32 $0xFFFFFE00  }
0x2d2: {  	_ =	sfence.sel $0x180000  }
0x2d3: {  	[bflag:$0x0] =	sbarrier.arrive $0xFFFF  }
0x2d4: {  	_ =	strace $0x90000047  }
0x2d5: {  	s0 =	stileid.u32;
	[bflag:$0x2] =	sbarrier.arrive $0xFFFF  }
0x2d6: {  	p0 =	sne.s32 s0, $0x0;
	s0 =	rddreg [dreg:$0x5]  }
0x2d7: {  	s0 =	sadd.s32 @!p0 $0x100000, s0  }
0x2d8: {  	[sflag:s0] =	ssyncadd.tile.s32 @!p0 $0x1;
	_ =	shalt  }
.Lfunc_end2:
_tile_overlayer_lowered:
.L_overlay_start_2:
0x2d9: {  	(tag) =	ssettag $0x2  }
0x2da: {  	s0 =	rddreg [dreg:$0x0];
	s2 =	stileid.u32  }
0x2db: {  	s1 =	rddreg [dreg:$0x1];
	p0 =	sne.s32 s2, $0x0  }
0x2dc: {  	s3 =	rddreg [dreg:$0x2];
	[bflag:$0x3] =	sbarrier.arrive $0xFFFF;
	s2 =	simm.s32 @!p0 $0x1C05  }
0x2dd: {  	[timem:s3], [sflag:s2] =	dma.local @!p0 [hbm:s0], s1  }
0x2de: {  	s0 =	simm.s32 @!p0 $0x5  }
0x2df: {  	_ =	swait.ge @!p0 [sflag:s0], s1  }
0x2e0: {  	s1 =	ssub.s32 @!p0 $0x0, s1;
	[sflag:s0] =	ssyncset.done @!p0 $0x0  }
0x2e1: {  	[sflag:s0] =	ssyncadd.s32 @!p0 s1  }
0x2e2: {  	[bflag:$0x3] =	sbarrier.arrive $0xFFFF  }
0x2e3: {  	_ =	shalt  }

</sc_bundles>
